<compile_context>
chip_gen: v7x
topology: tpu7x:2x2x1
jax: 0.10.2.dev20260603
libtpu: 0.0.44.dev20260713+nightly
codegen_flags: <defaults>
</compile_context>

<pallas_src>
import functools

import jax
import jax.numpy as jnp
from jax import lax
from jax.experimental import pallas as pl
from jax.experimental.pallas import tpu as pltpu
from jax.experimental.pallas import tpu_sc as plsc

N0 = 5000
N1 = 5000
N = N0 + N1
E = 320000
ER = E // 2
Q = 100000
IN = 128
HID = 128
OUT = 64

NC = 2
NS = 16
NW = NC * NS
K = 80
CE = ER // NS
TRIPS = CE // K
ZROWS = 80
CHUNK = 640
TAIL = N - (NS - 1) * CHUNK
CNT_CHUNK = 640
QP = 102400
QT = QP // NW
KD = 128
DTRIPS = QT // KD

_f32 = jnp.float32
_i32 = jnp.int32



def _m1_body(x0_ref, x1_ref, lw0_ref, lb0_ref, lw1_ref, lb1_ref, wrel_ref,
             wroot_ref, b1_ref, t0_ref, t1_ref, root_ref):
    h0 = jnp.dot(x0_ref[...], lw0_ref[...], preferred_element_type=_f32) + lb0_ref[...]
    h1 = jnp.dot(x1_ref[...], lw1_ref[...], preferred_element_type=_f32) + lb1_ref[...]
    h = jnp.concatenate([h0, h1], axis=0)
    t0_ref[...] = jnp.dot(h, wrel_ref[0], preferred_element_type=_f32)
    t1_ref[...] = jnp.dot(h, wrel_ref[1], preferred_element_type=_f32)
    root_ref[...] = jnp.dot(h, wroot_ref[...], preferred_element_type=_f32) + b1_ref[...]


_m1 = pl.pallas_call(
    _m1_body,
    out_shape=[
        jax.ShapeDtypeStruct((N, HID), _f32),
        jax.ShapeDtypeStruct((N, HID), _f32),
        jax.ShapeDtypeStruct((N, HID), _f32),
    ],
)


def _m2_body(root_ref, a0_ref, a1_ref, c0_ref, c1_ref, wrel_ref, wroot_ref,
             b_ref, tp_ref, root2_ref):
    inv0 = 1.0 / jnp.maximum(c0_ref[...], 1.0)
    inv1 = 1.0 / jnp.maximum(c1_ref[...], 1.0)
    z = root_ref[...] + a0_ref[...] * inv0[:, None] + a1_ref[...] * inv1[:, None]
    z = jnp.maximum(z, 0.0)
    tp_ref[...] = jnp.concatenate(
        [jnp.dot(z, wrel_ref[0], preferred_element_type=_f32),
         jnp.dot(z, wrel_ref[1], preferred_element_type=_f32)], axis=1)
    root2_ref[...] = jnp.dot(z, wroot_ref[...], preferred_element_type=_f32) + b_ref[...]


_m2 = pl.pallas_call(
    _m2_body,
    out_shape=[
        jax.ShapeDtypeStruct((N, 2 * OUT), _f32),
        jax.ShapeDtypeStruct((N, OUT), _f32),
    ],
)


def _m3_body(root_ref, a0_ref, a1_ref, c0_ref, c1_ref, wuv_ref, buv_ref, uv_ref):
    inv0 = 1.0 / jnp.maximum(c0_ref[...], 1.0)
    inv1 = 1.0 / jnp.maximum(c1_ref[...], 1.0)
    a0 = a0_ref[...][:, :OUT]
    a1 = a1_ref[...][:, OUT:]
    z = root_ref[...] + a0 * inv0[:, None] + a1 * inv1[:, None]
    uv_ref[...] = jnp.dot(z, wuv_ref[...], preferred_element_type=_f32) + buv_ref[...]


_m3 = pl.pallas_call(
    _m3_body,
    out_shape=jax.ShapeDtypeStruct((N, 2), _f32),
)



def _zero_rows(ref, rows, d):
    def row_body(r, carry):
        def col_body(j, carry2):
            ref[r, pl.ds(j * 16, 16)] = jnp.zeros((16,), _f32)
            return carry2
        return lax.fori_loop(0, d // 16, col_body, carry)
    lax.fori_loop(0, rows, row_body, 0)


def _fill_vec(ref, n, value):
    def body(j, carry):
        ref[pl.ds(j * 16, 16)] = jnp.full((16,), value, _f32)
        return carry
    lax.fori_loop(0, n // 16, body, 0)


def _make_agg(d, with_counts):
    mesh = plsc.VectorSubcoreMesh(
        core_axis_name="c", subcore_axis_name="s", num_cores=NC, num_subcores=NS)
    out_type = [
        jax.ShapeDtypeStruct((N, d), _f32),
        jax.ShapeDtypeStruct((N, d), _f32),
    ]
    NB = 3
    scratch = (
        [pltpu.VMEM((K,), _i32) for _ in range(NB)]
        + [pltpu.VMEM((K,), _i32) for _ in range(NB)]
        + [pltpu.VMEM((K, d), _f32) for _ in range(NB)]
        + [
            pltpu.VMEM((ZROWS, d), _f32),
            pltpu.VMEM_SHARED((N, d), _f32),
        ]
        + [pltpu.SemaphoreType.DMA for _ in range(3 * NB)]
    )
    if with_counts:
        out_type += [
            jax.ShapeDtypeStruct((N,), _f32),
            jax.ShapeDtypeStruct((N,), _f32),
        ]
        scratch += (
            [pltpu.VMEM((K,), _f32),
             pltpu.VMEM((CNT_CHUNK,), _f32)]
            + [pltpu.VMEM_SHARED((N,), _f32)]
            + [pltpu.SemaphoreType.DMA for _ in range(3)]
        )

    def body(t0_hbm, t1_hbm, src_hbm, dst_hbm, agg0_out, agg1_out, *rest):
        NB = 3
        sidx = list(rest[0 + 2 * with_counts:NB + 2 * with_counts])
        didx = list(rest[NB + 2 * with_counts:2 * NB + 2 * with_counts])
        rows = list(rest[2 * NB + 2 * with_counts:3 * NB + 2 * with_counts])
        base = 3 * NB + 2 * with_counts
        zrows_v, acc_sh = rest[base], rest[base + 1]
        isem = list(rest[base + 2:base + 2 + NB])
        gsem = list(rest[base + 2 + NB:base + 2 + 2 * NB])
        ssem = list(rest[base + 2 + 2 * NB:base + 2 + 3 * NB])
        if with_counts:
            cnt0_out, cnt1_out = rest[0], rest[1]
            ones_v = rest[base + 2 + 3 * NB]
            zcnt_v = rest[base + 3 + 3 * NB]
            cnt_sh = rest[base + 4 + 3 * NB]
            csem = list(rest[base + 5 + 3 * NB:base + 8 + 3 * NB])
        c = lax.axis_index("c")
        s = lax.axis_index("s")
        base_e = c * ER + s * CE

        _zero_rows(zrows_v, ZROWS, d)

        @pl.when(s < NS - 1)
        def _():
            for kk in range(CHUNK // ZROWS):
                pltpu.sync_copy(zrows_v, acc_sh.at[pl.ds(s * CHUNK + kk * ZROWS, ZROWS)])

        @pl.when(s == NS - 1)
        def _():
            for kk in range(TAIL // ZROWS):
                pltpu.sync_copy(zrows_v, acc_sh.at[pl.ds((NS - 1) * CHUNK + kk * ZROWS, ZROWS)])

        if with_counts:
            _fill_vec(ones_v, K, 1.0)
            _fill_vec(zcnt_v, CNT_CHUNK, 0.0)

            @pl.when(s < NS - 1)
            def _():
                pltpu.sync_copy(zcnt_v, cnt_sh.at[pl.ds(s * CNT_CHUNK, CNT_CHUNK)])

            @pl.when(s == NS - 1)
            def _():
                pltpu.sync_copy(zcnt_v.at[pl.ds(0, N - (NS - 1) * CNT_CHUNK)],
                                cnt_sh.at[pl.ds((NS - 1) * CNT_CHUNK,
                                                N - (NS - 1) * CNT_CHUNK)])
        plsc.subcore_barrier()

        def issue_idx(t, bi):
            off = pl.multiple_of(base_e + t * K, 8)
            pltpu.async_copy(src_hbm.at[pl.ds(off, K)], sidx[bi], isem[bi])
            pltpu.async_copy(dst_hbm.at[pl.ds(off, K)], didx[bi], isem[bi])

        def drain_idx(bi):
            pltpu.make_async_copy(src_hbm.at[pl.ds(0, K)], sidx[bi], isem[bi]).wait()
            pltpu.make_async_copy(src_hbm.at[pl.ds(0, K)], didx[bi], isem[bi]).wait()

        def issue_gather(bi):
            @pl.when(c == 0)
            def _():
                pltpu.async_copy(t0_hbm.at[sidx[bi]], rows[bi], gsem[bi])

            @pl.when(c == 1)
            def _():
                pltpu.async_copy(t1_hbm.at[sidx[bi]], rows[bi], gsem[bi])

        def drain_gather(bi):
            pltpu.make_async_copy(t0_hbm.at[pl.ds(0, K)], rows[bi], gsem[bi]).wait()

        def issue_scatter(bi):
            descs = [pltpu.async_copy(rows[bi], acc_sh.at[didx[bi]], ssem[bi],
                                      add=True)]
            if with_counts:
                descs.append(pltpu.async_copy(ones_v, cnt_sh.at[didx[bi]],
                                              csem[bi], add=True))
            return descs

        def drain_scatter(bi):
            pltpu.make_async_copy(t0_hbm.at[pl.ds(0, K)], rows[bi], ssem[bi]).wait()
            if with_counts:
                pltpu.make_async_copy(cnt0_out.at[pl.ds(0, K)], ones_v,
                                      csem[bi]).wait()

        issue_idx(0, 0)
        issue_idx(1, 1)

        def group(g, carry):
            drain_idx(0)
            issue_gather(0)

            @pl.when(g > 0)
            def _():
                drain_scatter(2)

            issue_idx(3 * g + 2, 2)
            drain_idx(1)
            issue_gather(1)
            drain_gather(0)
            d0 = issue_scatter(0)
            drain_idx(2)
            issue_gather(2)
            drain_gather(1)
            d1 = issue_scatter(1)
            for dsc in d0:
                dsc.wait()
            issue_idx(3 * g + 3, 0)
            drain_gather(2)
            for dsc in d1:
                dsc.wait()
            issue_idx(3 * g + 4, 1)
            issue_scatter(2)
            return carry

        ngroups = (TRIPS - 2) // 3
        lax.fori_loop(0, ngroups, group, 0)
        drain_scatter(2)
        for j, t in enumerate(range(3 * ngroups, TRIPS)):
            drain_idx(j)
            issue_gather(j)
            drain_gather(j)
            for dsc in issue_scatter(j):
                dsc.wait()
        plsc.subcore_barrier()

        for cc, agg_out in ((0, agg0_out), (1, agg1_out)):
            @pl.when(jnp.logical_and(c == cc, s < NS - 1))
            def _(agg_out=agg_out):
                pltpu.sync_copy(acc_sh.at[pl.ds(s * CHUNK, CHUNK)],
                                agg_out.at[pl.ds(s * CHUNK, CHUNK)])

            @pl.when(jnp.logical_and(c == cc, s == NS - 1))
            def _(agg_out=agg_out):
                pltpu.sync_copy(acc_sh.at[pl.ds((NS - 1) * CHUNK, TAIL)],
                                agg_out.at[pl.ds((NS - 1) * CHUNK, TAIL)])

        if with_counts:
            tail = N - (NS - 1) * CNT_CHUNK
            for cc, cnt_out in ((0, cnt0_out), (1, cnt1_out)):
                @pl.when(jnp.logical_and(c == cc, s < NS - 1))
                def _(cnt_out=cnt_out):
                    pltpu.sync_copy(cnt_sh.at[pl.ds(s * CNT_CHUNK, CNT_CHUNK)], zcnt_v)
                    pltpu.sync_copy(zcnt_v, cnt_out.at[pl.ds(s * CNT_CHUNK, CNT_CHUNK)])

                @pl.when(jnp.logical_and(c == cc, s == NS - 1))
                def _(cnt_out=cnt_out):
                    pltpu.sync_copy(cnt_sh.at[pl.ds((NS - 1) * CNT_CHUNK, tail)],
                                    zcnt_v.at[pl.ds(0, tail)])
                    pltpu.sync_copy(zcnt_v.at[pl.ds(0, tail)],
                                    cnt_out.at[pl.ds((NS - 1) * CNT_CHUNK, tail)])

    return pl.kernel(body, out_type=out_type, mesh=mesh, scratch_types=scratch)


_agg_cache = functools.lru_cache(maxsize=None)(_make_agg)


def _make_decode():
    mesh = plsc.VectorSubcoreMesh(
        core_axis_name="c", subcore_axis_name="s", num_cores=NC, num_subcores=NS)
    out_type = jax.ShapeDtypeStruct((QP,), _f32)
    scratch = [
        pltpu.VMEM((N,), _f32),
        pltpu.VMEM((N,), _f32),
        pltpu.VMEM((QT,), _i32),
        pltpu.VMEM((QT,), _i32),
        pltpu.VMEM((KD,), _f32),
    ]

    def body(u_hbm, v_hbm, i0_hbm, i1_hbm, out_hbm, u_v, v_v, i0_v, i1_v, r_v):
        c = lax.axis_index("c")
        s = lax.axis_index("s")
        w = s * NC + c
        base = w * QT
        pltpu.sync_copy(u_hbm, u_v)
        pltpu.sync_copy(v_hbm, v_v)
        pltpu.sync_copy(i0_hbm.at[pl.ds(base, QT)], i0_v)
        pltpu.sync_copy(i1_hbm.at[pl.ds(base, QT)], i1_v)

        def step(i, carry):
            for j in range(KD // 16):
                a = plsc.load_gather(u_v, [i0_v[pl.ds(i * KD + j * 16, 16)]])
                b = plsc.load_gather(v_v, [i1_v[pl.ds(i * KD + j * 16, 16)]])
                x = a + b
                r_v[pl.ds(j * 16, 16)] = 1.0 / (1.0 + jnp.exp(-x))
            off = pl.multiple_of(base + i * KD, 8)
            pltpu.sync_copy(r_v, out_hbm.at[pl.ds(off, KD)])
            return carry

        lax.fori_loop(0, DTRIPS, step, 0)

    return pl.kernel(body, out_type=out_type, mesh=mesh, scratch_types=scratch,
                     compiler_params=pltpu.CompilerParams(
                         use_tc_tiling_on_sc=False, needs_layout_passes=False))


_decode_cache = functools.lru_cache(maxsize=None)(_make_decode)



def kernel(x0, x1, edge_index, index, lin0_W, lin0_b, lin1_W, lin1_b,
           W1_rel, W1_root, b1, W2_rel, W2_root, b2, fc_W, fc_b):
    src = jnp.asarray(edge_index[0], _i32)
    dst = jnp.asarray(edge_index[1], _i32)
    i0 = jnp.asarray(index[0], _i32)
    i1 = jnp.asarray(index[1], _i32)

    i0p = jnp.concatenate([i0, jnp.zeros((QP - Q,), _i32)])
    i1p = jnp.concatenate([i1, jnp.zeros((QP - Q,), _i32)])

    t1_0, t1_1, root1 = _m1(
        x0, x1, lin0_W, lin0_b.reshape(1, IN), lin1_W, lin1_b.reshape(1, IN),
        W1_rel, W1_root, b1.reshape(1, HID))
    agg1_0, agg1_1, cnt0, cnt1 = _agg_cache(HID, True)(t1_0, t1_1, src, dst)
    t2p, root2 = _m2(
        root1, agg1_0, agg1_1, cnt0, cnt1, W2_rel, W2_root, b2.reshape(1, OUT))
    agg2_0, agg2_1 = _agg_cache(2 * OUT, False)(t2p, t2p, src, dst)

    wuv = jnp.concatenate([fc_W[:OUT], fc_W[OUT:]], axis=1)
    buv = jnp.concatenate([fc_b, jnp.zeros((1,), _f32)]).reshape(1, 2)
    uv = _m3(root2, agg2_0, agg2_1, cnt0, cnt1, wuv, buv)
    out = _decode_cache()(uv[:, 0], uv[:, 1], i0p, i1p)
    return out[:Q].reshape(Q, 1)

# --- scband reference (transcript-rebuilt; emitter-appended) ---
"""Pipeline reference for scband-rgcn-lp-25606595019029 (READ-ONLY COPY).

The authoritative reference and input builder live on the scoring server;
editing this copy changes nothing except your own understanding.
"""

import jax, jax.numpy as jnp
import numpy as np

N0 = 5000
N1 = 5000
N = N0 + N1
E = 320000
Q = 100000
IN = 128
HID = 128
OUT = 64
R = 2


def setup_inputs(seed: int = 0) -> dict:
    key = jax.random.key(seed)
    ks = jax.random.split(key, 20)
    inp = {}
    inp["x0"] = jax.random.normal(ks[0], (N0, IN), dtype=jnp.float32)
    inp["x1"] = jax.random.normal(ks[1], (N1, IN), dtype=jnp.float32)
    inp["edge_index"] = jax.random.randint(ks[2], (2, E), 0, N)
    inp["index"] = jax.random.randint(ks[3], (2, Q), 0, N)
    s = 0.05
    inp["lin0_W"] = jax.random.normal(ks[4], (IN, IN), dtype=jnp.float32) * s
    inp["lin0_b"] = jnp.zeros((IN,), dtype=jnp.float32)
    inp["lin1_W"] = jax.random.normal(ks[5], (IN, IN), dtype=jnp.float32) * s
    inp["lin1_b"] = jnp.zeros((IN,), dtype=jnp.float32)
    inp["W1_rel"] = jax.random.normal(ks[6], (R, IN, HID), dtype=jnp.float32) * s
    inp["W1_root"] = jax.random.normal(ks[7], (IN, HID), dtype=jnp.float32) * s
    inp["b1"] = jnp.zeros((HID,), dtype=jnp.float32)
    inp["W2_rel"] = jax.random.normal(ks[8], (R, HID, OUT), dtype=jnp.float32) * s
    inp["W2_root"] = jax.random.normal(ks[9], (HID, OUT), dtype=jnp.float32) * s
    inp["b2"] = jnp.zeros((OUT,), dtype=jnp.float32)
    inp["fc_W"] = jax.random.normal(ks[10], (2 * OUT, 1), dtype=jnp.float32) * s
    inp["fc_b"] = jnp.zeros((1,), dtype=jnp.float32)
    return inp


def _rgcn_conv(x, src, dst, etype, W_rel, W_root, b):
    # PyG RGCNConv: out_i = x_i @ W_root + b + sum_r mean_{j in N_r(i)} x_j @ W_r
    out = x @ W_root + b
    for r in range(R):
        mask = (etype == r).astype(x.dtype)
        msg = (x[src] @ W_rel[r]) * mask[:, None]
        agg = jax.ops.segment_sum(msg, dst, num_segments=N)
        cnt = jax.ops.segment_sum(mask, dst, num_segments=N)
        out = out + agg / jnp.maximum(cnt, 1.0)[:, None]
    return out


def reference(x0, x1, edge_index, index, lin0_W, lin0_b, lin1_W, lin1_b,
              W1_rel, W1_root, b1, W2_rel, W2_root, b2, fc_W, fc_b):
    # trans_dimensions: per-node-type linear then concat
    h0 = x0 @ lin0_W + lin0_b
    h1 = x1 @ lin1_W + lin1_b
    x = jnp.concatenate([h0, h1], axis=0)
    src = edge_index[0]
    dst = edge_index[1]
    # edge_type: first half relation 0, second half relation 1 (as in encode())
    etype = jnp.concatenate([
        jnp.zeros((E // 2,), dtype=jnp.int32),
        jnp.ones((E - E // 2,), dtype=jnp.int32),
    ])
    z = _rgcn_conv(x, src, dst, etype, W1_rel, W1_root, b1)
    z = jax.nn.relu(z)
    # dropout is identity in eval mode
    z = _rgcn_conv(z, src, dst, etype, W2_rel, W2_root, b2)
    # decode
    zsrc = z[index[0]]
    zdst = z[index[1]]
    h = jnp.concatenate([zsrc, zdst], axis=-1)
    out = jax.nn.sigmoid(h @ fc_W + fc_b)
    return out

if __name__ == "__main__":
    import jax
    _d = setup_inputs()
    print(jax.jit(kernel)(*tuple(_d.values())))

</pallas_src>

<mosaic_0001>
#map = affine_map<(d0, d1) -> (0, 0)>
#map1 = affine_map<(d0, d1) -> (0)>
module attributes {stable_mosaic.version = 14 : i64} {
  func.func @body(%arg0: i32, %arg1: i32, %arg2: memref<10000x128xf32, #tpu.memory_space<hbm>>, %arg3: memref<10000x128xf32, #tpu.memory_space<hbm>>, %arg4: memref<320000xi32, #tpu.memory_space<hbm>>, %arg5: memref<320000xi32, #tpu.memory_space<hbm>>, %arg6: memref<10000x128xf32, #tpu.memory_space<hbm>>, %arg7: memref<10000x128xf32, #tpu.memory_space<hbm>>, %arg8: memref<10000xf32, #tpu.memory_space<hbm>>, %arg9: memref<10000xf32, #tpu.memory_space<hbm>>, %arg10: memref<80xi32, #tpu.memory_space<vmem>>, %arg11: memref<80xi32, #tpu.memory_space<vmem>>, %arg12: memref<80xi32, #tpu.memory_space<vmem>>, %arg13: memref<80xi32, #tpu.memory_space<vmem>>, %arg14: memref<80xi32, #tpu.memory_space<vmem>>, %arg15: memref<80xi32, #tpu.memory_space<vmem>>, %arg16: memref<80x128xf32, #tpu.memory_space<vmem>>, %arg17: memref<80x128xf32, #tpu.memory_space<vmem>>, %arg18: memref<80x128xf32, #tpu.memory_space<vmem>>, %arg19: memref<80x128xf32, #tpu.memory_space<vmem>>, %arg20: memref<10000x128xf32, #tpu.memory_space<vmem_shared>>, %arg21: memref<!tpu.dma_semaphore, #tpu.memory_space<semaphore_mem>>, %arg22: memref<!tpu.dma_semaphore, #tpu.memory_space<semaphore_mem>>, %arg23: memref<!tpu.dma_semaphore, #tpu.memory_space<semaphore_mem>>, %arg24: memref<!tpu.dma_semaphore, #tpu.memory_space<semaphore_mem>>, %arg25: memref<!tpu.dma_semaphore, #tpu.memory_space<semaphore_mem>>, %arg26: memref<!tpu.dma_semaphore, #tpu.memory_space<semaphore_mem>>, %arg27: memref<!tpu.dma_semaphore, #tpu.memory_space<semaphore_mem>>, %arg28: memref<!tpu.dma_semaphore, #tpu.memory_space<semaphore_mem>>, %arg29: memref<!tpu.dma_semaphore, #tpu.memory_space<semaphore_mem>>, %arg30: memref<80xf32, #tpu.memory_space<vmem>>, %arg31: memref<640xf32, #tpu.memory_space<vmem>>, %arg32: memref<10000xf32, #tpu.memory_space<vmem_shared>>, %arg33: memref<!tpu.dma_semaphore, #tpu.memory_space<semaphore_mem>>, %arg34: memref<!tpu.dma_semaphore, #tpu.memory_space<semaphore_mem>>, %arg35: memref<!tpu.dma_semaphore, #tpu.memory_space<semaphore_mem>>) attributes {dimension_semantics = [#tpu.dimension_semantics<core_parallel>, #tpu.dimension_semantics<subcore_parallel>], iteration_bounds = array<i64: 2, 16>, scalar_prefetch = 0 : i64, scratch_operands = 26 : i64, tpu.core_type = #tpu.core_type<sc_vector_subcore>, window_params = [{transform_indices = #map}, {transform_indices = #map}, {transform_indices = #map1}, {transform_indices = #map1}, {transform_indices = #map}, {transform_indices = #map}, {transform_indices = #map1}, {transform_indices = #map1}]} {
    %mul3A = arith.constant 160000 : i32
    %mul3A_0 = arith.muli %arg0, %mul3A : i32
    %mul3A_1 = arith.constant 10000 : i32
    %mul3A_2 = arith.muli %arg1, %mul3A_1 : i32
    %add3A = arith.addi %mul3A_0, %mul3A_2 : i32
    %scan3A = arith.constant 0 : i32
    %scan3A_3 = arith.constant 0 : i32
    %scan3A_4 = arith.constant 80 : i32
    %scan3A_5 = arith.addi %scan3A_3, %scan3A_4 : i32
    %scan3A_6 = arith.constant 1 : i32
    scf.for %scan3A_195 = %scan3A_3 to %scan3A_5 step %scan3A_6  : i32 {
      %scan3A_196 = arith.constant 0 : i32
      %scan3A_197 = arith.constant 8 : i32
      %scan3A_198 = arith.addi %scan3A_196, %scan3A_197 : i32
      %scan3A_199 = arith.constant 1 : i32
      scf.for %scan3A_201 = %scan3A_196 to %scan3A_198 step %scan3A_199  : i32 {
        %broadcast_in_dim3A = arith.constant 0.000000e+00 : f32
        %broadcast_in_dim3A_202 = vector.broadcast %broadcast_in_dim3A : f32 to vector<16xf32>
        %mul3A_203 = arith.constant 16 : i32
        %mul3A_204 = arith.muli %scan3A_201, %mul3A_203 : i32
        %swap3A = arith.index_cast %scan3A_195 : i32 to index
        %swap3A_205 = arith.index_cast %mul3A_204 : i32 to index
        %swap3A_206 = tpu.vector_load %arg19[%swap3A, %swap3A_205] {strides = array<i32>} : memref<80x128xf32, #tpu.memory_space<vmem>>, vector<1x16xf32>,
        %swap3A_207 = vector.shape_cast %swap3A_206 : vector<1x16xf32> to vector<16xf32>
        %swap3A_208 = vector.shape_cast %broadcast_in_dim3A_202 : vector<16xf32> to vector<1x16xf32>
        tpu.vector_store %arg19[%swap3A, %swap3A_205], %swap3A_208 {strides = array<i32>} : memref<80x128xf32, #tpu.memory_space<vmem>>, vector<1x16xf32>,
      }
      %scan3A_200 = arith.constant 8 : i32
    }
    %scan3A_7 = arith.constant 80 : i32
    %lt3A = arith.constant 15 : i32
    %lt3A_8 = arith.cmpi slt, %arg1, %lt3A : i32
    %convert_element_type3A = arith.extui %lt3A_8 : i1 to i32
    %cond3A = arith.constant 0 : i32
    %cond3A_9 = arith.cmpi ne, %convert_element_type3A, %cond3A : i32
    scf.if %cond3A_9 {
      %mul3A_195 = arith.constant 640 : i32
      %mul3A_196 = arith.muli %arg1, %mul3A_195 : i32
      %add3A_197 = arith.constant 0 : i32
      %add3A_198 = arith.addi %mul3A_196, %add3A_197 : i32
      "tpu.region"() ({
        %run_scoped3A = tpu.sem_alloc : memref<!tpu.dma_semaphore, #tpu.memory_space<semaphore_mem>>
        %dma_start3A_227 = arith.constant 0 : i32
        %dma_start3A_228 = tpu.memref_slice %arg20[%add3A_198, %dma_start3A_227] : memref<10000x128xf32, #tpu.memory_space<vmem_shared>> -> memref<80x128xf32, #tpu.memory_space<vmem_shared>>
        %dma_start3A_229 = arith.constant 0 : i32
        %dma_start3A_230 = tpu.memref_slice %arg20[%add3A_198, %dma_start3A_229] : memref<10000x128xf32, #tpu.memory_space<vmem_shared>> -> memref<80x128xf32, #tpu.memory_space<vmem_shared>>
        tpu.enqueue_dma source(%arg19 : memref<80x128xf32, #tpu.memory_space<vmem>>) target(%dma_start3A_230 : memref<80x128xf32, #tpu.memory_space<vmem_shared>>) target_semaphore(%run_scoped3A : memref<!tpu.dma_semaphore, #tpu.memory_space<semaphore_mem>>)
        %dma_wait3A_231 = arith.constant 0 : i32
        %dma_wait3A_232 = tpu.memref_slice %arg20[%add3A_198, %dma_wait3A_231] : memref<10000x128xf32, #tpu.memory_space<vmem_shared>> -> memref<80x128xf32, #tpu.memory_space<vmem_shared>>
        %dma_wait3A_233 = arith.constant 0 : i32
        %dma_wait3A_234 = tpu.memref_slice %arg20[%add3A_198, %dma_wait3A_233] : memref<10000x128xf32, #tpu.memory_space<vmem_shared>> -> memref<80x128xf32, #tpu.memory_space<vmem_shared>>
        tpu.wait_dma2 semaphore(%run_scoped3A : memref<!tpu.dma_semaphore, #tpu.memory_space<semaphore_mem>>) src(%arg19 : memref<80x128xf32, #tpu.memory_space<vmem>>) dst(%dma_wait3A_234 : memref<80x128xf32, #tpu.memory_space<vmem_shared>>)
        tpu.yield
      }) : () -> ()
      %mul3A_199 = arith.constant 640 : i32
      %mul3A_200 = arith.muli %arg1, %mul3A_199 : i32
      %add3A_201 = arith.constant 80 : i32
      %add3A_202 = arith.addi %mul3A_200, %add3A_201 : i32
      "tpu.region"() ({
        %run_scoped3A = tpu.sem_alloc : memref<!tpu.dma_semaphore, #tpu.memory_space<semaphore_mem>>
        %dma_start3A_227 = arith.constant 0 : i32
        %dma_start3A_228 = tpu.memref_slice %arg20[%add3A_202, %dma_start3A_227] : memref<10000x128xf32, #tpu.memory_space<vmem_shared>> -> memref<80x128xf32, #tpu.memory_space<vmem_shared>>
        %dma_start3A_229 = arith.constant 0 : i32
        %dma_start3A_230 = tpu.memref_slice %arg20[%add3A_202, %dma_start3A_229] : memref<10000x128xf32, #tpu.memory_space<vmem_shared>> -> memref<80x128xf32, #tpu.memory_space<vmem_shared>>
        tpu.enqueue_dma source(%arg19 : memref<80x128xf32, #tpu.memory_space<vmem>>) target(%dma_start3A_230 : memref<80x128xf32, #tpu.memory_space<vmem_shared>>) target_semaphore(%run_scoped3A : memref<!tpu.dma_semaphore, #tpu.memory_space<semaphore_mem>>)
        %dma_wait3A_231 = arith.constant 0 : i32
        %dma_wait3A_232 = tpu.memref_slice %arg20[%add3A_202, %dma_wait3A_231] : memref<10000x128xf32, #tpu.memory_space<vmem_shared>> -> memref<80x128xf32, #tpu.memory_space<vmem_shared>>
        %dma_wait3A_233 = arith.constant 0 : i32
        %dma_wait3A_234 = tpu.memref_slice %arg20[%add3A_202, %dma_wait3A_233] : memref<10000x128xf32, #tpu.memory_space<vmem_shared>> -> memref<80x128xf32, #tpu.memory_space<vmem_shared>>
        tpu.wait_dma2 semaphore(%run_scoped3A : memref<!tpu.dma_semaphore, #tpu.memory_space<semaphore_mem>>) src(%arg19 : memref<80x128xf32, #tpu.memory_space<vmem>>) dst(%dma_wait3A_234 : memref<80x128xf32, #tpu.memory_space<vmem_shared>>)
        tpu.yield
      }) : () -> ()
      %mul3A_203 = arith.constant 640 : i32
      %mul3A_204 = arith.muli %arg1, %mul3A_203 : i32
      %add3A_205 = arith.constant 160 : i32
      %add3A_206 = arith.addi %mul3A_204, %add3A_205 : i32
      "tpu.region"() ({
        %run_scoped3A = tpu.sem_alloc : memref<!tpu.dma_semaphore, #tpu.memory_space<semaphore_mem>>
        %dma_start3A_227 = arith.constant 0 : i32
        %dma_start3A_228 = tpu.memref_slice %arg20[%add3A_206, %dma_start3A_227] : memref<10000x128xf32, #tpu.memory_space<vmem_shared>> -> memref<80x128xf32, #tpu.memory_space<vmem_shared>>
        %dma_start3A_229 = arith.constant 0 : i32
        %dma_start3A_230 = tpu.memref_slice %arg20[%add3A_206, %dma_start3A_229] : memref<10000x128xf32, #tpu.memory_space<vmem_shared>> -> memref<80x128xf32, #tpu.memory_space<vmem_shared>>
        tpu.enqueue_dma source(%arg19 : memref<80x128xf32, #tpu.memory_space<vmem>>) target(%dma_start3A_230 : memref<80x128xf32, #tpu.memory_space<vmem_shared>>) target_semaphore(%run_scoped3A : memref<!tpu.dma_semaphore, #tpu.memory_space<semaphore_mem>>)
        %dma_wait3A_231 = arith.constant 0 : i32
        %dma_wait3A_232 = tpu.memref_slice %arg20[%add3A_206, %dma_wait3A_231] : memref<10000x128xf32, #tpu.memory_space<vmem_shared>> -> memref<80x128xf32, #tpu.memory_space<vmem_shared>>
        %dma_wait3A_233 = arith.constant 0 : i32
        %dma_wait3A_234 = tpu.memref_slice %arg20[%add3A_206, %dma_wait3A_233] : memref<10000x128xf32, #tpu.memory_space<vmem_shared>> -> memref<80x128xf32, #tpu.memory_space<vmem_shared>>
        tpu.wait_dma2 semaphore(%run_scoped3A : memref<!tpu.dma_semaphore, #tpu.memory_space<semaphore_mem>>) src(%arg19 : memref<80x128xf32, #tpu.memory_space<vmem>>) dst(%dma_wait3A_234 : memref<80x128xf32, #tpu.memory_space<vmem_shared>>)
        tpu.yield
      }) : () -> ()
      %mul3A_207 = arith.constant 640 : i32
      %mul3A_208 = arith.muli %arg1, %mul3A_207 : i32
      %add3A_209 = arith.constant 240 : i32
      %add3A_210 = arith.addi %mul3A_208, %add3A_209 : i32
      "tpu.region"() ({
        %run_scoped3A = tpu.sem_alloc : memref<!tpu.dma_semaphore, #tpu.memory_space<semaphore_mem>>
        %dma_start3A_227 = arith.constant 0 : i32
        %dma_start3A_228 = tpu.memref_slice %arg20[%add3A_210, %dma_start3A_227] : memref<10000x128xf32, #tpu.memory_space<vmem_shared>> -> memref<80x128xf32, #tpu.memory_space<vmem_shared>>
        %dma_start3A_229 = arith.constant 0 : i32
        %dma_start3A_230 = tpu.memref_slice %arg20[%add3A_210, %dma_start3A_229] : memref<10000x128xf32, #tpu.memory_space<vmem_shared>> -> memref<80x128xf32, #tpu.memory_space<vmem_shared>>
        tpu.enqueue_dma source(%arg19 : memref<80x128xf32, #tpu.memory_space<vmem>>) target(%dma_start3A_230 : memref<80x128xf32, #tpu.memory_space<vmem_shared>>) target_semaphore(%run_scoped3A : memref<!tpu.dma_semaphore, #tpu.memory_space<semaphore_mem>>)
        %dma_wait3A_231 = arith.constant 0 : i32
        %dma_wait3A_232 = tpu.memref_slice %arg20[%add3A_210, %dma_wait3A_231] : memref<10000x128xf32, #tpu.memory_space<vmem_shared>> -> memref<80x128xf32, #tpu.memory_space<vmem_shared>>
        %dma_wait3A_233 = arith.constant 0 : i32
        %dma_wait3A_234 = tpu.memref_slice %arg20[%add3A_210, %dma_wait3A_233] : memref<10000x128xf32, #tpu.memory_space<vmem_shared>> -> memref<80x128xf32, #tpu.memory_space<vmem_shared>>
        tpu.wait_dma2 semaphore(%run_scoped3A : memref<!tpu.dma_semaphore, #tpu.memory_space<semaphore_mem>>) src(%arg19 : memref<80x128xf32, #tpu.memory_space<vmem>>) dst(%dma_wait3A_234 : memref<80x128xf32, #tpu.memory_space<vmem_shared>>)
        tpu.yield
      }) : () -> ()
      %mul3A_211 = arith.constant 640 : i32
      %mul3A_212 = arith.muli %arg1, %mul3A_211 : i32
      %add3A_213 = arith.constant 320 : i32
      %add3A_214 = arith.addi %mul3A_212, %add3A_213 : i32
      "tpu.region"() ({
        %run_scoped3A = tpu.sem_alloc : memref<!tpu.dma_semaphore, #tpu.memory_space<semaphore_mem>>
        %dma_start3A_227 = arith.constant 0 : i32
        %dma_start3A_228 = tpu.memref_slice %arg20[%add3A_214, %dma_start3A_227] : memref<10000x128xf32, #tpu.memory_space<vmem_shared>> -> memref<80x128xf32, #tpu.memory_space<vmem_shared>>
        %dma_start3A_229 = arith.constant 0 : i32
        %dma_start3A_230 = tpu.memref_slice %arg20[%add3A_214, %dma_start3A_229] : memref<10000x128xf32, #tpu.memory_space<vmem_shared>> -> memref<80x128xf32, #tpu.memory_space<vmem_shared>>
        tpu.enqueue_dma source(%arg19 : memref<80x128xf32, #tpu.memory_space<vmem>>) target(%dma_start3A_230 : memref<80x128xf32, #tpu.memory_space<vmem_shared>>) target_semaphore(%run_scoped3A : memref<!tpu.dma_semaphore, #tpu.memory_space<semaphore_mem>>)
        %dma_wait3A_231 = arith.constant 0 : i32
        %dma_wait3A_232 = tpu.memref_slice %arg20[%add3A_214, %dma_wait3A_231] : memref<10000x128xf32, #tpu.memory_space<vmem_shared>> -> memref<80x128xf32, #tpu.memory_space<vmem_shared>>
        %dma_wait3A_233 = arith.constant 0 : i32
        %dma_wait3A_234 = tpu.memref_slice %arg20[%add3A_214, %dma_wait3A_233] : memref<10000x128xf32, #tpu.memory_space<vmem_shared>> -> memref<80x128xf32, #tpu.memory_space<vmem_shared>>
        tpu.wait_dma2 semaphore(%run_scoped3A : memref<!tpu.dma_semaphore, #tpu.memory_space<semaphore_mem>>) src(%arg19 : memref<80x128xf32, #tpu.memory_space<vmem>>) dst(%dma_wait3A_234 : memref<80x128xf32, #tpu.memory_space<vmem_shared>>)
        tpu.yield
      }) : () -> ()
      %mul3A_215 = arith.constant 640 : i32
      %mul3A_216 = arith.muli %arg1, %mul3A_215 : i32
      %add3A_217 = arith.constant 400 : i32
      %add3A_218 = arith.addi %mul3A_216, %add3A_217 : i32
      "tpu.region"() ({
        %run_scoped3A = tpu.sem_alloc : memref<!tpu.dma_semaphore, #tpu.memory_space<semaphore_mem>>
        %dma_start3A_227 = arith.constant 0 : i32
        %dma_start3A_228 = tpu.memref_slice %arg20[%add3A_218, %dma_start3A_227] : memref<10000x128xf32, #tpu.memory_space<vmem_shared>> -> memref<80x128xf32, #tpu.memory_space<vmem_shared>>
        %dma_start3A_229 = arith.constant 0 : i32
        %dma_start3A_230 = tpu.memref_slice %arg20[%add3A_218, %dma_start3A_229] : memref<10000x128xf32, #tpu.memory_space<vmem_shared>> -> memref<80x128xf32, #tpu.memory_space<vmem_shared>>
        tpu.enqueue_dma source(%arg19 : memref<80x128xf32, #tpu.memory_space<vmem>>) target(%dma_start3A_230 : memref<80x128xf32, #tpu.memory_space<vmem_shared>>) target_semaphore(%run_scoped3A : memref<!tpu.dma_semaphore, #tpu.memory_space<semaphore_mem>>)
        %dma_wait3A_231 = arith.constant 0 : i32
        %dma_wait3A_232 = tpu.memref_slice %arg20[%add3A_218, %dma_wait3A_231] : memref<10000x128xf32, #tpu.memory_space<vmem_shared>> -> memref<80x128xf32, #tpu.memory_space<vmem_shared>>
        %dma_wait3A_233 = arith.constant 0 : i32
        %dma_wait3A_234 = tpu.memref_slice %arg20[%add3A_218, %dma_wait3A_233] : memref<10000x128xf32, #tpu.memory_space<vmem_shared>> -> memref<80x128xf32, #tpu.memory_space<vmem_shared>>
        tpu.wait_dma2 semaphore(%run_scoped3A : memref<!tpu.dma_semaphore, #tpu.memory_space<semaphore_mem>>) src(%arg19 : memref<80x128xf32, #tpu.memory_space<vmem>>) dst(%dma_wait3A_234 : memref<80x128xf32, #tpu.memory_space<vmem_shared>>)
        tpu.yield
      }) : () -> ()
      %mul3A_219 = arith.constant 640 : i32
      %mul3A_220 = arith.muli %arg1, %mul3A_219 : i32
      %add3A_221 = arith.constant 480 : i32
      %add3A_222 = arith.addi %mul3A_220, %add3A_221 : i32
      "tpu.region"() ({
        %run_scoped3A = tpu.sem_alloc : memref<!tpu.dma_semaphore, #tpu.memory_space<semaphore_mem>>
        %dma_start3A_227 = arith.constant 0 : i32
        %dma_start3A_228 = tpu.memref_slice %arg20[%add3A_222, %dma_start3A_227] : memref<10000x128xf32, #tpu.memory_space<vmem_shared>> -> memref<80x128xf32, #tpu.memory_space<vmem_shared>>
        %dma_start3A_229 = arith.constant 0 : i32
        %dma_start3A_230 = tpu.memref_slice %arg20[%add3A_222, %dma_start3A_229] : memref<10000x128xf32, #tpu.memory_space<vmem_shared>> -> memref<80x128xf32, #tpu.memory_space<vmem_shared>>
        tpu.enqueue_dma source(%arg19 : memref<80x128xf32, #tpu.memory_space<vmem>>) target(%dma_start3A_230 : memref<80x128xf32, #tpu.memory_space<vmem_shared>>) target_semaphore(%run_scoped3A : memref<!tpu.dma_semaphore, #tpu.memory_space<semaphore_mem>>)
        %dma_wait3A_231 = arith.constant 0 : i32
        %dma_wait3A_232 = tpu.memref_slice %arg20[%add3A_222, %dma_wait3A_231] : memref<10000x128xf32, #tpu.memory_space<vmem_shared>> -> memref<80x128xf32, #tpu.memory_space<vmem_shared>>
        %dma_wait3A_233 = arith.constant 0 : i32
        %dma_wait3A_234 = tpu.memref_slice %arg20[%add3A_222, %dma_wait3A_233] : memref<10000x128xf32, #tpu.memory_space<vmem_shared>> -> memref<80x128xf32, #tpu.memory_space<vmem_shared>>
        tpu.wait_dma2 semaphore(%run_scoped3A : memref<!tpu.dma_semaphore, #tpu.memory_space<semaphore_mem>>) src(%arg19 : memref<80x128xf32, #tpu.memory_space<vmem>>) dst(%dma_wait3A_234 : memref<80x128xf32, #tpu.memory_space<vmem_shared>>)
        tpu.yield
      }) : () -> ()
      %mul3A_223 = arith.constant 640 : i32
      %mul3A_224 = arith.muli %arg1, %mul3A_223 : i32
      %add3A_225 = arith.constant 560 : i32
      %add3A_226 = arith.addi %mul3A_224, %add3A_225 : i32
      "tpu.region"() ({
        %run_scoped3A = tpu.sem_alloc : memref<!tpu.dma_semaphore, #tpu.memory_space<semaphore_mem>>
        %dma_start3A_227 = arith.constant 0 : i32
        %dma_start3A_228 = tpu.memref_slice %arg20[%add3A_226, %dma_start3A_227] : memref<10000x128xf32, #tpu.memory_space<vmem_shared>> -> memref<80x128xf32, #tpu.memory_space<vmem_shared>>
        %dma_start3A_229 = arith.constant 0 : i32
        %dma_start3A_230 = tpu.memref_slice %arg20[%add3A_226, %dma_start3A_229] : memref<10000x128xf32, #tpu.memory_space<vmem_shared>> -> memref<80x128xf32, #tpu.memory_space<vmem_shared>>
        tpu.enqueue_dma source(%arg19 : memref<80x128xf32, #tpu.memory_space<vmem>>) target(%dma_start3A_230 : memref<80x128xf32, #tpu.memory_space<vmem_shared>>) target_semaphore(%run_scoped3A : memref<!tpu.dma_semaphore, #tpu.memory_space<semaphore_mem>>)
        %dma_wait3A_231 = arith.constant 0 : i32
        %dma_wait3A_232 = tpu.memref_slice %arg20[%add3A_226, %dma_wait3A_231] : memref<10000x128xf32, #tpu.memory_space<vmem_shared>> -> memref<80x128xf32, #tpu.memory_space<vmem_shared>>
        %dma_wait3A_233 = arith.constant 0 : i32
        %dma_wait3A_234 = tpu.memref_slice %arg20[%add3A_226, %dma_wait3A_233] : memref<10000x128xf32, #tpu.memory_space<vmem_shared>> -> memref<80x128xf32, #tpu.memory_space<vmem_shared>>
        tpu.wait_dma2 semaphore(%run_scoped3A : memref<!tpu.dma_semaphore, #tpu.memory_space<semaphore_mem>>) src(%arg19 : memref<80x128xf32, #tpu.memory_space<vmem>>) dst(%dma_wait3A_234 : memref<80x128xf32, #tpu.memory_space<vmem_shared>>)
        tpu.yield
      }) : () -> ()
    } else {
    }
    %eq3A = arith.constant 15 : i32
    %eq3A_10 = arith.cmpi eq, %arg1, %eq3A : i32
    %convert_element_type3A_11 = arith.extui %eq3A_10 : i1 to i32
    %cond3A_12 = arith.constant 0 : i32
    %cond3A_13 = arith.cmpi ne, %convert_element_type3A_11, %cond3A_12 : i32
    scf.if %cond3A_13 {
      "tpu.region"() ({
        %run_scoped3A = tpu.sem_alloc : memref<!tpu.dma_semaphore, #tpu.memory_space<semaphore_mem>>
        %dma_start3A_195 = arith.constant 9600 : i32
        %dma_start3A_196 = arith.constant 0 : i32
        %dma_start3A_197 = tpu.memref_slice %arg20[%dma_start3A_195, %dma_start3A_196] : memref<10000x128xf32, #tpu.memory_space<vmem_shared>> -> memref<80x128xf32, #tpu.memory_space<vmem_shared>>
        %dma_start3A_198 = arith.constant 9600 : i32
        %dma_start3A_199 = arith.constant 0 : i32
        %dma_start3A_200 = tpu.memref_slice %arg20[%dma_start3A_198, %dma_start3A_199] : memref<10000x128xf32, #tpu.memory_space<vmem_shared>> -> memref<80x128xf32, #tpu.memory_space<vmem_shared>>
        tpu.enqueue_dma source(%arg19 : memref<80x128xf32, #tpu.memory_space<vmem>>) target(%dma_start3A_200 : memref<80x128xf32, #tpu.memory_space<vmem_shared>>) target_semaphore(%run_scoped3A : memref<!tpu.dma_semaphore, #tpu.memory_space<semaphore_mem>>)
        %dma_wait3A_201 = arith.constant 9600 : i32
        %dma_wait3A_202 = arith.constant 0 : i32
        %dma_wait3A_203 = tpu.memref_slice %arg20[%dma_wait3A_201, %dma_wait3A_202] : memref<10000x128xf32, #tpu.memory_space<vmem_shared>> -> memref<80x128xf32, #tpu.memory_space<vmem_shared>>
        %dma_wait3A_204 = arith.constant 9600 : i32
        %dma_wait3A_205 = arith.constant 0 : i32
        %dma_wait3A_206 = tpu.memref_slice %arg20[%dma_wait3A_204, %dma_wait3A_205] : memref<10000x128xf32, #tpu.memory_space<vmem_shared>> -> memref<80x128xf32, #tpu.memory_space<vmem_shared>>
        tpu.wait_dma2 semaphore(%run_scoped3A : memref<!tpu.dma_semaphore, #tpu.memory_space<semaphore_mem>>) src(%arg19 : memref<80x128xf32, #tpu.memory_space<vmem>>) dst(%dma_wait3A_206 : memref<80x128xf32, #tpu.memory_space<vmem_shared>>)
        tpu.yield
      }) : () -> ()
      "tpu.region"() ({
        %run_scoped3A = tpu.sem_alloc : memref<!tpu.dma_semaphore, #tpu.memory_space<semaphore_mem>>
        %dma_start3A_195 = arith.constant 9680 : i32
        %dma_start3A_196 = arith.constant 0 : i32
        %dma_start3A_197 = tpu.memref_slice %arg20[%dma_start3A_195, %dma_start3A_196] : memref<10000x128xf32, #tpu.memory_space<vmem_shared>> -> memref<80x128xf32, #tpu.memory_space<vmem_shared>>
        %dma_start3A_198 = arith.constant 9680 : i32
        %dma_start3A_199 = arith.constant 0 : i32
        %dma_start3A_200 = tpu.memref_slice %arg20[%dma_start3A_198, %dma_start3A_199] : memref<10000x128xf32, #tpu.memory_space<vmem_shared>> -> memref<80x128xf32, #tpu.memory_space<vmem_shared>>
        tpu.enqueue_dma source(%arg19 : memref<80x128xf32, #tpu.memory_space<vmem>>) target(%dma_start3A_200 : memref<80x128xf32, #tpu.memory_space<vmem_shared>>) target_semaphore(%run_scoped3A : memref<!tpu.dma_semaphore, #tpu.memory_space<semaphore_mem>>)
        %dma_wait3A_201 = arith.constant 9680 : i32
        %dma_wait3A_202 = arith.constant 0 : i32
        %dma_wait3A_203 = tpu.memref_slice %arg20[%dma_wait3A_201, %dma_wait3A_202] : memref<10000x128xf32, #tpu.memory_space<vmem_shared>> -> memref<80x128xf32, #tpu.memory_space<vmem_shared>>
        %dma_wait3A_204 = arith.constant 9680 : i32
        %dma_wait3A_205 = arith.constant 0 : i32
        %dma_wait3A_206 = tpu.memref_slice %arg20[%dma_wait3A_204, %dma_wait3A_205] : memref<10000x128xf32, #tpu.memory_space<vmem_shared>> -> memref<80x128xf32, #tpu.memory_space<vmem_shared>>
        tpu.wait_dma2 semaphore(%run_scoped3A : memref<!tpu.dma_semaphore, #tpu.memory_space<semaphore_mem>>) src(%arg19 : memref<80x128xf32, #tpu.memory_space<vmem>>) dst(%dma_wait3A_206 : memref<80x128xf32, #tpu.memory_space<vmem_shared>>)
        tpu.yield
      }) : () -> ()
      "tpu.region"() ({
        %run_scoped3A = tpu.sem_alloc : memref<!tpu.dma_semaphore, #tpu.memory_space<semaphore_mem>>
        %dma_start3A_195 = arith.constant 9760 : i32
        %dma_start3A_196 = arith.constant 0 : i32
        %dma_start3A_197 = tpu.memref_slice %arg20[%dma_start3A_195, %dma_start3A_196] : memref<10000x128xf32, #tpu.memory_space<vmem_shared>> -> memref<80x128xf32, #tpu.memory_space<vmem_shared>>
        %dma_start3A_198 = arith.constant 9760 : i32
        %dma_start3A_199 = arith.constant 0 : i32
        %dma_start3A_200 = tpu.memref_slice %arg20[%dma_start3A_198, %dma_start3A_199] : memref<10000x128xf32, #tpu.memory_space<vmem_shared>> -> memref<80x128xf32, #tpu.memory_space<vmem_shared>>
        tpu.enqueue_dma source(%arg19 : memref<80x128xf32, #tpu.memory_space<vmem>>) target(%dma_start3A_200 : memref<80x128xf32, #tpu.memory_space<vmem_shared>>) target_semaphore(%run_scoped3A : memref<!tpu.dma_semaphore, #tpu.memory_space<semaphore_mem>>)
        %dma_wait3A_201 = arith.constant 9760 : i32
        %dma_wait3A_202 = arith.constant 0 : i32
        %dma_wait3A_203 = tpu.memref_slice %arg20[%dma_wait3A_201, %dma_wait3A_202] : memref<10000x128xf32, #tpu.memory_space<vmem_shared>> -> memref<80x128xf32, #tpu.memory_space<vmem_shared>>
        %dma_wait3A_204 = arith.constant 9760 : i32
        %dma_wait3A_205 = arith.constant 0 : i32
        %dma_wait3A_206 = tpu.memref_slice %arg20[%dma_wait3A_204, %dma_wait3A_205] : memref<10000x128xf32, #tpu.memory_space<vmem_shared>> -> memref<80x128xf32, #tpu.memory_space<vmem_shared>>
        tpu.wait_dma2 semaphore(%run_scoped3A : memref<!tpu.dma_semaphore, #tpu.memory_space<semaphore_mem>>) src(%arg19 : memref<80x128xf32, #tpu.memory_space<vmem>>) dst(%dma_wait3A_206 : memref<80x128xf32, #tpu.memory_space<vmem_shared>>)
        tpu.yield
      }) : () -> ()
      "tpu.region"() ({
        %run_scoped3A = tpu.sem_alloc : memref<!tpu.dma_semaphore, #tpu.memory_space<semaphore_mem>>
        %dma_start3A_195 = arith.constant 9840 : i32
        %dma_start3A_196 = arith.constant 0 : i32
        %dma_start3A_197 = tpu.memref_slice %arg20[%dma_start3A_195, %dma_start3A_196] : memref<10000x128xf32, #tpu.memory_space<vmem_shared>> -> memref<80x128xf32, #tpu.memory_space<vmem_shared>>
        %dma_start3A_198 = arith.constant 9840 : i32
        %dma_start3A_199 = arith.constant 0 : i32
        %dma_start3A_200 = tpu.memref_slice %arg20[%dma_start3A_198, %dma_start3A_199] : memref<10000x128xf32, #tpu.memory_space<vmem_shared>> -> memref<80x128xf32, #tpu.memory_space<vmem_shared>>
        tpu.enqueue_dma source(%arg19 : memref<80x128xf32, #tpu.memory_space<vmem>>) target(%dma_start3A_200 : memref<80x128xf32, #tpu.memory_space<vmem_shared>>) target_semaphore(%run_scoped3A : memref<!tpu.dma_semaphore, #tpu.memory_space<semaphore_mem>>)
        %dma_wait3A_201 = arith.constant 9840 : i32
        %dma_wait3A_202 = arith.constant 0 : i32
        %dma_wait3A_203 = tpu.memref_slice %arg20[%dma_wait3A_201, %dma_wait3A_202] : memref<10000x128xf32, #tpu.memory_space<vmem_shared>> -> memref<80x128xf32, #tpu.memory_space<vmem_shared>>
        %dma_wait3A_204 = arith.constant 9840 : i32
        %dma_wait3A_205 = arith.constant 0 : i32
        %dma_wait3A_206 = tpu.memref_slice %arg20[%dma_wait3A_204, %dma_wait3A_205] : memref<10000x128xf32, #tpu.memory_space<vmem_shared>> -> memref<80x128xf32, #tpu.memory_space<vmem_shared>>
        tpu.wait_dma2 semaphore(%run_scoped3A : memref<!tpu.dma_semaphore, #tpu.memory_space<semaphore_mem>>) src(%arg19 : memref<80x128xf32, #tpu.memory_space<vmem>>) dst(%dma_wait3A_206 : memref<80x128xf32, #tpu.memory_space<vmem_shared>>)
        tpu.yield
      }) : () -> ()
      "tpu.region"() ({
        %run_scoped3A = tpu.sem_alloc : memref<!tpu.dma_semaphore, #tpu.memory_space<semaphore_mem>>
        %dma_start3A_195 = arith.constant 9920 : i32
        %dma_start3A_196 = arith.constant 0 : i32
        %dma_start3A_197 = tpu.memref_slice %arg20[%dma_start3A_195, %dma_start3A_196] : memref<10000x128xf32, #tpu.memory_space<vmem_shared>> -> memref<80x128xf32, #tpu.memory_space<vmem_shared>>
        %dma_start3A_198 = arith.constant 9920 : i32
        %dma_start3A_199 = arith.constant 0 : i32
        %dma_start3A_200 = tpu.memref_slice %arg20[%dma_start3A_198, %dma_start3A_199] : memref<10000x128xf32, #tpu.memory_space<vmem_shared>> -> memref<80x128xf32, #tpu.memory_space<vmem_shared>>
        tpu.enqueue_dma source(%arg19 : memref<80x128xf32, #tpu.memory_space<vmem>>) target(%dma_start3A_200 : memref<80x128xf32, #tpu.memory_space<vmem_shared>>) target_semaphore(%run_scoped3A : memref<!tpu.dma_semaphore, #tpu.memory_space<semaphore_mem>>)
        %dma_wait3A_201 = arith.constant 9920 : i32
        %dma_wait3A_202 = arith.constant 0 : i32
        %dma_wait3A_203 = tpu.memref_slice %arg20[%dma_wait3A_201, %dma_wait3A_202] : memref<10000x128xf32, #tpu.memory_space<vmem_shared>> -> memref<80x128xf32, #tpu.memory_space<vmem_shared>>
        %dma_wait3A_204 = arith.constant 9920 : i32
        %dma_wait3A_205 = arith.constant 0 : i32
        %dma_wait3A_206 = tpu.memref_slice %arg20[%dma_wait3A_204, %dma_wait3A_205] : memref<10000x128xf32, #tpu.memory_space<vmem_shared>> -> memref<80x128xf32, #tpu.memory_space<vmem_shared>>
        tpu.wait_dma2 semaphore(%run_scoped3A : memref<!tpu.dma_semaphore, #tpu.memory_space<semaphore_mem>>) src(%arg19 : memref<80x128xf32, #tpu.memory_space<vmem>>) dst(%dma_wait3A_206 : memref<80x128xf32, #tpu.memory_space<vmem_shared>>)
        tpu.yield
      }) : () -> ()
    } else {
    }
    %scan3A_14 = arith.constant 0 : i32
    %scan3A_15 = arith.constant 0 : i32
    %scan3A_16 = arith.constant 5 : i32
    %scan3A_17 = arith.addi %scan3A_15, %scan3A_16 : i32
    %scan3A_18 = arith.constant 1 : i32
    scf.for %scan3A_195 = %scan3A_15 to %scan3A_17 step %scan3A_18  : i32 {
      %broadcast_in_dim3A = arith.constant 1.000000e+00 : f32
      %broadcast_in_dim3A_196 = vector.broadcast %broadcast_in_dim3A : f32 to vector<16xf32>
      %mul3A_197 = arith.constant 16 : i32
      %mul3A_198 = arith.muli %scan3A_195, %mul3A_197 : i32
      %swap3A = arith.index_cast %mul3A_198 : i32 to index
      %swap3A_199 = tpu.vector_load %arg30[%swap3A] {strides = array<i32>} : memref<80xf32, #tpu.memory_space<vmem>>, vector<16xf32>,
      %swap3A_200 = vector.shape_cast %swap3A_199 : vector<16xf32> to vector<16xf32>
      %swap3A_201 = vector.shape_cast %broadcast_in_dim3A_196 : vector<16xf32> to vector<16xf32>
      tpu.vector_store %arg30[%swap3A], %swap3A_201 {strides = array<i32>} : memref<80xf32, #tpu.memory_space<vmem>>, vector<16xf32>,
    }
    %scan3A_19 = arith.constant 5 : i32
    %scan3A_20 = arith.constant 0 : i32
    %scan3A_21 = arith.constant 0 : i32
    %scan3A_22 = arith.constant 40 : i32
    %scan3A_23 = arith.addi %scan3A_21, %scan3A_22 : i32
    %scan3A_24 = arith.constant 1 : i32
    scf.for %scan3A_195 = %scan3A_21 to %scan3A_23 step %scan3A_24  : i32 {
      %broadcast_in_dim3A = arith.constant 0.000000e+00 : f32
      %broadcast_in_dim3A_196 = vector.broadcast %broadcast_in_dim3A : f32 to vector<16xf32>
      %mul3A_197 = arith.constant 16 : i32
      %mul3A_198 = arith.muli %scan3A_195, %mul3A_197 : i32
      %swap3A = arith.index_cast %mul3A_198 : i32 to index
      %swap3A_199 = tpu.vector_load %arg31[%swap3A] {strides = array<i32>} : memref<640xf32, #tpu.memory_space<vmem>>, vector<16xf32>,
      %swap3A_200 = vector.shape_cast %swap3A_199 : vector<16xf32> to vector<16xf32>
      %swap3A_201 = vector.shape_cast %broadcast_in_dim3A_196 : vector<16xf32> to vector<16xf32>
      tpu.vector_store %arg31[%swap3A], %swap3A_201 {strides = array<i32>} : memref<640xf32, #tpu.memory_space<vmem>>, vector<16xf32>,
    }
    %scan3A_25 = arith.constant 40 : i32
    %lt3A_26 = arith.constant 15 : i32
    %lt3A_27 = arith.cmpi slt, %arg1, %lt3A_26 : i32
    %convert_element_type3A_28 = arith.extui %lt3A_27 : i1 to i32
    %cond3A_29 = arith.constant 0 : i32
    %cond3A_30 = arith.cmpi ne, %convert_element_type3A_28, %cond3A_29 : i32
    scf.if %cond3A_30 {
      %mul3A_195 = arith.constant 640 : i32
      %mul3A_196 = arith.muli %arg1, %mul3A_195 : i32
      "tpu.region"() ({
        %run_scoped3A = tpu.sem_alloc : memref<!tpu.dma_semaphore, #tpu.memory_space<semaphore_mem>>
        %dma_start3A_197 = tpu.memref_slice %arg32[%mul3A_196] : memref<10000xf32, #tpu.memory_space<vmem_shared>> -> memref<640xf32, #tpu.memory_space<vmem_shared>>
        %dma_start3A_198 = tpu.memref_slice %arg32[%mul3A_196] : memref<10000xf32, #tpu.memory_space<vmem_shared>> -> memref<640xf32, #tpu.memory_space<vmem_shared>>
        tpu.enqueue_dma source(%arg31 : memref<640xf32, #tpu.memory_space<vmem>>) target(%dma_start3A_198 : memref<640xf32, #tpu.memory_space<vmem_shared>>) target_semaphore(%run_scoped3A : memref<!tpu.dma_semaphore, #tpu.memory_space<semaphore_mem>>)
        %dma_wait3A_199 = tpu.memref_slice %arg32[%mul3A_196] : memref<10000xf32, #tpu.memory_space<vmem_shared>> -> memref<640xf32, #tpu.memory_space<vmem_shared>>
        %dma_wait3A_200 = tpu.memref_slice %arg32[%mul3A_196] : memref<10000xf32, #tpu.memory_space<vmem_shared>> -> memref<640xf32, #tpu.memory_space<vmem_shared>>
        tpu.wait_dma2 semaphore(%run_scoped3A : memref<!tpu.dma_semaphore, #tpu.memory_space<semaphore_mem>>) src(%arg31 : memref<640xf32, #tpu.memory_space<vmem>>) dst(%dma_wait3A_200 : memref<640xf32, #tpu.memory_space<vmem_shared>>)
        tpu.yield
      }) : () -> ()
    } else {
    }
    %eq3A_31 = arith.constant 15 : i32
    %eq3A_32 = arith.cmpi eq, %arg1, %eq3A_31 : i32
    %convert_element_type3A_33 = arith.extui %eq3A_32 : i1 to i32
    %cond3A_34 = arith.constant 0 : i32
    %cond3A_35 = arith.cmpi ne, %convert_element_type3A_33, %cond3A_34 : i32
    scf.if %cond3A_35 {
      "tpu.region"() ({
        %run_scoped3A = tpu.sem_alloc : memref<!tpu.dma_semaphore, #tpu.memory_space<semaphore_mem>>
        %dma_start3A_195 = arith.constant 0 : i32
        %dma_start3A_196 = tpu.memref_slice %arg31[%dma_start3A_195] : memref<640xf32, #tpu.memory_space<vmem>> -> memref<400xf32, #tpu.memory_space<vmem>>
        %dma_start3A_197 = arith.constant 9600 : i32
        %dma_start3A_198 = tpu.memref_slice %arg32[%dma_start3A_197] : memref<10000xf32, #tpu.memory_space<vmem_shared>> -> memref<400xf32, #tpu.memory_space<vmem_shared>>
        %dma_start3A_199 = arith.constant 9600 : i32
        %dma_start3A_200 = tpu.memref_slice %arg32[%dma_start3A_199] : memref<10000xf32, #tpu.memory_space<vmem_shared>> -> memref<400xf32, #tpu.memory_space<vmem_shared>>
        %dma_start3A_201 = arith.constant 0 : i32
        %dma_start3A_202 = tpu.memref_slice %arg31[%dma_start3A_201] : memref<640xf32, #tpu.memory_space<vmem>> -> memref<400xf32, #tpu.memory_space<vmem>>
        tpu.enqueue_dma source(%dma_start3A_202 : memref<400xf32, #tpu.memory_space<vmem>>) target(%dma_start3A_200 : memref<400xf32, #tpu.memory_space<vmem_shared>>) target_semaphore(%run_scoped3A : memref<!tpu.dma_semaphore, #tpu.memory_space<semaphore_mem>>)
        %dma_wait3A_203 = arith.constant 0 : i32
        %dma_wait3A_204 = tpu.memref_slice %arg31[%dma_wait3A_203] : memref<640xf32, #tpu.memory_space<vmem>> -> memref<400xf32, #tpu.memory_space<vmem>>
        %dma_wait3A_205 = arith.constant 9600 : i32
        %dma_wait3A_206 = tpu.memref_slice %arg32[%dma_wait3A_205] : memref<10000xf32, #tpu.memory_space<vmem_shared>> -> memref<400xf32, #tpu.memory_space<vmem_shared>>
        %dma_wait3A_207 = arith.constant 9600 : i32
        %dma_wait3A_208 = tpu.memref_slice %arg32[%dma_wait3A_207] : memref<10000xf32, #tpu.memory_space<vmem_shared>> -> memref<400xf32, #tpu.memory_space<vmem_shared>>
        %dma_wait3A_209 = arith.constant 0 : i32
        %dma_wait3A_210 = tpu.memref_slice %arg31[%dma_wait3A_209] : memref<640xf32, #tpu.memory_space<vmem>> -> memref<400xf32, #tpu.memory_space<vmem>>
        tpu.wait_dma2 semaphore(%run_scoped3A : memref<!tpu.dma_semaphore, #tpu.memory_space<semaphore_mem>>) src(%dma_wait3A_210 : memref<400xf32, #tpu.memory_space<vmem>>) dst(%dma_wait3A_208 : memref<400xf32, #tpu.memory_space<vmem_shared>>)
        tpu.yield
      }) : () -> ()
    } else {
    }
    %barrier3A = arith.constant 0 : index
    tpu.barrier barrier_id(%barrier3A)
    %add3A_36 = arith.constant 0 : i32
    %add3A_37 = arith.addi %add3A, %add3A_36 : i32
    %multiple_of3A = tpu.assume_multiple %add3A_37, 8 : i32
    %dma_start3A = tpu.memref_slice %arg4[%multiple_of3A] : memref<320000xi32, #tpu.memory_space<hbm>> -> memref<80xi32, #tpu.memory_space<hbm>>
    %dma_start3A_38 = tpu.memref_slice %arg4[%multiple_of3A] : memref<320000xi32, #tpu.memory_space<hbm>> -> memref<80xi32, #tpu.memory_space<hbm>>
    tpu.enqueue_dma source(%dma_start3A_38 : memref<80xi32, #tpu.memory_space<hbm>>) target(%arg10 : memref<80xi32, #tpu.memory_space<vmem>>) target_semaphore(%arg21 : memref<!tpu.dma_semaphore, #tpu.memory_space<semaphore_mem>>)
    %dma_start3A_39 = tpu.memref_slice %arg5[%multiple_of3A] : memref<320000xi32, #tpu.memory_space<hbm>> -> memref<80xi32, #tpu.memory_space<hbm>>
    %dma_start3A_40 = tpu.memref_slice %arg5[%multiple_of3A] : memref<320000xi32, #tpu.memory_space<hbm>> -> memref<80xi32, #tpu.memory_space<hbm>>
    tpu.enqueue_dma source(%dma_start3A_40 : memref<80xi32, #tpu.memory_space<hbm>>) target(%arg13 : memref<80xi32, #tpu.memory_space<vmem>>) target_semaphore(%arg21 : memref<!tpu.dma_semaphore, #tpu.memory_space<semaphore_mem>>)
    %add3A_41 = arith.constant 80 : i32
    %add3A_42 = arith.addi %add3A, %add3A_41 : i32
    %multiple_of3A_43 = tpu.assume_multiple %add3A_42, 8 : i32
    %dma_start3A_44 = tpu.memref_slice %arg4[%multiple_of3A_43] : memref<320000xi32, #tpu.memory_space<hbm>> -> memref<80xi32, #tpu.memory_space<hbm>>
    %dma_start3A_45 = tpu.memref_slice %arg4[%multiple_of3A_43] : memref<320000xi32, #tpu.memory_space<hbm>> -> memref<80xi32, #tpu.memory_space<hbm>>
    tpu.enqueue_dma source(%dma_start3A_45 : memref<80xi32, #tpu.memory_space<hbm>>) target(%arg11 : memref<80xi32, #tpu.memory_space<vmem>>) target_semaphore(%arg22 : memref<!tpu.dma_semaphore, #tpu.memory_space<semaphore_mem>>)
    %dma_start3A_46 = tpu.memref_slice %arg5[%multiple_of3A_43] : memref<320000xi32, #tpu.memory_space<hbm>> -> memref<80xi32, #tpu.memory_space<hbm>>
    %dma_start3A_47 = tpu.memref_slice %arg5[%multiple_of3A_43] : memref<320000xi32, #tpu.memory_space<hbm>> -> memref<80xi32, #tpu.memory_space<hbm>>
    tpu.enqueue_dma source(%dma_start3A_47 : memref<80xi32, #tpu.memory_space<hbm>>) target(%arg14 : memref<80xi32, #tpu.memory_space<vmem>>) target_semaphore(%arg22 : memref<!tpu.dma_semaphore, #tpu.memory_space<semaphore_mem>>)
    %scan3A_48 = arith.constant 0 : i32
    %scan3A_49 = arith.constant 0 : i32
    %scan3A_50 = arith.constant 41 : i32
    %scan3A_51 = arith.addi %scan3A_49, %scan3A_50 : i32
    %scan3A_52 = arith.constant 1 : i32
    scf.for %scan3A_195 = %scan3A_49 to %scan3A_51 step %scan3A_52  : i32 {
      %dma_wait3A_196 = arith.constant 0 : i32
      %dma_wait3A_197 = tpu.memref_slice %arg4[%dma_wait3A_196] : memref<320000xi32, #tpu.memory_space<hbm>> -> memref<80xi32, #tpu.memory_space<hbm>>
      %dma_wait3A_198 = arith.constant 0 : i32
      %dma_wait3A_199 = tpu.memref_slice %arg4[%dma_wait3A_198] : memref<320000xi32, #tpu.memory_space<hbm>> -> memref<80xi32, #tpu.memory_space<hbm>>
      tpu.wait_dma2 semaphore(%arg21 : memref<!tpu.dma_semaphore, #tpu.memory_space<semaphore_mem>>) src(%dma_wait3A_199 : memref<80xi32, #tpu.memory_space<hbm>>) dst(%arg10 : memref<80xi32, #tpu.memory_space<vmem>>)
      %dma_wait3A_200 = arith.constant 0 : i32
      %dma_wait3A_201 = tpu.memref_slice %arg4[%dma_wait3A_200] : memref<320000xi32, #tpu.memory_space<hbm>> -> memref<80xi32, #tpu.memory_space<hbm>>
      %dma_wait3A_202 = arith.constant 0 : i32
      %dma_wait3A_203 = tpu.memref_slice %arg4[%dma_wait3A_202] : memref<320000xi32, #tpu.memory_space<hbm>> -> memref<80xi32, #tpu.memory_space<hbm>>
      tpu.wait_dma2 semaphore(%arg21 : memref<!tpu.dma_semaphore, #tpu.memory_space<semaphore_mem>>) src(%dma_wait3A_203 : memref<80xi32, #tpu.memory_space<hbm>>) dst(%arg13 : memref<80xi32, #tpu.memory_space<vmem>>)
      %eq3A_204 = arith.constant 0 : i32
      %eq3A_205 = arith.cmpi eq, %arg0, %eq3A_204 : i32
      %convert_element_type3A_206 = arith.extui %eq3A_205 : i1 to i32
      %cond3A_207 = arith.constant 0 : i32
      %cond3A_208 = arith.cmpi ne, %convert_element_type3A_206, %cond3A_207 : i32
      scf.if %cond3A_208 {
        %dma_start3A_333 = arith.constant 0 : i32
        %dma_start3A_334 = arith.constant 0 : i32
        %dma_start3A_335 = tpu.memref_slice %arg2[%dma_start3A_333, %dma_start3A_334] : memref<10000x128xf32, #tpu.memory_space<hbm>> -> memref<10000x128xf32, #tpu.memory_space<hbm>>
        tpu.enqueue_indirect_dma source(%dma_start3A_335 : memref<10000x128xf32, #tpu.memory_space<hbm>>) target(%arg16 : memref<80x128xf32, #tpu.memory_space<vmem>>) offsets(%arg10 : memref<80xi32, #tpu.memory_space<vmem>>) semaphore(%arg24 : memref<!tpu.dma_semaphore, #tpu.memory_space<semaphore_mem>>)
      } else {
      }
      %eq3A_209 = arith.constant 1 : i32
      %eq3A_210 = arith.cmpi eq, %arg0, %eq3A_209 : i32
      %convert_element_type3A_211 = arith.extui %eq3A_210 : i1 to i32
      %cond3A_212 = arith.constant 0 : i32
      %cond3A_213 = arith.cmpi ne, %convert_element_type3A_211, %cond3A_212 : i32
      scf.if %cond3A_213 {
        %dma_start3A_333 = arith.constant 0 : i32
        %dma_start3A_334 = arith.constant 0 : i32
        %dma_start3A_335 = tpu.memref_slice %arg3[%dma_start3A_333, %dma_start3A_334] : memref<10000x128xf32, #tpu.memory_space<hbm>> -> memref<10000x128xf32, #tpu.memory_space<hbm>>
        tpu.enqueue_indirect_dma source(%dma_start3A_335 : memref<10000x128xf32, #tpu.memory_space<hbm>>) target(%arg16 : memref<80x128xf32, #tpu.memory_space<vmem>>) offsets(%arg10 : memref<80xi32, #tpu.memory_space<vmem>>) semaphore(%arg24 : memref<!tpu.dma_semaphore, #tpu.memory_space<semaphore_mem>>)
      } else {
      }
      %gt3A = arith.constant 0 : i32
      %gt3A_214 = arith.cmpi sgt, %scan3A_195, %gt3A : i32
      %convert_element_type3A_215 = arith.extui %gt3A_214 : i1 to i32
      %cond3A_216 = arith.constant 0 : i32
      %cond3A_217 = arith.cmpi ne, %convert_element_type3A_215, %cond3A_216 : i32
      scf.if %cond3A_217 {
        %dma_wait3A_333 = arith.constant 0 : i32
        %dma_wait3A_334 = arith.constant 0 : i32
        %dma_wait3A_335 = tpu.memref_slice %arg2[%dma_wait3A_333, %dma_wait3A_334] : memref<10000x128xf32, #tpu.memory_space<hbm>> -> memref<80x128xf32, #tpu.memory_space<hbm>>
        %dma_wait3A_336 = arith.constant 0 : i32
        %dma_wait3A_337 = arith.constant 0 : i32
        %dma_wait3A_338 = tpu.memref_slice %arg2[%dma_wait3A_336, %dma_wait3A_337] : memref<10000x128xf32, #tpu.memory_space<hbm>> -> memref<80x128xf32, #tpu.memory_space<hbm>>
        tpu.wait_dma2 semaphore(%arg29 : memref<!tpu.dma_semaphore, #tpu.memory_space<semaphore_mem>>) src(%dma_wait3A_338 : memref<80x128xf32, #tpu.memory_space<hbm>>) dst(%arg18 : memref<80x128xf32, #tpu.memory_space<vmem>>)
        %dma_wait3A_339 = arith.constant 0 : i32
        %dma_wait3A_340 = tpu.memref_slice %arg8[%dma_wait3A_339] : memref<10000xf32, #tpu.memory_space<hbm>> -> memref<80xf32, #tpu.memory_space<hbm>>
        %dma_wait3A_341 = arith.constant 0 : i32
        %dma_wait3A_342 = tpu.memref_slice %arg8[%dma_wait3A_341] : memref<10000xf32, #tpu.memory_space<hbm>> -> memref<80xf32, #tpu.memory_space<hbm>>
        tpu.wait_dma2 semaphore(%arg35 : memref<!tpu.dma_semaphore, #tpu.memory_space<semaphore_mem>>) src(%dma_wait3A_342 : memref<80xf32, #tpu.memory_space<hbm>>) dst(%arg30 : memref<80xf32, #tpu.memory_space<vmem>>)
      } else {
      }
      %mul3A_218 = arith.constant 3 : i32
      %mul3A_219 = arith.muli %mul3A_218, %scan3A_195 : i32
      %add3A_220 = arith.constant 2 : i32
      %add3A_221 = arith.addi %mul3A_219, %add3A_220 : i32
      %mul3A_222 = arith.constant 80 : i32
      %mul3A_223 = arith.muli %add3A_221, %mul3A_222 : i32
      %add3A_224 = arith.addi %add3A, %mul3A_223 : i32
      %multiple_of3A_225 = tpu.assume_multiple %add3A_224, 8 : i32
      %dma_start3A_226 = tpu.memref_slice %arg4[%multiple_of3A_225] : memref<320000xi32, #tpu.memory_space<hbm>> -> memref<80xi32, #tpu.memory_space<hbm>>
      %dma_start3A_227 = tpu.memref_slice %arg4[%multiple_of3A_225] : memref<320000xi32, #tpu.memory_space<hbm>> -> memref<80xi32, #tpu.memory_space<hbm>>
      tpu.enqueue_dma source(%dma_start3A_227 : memref<80xi32, #tpu.memory_space<hbm>>) target(%arg12 : memref<80xi32, #tpu.memory_space<vmem>>) target_semaphore(%arg23 : memref<!tpu.dma_semaphore, #tpu.memory_space<semaphore_mem>>)
      %dma_start3A_228 = tpu.memref_slice %arg5[%multiple_of3A_225] : memref<320000xi32, #tpu.memory_space<hbm>> -> memref<80xi32, #tpu.memory_space<hbm>>
      %dma_start3A_229 = tpu.memref_slice %arg5[%multiple_of3A_225] : memref<320000xi32, #tpu.memory_space<hbm>> -> memref<80xi32, #tpu.memory_space<hbm>>
      tpu.enqueue_dma source(%dma_start3A_229 : memref<80xi32, #tpu.memory_space<hbm>>) target(%arg15 : memref<80xi32, #tpu.memory_space<vmem>>) target_semaphore(%arg23 : memref<!tpu.dma_semaphore, #tpu.memory_space<semaphore_mem>>)
      %dma_wait3A_230 = arith.constant 0 : i32
      %dma_wait3A_231 = tpu.memref_slice %arg4[%dma_wait3A_230] : memref<320000xi32, #tpu.memory_space<hbm>> -> memref<80xi32, #tpu.memory_space<hbm>>
      %dma_wait3A_232 = arith.constant 0 : i32
      %dma_wait3A_233 = tpu.memref_slice %arg4[%dma_wait3A_232] : memref<320000xi32, #tpu.memory_space<hbm>> -> memref<80xi32, #tpu.memory_space<hbm>>
      tpu.wait_dma2 semaphore(%arg22 : memref<!tpu.dma_semaphore, #tpu.memory_space<semaphore_mem>>) src(%dma_wait3A_233 : memref<80xi32, #tpu.memory_space<hbm>>) dst(%arg11 : memref<80xi32, #tpu.memory_space<vmem>>)
      %dma_wait3A_234 = arith.constant 0 : i32
      %dma_wait3A_235 = tpu.memref_slice %arg4[%dma_wait3A_234] : memref<320000xi32, #tpu.memory_space<hbm>> -> memref<80xi32, #tpu.memory_space<hbm>>
      %dma_wait3A_236 = arith.constant 0 : i32
      %dma_wait3A_237 = tpu.memref_slice %arg4[%dma_wait3A_236] : memref<320000xi32, #tpu.memory_space<hbm>> -> memref<80xi32, #tpu.memory_space<hbm>>
      tpu.wait_dma2 semaphore(%arg22 : memref<!tpu.dma_semaphore, #tpu.memory_space<semaphore_mem>>) src(%dma_wait3A_237 : memref<80xi32, #tpu.memory_space<hbm>>) dst(%arg14 : memref<80xi32, #tpu.memory_space<vmem>>)
      %eq3A_238 = arith.constant 0 : i32
      %eq3A_239 = arith.cmpi eq, %arg0, %eq3A_238 : i32
      %convert_element_type3A_240 = arith.extui %eq3A_239 : i1 to i32
      %cond3A_241 = arith.constant 0 : i32
      %cond3A_242 = arith.cmpi ne, %convert_element_type3A_240, %cond3A_241 : i32
      scf.if %cond3A_242 {
        %dma_start3A_333 = arith.constant 0 : i32
        %dma_start3A_334 = arith.constant 0 : i32
        %dma_start3A_335 = tpu.memref_slice %arg2[%dma_start3A_333, %dma_start3A_334] : memref<10000x128xf32, #tpu.memory_space<hbm>> -> memref<10000x128xf32, #tpu.memory_space<hbm>>
        tpu.enqueue_indirect_dma source(%dma_start3A_335 : memref<10000x128xf32, #tpu.memory_space<hbm>>) target(%arg17 : memref<80x128xf32, #tpu.memory_space<vmem>>) offsets(%arg11 : memref<80xi32, #tpu.memory_space<vmem>>) semaphore(%arg25 : memref<!tpu.dma_semaphore, #tpu.memory_space<semaphore_mem>>)
      } else {
      }
      %eq3A_243 = arith.constant 1 : i32
      %eq3A_244 = arith.cmpi eq, %arg0, %eq3A_243 : i32
      %convert_element_type3A_245 = arith.extui %eq3A_244 : i1 to i32
      %cond3A_246 = arith.constant 0 : i32
      %cond3A_247 = arith.cmpi ne, %convert_element_type3A_245, %cond3A_246 : i32
      scf.if %cond3A_247 {
        %dma_start3A_333 = arith.constant 0 : i32
        %dma_start3A_334 = arith.constant 0 : i32
        %dma_start3A_335 = tpu.memref_slice %arg3[%dma_start3A_333, %dma_start3A_334] : memref<10000x128xf32, #tpu.memory_space<hbm>> -> memref<10000x128xf32, #tpu.memory_space<hbm>>
        tpu.enqueue_indirect_dma source(%dma_start3A_335 : memref<10000x128xf32, #tpu.memory_space<hbm>>) target(%arg17 : memref<80x128xf32, #tpu.memory_space<vmem>>) offsets(%arg11 : memref<80xi32, #tpu.memory_space<vmem>>) semaphore(%arg25 : memref<!tpu.dma_semaphore, #tpu.memory_space<semaphore_mem>>)
      } else {
      }
      %dma_wait3A_248 = arith.constant 0 : i32
      %dma_wait3A_249 = arith.constant 0 : i32
      %dma_wait3A_250 = tpu.memref_slice %arg2[%dma_wait3A_248, %dma_wait3A_249] : memref<10000x128xf32, #tpu.memory_space<hbm>> -> memref<80x128xf32, #tpu.memory_space<hbm>>
      %dma_wait3A_251 = arith.constant 0 : i32
      %dma_wait3A_252 = arith.constant 0 : i32
      %dma_wait3A_253 = tpu.memref_slice %arg2[%dma_wait3A_251, %dma_wait3A_252] : memref<10000x128xf32, #tpu.memory_space<hbm>> -> memref<80x128xf32, #tpu.memory_space<hbm>>
      tpu.wait_dma2 semaphore(%arg24 : memref<!tpu.dma_semaphore, #tpu.memory_space<semaphore_mem>>) src(%dma_wait3A_253 : memref<80x128xf32, #tpu.memory_space<hbm>>) dst(%arg16 : memref<80x128xf32, #tpu.memory_space<vmem>>)
      %dma_start3A_254 = arith.constant 0 : i32
      %dma_start3A_255 = arith.constant 0 : i32
      %dma_start3A_256 = tpu.memref_slice %arg20[%dma_start3A_254, %dma_start3A_255] : memref<10000x128xf32, #tpu.memory_space<vmem_shared>> -> memref<10000x128xf32, #tpu.memory_space<vmem_shared>>
      tpu.enqueue_indirect_dma source(%arg16 : memref<80x128xf32, #tpu.memory_space<vmem>>) target(%dma_start3A_256 : memref<10000x128xf32, #tpu.memory_space<vmem_shared>>) offsets(%arg13 : memref<80xi32, #tpu.memory_space<vmem>>) semaphore(%arg27 : memref<!tpu.dma_semaphore, #tpu.memory_space<semaphore_mem>>) {add = true}
      %dma_start3A_257 = arith.constant 0 : i32
      %dma_start3A_258 = tpu.memref_slice %arg32[%dma_start3A_257] : memref<10000xf32, #tpu.memory_space<vmem_shared>> -> memref<10000xf32, #tpu.memory_space<vmem_shared>>
      tpu.enqueue_indirect_dma source(%arg30 : memref<80xf32, #tpu.memory_space<vmem>>) target(%dma_start3A_258 : memref<10000xf32, #tpu.memory_space<vmem_shared>>) offsets(%arg13 : memref<80xi32, #tpu.memory_space<vmem>>) semaphore(%arg33 : memref<!tpu.dma_semaphore, #tpu.memory_space<semaphore_mem>>) {add = true}
      %dma_wait3A_259 = arith.constant 0 : i32
      %dma_wait3A_260 = tpu.memref_slice %arg4[%dma_wait3A_259] : memref<320000xi32, #tpu.memory_space<hbm>> -> memref<80xi32, #tpu.memory_space<hbm>>
      %dma_wait3A_261 = arith.constant 0 : i32
      %dma_wait3A_262 = tpu.memref_slice %arg4[%dma_wait3A_261] : memref<320000xi32, #tpu.memory_space<hbm>> -> memref<80xi32, #tpu.memory_space<hbm>>
      tpu.wait_dma2 semaphore(%arg23 : memref<!tpu.dma_semaphore, #tpu.memory_space<semaphore_mem>>) src(%dma_wait3A_262 : memref<80xi32, #tpu.memory_space<hbm>>) dst(%arg12 : memref<80xi32, #tpu.memory_space<vmem>>)
      %dma_wait3A_263 = arith.constant 0 : i32
      %dma_wait3A_264 = tpu.memref_slice %arg4[%dma_wait3A_263] : memref<320000xi32, #tpu.memory_space<hbm>> -> memref<80xi32, #tpu.memory_space<hbm>>
      %dma_wait3A_265 = arith.constant 0 : i32
      %dma_wait3A_266 = tpu.memref_slice %arg4[%dma_wait3A_265] : memref<320000xi32, #tpu.memory_space<hbm>> -> memref<80xi32, #tpu.memory_space<hbm>>
      tpu.wait_dma2 semaphore(%arg23 : memref<!tpu.dma_semaphore, #tpu.memory_space<semaphore_mem>>) src(%dma_wait3A_266 : memref<80xi32, #tpu.memory_space<hbm>>) dst(%arg15 : memref<80xi32, #tpu.memory_space<vmem>>)
      %eq3A_267 = arith.constant 0 : i32
      %eq3A_268 = arith.cmpi eq, %arg0, %eq3A_267 : i32
      %convert_element_type3A_269 = arith.extui %eq3A_268 : i1 to i32
      %cond3A_270 = arith.constant 0 : i32
      %cond3A_271 = arith.cmpi ne, %convert_element_type3A_269, %cond3A_270 : i32
      scf.if %cond3A_271 {
        %dma_start3A_333 = arith.constant 0 : i32
        %dma_start3A_334 = arith.constant 0 : i32
        %dma_start3A_335 = tpu.memref_slice %arg2[%dma_start3A_333, %dma_start3A_334] : memref<10000x128xf32, #tpu.memory_space<hbm>> -> memref<10000x128xf32, #tpu.memory_space<hbm>>
        tpu.enqueue_indirect_dma source(%dma_start3A_335 : memref<10000x128xf32, #tpu.memory_space<hbm>>) target(%arg18 : memref<80x128xf32, #tpu.memory_space<vmem>>) offsets(%arg12 : memref<80xi32, #tpu.memory_space<vmem>>) semaphore(%arg26 : memref<!tpu.dma_semaphore, #tpu.memory_space<semaphore_mem>>)
      } else {
      }
      %eq3A_272 = arith.constant 1 : i32
      %eq3A_273 = arith.cmpi eq, %arg0, %eq3A_272 : i32
      %convert_element_type3A_274 = arith.extui %eq3A_273 : i1 to i32
      %cond3A_275 = arith.constant 0 : i32
      %cond3A_276 = arith.cmpi ne, %convert_element_type3A_274, %cond3A_275 : i32
      scf.if %cond3A_276 {
        %dma_start3A_333 = arith.constant 0 : i32
        %dma_start3A_334 = arith.constant 0 : i32
        %dma_start3A_335 = tpu.memref_slice %arg3[%dma_start3A_333, %dma_start3A_334] : memref<10000x128xf32, #tpu.memory_space<hbm>> -> memref<10000x128xf32, #tpu.memory_space<hbm>>
        tpu.enqueue_indirect_dma source(%dma_start3A_335 : memref<10000x128xf32, #tpu.memory_space<hbm>>) target(%arg18 : memref<80x128xf32, #tpu.memory_space<vmem>>) offsets(%arg12 : memref<80xi32, #tpu.memory_space<vmem>>) semaphore(%arg26 : memref<!tpu.dma_semaphore, #tpu.memory_space<semaphore_mem>>)
      } else {
      }
      %dma_wait3A_277 = arith.constant 0 : i32
      %dma_wait3A_278 = arith.constant 0 : i32
      %dma_wait3A_279 = tpu.memref_slice %arg2[%dma_wait3A_277, %dma_wait3A_278] : memref<10000x128xf32, #tpu.memory_space<hbm>> -> memref<80x128xf32, #tpu.memory_space<hbm>>
      %dma_wait3A_280 = arith.constant 0 : i32
      %dma_wait3A_281 = arith.constant 0 : i32
      %dma_wait3A_282 = tpu.memref_slice %arg2[%dma_wait3A_280, %dma_wait3A_281] : memref<10000x128xf32, #tpu.memory_space<hbm>> -> memref<80x128xf32, #tpu.memory_space<hbm>>
      tpu.wait_dma2 semaphore(%arg25 : memref<!tpu.dma_semaphore, #tpu.memory_space<semaphore_mem>>) src(%dma_wait3A_282 : memref<80x128xf32, #tpu.memory_space<hbm>>) dst(%arg17 : memref<80x128xf32, #tpu.memory_space<vmem>>)
      %dma_start3A_283 = arith.constant 0 : i32
      %dma_start3A_284 = arith.constant 0 : i32
      %dma_start3A_285 = tpu.memref_slice %arg20[%dma_start3A_283, %dma_start3A_284] : memref<10000x128xf32, #tpu.memory_space<vmem_shared>> -> memref<10000x128xf32, #tpu.memory_space<vmem_shared>>
      tpu.enqueue_indirect_dma source(%arg17 : memref<80x128xf32, #tpu.memory_space<vmem>>) target(%dma_start3A_285 : memref<10000x128xf32, #tpu.memory_space<vmem_shared>>) offsets(%arg14 : memref<80xi32, #tpu.memory_space<vmem>>) semaphore(%arg28 : memref<!tpu.dma_semaphore, #tpu.memory_space<semaphore_mem>>) {add = true}
      %dma_start3A_286 = arith.constant 0 : i32
      %dma_start3A_287 = tpu.memref_slice %arg32[%dma_start3A_286] : memref<10000xf32, #tpu.memory_space<vmem_shared>> -> memref<10000xf32, #tpu.memory_space<vmem_shared>>
      tpu.enqueue_indirect_dma source(%arg30 : memref<80xf32, #tpu.memory_space<vmem>>) target(%dma_start3A_287 : memref<10000xf32, #tpu.memory_space<vmem_shared>>) offsets(%arg14 : memref<80xi32, #tpu.memory_space<vmem>>) semaphore(%arg34 : memref<!tpu.dma_semaphore, #tpu.memory_space<semaphore_mem>>) {add = true}
      %dma_wait3A_288 = arith.constant 0 : i32
      %dma_wait3A_289 = arith.constant 0 : i32
      %dma_wait3A_290 = tpu.memref_slice %arg20[%dma_wait3A_288, %dma_wait3A_289] : memref<10000x128xf32, #tpu.memory_space<vmem_shared>> -> memref<10000x128xf32, #tpu.memory_space<vmem_shared>>
      tpu.wait_indirect_dma semaphore(%arg27 : memref<!tpu.dma_semaphore, #tpu.memory_space<semaphore_mem>>) src(%arg16 : memref<80x128xf32, #tpu.memory_space<vmem>>) dst(%dma_wait3A_290 : memref<10000x128xf32, #tpu.memory_space<vmem_shared>>)
      %dma_wait3A_291 = arith.constant 0 : i32
      %dma_wait3A_292 = tpu.memref_slice %arg32[%dma_wait3A_291] : memref<10000xf32, #tpu.memory_space<vmem_shared>> -> memref<10000xf32, #tpu.memory_space<vmem_shared>>
      tpu.wait_indirect_dma semaphore(%arg33 : memref<!tpu.dma_semaphore, #tpu.memory_space<semaphore_mem>>) src(%arg30 : memref<80xf32, #tpu.memory_space<vmem>>) dst(%dma_wait3A_292 : memref<10000xf32, #tpu.memory_space<vmem_shared>>)
      %mul3A_293 = arith.constant 3 : i32
      %mul3A_294 = arith.muli %mul3A_293, %scan3A_195 : i32
      %add3A_295 = arith.constant 3 : i32
      %add3A_296 = arith.addi %mul3A_294, %add3A_295 : i32
      %mul3A_297 = arith.constant 80 : i32
      %mul3A_298 = arith.muli %add3A_296, %mul3A_297 : i32
      %add3A_299 = arith.addi %add3A, %mul3A_298 : i32
      %multiple_of3A_300 = tpu.assume_multiple %add3A_299, 8 : i32
      %dma_start3A_301 = tpu.memref_slice %arg4[%multiple_of3A_300] : memref<320000xi32, #tpu.memory_space<hbm>> -> memref<80xi32, #tpu.memory_space<hbm>>
      %dma_start3A_302 = tpu.memref_slice %arg4[%multiple_of3A_300] : memref<320000xi32, #tpu.memory_space<hbm>> -> memref<80xi32, #tpu.memory_space<hbm>>
      tpu.enqueue_dma source(%dma_start3A_302 : memref<80xi32, #tpu.memory_space<hbm>>) target(%arg10 : memref<80xi32, #tpu.memory_space<vmem>>) target_semaphore(%arg21 : memref<!tpu.dma_semaphore, #tpu.memory_space<semaphore_mem>>)
      %dma_start3A_303 = tpu.memref_slice %arg5[%multiple_of3A_300] : memref<320000xi32, #tpu.memory_space<hbm>> -> memref<80xi32, #tpu.memory_space<hbm>>
      %dma_start3A_304 = tpu.memref_slice %arg5[%multiple_of3A_300] : memref<320000xi32, #tpu.memory_space<hbm>> -> memref<80xi32, #tpu.memory_space<hbm>>
      tpu.enqueue_dma source(%dma_start3A_304 : memref<80xi32, #tpu.memory_space<hbm>>) target(%arg13 : memref<80xi32, #tpu.memory_space<vmem>>) target_semaphore(%arg21 : memref<!tpu.dma_semaphore, #tpu.memory_space<semaphore_mem>>)
      %dma_wait3A_305 = arith.constant 0 : i32
      %dma_wait3A_306 = arith.constant 0 : i32
      %dma_wait3A_307 = tpu.memref_slice %arg2[%dma_wait3A_305, %dma_wait3A_306] : memref<10000x128xf32, #tpu.memory_space<hbm>> -> memref<80x128xf32, #tpu.memory_space<hbm>>
      %dma_wait3A_308 = arith.constant 0 : i32
      %dma_wait3A_309 = arith.constant 0 : i32
      %dma_wait3A_310 = tpu.memref_slice %arg2[%dma_wait3A_308, %dma_wait3A_309] : memref<10000x128xf32, #tpu.memory_space<hbm>> -> memref<80x128xf32, #tpu.memory_space<hbm>>
      tpu.wait_dma2 semaphore(%arg26 : memref<!tpu.dma_semaphore, #tpu.memory_space<semaphore_mem>>) src(%dma_wait3A_310 : memref<80x128xf32, #tpu.memory_space<hbm>>) dst(%arg18 : memref<80x128xf32, #tpu.memory_space<vmem>>)
      %dma_wait3A_311 = arith.constant 0 : i32
      %dma_wait3A_312 = arith.constant 0 : i32
      %dma_wait3A_313 = tpu.memref_slice %arg20[%dma_wait3A_311, %dma_wait3A_312] : memref<10000x128xf32, #tpu.memory_space<vmem_shared>> -> memref<10000x128xf32, #tpu.memory_space<vmem_shared>>
      tpu.wait_indirect_dma semaphore(%arg28 : memref<!tpu.dma_semaphore, #tpu.memory_space<semaphore_mem>>) src(%arg17 : memref<80x128xf32, #tpu.memory_space<vmem>>) dst(%dma_wait3A_313 : memref<10000x128xf32, #tpu.memory_space<vmem_shared>>)
      %dma_wait3A_314 = arith.constant 0 : i32
      %dma_wait3A_315 = tpu.memref_slice %arg32[%dma_wait3A_314] : memref<10000xf32, #tpu.memory_space<vmem_shared>> -> memref<10000xf32, #tpu.memory_space<vmem_shared>>
      tpu.wait_indirect_dma semaphore(%arg34 : memref<!tpu.dma_semaphore, #tpu.memory_space<semaphore_mem>>) src(%arg30 : memref<80xf32, #tpu.memory_space<vmem>>) dst(%dma_wait3A_315 : memref<10000xf32, #tpu.memory_space<vmem_shared>>)
      %mul3A_316 = arith.constant 3 : i32
      %mul3A_317 = arith.muli %mul3A_316, %scan3A_195 : i32
      %add3A_318 = arith.constant 4 : i32
      %add3A_319 = arith.addi %mul3A_317, %add3A_318 : i32
      %mul3A_320 = arith.constant 80 : i32
      %mul3A_321 = arith.muli %add3A_319, %mul3A_320 : i32
      %add3A_322 = arith.addi %add3A, %mul3A_321 : i32
      %multiple_of3A_323 = tpu.assume_multiple %add3A_322, 8 : i32
      %dma_start3A_324 = tpu.memref_slice %arg4[%multiple_of3A_323] : memref<320000xi32, #tpu.memory_space<hbm>> -> memref<80xi32, #tpu.memory_space<hbm>>
      %dma_start3A_325 = tpu.memref_slice %arg4[%multiple_of3A_323] : memref<320000xi32, #tpu.memory_space<hbm>> -> memref<80xi32, #tpu.memory_space<hbm>>
      tpu.enqueue_dma source(%dma_start3A_325 : memref<80xi32, #tpu.memory_space<hbm>>) target(%arg11 : memref<80xi32, #tpu.memory_space<vmem>>) target_semaphore(%arg22 : memref<!tpu.dma_semaphore, #tpu.memory_space<semaphore_mem>>)
      %dma_start3A_326 = tpu.memref_slice %arg5[%multiple_of3A_323] : memref<320000xi32, #tpu.memory_space<hbm>> -> memref<80xi32, #tpu.memory_space<hbm>>
      %dma_start3A_327 = tpu.memref_slice %arg5[%multiple_of3A_323] : memref<320000xi32, #tpu.memory_space<hbm>> -> memref<80xi32, #tpu.memory_space<hbm>>
      tpu.enqueue_dma source(%dma_start3A_327 : memref<80xi32, #tpu.memory_space<hbm>>) target(%arg14 : memref<80xi32, #tpu.memory_space<vmem>>) target_semaphore(%arg22 : memref<!tpu.dma_semaphore, #tpu.memory_space<semaphore_mem>>)
      %dma_start3A_328 = arith.constant 0 : i32
      %dma_start3A_329 = arith.constant 0 : i32
      %dma_start3A_330 = tpu.memref_slice %arg20[%dma_start3A_328, %dma_start3A_329] : memref<10000x128xf32, #tpu.memory_space<vmem_shared>> -> memref<10000x128xf32, #tpu.memory_space<vmem_shared>>
      tpu.enqueue_indirect_dma source(%arg18 : memref<80x128xf32, #tpu.memory_space<vmem>>) target(%dma_start3A_330 : memref<10000x128xf32, #tpu.memory_space<vmem_shared>>) offsets(%arg15 : memref<80xi32, #tpu.memory_space<vmem>>) semaphore(%arg29 : memref<!tpu.dma_semaphore, #tpu.memory_space<semaphore_mem>>) {add = true}
      %dma_start3A_331 = arith.constant 0 : i32
      %dma_start3A_332 = tpu.memref_slice %arg32[%dma_start3A_331] : memref<10000xf32, #tpu.memory_space<vmem_shared>> -> memref<10000xf32, #tpu.memory_space<vmem_shared>>
      tpu.enqueue_indirect_dma source(%arg30 : memref<80xf32, #tpu.memory_space<vmem>>) target(%dma_start3A_332 : memref<10000xf32, #tpu.memory_space<vmem_shared>>) offsets(%arg15 : memref<80xi32, #tpu.memory_space<vmem>>) semaphore(%arg35 : memref<!tpu.dma_semaphore, #tpu.memory_space<semaphore_mem>>) {add = true}
    }
    %scan3A_53 = arith.constant 41 : i32
    %dma_wait3A = arith.constant 0 : i32
    %dma_wait3A_54 = arith.constant 0 : i32
    %dma_wait3A_55 = tpu.memref_slice %arg2[%dma_wait3A, %dma_wait3A_54] : memref<10000x128xf32, #tpu.memory_space<hbm>> -> memref<80x128xf32, #tpu.memory_space<hbm>>
    %dma_wait3A_56 = arith.constant 0 : i32
    %dma_wait3A_57 = arith.constant 0 : i32
    %dma_wait3A_58 = tpu.memref_slice %arg2[%dma_wait3A_56, %dma_wait3A_57] : memref<10000x128xf32, #tpu.memory_space<hbm>> -> memref<80x128xf32, #tpu.memory_space<hbm>>
    tpu.wait_dma2 semaphore(%arg29 : memref<!tpu.dma_semaphore, #tpu.memory_space<semaphore_mem>>) src(%dma_wait3A_58 : memref<80x128xf32, #tpu.memory_space<hbm>>) dst(%arg18 : memref<80x128xf32, #tpu.memory_space<vmem>>)
    %dma_wait3A_59 = arith.constant 0 : i32
    %dma_wait3A_60 = tpu.memref_slice %arg8[%dma_wait3A_59] : memref<10000xf32, #tpu.memory_space<hbm>> -> memref<80xf32, #tpu.memory_space<hbm>>
    %dma_wait3A_61 = arith.constant 0 : i32
    %dma_wait3A_62 = tpu.memref_slice %arg8[%dma_wait3A_61] : memref<10000xf32, #tpu.memory_space<hbm>> -> memref<80xf32, #tpu.memory_space<hbm>>
    tpu.wait_dma2 semaphore(%arg35 : memref<!tpu.dma_semaphore, #tpu.memory_space<semaphore_mem>>) src(%dma_wait3A_62 : memref<80xf32, #tpu.memory_space<hbm>>) dst(%arg30 : memref<80xf32, #tpu.memory_space<vmem>>)
    %dma_wait3A_63 = arith.constant 0 : i32
    %dma_wait3A_64 = tpu.memref_slice %arg4[%dma_wait3A_63] : memref<320000xi32, #tpu.memory_space<hbm>> -> memref<80xi32, #tpu.memory_space<hbm>>
    %dma_wait3A_65 = arith.constant 0 : i32
    %dma_wait3A_66 = tpu.memref_slice %arg4[%dma_wait3A_65] : memref<320000xi32, #tpu.memory_space<hbm>> -> memref<80xi32, #tpu.memory_space<hbm>>
    tpu.wait_dma2 semaphore(%arg21 : memref<!tpu.dma_semaphore, #tpu.memory_space<semaphore_mem>>) src(%dma_wait3A_66 : memref<80xi32, #tpu.memory_space<hbm>>) dst(%arg10 : memref<80xi32, #tpu.memory_space<vmem>>)
    %dma_wait3A_67 = arith.constant 0 : i32
    %dma_wait3A_68 = tpu.memref_slice %arg4[%dma_wait3A_67] : memref<320000xi32, #tpu.memory_space<hbm>> -> memref<80xi32, #tpu.memory_space<hbm>>
    %dma_wait3A_69 = arith.constant 0 : i32
    %dma_wait3A_70 = tpu.memref_slice %arg4[%dma_wait3A_69] : memref<320000xi32, #tpu.memory_space<hbm>> -> memref<80xi32, #tpu.memory_space<hbm>>
    tpu.wait_dma2 semaphore(%arg21 : memref<!tpu.dma_semaphore, #tpu.memory_space<semaphore_mem>>) src(%dma_wait3A_70 : memref<80xi32, #tpu.memory_space<hbm>>) dst(%arg13 : memref<80xi32, #tpu.memory_space<vmem>>)
    %eq3A_71 = arith.constant 0 : i32
    %eq3A_72 = arith.cmpi eq, %arg0, %eq3A_71 : i32
    %convert_element_type3A_73 = arith.extui %eq3A_72 : i1 to i32
    %cond3A_74 = arith.constant 0 : i32
    %cond3A_75 = arith.cmpi ne, %convert_element_type3A_73, %cond3A_74 : i32
    scf.if %cond3A_75 {
      %dma_start3A_195 = arith.constant 0 : i32
      %dma_start3A_196 = arith.constant 0 : i32
      %dma_start3A_197 = tpu.memref_slice %arg2[%dma_start3A_195, %dma_start3A_196] : memref<10000x128xf32, #tpu.memory_space<hbm>> -> memref<10000x128xf32, #tpu.memory_space<hbm>>
      tpu.enqueue_indirect_dma source(%dma_start3A_197 : memref<10000x128xf32, #tpu.memory_space<hbm>>) target(%arg16 : memref<80x128xf32, #tpu.memory_space<vmem>>) offsets(%arg10 : memref<80xi32, #tpu.memory_space<vmem>>) semaphore(%arg24 : memref<!tpu.dma_semaphore, #tpu.memory_space<semaphore_mem>>)
    } else {
    }
    %eq3A_76 = arith.constant 1 : i32
    %eq3A_77 = arith.cmpi eq, %arg0, %eq3A_76 : i32
    %convert_element_type3A_78 = arith.extui %eq3A_77 : i1 to i32
    %cond3A_79 = arith.constant 0 : i32
    %cond3A_80 = arith.cmpi ne, %convert_element_type3A_78, %cond3A_79 : i32
    scf.if %cond3A_80 {
      %dma_start3A_195 = arith.constant 0 : i32
      %dma_start3A_196 = arith.constant 0 : i32
      %dma_start3A_197 = tpu.memref_slice %arg3[%dma_start3A_195, %dma_start3A_196] : memref<10000x128xf32, #tpu.memory_space<hbm>> -> memref<10000x128xf32, #tpu.memory_space<hbm>>
      tpu.enqueue_indirect_dma source(%dma_start3A_197 : memref<10000x128xf32, #tpu.memory_space<hbm>>) target(%arg16 : memref<80x128xf32, #tpu.memory_space<vmem>>) offsets(%arg10 : memref<80xi32, #tpu.memory_space<vmem>>) semaphore(%arg24 : memref<!tpu.dma_semaphore, #tpu.memory_space<semaphore_mem>>)
    } else {
    }
    %dma_wait3A_81 = arith.constant 0 : i32
    %dma_wait3A_82 = arith.constant 0 : i32
    %dma_wait3A_83 = tpu.memref_slice %arg2[%dma_wait3A_81, %dma_wait3A_82] : memref<10000x128xf32, #tpu.memory_space<hbm>> -> memref<80x128xf32, #tpu.memory_space<hbm>>
    %dma_wait3A_84 = arith.constant 0 : i32
    %dma_wait3A_85 = arith.constant 0 : i32
    %dma_wait3A_86 = tpu.memref_slice %arg2[%dma_wait3A_84, %dma_wait3A_85] : memref<10000x128xf32, #tpu.memory_space<hbm>> -> memref<80x128xf32, #tpu.memory_space<hbm>>
    tpu.wait_dma2 semaphore(%arg24 : memref<!tpu.dma_semaphore, #tpu.memory_space<semaphore_mem>>) src(%dma_wait3A_86 : memref<80x128xf32, #tpu.memory_space<hbm>>) dst(%arg16 : memref<80x128xf32, #tpu.memory_space<vmem>>)
    %dma_start3A_87 = arith.constant 0 : i32
    %dma_start3A_88 = arith.constant 0 : i32
    %dma_start3A_89 = tpu.memref_slice %arg20[%dma_start3A_87, %dma_start3A_88] : memref<10000x128xf32, #tpu.memory_space<vmem_shared>> -> memref<10000x128xf32, #tpu.memory_space<vmem_shared>>
    tpu.enqueue_indirect_dma source(%arg16 : memref<80x128xf32, #tpu.memory_space<vmem>>) target(%dma_start3A_89 : memref<10000x128xf32, #tpu.memory_space<vmem_shared>>) offsets(%arg13 : memref<80xi32, #tpu.memory_space<vmem>>) semaphore(%arg27 : memref<!tpu.dma_semaphore, #tpu.memory_space<semaphore_mem>>) {add = true}
    %dma_start3A_90 = arith.constant 0 : i32
    %dma_start3A_91 = tpu.memref_slice %arg32[%dma_start3A_90] : memref<10000xf32, #tpu.memory_space<vmem_shared>> -> memref<10000xf32, #tpu.memory_space<vmem_shared>>
    tpu.enqueue_indirect_dma source(%arg30 : memref<80xf32, #tpu.memory_space<vmem>>) target(%dma_start3A_91 : memref<10000xf32, #tpu.memory_space<vmem_shared>>) offsets(%arg13 : memref<80xi32, #tpu.memory_space<vmem>>) semaphore(%arg33 : memref<!tpu.dma_semaphore, #tpu.memory_space<semaphore_mem>>) {add = true}
    %dma_wait3A_92 = arith.constant 0 : i32
    %dma_wait3A_93 = arith.constant 0 : i32
    %dma_wait3A_94 = tpu.memref_slice %arg20[%dma_wait3A_92, %dma_wait3A_93] : memref<10000x128xf32, #tpu.memory_space<vmem_shared>> -> memref<10000x128xf32, #tpu.memory_space<vmem_shared>>
    tpu.wait_indirect_dma semaphore(%arg27 : memref<!tpu.dma_semaphore, #tpu.memory_space<semaphore_mem>>) src(%arg16 : memref<80x128xf32, #tpu.memory_space<vmem>>) dst(%dma_wait3A_94 : memref<10000x128xf32, #tpu.memory_space<vmem_shared>>)
    %dma_wait3A_95 = arith.constant 0 : i32
    %dma_wait3A_96 = tpu.memref_slice %arg32[%dma_wait3A_95] : memref<10000xf32, #tpu.memory_space<vmem_shared>> -> memref<10000xf32, #tpu.memory_space<vmem_shared>>
    tpu.wait_indirect_dma semaphore(%arg33 : memref<!tpu.dma_semaphore, #tpu.memory_space<semaphore_mem>>) src(%arg30 : memref<80xf32, #tpu.memory_space<vmem>>) dst(%dma_wait3A_96 : memref<10000xf32, #tpu.memory_space<vmem_shared>>)
    %dma_wait3A_97 = arith.constant 0 : i32
    %dma_wait3A_98 = tpu.memref_slice %arg4[%dma_wait3A_97] : memref<320000xi32, #tpu.memory_space<hbm>> -> memref<80xi32, #tpu.memory_space<hbm>>
    %dma_wait3A_99 = arith.constant 0 : i32
    %dma_wait3A_100 = tpu.memref_slice %arg4[%dma_wait3A_99] : memref<320000xi32, #tpu.memory_space<hbm>> -> memref<80xi32, #tpu.memory_space<hbm>>
    tpu.wait_dma2 semaphore(%arg22 : memref<!tpu.dma_semaphore, #tpu.memory_space<semaphore_mem>>) src(%dma_wait3A_100 : memref<80xi32, #tpu.memory_space<hbm>>) dst(%arg11 : memref<80xi32, #tpu.memory_space<vmem>>)
    %dma_wait3A_101 = arith.constant 0 : i32
    %dma_wait3A_102 = tpu.memref_slice %arg4[%dma_wait3A_101] : memref<320000xi32, #tpu.memory_space<hbm>> -> memref<80xi32, #tpu.memory_space<hbm>>
    %dma_wait3A_103 = arith.constant 0 : i32
    %dma_wait3A_104 = tpu.memref_slice %arg4[%dma_wait3A_103] : memref<320000xi32, #tpu.memory_space<hbm>> -> memref<80xi32, #tpu.memory_space<hbm>>
    tpu.wait_dma2 semaphore(%arg22 : memref<!tpu.dma_semaphore, #tpu.memory_space<semaphore_mem>>) src(%dma_wait3A_104 : memref<80xi32, #tpu.memory_space<hbm>>) dst(%arg14 : memref<80xi32, #tpu.memory_space<vmem>>)
    %eq3A_105 = arith.constant 0 : i32
    %eq3A_106 = arith.cmpi eq, %arg0, %eq3A_105 : i32
    %convert_element_type3A_107 = arith.extui %eq3A_106 : i1 to i32
    %cond3A_108 = arith.constant 0 : i32
    %cond3A_109 = arith.cmpi ne, %convert_element_type3A_107, %cond3A_108 : i32
    scf.if %cond3A_109 {
      %dma_start3A_195 = arith.constant 0 : i32
      %dma_start3A_196 = arith.constant 0 : i32
      %dma_start3A_197 = tpu.memref_slice %arg2[%dma_start3A_195, %dma_start3A_196] : memref<10000x128xf32, #tpu.memory_space<hbm>> -> memref<10000x128xf32, #tpu.memory_space<hbm>>
      tpu.enqueue_indirect_dma source(%dma_start3A_197 : memref<10000x128xf32, #tpu.memory_space<hbm>>) target(%arg17 : memref<80x128xf32, #tpu.memory_space<vmem>>) offsets(%arg11 : memref<80xi32, #tpu.memory_space<vmem>>) semaphore(%arg25 : memref<!tpu.dma_semaphore, #tpu.memory_space<semaphore_mem>>)
    } else {
    }
    %eq3A_110 = arith.constant 1 : i32
    %eq3A_111 = arith.cmpi eq, %arg0, %eq3A_110 : i32
    %convert_element_type3A_112 = arith.extui %eq3A_111 : i1 to i32
    %cond3A_113 = arith.constant 0 : i32
    %cond3A_114 = arith.cmpi ne, %convert_element_type3A_112, %cond3A_113 : i32
    scf.if %cond3A_114 {
      %dma_start3A_195 = arith.constant 0 : i32
      %dma_start3A_196 = arith.constant 0 : i32
      %dma_start3A_197 = tpu.memref_slice %arg3[%dma_start3A_195, %dma_start3A_196] : memref<10000x128xf32, #tpu.memory_space<hbm>> -> memref<10000x128xf32, #tpu.memory_space<hbm>>
      tpu.enqueue_indirect_dma source(%dma_start3A_197 : memref<10000x128xf32, #tpu.memory_space<hbm>>) target(%arg17 : memref<80x128xf32, #tpu.memory_space<vmem>>) offsets(%arg11 : memref<80xi32, #tpu.memory_space<vmem>>) semaphore(%arg25 : memref<!tpu.dma_semaphore, #tpu.memory_space<semaphore_mem>>)
    } else {
    }
    %dma_wait3A_115 = arith.constant 0 : i32
    %dma_wait3A_116 = arith.constant 0 : i32
    %dma_wait3A_117 = tpu.memref_slice %arg2[%dma_wait3A_115, %dma_wait3A_116] : memref<10000x128xf32, #tpu.memory_space<hbm>> -> memref<80x128xf32, #tpu.memory_space<hbm>>
    %dma_wait3A_118 = arith.constant 0 : i32
    %dma_wait3A_119 = arith.constant 0 : i32
    %dma_wait3A_120 = tpu.memref_slice %arg2[%dma_wait3A_118, %dma_wait3A_119] : memref<10000x128xf32, #tpu.memory_space<hbm>> -> memref<80x128xf32, #tpu.memory_space<hbm>>
    tpu.wait_dma2 semaphore(%arg25 : memref<!tpu.dma_semaphore, #tpu.memory_space<semaphore_mem>>) src(%dma_wait3A_120 : memref<80x128xf32, #tpu.memory_space<hbm>>) dst(%arg17 : memref<80x128xf32, #tpu.memory_space<vmem>>)
    %dma_start3A_121 = arith.constant 0 : i32
    %dma_start3A_122 = arith.constant 0 : i32
    %dma_start3A_123 = tpu.memref_slice %arg20[%dma_start3A_121, %dma_start3A_122] : memref<10000x128xf32, #tpu.memory_space<vmem_shared>> -> memref<10000x128xf32, #tpu.memory_space<vmem_shared>>
    tpu.enqueue_indirect_dma source(%arg17 : memref<80x128xf32, #tpu.memory_space<vmem>>) target(%dma_start3A_123 : memref<10000x128xf32, #tpu.memory_space<vmem_shared>>) offsets(%arg14 : memref<80xi32, #tpu.memory_space<vmem>>) semaphore(%arg28 : memref<!tpu.dma_semaphore, #tpu.memory_space<semaphore_mem>>) {add = true}
    %dma_start3A_124 = arith.constant 0 : i32
    %dma_start3A_125 = tpu.memref_slice %arg32[%dma_start3A_124] : memref<10000xf32, #tpu.memory_space<vmem_shared>> -> memref<10000xf32, #tpu.memory_space<vmem_shared>>
    tpu.enqueue_indirect_dma source(%arg30 : memref<80xf32, #tpu.memory_space<vmem>>) target(%dma_start3A_125 : memref<10000xf32, #tpu.memory_space<vmem_shared>>) offsets(%arg14 : memref<80xi32, #tpu.memory_space<vmem>>) semaphore(%arg34 : memref<!tpu.dma_semaphore, #tpu.memory_space<semaphore_mem>>) {add = true}
    %dma_wait3A_126 = arith.constant 0 : i32
    %dma_wait3A_127 = arith.constant 0 : i32
    %dma_wait3A_128 = tpu.memref_slice %arg20[%dma_wait3A_126, %dma_wait3A_127] : memref<10000x128xf32, #tpu.memory_space<vmem_shared>> -> memref<10000x128xf32, #tpu.memory_space<vmem_shared>>
    tpu.wait_indirect_dma semaphore(%arg28 : memref<!tpu.dma_semaphore, #tpu.memory_space<semaphore_mem>>) src(%arg17 : memref<80x128xf32, #tpu.memory_space<vmem>>) dst(%dma_wait3A_128 : memref<10000x128xf32, #tpu.memory_space<vmem_shared>>)
    %dma_wait3A_129 = arith.constant 0 : i32
    %dma_wait3A_130 = tpu.memref_slice %arg32[%dma_wait3A_129] : memref<10000xf32, #tpu.memory_space<vmem_shared>> -> memref<10000xf32, #tpu.memory_space<vmem_shared>>
    tpu.wait_indirect_dma semaphore(%arg34 : memref<!tpu.dma_semaphore, #tpu.memory_space<semaphore_mem>>) src(%arg30 : memref<80xf32, #tpu.memory_space<vmem>>) dst(%dma_wait3A_130 : memref<10000xf32, #tpu.memory_space<vmem_shared>>)
    %barrier3A_131 = arith.constant 0 : index
    tpu.barrier barrier_id(%barrier3A_131)
    %eq3A_132 = arith.constant 0 : i32
    %eq3A_133 = arith.cmpi eq, %arg0, %eq3A_132 : i32
    %lt3A_134 = arith.constant 15 : i32
    %lt3A_135 = arith.cmpi slt, %arg1, %lt3A_134 : i32
    %and3A = arith.andi %eq3A_133, %lt3A_135 : i1
    %convert_element_type3A_136 = arith.extui %and3A : i1 to i32
    %cond3A_137 = arith.constant 0 : i32
    %cond3A_138 = arith.cmpi ne, %convert_element_type3A_136, %cond3A_137 : i32
    scf.if %cond3A_138 {
      %mul3A_195 = arith.constant 640 : i32
      %mul3A_196 = arith.muli %arg1, %mul3A_195 : i32
      %mul3A_197 = arith.constant 640 : i32
      %mul3A_198 = arith.muli %arg1, %mul3A_197 : i32
      "tpu.region"() ({
        %run_scoped3A = tpu.sem_alloc : memref<!tpu.dma_semaphore, #tpu.memory_space<semaphore_mem>>
        %dma_start3A_199 = arith.constant 0 : i32
        %dma_start3A_200 = tpu.memref_slice %arg6[%mul3A_198, %dma_start3A_199] : memref<10000x128xf32, #tpu.memory_space<hbm>> -> memref<640x128xf32, #tpu.memory_space<hbm>>
        %dma_start3A_201 = arith.constant 0 : i32
        %dma_start3A_202 = tpu.memref_slice %arg20[%mul3A_196, %dma_start3A_201] : memref<10000x128xf32, #tpu.memory_space<vmem_shared>> -> memref<640x128xf32, #tpu.memory_space<vmem_shared>>
        tpu.enqueue_dma source(%dma_start3A_202 : memref<640x128xf32, #tpu.memory_space<vmem_shared>>) target(%dma_start3A_200 : memref<640x128xf32, #tpu.memory_space<hbm>>) target_semaphore(%run_scoped3A : memref<!tpu.dma_semaphore, #tpu.memory_space<semaphore_mem>>)
        %dma_wait3A_203 = arith.constant 0 : i32
        %dma_wait3A_204 = tpu.memref_slice %arg6[%mul3A_198, %dma_wait3A_203] : memref<10000x128xf32, #tpu.memory_space<hbm>> -> memref<640x128xf32, #tpu.memory_space<hbm>>
        %dma_wait3A_205 = arith.constant 0 : i32
        %dma_wait3A_206 = tpu.memref_slice %arg20[%mul3A_196, %dma_wait3A_205] : memref<10000x128xf32, #tpu.memory_space<vmem_shared>> -> memref<640x128xf32, #tpu.memory_space<vmem_shared>>
        tpu.wait_dma2 semaphore(%run_scoped3A : memref<!tpu.dma_semaphore, #tpu.memory_space<semaphore_mem>>) src(%dma_wait3A_206 : memref<640x128xf32, #tpu.memory_space<vmem_shared>>) dst(%dma_wait3A_204 : memref<640x128xf32, #tpu.memory_space<hbm>>)
        tpu.yield
      }) : () -> ()
    } else {
    }
    %eq3A_139 = arith.constant 0 : i32
    %eq3A_140 = arith.cmpi eq, %arg0, %eq3A_139 : i32
    %eq3A_141 = arith.constant 15 : i32
    %eq3A_142 = arith.cmpi eq, %arg1, %eq3A_141 : i32
    %and3A_143 = arith.andi %eq3A_140, %eq3A_142 : i1
    %convert_element_type3A_144 = arith.extui %and3A_143 : i1 to i32
    %cond3A_145 = arith.constant 0 : i32
    %cond3A_146 = arith.cmpi ne, %convert_element_type3A_144, %cond3A_145 : i32
    scf.if %cond3A_146 {
      "tpu.region"() ({
        %run_scoped3A = tpu.sem_alloc : memref<!tpu.dma_semaphore, #tpu.memory_space<semaphore_mem>>
        %dma_start3A_195 = arith.constant 9600 : i32
        %dma_start3A_196 = arith.constant 0 : i32
        %dma_start3A_197 = tpu.memref_slice %arg6[%dma_start3A_195, %dma_start3A_196] : memref<10000x128xf32, #tpu.memory_space<hbm>> -> memref<400x128xf32, #tpu.memory_space<hbm>>
        %dma_start3A_198 = arith.constant 9600 : i32
        %dma_start3A_199 = arith.constant 0 : i32
        %dma_start3A_200 = tpu.memref_slice %arg20[%dma_start3A_198, %dma_start3A_199] : memref<10000x128xf32, #tpu.memory_space<vmem_shared>> -> memref<400x128xf32, #tpu.memory_space<vmem_shared>>
        tpu.enqueue_dma source(%dma_start3A_200 : memref<400x128xf32, #tpu.memory_space<vmem_shared>>) target(%dma_start3A_197 : memref<400x128xf32, #tpu.memory_space<hbm>>) target_semaphore(%run_scoped3A : memref<!tpu.dma_semaphore, #tpu.memory_space<semaphore_mem>>)
        %dma_wait3A_201 = arith.constant 9600 : i32
        %dma_wait3A_202 = arith.constant 0 : i32
        %dma_wait3A_203 = tpu.memref_slice %arg6[%dma_wait3A_201, %dma_wait3A_202] : memref<10000x128xf32, #tpu.memory_space<hbm>> -> memref<400x128xf32, #tpu.memory_space<hbm>>
        %dma_wait3A_204 = arith.constant 9600 : i32
        %dma_wait3A_205 = arith.constant 0 : i32
        %dma_wait3A_206 = tpu.memref_slice %arg20[%dma_wait3A_204, %dma_wait3A_205] : memref<10000x128xf32, #tpu.memory_space<vmem_shared>> -> memref<400x128xf32, #tpu.memory_space<vmem_shared>>
        tpu.wait_dma2 semaphore(%run_scoped3A : memref<!tpu.dma_semaphore, #tpu.memory_space<semaphore_mem>>) src(%dma_wait3A_206 : memref<400x128xf32, #tpu.memory_space<vmem_shared>>) dst(%dma_wait3A_203 : memref<400x128xf32, #tpu.memory_space<hbm>>)
        tpu.yield
      }) : () -> ()
    } else {
    }
    %eq3A_147 = arith.constant 1 : i32
    %eq3A_148 = arith.cmpi eq, %arg0, %eq3A_147 : i32
    %lt3A_149 = arith.constant 15 : i32
    %lt3A_150 = arith.cmpi slt, %arg1, %lt3A_149 : i32
    %and3A_151 = arith.andi %eq3A_148, %lt3A_150 : i1
    %convert_element_type3A_152 = arith.extui %and3A_151 : i1 to i32
    %cond3A_153 = arith.constant 0 : i32
    %cond3A_154 = arith.cmpi ne, %convert_element_type3A_152, %cond3A_153 : i32
    scf.if %cond3A_154 {
      %mul3A_195 = arith.constant 640 : i32
      %mul3A_196 = arith.muli %arg1, %mul3A_195 : i32
      %mul3A_197 = arith.constant 640 : i32
      %mul3A_198 = arith.muli %arg1, %mul3A_197 : i32
      "tpu.region"() ({
        %run_scoped3A = tpu.sem_alloc : memref<!tpu.dma_semaphore, #tpu.memory_space<semaphore_mem>>
        %dma_start3A_199 = arith.constant 0 : i32
        %dma_start3A_200 = tpu.memref_slice %arg7[%mul3A_198, %dma_start3A_199] : memref<10000x128xf32, #tpu.memory_space<hbm>> -> memref<640x128xf32, #tpu.memory_space<hbm>>
        %dma_start3A_201 = arith.constant 0 : i32
        %dma_start3A_202 = tpu.memref_slice %arg20[%mul3A_196, %dma_start3A_201] : memref<10000x128xf32, #tpu.memory_space<vmem_shared>> -> memref<640x128xf32, #tpu.memory_space<vmem_shared>>
        tpu.enqueue_dma source(%dma_start3A_202 : memref<640x128xf32, #tpu.memory_space<vmem_shared>>) target(%dma_start3A_200 : memref<640x128xf32, #tpu.memory_space<hbm>>) target_semaphore(%run_scoped3A : memref<!tpu.dma_semaphore, #tpu.memory_space<semaphore_mem>>)
        %dma_wait3A_203 = arith.constant 0 : i32
        %dma_wait3A_204 = tpu.memref_slice %arg7[%mul3A_198, %dma_wait3A_203] : memref<10000x128xf32, #tpu.memory_space<hbm>> -> memref<640x128xf32, #tpu.memory_space<hbm>>
        %dma_wait3A_205 = arith.constant 0 : i32
        %dma_wait3A_206 = tpu.memref_slice %arg20[%mul3A_196, %dma_wait3A_205] : memref<10000x128xf32, #tpu.memory_space<vmem_shared>> -> memref<640x128xf32, #tpu.memory_space<vmem_shared>>
        tpu.wait_dma2 semaphore(%run_scoped3A : memref<!tpu.dma_semaphore, #tpu.memory_space<semaphore_mem>>) src(%dma_wait3A_206 : memref<640x128xf32, #tpu.memory_space<vmem_shared>>) dst(%dma_wait3A_204 : memref<640x128xf32, #tpu.memory_space<hbm>>)
        tpu.yield
      }) : () -> ()
    } else {
    }
    %eq3A_155 = arith.constant 1 : i32
    %eq3A_156 = arith.cmpi eq, %arg0, %eq3A_155 : i32
    %eq3A_157 = arith.constant 15 : i32
    %eq3A_158 = arith.cmpi eq, %arg1, %eq3A_157 : i32
    %and3A_159 = arith.andi %eq3A_156, %eq3A_158 : i1
    %convert_element_type3A_160 = arith.extui %and3A_159 : i1 to i32
    %cond3A_161 = arith.constant 0 : i32
    %cond3A_162 = arith.cmpi ne, %convert_element_type3A_160, %cond3A_161 : i32
    scf.if %cond3A_162 {
      "tpu.region"() ({
        %run_scoped3A = tpu.sem_alloc : memref<!tpu.dma_semaphore, #tpu.memory_space<semaphore_mem>>
        %dma_start3A_195 = arith.constant 9600 : i32
        %dma_start3A_196 = arith.constant 0 : i32
        %dma_start3A_197 = tpu.memref_slice %arg7[%dma_start3A_195, %dma_start3A_196] : memref<10000x128xf32, #tpu.memory_space<hbm>> -> memref<400x128xf32, #tpu.memory_space<hbm>>
        %dma_start3A_198 = arith.constant 9600 : i32
        %dma_start3A_199 = arith.constant 0 : i32
        %dma_start3A_200 = tpu.memref_slice %arg20[%dma_start3A_198, %dma_start3A_199] : memref<10000x128xf32, #tpu.memory_space<vmem_shared>> -> memref<400x128xf32, #tpu.memory_space<vmem_shared>>
        tpu.enqueue_dma source(%dma_start3A_200 : memref<400x128xf32, #tpu.memory_space<vmem_shared>>) target(%dma_start3A_197 : memref<400x128xf32, #tpu.memory_space<hbm>>) target_semaphore(%run_scoped3A : memref<!tpu.dma_semaphore, #tpu.memory_space<semaphore_mem>>)
        %dma_wait3A_201 = arith.constant 9600 : i32
        %dma_wait3A_202 = arith.constant 0 : i32
        %dma_wait3A_203 = tpu.memref_slice %arg7[%dma_wait3A_201, %dma_wait3A_202] : memref<10000x128xf32, #tpu.memory_space<hbm>> -> memref<400x128xf32, #tpu.memory_space<hbm>>
        %dma_wait3A_204 = arith.constant 9600 : i32
        %dma_wait3A_205 = arith.constant 0 : i32
        %dma_wait3A_206 = tpu.memref_slice %arg20[%dma_wait3A_204, %dma_wait3A_205] : memref<10000x128xf32, #tpu.memory_space<vmem_shared>> -> memref<400x128xf32, #tpu.memory_space<vmem_shared>>
        tpu.wait_dma2 semaphore(%run_scoped3A : memref<!tpu.dma_semaphore, #tpu.memory_space<semaphore_mem>>) src(%dma_wait3A_206 : memref<400x128xf32, #tpu.memory_space<vmem_shared>>) dst(%dma_wait3A_203 : memref<400x128xf32, #tpu.memory_space<hbm>>)
        tpu.yield
      }) : () -> ()
    } else {
    }
    %eq3A_163 = arith.constant 0 : i32
    %eq3A_164 = arith.cmpi eq, %arg0, %eq3A_163 : i32
    %lt3A_165 = arith.constant 15 : i32
    %lt3A_166 = arith.cmpi slt, %arg1, %lt3A_165 : i32
    %and3A_167 = arith.andi %eq3A_164, %lt3A_166 : i1
    %convert_element_type3A_168 = arith.extui %and3A_167 : i1 to i32
    %cond3A_169 = arith.constant 0 : i32
    %cond3A_170 = arith.cmpi ne, %convert_element_type3A_168, %cond3A_169 : i32
    scf.if %cond3A_170 {
      %mul3A_195 = arith.constant 640 : i32
      %mul3A_196 = arith.muli %arg1, %mul3A_195 : i32
      "tpu.region"() ({
        %run_scoped3A = tpu.sem_alloc : memref<!tpu.dma_semaphore, #tpu.memory_space<semaphore_mem>>
        %dma_start3A_199 = tpu.memref_slice %arg32[%mul3A_196] : memref<10000xf32, #tpu.memory_space<vmem_shared>> -> memref<640xf32, #tpu.memory_space<vmem_shared>>
        %dma_start3A_200 = tpu.memref_slice %arg32[%mul3A_196] : memref<10000xf32, #tpu.memory_space<vmem_shared>> -> memref<640xf32, #tpu.memory_space<vmem_shared>>
        tpu.enqueue_dma source(%dma_start3A_200 : memref<640xf32, #tpu.memory_space<vmem_shared>>) target(%arg31 : memref<640xf32, #tpu.memory_space<vmem>>) target_semaphore(%run_scoped3A : memref<!tpu.dma_semaphore, #tpu.memory_space<semaphore_mem>>)
        %dma_wait3A_201 = tpu.memref_slice %arg32[%mul3A_196] : memref<10000xf32, #tpu.memory_space<vmem_shared>> -> memref<640xf32, #tpu.memory_space<vmem_shared>>
        %dma_wait3A_202 = tpu.memref_slice %arg32[%mul3A_196] : memref<10000xf32, #tpu.memory_space<vmem_shared>> -> memref<640xf32, #tpu.memory_space<vmem_shared>>
        tpu.wait_dma2 semaphore(%run_scoped3A : memref<!tpu.dma_semaphore, #tpu.memory_space<semaphore_mem>>) src(%dma_wait3A_202 : memref<640xf32, #tpu.memory_space<vmem_shared>>) dst(%arg31 : memref<640xf32, #tpu.memory_space<vmem>>)
        tpu.yield
      }) : () -> ()
      %mul3A_197 = arith.constant 640 : i32
      %mul3A_198 = arith.muli %arg1, %mul3A_197 : i32
      "tpu.region"() ({
        %run_scoped3A = tpu.sem_alloc : memref<!tpu.dma_semaphore, #tpu.memory_space<semaphore_mem>>
        %dma_start3A_199 = tpu.memref_slice %arg8[%mul3A_198] : memref<10000xf32, #tpu.memory_space<hbm>> -> memref<640xf32, #tpu.memory_space<hbm>>
        %dma_start3A_200 = tpu.memref_slice %arg8[%mul3A_198] : memref<10000xf32, #tpu.memory_space<hbm>> -> memref<640xf32, #tpu.memory_space<hbm>>
        tpu.enqueue_dma source(%arg31 : memref<640xf32, #tpu.memory_space<vmem>>) target(%dma_start3A_200 : memref<640xf32, #tpu.memory_space<hbm>>) target_semaphore(%run_scoped3A : memref<!tpu.dma_semaphore, #tpu.memory_space<semaphore_mem>>)
        %dma_wait3A_201 = tpu.memref_slice %arg8[%mul3A_198] : memref<10000xf32, #tpu.memory_space<hbm>> -> memref<640xf32, #tpu.memory_space<hbm>>
        %dma_wait3A_202 = tpu.memref_slice %arg8[%mul3A_198] : memref<10000xf32, #tpu.memory_space<hbm>> -> memref<640xf32, #tpu.memory_space<hbm>>
        tpu.wait_dma2 semaphore(%run_scoped3A : memref<!tpu.dma_semaphore, #tpu.memory_space<semaphore_mem>>) src(%arg31 : memref<640xf32, #tpu.memory_space<vmem>>) dst(%dma_wait3A_202 : memref<640xf32, #tpu.memory_space<hbm>>)
        tpu.yield
      }) : () -> ()
    } else {
    }
    %eq3A_171 = arith.constant 0 : i32
    %eq3A_172 = arith.cmpi eq, %arg0, %eq3A_171 : i32
    %eq3A_173 = arith.constant 15 : i32
    %eq3A_174 = arith.cmpi eq, %arg1, %eq3A_173 : i32
    %and3A_175 = arith.andi %eq3A_172, %eq3A_174 : i1
    %convert_element_type3A_176 = arith.extui %and3A_175 : i1 to i32
    %cond3A_177 = arith.constant 0 : i32
    %cond3A_178 = arith.cmpi ne, %convert_element_type3A_176, %cond3A_177 : i32
    scf.if %cond3A_178 {
      "tpu.region"() ({
        %run_scoped3A = tpu.sem_alloc : memref<!tpu.dma_semaphore, #tpu.memory_space<semaphore_mem>>
        %dma_start3A_195 = arith.constant 0 : i32
        %dma_start3A_196 = tpu.memref_slice %arg31[%dma_start3A_195] : memref<640xf32, #tpu.memory_space<vmem>> -> memref<400xf32, #tpu.memory_space<vmem>>
        %dma_start3A_197 = arith.constant 9600 : i32
        %dma_start3A_198 = tpu.memref_slice %arg32[%dma_start3A_197] : memref<10000xf32, #tpu.memory_space<vmem_shared>> -> memref<400xf32, #tpu.memory_space<vmem_shared>>
        %dma_start3A_199 = arith.constant 0 : i32
        %dma_start3A_200 = tpu.memref_slice %arg31[%dma_start3A_199] : memref<640xf32, #tpu.memory_space<vmem>> -> memref<400xf32, #tpu.memory_space<vmem>>
        %dma_start3A_201 = arith.constant 9600 : i32
        %dma_start3A_202 = tpu.memref_slice %arg32[%dma_start3A_201] : memref<10000xf32, #tpu.memory_space<vmem_shared>> -> memref<400xf32, #tpu.memory_space<vmem_shared>>
        tpu.enqueue_dma source(%dma_start3A_202 : memref<400xf32, #tpu.memory_space<vmem_shared>>) target(%dma_start3A_200 : memref<400xf32, #tpu.memory_space<vmem>>) target_semaphore(%run_scoped3A : memref<!tpu.dma_semaphore, #tpu.memory_space<semaphore_mem>>)
        %dma_wait3A_203 = arith.constant 0 : i32
        %dma_wait3A_204 = tpu.memref_slice %arg31[%dma_wait3A_203] : memref<640xf32, #tpu.memory_space<vmem>> -> memref<400xf32, #tpu.memory_space<vmem>>
        %dma_wait3A_205 = arith.constant 9600 : i32
        %dma_wait3A_206 = tpu.memref_slice %arg32[%dma_wait3A_205] : memref<10000xf32, #tpu.memory_space<vmem_shared>> -> memref<400xf32, #tpu.memory_space<vmem_shared>>
        %dma_wait3A_207 = arith.constant 0 : i32
        %dma_wait3A_208 = tpu.memref_slice %arg31[%dma_wait3A_207] : memref<640xf32, #tpu.memory_space<vmem>> -> memref<400xf32, #tpu.memory_space<vmem>>
        %dma_wait3A_209 = arith.constant 9600 : i32
        %dma_wait3A_210 = tpu.memref_slice %arg32[%dma_wait3A_209] : memref<10000xf32, #tpu.memory_space<vmem_shared>> -> memref<400xf32, #tpu.memory_space<vmem_shared>>
        tpu.wait_dma2 semaphore(%run_scoped3A : memref<!tpu.dma_semaphore, #tpu.memory_space<semaphore_mem>>) src(%dma_wait3A_210 : memref<400xf32, #tpu.memory_space<vmem_shared>>) dst(%dma_wait3A_208 : memref<400xf32, #tpu.memory_space<vmem>>)
        tpu.yield
      }) : () -> ()
      "tpu.region"() ({
        %run_scoped3A = tpu.sem_alloc : memref<!tpu.dma_semaphore, #tpu.memory_space<semaphore_mem>>
        %dma_start3A_195 = arith.constant 0 : i32
        %dma_start3A_196 = tpu.memref_slice %arg31[%dma_start3A_195] : memref<640xf32, #tpu.memory_space<vmem>> -> memref<400xf32, #tpu.memory_space<vmem>>
        %dma_start3A_197 = arith.constant 9600 : i32
        %dma_start3A_198 = tpu.memref_slice %arg8[%dma_start3A_197] : memref<10000xf32, #tpu.memory_space<hbm>> -> memref<400xf32, #tpu.memory_space<hbm>>
        %dma_start3A_199 = arith.constant 9600 : i32
        %dma_start3A_200 = tpu.memref_slice %arg8[%dma_start3A_199] : memref<10000xf32, #tpu.memory_space<hbm>> -> memref<400xf32, #tpu.memory_space<hbm>>
        %dma_start3A_201 = arith.constant 0 : i32
        %dma_start3A_202 = tpu.memref_slice %arg31[%dma_start3A_201] : memref<640xf32, #tpu.memory_space<vmem>> -> memref<400xf32, #tpu.memory_space<vmem>>
        tpu.enqueue_dma source(%dma_start3A_202 : memref<400xf32, #tpu.memory_space<vmem>>) target(%dma_start3A_200 : memref<400xf32, #tpu.memory_space<hbm>>) target_semaphore(%run_scoped3A : memref<!tpu.dma_semaphore, #tpu.memory_space<semaphore_mem>>)
        %dma_wait3A_203 = arith.constant 0 : i32
        %dma_wait3A_204 = tpu.memref_slice %arg31[%dma_wait3A_203] : memref<640xf32, #tpu.memory_space<vmem>> -> memref<400xf32, #tpu.memory_space<vmem>>
        %dma_wait3A_205 = arith.constant 9600 : i32
        %dma_wait3A_206 = tpu.memref_slice %arg8[%dma_wait3A_205] : memref<10000xf32, #tpu.memory_space<hbm>> -> memref<400xf32, #tpu.memory_space<hbm>>
        %dma_wait3A_207 = arith.constant 9600 : i32
        %dma_wait3A_208 = tpu.memref_slice %arg8[%dma_wait3A_207] : memref<10000xf32, #tpu.memory_space<hbm>> -> memref<400xf32, #tpu.memory_space<hbm>>
        %dma_wait3A_209 = arith.constant 0 : i32
        %dma_wait3A_210 = tpu.memref_slice %arg31[%dma_wait3A_209] : memref<640xf32, #tpu.memory_space<vmem>> -> memref<400xf32, #tpu.memory_space<vmem>>
        tpu.wait_dma2 semaphore(%run_scoped3A : memref<!tpu.dma_semaphore, #tpu.memory_space<semaphore_mem>>) src(%dma_wait3A_210 : memref<400xf32, #tpu.memory_space<vmem>>) dst(%dma_wait3A_208 : memref<400xf32, #tpu.memory_space<hbm>>)
        tpu.yield
      }) : () -> ()
    } else {
    }
    %eq3A_179 = arith.constant 1 : i32
    %eq3A_180 = arith.cmpi eq, %arg0, %eq3A_179 : i32
    %lt3A_181 = arith.constant 15 : i32
    %lt3A_182 = arith.cmpi slt, %arg1, %lt3A_181 : i32
    %and3A_183 = arith.andi %eq3A_180, %lt3A_182 : i1
    %convert_element_type3A_184 = arith.extui %and3A_183 : i1 to i32
    %cond3A_185 = arith.constant 0 : i32
    %cond3A_186 = arith.cmpi ne, %convert_element_type3A_184, %cond3A_185 : i32
    scf.if %cond3A_186 {
      %mul3A_195 = arith.constant 640 : i32
      %mul3A_196 = arith.muli %arg1, %mul3A_195 : i32
      "tpu.region"() ({
        %run_scoped3A = tpu.sem_alloc : memref<!tpu.dma_semaphore, #tpu.memory_space<semaphore_mem>>
        %dma_start3A_199 = tpu.memref_slice %arg32[%mul3A_196] : memref<10000xf32, #tpu.memory_space<vmem_shared>> -> memref<640xf32, #tpu.memory_space<vmem_shared>>
        %dma_start3A_200 = tpu.memref_slice %arg32[%mul3A_196] : memref<10000xf32, #tpu.memory_space<vmem_shared>> -> memref<640xf32, #tpu.memory_space<vmem_shared>>
        tpu.enqueue_dma source(%dma_start3A_200 : memref<640xf32, #tpu.memory_space<vmem_shared>>) target(%arg31 : memref<640xf32, #tpu.memory_space<vmem>>) target_semaphore(%run_scoped3A : memref<!tpu.dma_semaphore, #tpu.memory_space<semaphore_mem>>)
        %dma_wait3A_201 = tpu.memref_slice %arg32[%mul3A_196] : memref<10000xf32, #tpu.memory_space<vmem_shared>> -> memref<640xf32, #tpu.memory_space<vmem_shared>>
        %dma_wait3A_202 = tpu.memref_slice %arg32[%mul3A_196] : memref<10000xf32, #tpu.memory_space<vmem_shared>> -> memref<640xf32, #tpu.memory_space<vmem_shared>>
        tpu.wait_dma2 semaphore(%run_scoped3A : memref<!tpu.dma_semaphore, #tpu.memory_space<semaphore_mem>>) src(%dma_wait3A_202 : memref<640xf32, #tpu.memory_space<vmem_shared>>) dst(%arg31 : memref<640xf32, #tpu.memory_space<vmem>>)
        tpu.yield
      }) : () -> ()
      %mul3A_197 = arith.constant 640 : i32
      %mul3A_198 = arith.muli %arg1, %mul3A_197 : i32
      "tpu.region"() ({
        %run_scoped3A = tpu.sem_alloc : memref<!tpu.dma_semaphore, #tpu.memory_space<semaphore_mem>>
        %dma_start3A_199 = tpu.memref_slice %arg9[%mul3A_198] : memref<10000xf32, #tpu.memory_space<hbm>> -> memref<640xf32, #tpu.memory_space<hbm>>
        %dma_start3A_200 = tpu.memref_slice %arg9[%mul3A_198] : memref<10000xf32, #tpu.memory_space<hbm>> -> memref<640xf32, #tpu.memory_space<hbm>>
        tpu.enqueue_dma source(%arg31 : memref<640xf32, #tpu.memory_space<vmem>>) target(%dma_start3A_200 : memref<640xf32, #tpu.memory_space<hbm>>) target_semaphore(%run_scoped3A : memref<!tpu.dma_semaphore, #tpu.memory_space<semaphore_mem>>)
        %dma_wait3A_201 = tpu.memref_slice %arg9[%mul3A_198] : memref<10000xf32, #tpu.memory_space<hbm>> -> memref<640xf32, #tpu.memory_space<hbm>>
        %dma_wait3A_202 = tpu.memref_slice %arg9[%mul3A_198] : memref<10000xf32, #tpu.memory_space<hbm>> -> memref<640xf32, #tpu.memory_space<hbm>>
        tpu.wait_dma2 semaphore(%run_scoped3A : memref<!tpu.dma_semaphore, #tpu.memory_space<semaphore_mem>>) src(%arg31 : memref<640xf32, #tpu.memory_space<vmem>>) dst(%dma_wait3A_202 : memref<640xf32, #tpu.memory_space<hbm>>)
        tpu.yield
      }) : () -> ()
    } else {
    }
    %eq3A_187 = arith.constant 1 : i32
    %eq3A_188 = arith.cmpi eq, %arg0, %eq3A_187 : i32
    %eq3A_189 = arith.constant 15 : i32
    %eq3A_190 = arith.cmpi eq, %arg1, %eq3A_189 : i32
    %and3A_191 = arith.andi %eq3A_188, %eq3A_190 : i1
    %convert_element_type3A_192 = arith.extui %and3A_191 : i1 to i32
    %cond3A_193 = arith.constant 0 : i32
    %cond3A_194 = arith.cmpi ne, %convert_element_type3A_192, %cond3A_193 : i32
    scf.if %cond3A_194 {
      "tpu.region"() ({
        %run_scoped3A = tpu.sem_alloc : memref<!tpu.dma_semaphore, #tpu.memory_space<semaphore_mem>>
        %dma_start3A_195 = arith.constant 0 : i32
        %dma_start3A_196 = tpu.memref_slice %arg31[%dma_start3A_195] : memref<640xf32, #tpu.memory_space<vmem>> -> memref<400xf32, #tpu.memory_space<vmem>>
        %dma_start3A_197 = arith.constant 9600 : i32
        %dma_start3A_198 = tpu.memref_slice %arg32[%dma_start3A_197] : memref<10000xf32, #tpu.memory_space<vmem_shared>> -> memref<400xf32, #tpu.memory_space<vmem_shared>>
        %dma_start3A_199 = arith.constant 0 : i32
        %dma_start3A_200 = tpu.memref_slice %arg31[%dma_start3A_199] : memref<640xf32, #tpu.memory_space<vmem>> -> memref<400xf32, #tpu.memory_space<vmem>>
        %dma_start3A_201 = arith.constant 9600 : i32
        %dma_start3A_202 = tpu.memref_slice %arg32[%dma_start3A_201] : memref<10000xf32, #tpu.memory_space<vmem_shared>> -> memref<400xf32, #tpu.memory_space<vmem_shared>>
        tpu.enqueue_dma source(%dma_start3A_202 : memref<400xf32, #tpu.memory_space<vmem_shared>>) target(%dma_start3A_200 : memref<400xf32, #tpu.memory_space<vmem>>) target_semaphore(%run_scoped3A : memref<!tpu.dma_semaphore, #tpu.memory_space<semaphore_mem>>)
        %dma_wait3A_203 = arith.constant 0 : i32
        %dma_wait3A_204 = tpu.memref_slice %arg31[%dma_wait3A_203] : memref<640xf32, #tpu.memory_space<vmem>> -> memref<400xf32, #tpu.memory_space<vmem>>
        %dma_wait3A_205 = arith.constant 9600 : i32
        %dma_wait3A_206 = tpu.memref_slice %arg32[%dma_wait3A_205] : memref<10000xf32, #tpu.memory_space<vmem_shared>> -> memref<400xf32, #tpu.memory_space<vmem_shared>>
        %dma_wait3A_207 = arith.constant 0 : i32
        %dma_wait3A_208 = tpu.memref_slice %arg31[%dma_wait3A_207] : memref<640xf32, #tpu.memory_space<vmem>> -> memref<400xf32, #tpu.memory_space<vmem>>
        %dma_wait3A_209 = arith.constant 9600 : i32
        %dma_wait3A_210 = tpu.memref_slice %arg32[%dma_wait3A_209] : memref<10000xf32, #tpu.memory_space<vmem_shared>> -> memref<400xf32, #tpu.memory_space<vmem_shared>>
        tpu.wait_dma2 semaphore(%run_scoped3A : memref<!tpu.dma_semaphore, #tpu.memory_space<semaphore_mem>>) src(%dma_wait3A_210 : memref<400xf32, #tpu.memory_space<vmem_shared>>) dst(%dma_wait3A_208 : memref<400xf32, #tpu.memory_space<vmem>>)
        tpu.yield
      }) : () -> ()
      "tpu.region"() ({
        %run_scoped3A = tpu.sem_alloc : memref<!tpu.dma_semaphore, #tpu.memory_space<semaphore_mem>>
        %dma_start3A_195 = arith.constant 0 : i32
        %dma_start3A_196 = tpu.memref_slice %arg31[%dma_start3A_195] : memref<640xf32, #tpu.memory_space<vmem>> -> memref<400xf32, #tpu.memory_space<vmem>>
        %dma_start3A_197 = arith.constant 9600 : i32
        %dma_start3A_198 = tpu.memref_slice %arg9[%dma_start3A_197] : memref<10000xf32, #tpu.memory_space<hbm>> -> memref<400xf32, #tpu.memory_space<hbm>>
        %dma_start3A_199 = arith.constant 9600 : i32
        %dma_start3A_200 = tpu.memref_slice %arg9[%dma_start3A_199] : memref<10000xf32, #tpu.memory_space<hbm>> -> memref<400xf32, #tpu.memory_space<hbm>>
        %dma_start3A_201 = arith.constant 0 : i32
        %dma_start3A_202 = tpu.memref_slice %arg31[%dma_start3A_201] : memref<640xf32, #tpu.memory_space<vmem>> -> memref<400xf32, #tpu.memory_space<vmem>>
        tpu.enqueue_dma source(%dma_start3A_202 : memref<400xf32, #tpu.memory_space<vmem>>) target(%dma_start3A_200 : memref<400xf32, #tpu.memory_space<hbm>>) target_semaphore(%run_scoped3A : memref<!tpu.dma_semaphore, #tpu.memory_space<semaphore_mem>>)
        %dma_wait3A_203 = arith.constant 0 : i32
        %dma_wait3A_204 = tpu.memref_slice %arg31[%dma_wait3A_203] : memref<640xf32, #tpu.memory_space<vmem>> -> memref<400xf32, #tpu.memory_space<vmem>>
        %dma_wait3A_205 = arith.constant 9600 : i32
        %dma_wait3A_206 = tpu.memref_slice %arg9[%dma_wait3A_205] : memref<10000xf32, #tpu.memory_space<hbm>> -> memref<400xf32, #tpu.memory_space<hbm>>
        %dma_wait3A_207 = arith.constant 9600 : i32
        %dma_wait3A_208 = tpu.memref_slice %arg9[%dma_wait3A_207] : memref<10000xf32, #tpu.memory_space<hbm>> -> memref<400xf32, #tpu.memory_space<hbm>>
        %dma_wait3A_209 = arith.constant 0 : i32
        %dma_wait3A_210 = tpu.memref_slice %arg31[%dma_wait3A_209] : memref<640xf32, #tpu.memory_space<vmem>> -> memref<400xf32, #tpu.memory_space<vmem>>
        tpu.wait_dma2 semaphore(%run_scoped3A : memref<!tpu.dma_semaphore, #tpu.memory_space<semaphore_mem>>) src(%dma_wait3A_210 : memref<400xf32, #tpu.memory_space<vmem>>) dst(%dma_wait3A_208 : memref<400xf32, #tpu.memory_space<hbm>>)
        tpu.yield
      }) : () -> ()
    } else {
    }
    return
  }
}

#map = affine_map<(d0, d1) -> (0)>
module attributes {stable_mosaic.version = 14 : i64} {
  func.func @body(%arg0: i32, %arg1: i32, %arg2: memref<10000xf32, #tpu.memory_space<hbm>>, %arg3: memref<10000xf32, #tpu.memory_space<hbm>>, %arg4: memref<102400xi32, #tpu.memory_space<hbm>>, %arg5: memref<102400xi32, #tpu.memory_space<hbm>>, %arg6: memref<102400xf32, #tpu.memory_space<hbm>>, %arg7: memref<10000xf32, #tpu.memory_space<vmem>>, %arg8: memref<10000xf32, #tpu.memory_space<vmem>>, %arg9: memref<3200xi32, #tpu.memory_space<vmem>>, %arg10: memref<3200xi32, #tpu.memory_space<vmem>>, %arg11: memref<128xf32, #tpu.memory_space<vmem>>) attributes {dimension_semantics = [#tpu.dimension_semantics<core_parallel>, #tpu.dimension_semantics<subcore_parallel>], iteration_bounds = array<i64: 2, 16>, scalar_prefetch = 0 : i64, scratch_operands = 5 : i64, tpu.core_type = #tpu.core_type<sc_vector_subcore>, window_params = [{transform_indices = #map}, {transform_indices = #map}, {transform_indices = #map}, {transform_indices = #map}, {transform_indices = #map}]} {
    %mul3A = arith.constant 2 : i32
    %mul3A_0 = arith.muli %arg1, %mul3A : i32
    %add3A = arith.addi %mul3A_0, %arg0 : i32
    %mul3A_1 = arith.constant 3200 : i32
    %mul3A_2 = arith.muli %add3A, %mul3A_1 : i32
    "tpu.region"() ({
      %run_scoped3A = tpu.sem_alloc : memref<!tpu.dma_semaphore, #tpu.memory_space<semaphore_mem>>
      tpu.enqueue_dma source(%arg2 : memref<10000xf32, #tpu.memory_space<hbm>>) target(%arg7 : memref<10000xf32, #tpu.memory_space<vmem>>) target_semaphore(%run_scoped3A : memref<!tpu.dma_semaphore, #tpu.memory_space<semaphore_mem>>)
      tpu.wait_dma2 semaphore(%run_scoped3A : memref<!tpu.dma_semaphore, #tpu.memory_space<semaphore_mem>>) src(%arg2 : memref<10000xf32, #tpu.memory_space<hbm>>) dst(%arg7 : memref<10000xf32, #tpu.memory_space<vmem>>)
      tpu.yield
    }) : () -> ()
    "tpu.region"() ({
      %run_scoped3A = tpu.sem_alloc : memref<!tpu.dma_semaphore, #tpu.memory_space<semaphore_mem>>
      tpu.enqueue_dma source(%arg3 : memref<10000xf32, #tpu.memory_space<hbm>>) target(%arg8 : memref<10000xf32, #tpu.memory_space<vmem>>) target_semaphore(%run_scoped3A : memref<!tpu.dma_semaphore, #tpu.memory_space<semaphore_mem>>)
      tpu.wait_dma2 semaphore(%run_scoped3A : memref<!tpu.dma_semaphore, #tpu.memory_space<semaphore_mem>>) src(%arg3 : memref<10000xf32, #tpu.memory_space<hbm>>) dst(%arg8 : memref<10000xf32, #tpu.memory_space<vmem>>)
      tpu.yield
    }) : () -> ()
    "tpu.region"() ({
      %run_scoped3A = tpu.sem_alloc : memref<!tpu.dma_semaphore, #tpu.memory_space<semaphore_mem>>
      %dma_start3A = tpu.memref_slice %arg4[%mul3A_2] : memref<102400xi32, #tpu.memory_space<hbm>> -> memref<3200xi32, #tpu.memory_space<hbm>>
      %dma_start3A_8 = tpu.memref_slice %arg4[%mul3A_2] : memref<102400xi32, #tpu.memory_space<hbm>> -> memref<3200xi32, #tpu.memory_space<hbm>>
      tpu.enqueue_dma source(%dma_start3A_8 : memref<3200xi32, #tpu.memory_space<hbm>>) target(%arg9 : memref<3200xi32, #tpu.memory_space<vmem>>) target_semaphore(%run_scoped3A : memref<!tpu.dma_semaphore, #tpu.memory_space<semaphore_mem>>)
      %dma_wait3A = tpu.memref_slice %arg4[%mul3A_2] : memref<102400xi32, #tpu.memory_space<hbm>> -> memref<3200xi32, #tpu.memory_space<hbm>>
      %dma_wait3A_9 = tpu.memref_slice %arg4[%mul3A_2] : memref<102400xi32, #tpu.memory_space<hbm>> -> memref<3200xi32, #tpu.memory_space<hbm>>
      tpu.wait_dma2 semaphore(%run_scoped3A : memref<!tpu.dma_semaphore, #tpu.memory_space<semaphore_mem>>) src(%dma_wait3A_9 : memref<3200xi32, #tpu.memory_space<hbm>>) dst(%arg9 : memref<3200xi32, #tpu.memory_space<vmem>>)
      tpu.yield
    }) : () -> ()
    "tpu.region"() ({
      %run_scoped3A = tpu.sem_alloc : memref<!tpu.dma_semaphore, #tpu.memory_space<semaphore_mem>>
      %dma_start3A = tpu.memref_slice %arg5[%mul3A_2] : memref<102400xi32, #tpu.memory_space<hbm>> -> memref<3200xi32, #tpu.memory_space<hbm>>
      %dma_start3A_8 = tpu.memref_slice %arg5[%mul3A_2] : memref<102400xi32, #tpu.memory_space<hbm>> -> memref<3200xi32, #tpu.memory_space<hbm>>
      tpu.enqueue_dma source(%dma_start3A_8 : memref<3200xi32, #tpu.memory_space<hbm>>) target(%arg10 : memref<3200xi32, #tpu.memory_space<vmem>>) target_semaphore(%run_scoped3A : memref<!tpu.dma_semaphore, #tpu.memory_space<semaphore_mem>>)
      %dma_wait3A = tpu.memref_slice %arg5[%mul3A_2] : memref<102400xi32, #tpu.memory_space<hbm>> -> memref<3200xi32, #tpu.memory_space<hbm>>
      %dma_wait3A_9 = tpu.memref_slice %arg5[%mul3A_2] : memref<102400xi32, #tpu.memory_space<hbm>> -> memref<3200xi32, #tpu.memory_space<hbm>>
      tpu.wait_dma2 semaphore(%run_scoped3A : memref<!tpu.dma_semaphore, #tpu.memory_space<semaphore_mem>>) src(%dma_wait3A_9 : memref<3200xi32, #tpu.memory_space<hbm>>) dst(%arg10 : memref<3200xi32, #tpu.memory_space<vmem>>)
      tpu.yield
    }) : () -> ()
    %scan3A = arith.constant 0 : i32
    %scan3A_3 = arith.constant 0 : i32
    %scan3A_4 = arith.constant 25 : i32
    %scan3A_5 = arith.addi %scan3A_3, %scan3A_4 : i32
    %scan3A_6 = arith.constant 1 : i32
    scf.for %scan3A_8 = %scan3A_3 to %scan3A_5 step %scan3A_6  : i32 {
      %mul3A_9 = arith.constant 128 : i32
      %mul3A_10 = arith.muli %scan3A_8, %mul3A_9 : i32
      %add3A_11 = arith.constant 0 : i32
      %add3A_12 = arith.addi %mul3A_10, %add3A_11 : i32
      %get3A = arith.index_cast %add3A_12 : i32 to index
      %get3A_13 = tpu.vector_load %arg9[%get3A] {strides = array<i32>} : memref<3200xi32, #tpu.memory_space<vmem>>, vector<16xi32>,
      %gather3A = tpu.vector_load_idx %arg7[%get3A_13] : memref<10000xf32, #tpu.memory_space<vmem>>[vector<16xi32>], vector<16xf32>,
      %mul3A_14 = arith.constant 128 : i32
      %mul3A_15 = arith.muli %scan3A_8, %mul3A_14 : i32
      %add3A_16 = arith.constant 0 : i32
      %add3A_17 = arith.addi %mul3A_15, %add3A_16 : i32
      %get3A_18 = arith.index_cast %add3A_17 : i32 to index
      %get3A_19 = tpu.vector_load %arg10[%get3A_18] {strides = array<i32>} : memref<3200xi32, #tpu.memory_space<vmem>>, vector<16xi32>,
      %gather3A_20 = tpu.vector_load_idx %arg8[%get3A_19] : memref<10000xf32, #tpu.memory_space<vmem>>[vector<16xi32>], vector<16xf32>,
      %add3A_21 = arith.addf %gather3A, %gather3A_20 : vector<16xf32>
      %neg3A = arith.constant 0.000000e+00 : f32
      %neg3A_22 = vector.broadcast %neg3A : f32 to vector<16xf32>
      %neg3A_23 = arith.subf %neg3A_22, %add3A_21 : vector<16xf32>
      %exp3A = math.exp %neg3A_23 : vector<16xf32>
      %add3A_24 = arith.constant 1.000000e+00 : f32
      %add3A_25 = vector.broadcast %add3A_24 : f32 to vector<16xf32>
      %add3A_26 = arith.addf %add3A_25, %exp3A : vector<16xf32>
      %div3A = arith.constant 1.000000e+00 : f32
      %div3A_27 = vector.broadcast %div3A : f32 to vector<16xf32>
      %div3A_28 = arith.divf %div3A_27, %add3A_26 : vector<16xf32>
      %swap3A = arith.constant 0 : index
      %swap3A_29 = tpu.vector_load %arg11[%swap3A] {strides = array<i32>} : memref<128xf32, #tpu.memory_space<vmem>>, vector<16xf32>,
      tpu.vector_store %arg11[%swap3A], %div3A_28 {strides = array<i32>} : memref<128xf32, #tpu.memory_space<vmem>>, vector<16xf32>,
      %mul3A_30 = arith.constant 128 : i32
      %mul3A_31 = arith.muli %scan3A_8, %mul3A_30 : i32
      %add3A_32 = arith.constant 16 : i32
      %add3A_33 = arith.addi %mul3A_31, %add3A_32 : i32
      %get3A_34 = arith.index_cast %add3A_33 : i32 to index
      %get3A_35 = tpu.vector_load %arg9[%get3A_34] {strides = array<i32>} : memref<3200xi32, #tpu.memory_space<vmem>>, vector<16xi32>,
      %gather3A_36 = tpu.vector_load_idx %arg7[%get3A_35] : memref<10000xf32, #tpu.memory_space<vmem>>[vector<16xi32>], vector<16xf32>,
      %mul3A_37 = arith.constant 128 : i32
      %mul3A_38 = arith.muli %scan3A_8, %mul3A_37 : i32
      %add3A_39 = arith.constant 16 : i32
      %add3A_40 = arith.addi %mul3A_38, %add3A_39 : i32
      %get3A_41 = arith.index_cast %add3A_40 : i32 to index
      %get3A_42 = tpu.vector_load %arg10[%get3A_41] {strides = array<i32>} : memref<3200xi32, #tpu.memory_space<vmem>>, vector<16xi32>,
      %gather3A_43 = tpu.vector_load_idx %arg8[%get3A_42] : memref<10000xf32, #tpu.memory_space<vmem>>[vector<16xi32>], vector<16xf32>,
      %add3A_44 = arith.addf %gather3A_36, %gather3A_43 : vector<16xf32>
      %neg3A_45 = arith.constant 0.000000e+00 : f32
      %neg3A_46 = vector.broadcast %neg3A_45 : f32 to vector<16xf32>
      %neg3A_47 = arith.subf %neg3A_46, %add3A_44 : vector<16xf32>
      %exp3A_48 = math.exp %neg3A_47 : vector<16xf32>
      %add3A_49 = arith.constant 1.000000e+00 : f32
      %add3A_50 = vector.broadcast %add3A_49 : f32 to vector<16xf32>
      %add3A_51 = arith.addf %add3A_50, %exp3A_48 : vector<16xf32>
      %div3A_52 = arith.constant 1.000000e+00 : f32
      %div3A_53 = vector.broadcast %div3A_52 : f32 to vector<16xf32>
      %div3A_54 = arith.divf %div3A_53, %add3A_51 : vector<16xf32>
      %swap3A_55 = arith.constant 16 : index
      %swap3A_56 = tpu.vector_load %arg11[%swap3A_55] {strides = array<i32>} : memref<128xf32, #tpu.memory_space<vmem>>, vector<16xf32>,
      tpu.vector_store %arg11[%swap3A_55], %div3A_54 {strides = array<i32>} : memref<128xf32, #tpu.memory_space<vmem>>, vector<16xf32>,
      %mul3A_57 = arith.constant 128 : i32
      %mul3A_58 = arith.muli %scan3A_8, %mul3A_57 : i32
      %add3A_59 = arith.constant 32 : i32
      %add3A_60 = arith.addi %mul3A_58, %add3A_59 : i32
      %get3A_61 = arith.index_cast %add3A_60 : i32 to index
      %get3A_62 = tpu.vector_load %arg9[%get3A_61] {strides = array<i32>} : memref<3200xi32, #tpu.memory_space<vmem>>, vector<16xi32>,
      %gather3A_63 = tpu.vector_load_idx %arg7[%get3A_62] : memref<10000xf32, #tpu.memory_space<vmem>>[vector<16xi32>], vector<16xf32>,
      %mul3A_64 = arith.constant 128 : i32
      %mul3A_65 = arith.muli %scan3A_8, %mul3A_64 : i32
      %add3A_66 = arith.constant 32 : i32
      %add3A_67 = arith.addi %mul3A_65, %add3A_66 : i32
      %get3A_68 = arith.index_cast %add3A_67 : i32 to index
      %get3A_69 = tpu.vector_load %arg10[%get3A_68] {strides = array<i32>} : memref<3200xi32, #tpu.memory_space<vmem>>, vector<16xi32>,
      %gather3A_70 = tpu.vector_load_idx %arg8[%get3A_69] : memref<10000xf32, #tpu.memory_space<vmem>>[vector<16xi32>], vector<16xf32>,
      %add3A_71 = arith.addf %gather3A_63, %gather3A_70 : vector<16xf32>
      %neg3A_72 = arith.constant 0.000000e+00 : f32
      %neg3A_73 = vector.broadcast %neg3A_72 : f32 to vector<16xf32>
      %neg3A_74 = arith.subf %neg3A_73, %add3A_71 : vector<16xf32>
      %exp3A_75 = math.exp %neg3A_74 : vector<16xf32>
      %add3A_76 = arith.constant 1.000000e+00 : f32
      %add3A_77 = vector.broadcast %add3A_76 : f32 to vector<16xf32>
      %add3A_78 = arith.addf %add3A_77, %exp3A_75 : vector<16xf32>
      %div3A_79 = arith.constant 1.000000e+00 : f32
      %div3A_80 = vector.broadcast %div3A_79 : f32 to vector<16xf32>
      %div3A_81 = arith.divf %div3A_80, %add3A_78 : vector<16xf32>
      %swap3A_82 = arith.constant 32 : index
      %swap3A_83 = tpu.vector_load %arg11[%swap3A_82] {strides = array<i32>} : memref<128xf32, #tpu.memory_space<vmem>>, vector<16xf32>,
      tpu.vector_store %arg11[%swap3A_82], %div3A_81 {strides = array<i32>} : memref<128xf32, #tpu.memory_space<vmem>>, vector<16xf32>,
      %mul3A_84 = arith.constant 128 : i32
      %mul3A_85 = arith.muli %scan3A_8, %mul3A_84 : i32
      %add3A_86 = arith.constant 48 : i32
      %add3A_87 = arith.addi %mul3A_85, %add3A_86 : i32
      %get3A_88 = arith.index_cast %add3A_87 : i32 to index
      %get3A_89 = tpu.vector_load %arg9[%get3A_88] {strides = array<i32>} : memref<3200xi32, #tpu.memory_space<vmem>>, vector<16xi32>,
      %gather3A_90 = tpu.vector_load_idx %arg7[%get3A_89] : memref<10000xf32, #tpu.memory_space<vmem>>[vector<16xi32>], vector<16xf32>,
      %mul3A_91 = arith.constant 128 : i32
      %mul3A_92 = arith.muli %scan3A_8, %mul3A_91 : i32
      %add3A_93 = arith.constant 48 : i32
      %add3A_94 = arith.addi %mul3A_92, %add3A_93 : i32
      %get3A_95 = arith.index_cast %add3A_94 : i32 to index
      %get3A_96 = tpu.vector_load %arg10[%get3A_95] {strides = array<i32>} : memref<3200xi32, #tpu.memory_space<vmem>>, vector<16xi32>,
      %gather3A_97 = tpu.vector_load_idx %arg8[%get3A_96] : memref<10000xf32, #tpu.memory_space<vmem>>[vector<16xi32>], vector<16xf32>,
      %add3A_98 = arith.addf %gather3A_90, %gather3A_97 : vector<16xf32>
      %neg3A_99 = arith.constant 0.000000e+00 : f32
      %neg3A_100 = vector.broadcast %neg3A_99 : f32 to vector<16xf32>
      %neg3A_101 = arith.subf %neg3A_100, %add3A_98 : vector<16xf32>
      %exp3A_102 = math.exp %neg3A_101 : vector<16xf32>
      %add3A_103 = arith.constant 1.000000e+00 : f32
      %add3A_104 = vector.broadcast %add3A_103 : f32 to vector<16xf32>
      %add3A_105 = arith.addf %add3A_104, %exp3A_102 : vector<16xf32>
      %div3A_106 = arith.constant 1.000000e+00 : f32
      %div3A_107 = vector.broadcast %div3A_106 : f32 to vector<16xf32>
      %div3A_108 = arith.divf %div3A_107, %add3A_105 : vector<16xf32>
      %swap3A_109 = arith.constant 48 : index
      %swap3A_110 = tpu.vector_load %arg11[%swap3A_109] {strides = array<i32>} : memref<128xf32, #tpu.memory_space<vmem>>, vector<16xf32>,
      tpu.vector_store %arg11[%swap3A_109], %div3A_108 {strides = array<i32>} : memref<128xf32, #tpu.memory_space<vmem>>, vector<16xf32>,
      %mul3A_111 = arith.constant 128 : i32
      %mul3A_112 = arith.muli %scan3A_8, %mul3A_111 : i32
      %add3A_113 = arith.constant 64 : i32
      %add3A_114 = arith.addi %mul3A_112, %add3A_113 : i32
      %get3A_115 = arith.index_cast %add3A_114 : i32 to index
      %get3A_116 = tpu.vector_load %arg9[%get3A_115] {strides = array<i32>} : memref<3200xi32, #tpu.memory_space<vmem>>, vector<16xi32>,
      %gather3A_117 = tpu.vector_load_idx %arg7[%get3A_116] : memref<10000xf32, #tpu.memory_space<vmem>>[vector<16xi32>], vector<16xf32>,
      %mul3A_118 = arith.constant 128 : i32
      %mul3A_119 = arith.muli %scan3A_8, %mul3A_118 : i32
      %add3A_120 = arith.constant 64 : i32
      %add3A_121 = arith.addi %mul3A_119, %add3A_120 : i32
      %get3A_122 = arith.index_cast %add3A_121 : i32 to index
      %get3A_123 = tpu.vector_load %arg10[%get3A_122] {strides = array<i32>} : memref<3200xi32, #tpu.memory_space<vmem>>, vector<16xi32>,
      %gather3A_124 = tpu.vector_load_idx %arg8[%get3A_123] : memref<10000xf32, #tpu.memory_space<vmem>>[vector<16xi32>], vector<16xf32>,
      %add3A_125 = arith.addf %gather3A_117, %gather3A_124 : vector<16xf32>
      %neg3A_126 = arith.constant 0.000000e+00 : f32
      %neg3A_127 = vector.broadcast %neg3A_126 : f32 to vector<16xf32>
      %neg3A_128 = arith.subf %neg3A_127, %add3A_125 : vector<16xf32>
      %exp3A_129 = math.exp %neg3A_128 : vector<16xf32>
      %add3A_130 = arith.constant 1.000000e+00 : f32
      %add3A_131 = vector.broadcast %add3A_130 : f32 to vector<16xf32>
      %add3A_132 = arith.addf %add3A_131, %exp3A_129 : vector<16xf32>
      %div3A_133 = arith.constant 1.000000e+00 : f32
      %div3A_134 = vector.broadcast %div3A_133 : f32 to vector<16xf32>
      %div3A_135 = arith.divf %div3A_134, %add3A_132 : vector<16xf32>
      %swap3A_136 = arith.constant 64 : index
      %swap3A_137 = tpu.vector_load %arg11[%swap3A_136] {strides = array<i32>} : memref<128xf32, #tpu.memory_space<vmem>>, vector<16xf32>,
      tpu.vector_store %arg11[%swap3A_136], %div3A_135 {strides = array<i32>} : memref<128xf32, #tpu.memory_space<vmem>>, vector<16xf32>,
      %mul3A_138 = arith.constant 128 : i32
      %mul3A_139 = arith.muli %scan3A_8, %mul3A_138 : i32
      %add3A_140 = arith.constant 80 : i32
      %add3A_141 = arith.addi %mul3A_139, %add3A_140 : i32
      %get3A_142 = arith.index_cast %add3A_141 : i32 to index
      %get3A_143 = tpu.vector_load %arg9[%get3A_142] {strides = array<i32>} : memref<3200xi32, #tpu.memory_space<vmem>>, vector<16xi32>,
      %gather3A_144 = tpu.vector_load_idx %arg7[%get3A_143] : memref<10000xf32, #tpu.memory_space<vmem>>[vector<16xi32>], vector<16xf32>,
      %mul3A_145 = arith.constant 128 : i32
      %mul3A_146 = arith.muli %scan3A_8, %mul3A_145 : i32
      %add3A_147 = arith.constant 80 : i32
      %add3A_148 = arith.addi %mul3A_146, %add3A_147 : i32
      %get3A_149 = arith.index_cast %add3A_148 : i32 to index
      %get3A_150 = tpu.vector_load %arg10[%get3A_149] {strides = array<i32>} : memref<3200xi32, #tpu.memory_space<vmem>>, vector<16xi32>,
      %gather3A_151 = tpu.vector_load_idx %arg8[%get3A_150] : memref<10000xf32, #tpu.memory_space<vmem>>[vector<16xi32>], vector<16xf32>,
      %add3A_152 = arith.addf %gather3A_144, %gather3A_151 : vector<16xf32>
      %neg3A_153 = arith.constant 0.000000e+00 : f32
      %neg3A_154 = vector.broadcast %neg3A_153 : f32 to vector<16xf32>
      %neg3A_155 = arith.subf %neg3A_154, %add3A_152 : vector<16xf32>
      %exp3A_156 = math.exp %neg3A_155 : vector<16xf32>
      %add3A_157 = arith.constant 1.000000e+00 : f32
      %add3A_158 = vector.broadcast %add3A_157 : f32 to vector<16xf32>
      %add3A_159 = arith.addf %add3A_158, %exp3A_156 : vector<16xf32>
      %div3A_160 = arith.constant 1.000000e+00 : f32
      %div3A_161 = vector.broadcast %div3A_160 : f32 to vector<16xf32>
      %div3A_162 = arith.divf %div3A_161, %add3A_159 : vector<16xf32>
      %swap3A_163 = arith.constant 80 : index
      %swap3A_164 = tpu.vector_load %arg11[%swap3A_163] {strides = array<i32>} : memref<128xf32, #tpu.memory_space<vmem>>, vector<16xf32>,
      tpu.vector_store %arg11[%swap3A_163], %div3A_162 {strides = array<i32>} : memref<128xf32, #tpu.memory_space<vmem>>, vector<16xf32>,
      %mul3A_165 = arith.constant 128 : i32
      %mul3A_166 = arith.muli %scan3A_8, %mul3A_165 : i32
      %add3A_167 = arith.constant 96 : i32
      %add3A_168 = arith.addi %mul3A_166, %add3A_167 : i32
      %get3A_169 = arith.index_cast %add3A_168 : i32 to index
      %get3A_170 = tpu.vector_load %arg9[%get3A_169] {strides = array<i32>} : memref<3200xi32, #tpu.memory_space<vmem>>, vector<16xi32>,
      %gather3A_171 = tpu.vector_load_idx %arg7[%get3A_170] : memref<10000xf32, #tpu.memory_space<vmem>>[vector<16xi32>], vector<16xf32>,
      %mul3A_172 = arith.constant 128 : i32
      %mul3A_173 = arith.muli %scan3A_8, %mul3A_172 : i32
      %add3A_174 = arith.constant 96 : i32
      %add3A_175 = arith.addi %mul3A_173, %add3A_174 : i32
      %get3A_176 = arith.index_cast %add3A_175 : i32 to index
      %get3A_177 = tpu.vector_load %arg10[%get3A_176] {strides = array<i32>} : memref<3200xi32, #tpu.memory_space<vmem>>, vector<16xi32>,
      %gather3A_178 = tpu.vector_load_idx %arg8[%get3A_177] : memref<10000xf32, #tpu.memory_space<vmem>>[vector<16xi32>], vector<16xf32>,
      %add3A_179 = arith.addf %gather3A_171, %gather3A_178 : vector<16xf32>
      %neg3A_180 = arith.constant 0.000000e+00 : f32
      %neg3A_181 = vector.broadcast %neg3A_180 : f32 to vector<16xf32>
      %neg3A_182 = arith.subf %neg3A_181, %add3A_179 : vector<16xf32>
      %exp3A_183 = math.exp %neg3A_182 : vector<16xf32>
      %add3A_184 = arith.constant 1.000000e+00 : f32
      %add3A_185 = vector.broadcast %add3A_184 : f32 to vector<16xf32>
      %add3A_186 = arith.addf %add3A_185, %exp3A_183 : vector<16xf32>
      %div3A_187 = arith.constant 1.000000e+00 : f32
      %div3A_188 = vector.broadcast %div3A_187 : f32 to vector<16xf32>
      %div3A_189 = arith.divf %div3A_188, %add3A_186 : vector<16xf32>
      %swap3A_190 = arith.constant 96 : index
      %swap3A_191 = tpu.vector_load %arg11[%swap3A_190] {strides = array<i32>} : memref<128xf32, #tpu.memory_space<vmem>>, vector<16xf32>,
      tpu.vector_store %arg11[%swap3A_190], %div3A_189 {strides = array<i32>} : memref<128xf32, #tpu.memory_space<vmem>>, vector<16xf32>,
      %mul3A_192 = arith.constant 128 : i32
      %mul3A_193 = arith.muli %scan3A_8, %mul3A_192 : i32
      %add3A_194 = arith.constant 112 : i32
      %add3A_195 = arith.addi %mul3A_193, %add3A_194 : i32
      %get3A_196 = arith.index_cast %add3A_195 : i32 to index
      %get3A_197 = tpu.vector_load %arg9[%get3A_196] {strides = array<i32>} : memref<3200xi32, #tpu.memory_space<vmem>>, vector<16xi32>,
      %gather3A_198 = tpu.vector_load_idx %arg7[%get3A_197] : memref<10000xf32, #tpu.memory_space<vmem>>[vector<16xi32>], vector<16xf32>,
      %mul3A_199 = arith.constant 128 : i32
      %mul3A_200 = arith.muli %scan3A_8, %mul3A_199 : i32
      %add3A_201 = arith.constant 112 : i32
      %add3A_202 = arith.addi %mul3A_200, %add3A_201 : i32
      %get3A_203 = arith.index_cast %add3A_202 : i32 to index
      %get3A_204 = tpu.vector_load %arg10[%get3A_203] {strides = array<i32>} : memref<3200xi32, #tpu.memory_space<vmem>>, vector<16xi32>,
      %gather3A_205 = tpu.vector_load_idx %arg8[%get3A_204] : memref<10000xf32, #tpu.memory_space<vmem>>[vector<16xi32>], vector<16xf32>,
      %add3A_206 = arith.addf %gather3A_198, %gather3A_205 : vector<16xf32>
      %neg3A_207 = arith.constant 0.000000e+00 : f32
      %neg3A_208 = vector.broadcast %neg3A_207 : f32 to vector<16xf32>
      %neg3A_209 = arith.subf %neg3A_208, %add3A_206 : vector<16xf32>
      %exp3A_210 = math.exp %neg3A_209 : vector<16xf32>
      %add3A_211 = arith.constant 1.000000e+00 : f32
      %add3A_212 = vector.broadcast %add3A_211 : f32 to vector<16xf32>
      %add3A_213 = arith.addf %add3A_212, %exp3A_210 : vector<16xf32>
      %div3A_214 = arith.constant 1.000000e+00 : f32
      %div3A_215 = vector.broadcast %div3A_214 : f32 to vector<16xf32>
      %div3A_216 = arith.divf %div3A_215, %add3A_213 : vector<16xf32>
      %swap3A_217 = arith.constant 112 : index
      %swap3A_218 = tpu.vector_load %arg11[%swap3A_217] {strides = array<i32>} : memref<128xf32, #tpu.memory_space<vmem>>, vector<16xf32>,
      tpu.vector_store %arg11[%swap3A_217], %div3A_216 {strides = array<i32>} : memref<128xf32, #tpu.memory_space<vmem>>, vector<16xf32>,
      %mul3A_219 = arith.constant 128 : i32
      %mul3A_220 = arith.muli %scan3A_8, %mul3A_219 : i32
      %add3A_221 = arith.addi %mul3A_2, %mul3A_220 : i32
      %multiple_of3A = tpu.assume_multiple %add3A_221, 8 : i32
      "tpu.region"() ({
        %run_scoped3A = tpu.sem_alloc : memref<!tpu.dma_semaphore, #tpu.memory_space<semaphore_mem>>
        %dma_start3A = tpu.memref_slice %arg6[%multiple_of3A] : memref<102400xf32, #tpu.memory_space<hbm>> -> memref<128xf32, #tpu.memory_space<hbm>>
        %dma_start3A_222 = tpu.memref_slice %arg6[%multiple_of3A] : memref<102400xf32, #tpu.memory_space<hbm>> -> memref<128xf32, #tpu.memory_space<hbm>>
        tpu.enqueue_dma source(%arg11 : memref<128xf32, #tpu.memory_space<vmem>>) target(%dma_start3A_222 : memref<128xf32, #tpu.memory_space<hbm>>) target_semaphore(%run_scoped3A : memref<!tpu.dma_semaphore, #tpu.memory_space<semaphore_mem>>)
        %dma_wait3A = tpu.memref_slice %arg6[%multiple_of3A] : memref<102400xf32, #tpu.memory_space<hbm>> -> memref<128xf32, #tpu.memory_space<hbm>>
        %dma_wait3A_223 = tpu.memref_slice %arg6[%multiple_of3A] : memref<102400xf32, #tpu.memory_space<hbm>> -> memref<128xf32, #tpu.memory_space<hbm>>
        tpu.wait_dma2 semaphore(%run_scoped3A : memref<!tpu.dma_semaphore, #tpu.memory_space<semaphore_mem>>) src(%arg11 : memref<128xf32, #tpu.memory_space<vmem>>) dst(%dma_wait3A_223 : memref<128xf32, #tpu.memory_space<hbm>>)
        tpu.yield
      }) : () -> ()
    }
    %scan3A_7 = arith.constant 25 : i32
    return
  }
}

#map = affine_map<(d0, d1) -> (0, 0)>
#map1 = affine_map<(d0, d1) -> (0)>
module attributes {stable_mosaic.version = 14 : i64} {
  func.func @body(%arg0: i32, %arg1: i32, %arg2: memref<10000x128xf32, #tpu.memory_space<hbm>>, %arg3: memref<10000x128xf32, #tpu.memory_space<hbm>>, %arg4: memref<320000xi32, #tpu.memory_space<hbm>>, %arg5: memref<320000xi32, #tpu.memory_space<hbm>>, %arg6: memref<10000x128xf32, #tpu.memory_space<hbm>>, %arg7: memref<10000x128xf32, #tpu.memory_space<hbm>>, %arg8: memref<80xi32, #tpu.memory_space<vmem>>, %arg9: memref<80xi32, #tpu.memory_space<vmem>>, %arg10: memref<80xi32, #tpu.memory_space<vmem>>, %arg11: memref<80xi32, #tpu.memory_space<vmem>>, %arg12: memref<80xi32, #tpu.memory_space<vmem>>, %arg13: memref<80xi32, #tpu.memory_space<vmem>>, %arg14: memref<80x128xf32, #tpu.memory_space<vmem>>, %arg15: memref<80x128xf32, #tpu.memory_space<vmem>>, %arg16: memref<80x128xf32, #tpu.memory_space<vmem>>, %arg17: memref<80x128xf32, #tpu.memory_space<vmem>>, %arg18: memref<10000x128xf32, #tpu.memory_space<vmem_shared>>, %arg19: memref<!tpu.dma_semaphore, #tpu.memory_space<semaphore_mem>>, %arg20: memref<!tpu.dma_semaphore, #tpu.memory_space<semaphore_mem>>, %arg21: memref<!tpu.dma_semaphore, #tpu.memory_space<semaphore_mem>>, %arg22: memref<!tpu.dma_semaphore, #tpu.memory_space<semaphore_mem>>, %arg23: memref<!tpu.dma_semaphore, #tpu.memory_space<semaphore_mem>>, %arg24: memref<!tpu.dma_semaphore, #tpu.memory_space<semaphore_mem>>, %arg25: memref<!tpu.dma_semaphore, #tpu.memory_space<semaphore_mem>>, %arg26: memref<!tpu.dma_semaphore, #tpu.memory_space<semaphore_mem>>, %arg27: memref<!tpu.dma_semaphore, #tpu.memory_space<semaphore_mem>>) attributes {dimension_semantics = [#tpu.dimension_semantics<core_parallel>, #tpu.dimension_semantics<subcore_parallel>], iteration_bounds = array<i64: 2, 16>, scalar_prefetch = 0 : i64, scratch_operands = 20 : i64, tpu.core_type = #tpu.core_type<sc_vector_subcore>, window_params = [{transform_indices = #map}, {transform_indices = #map}, {transform_indices = #map1}, {transform_indices = #map1}, {transform_indices = #map}, {transform_indices = #map}]} {
    %mul3A = arith.constant 160000 : i32
    %mul3A_0 = arith.muli %arg0, %mul3A : i32
    %mul3A_1 = arith.constant 10000 : i32
    %mul3A_2 = arith.muli %arg1, %mul3A_1 : i32
    %add3A = arith.addi %mul3A_0, %mul3A_2 : i32
    %scan3A = arith.constant 0 : i32
    %scan3A_3 = arith.constant 0 : i32
    %scan3A_4 = arith.constant 80 : i32
    %scan3A_5 = arith.addi %scan3A_3, %scan3A_4 : i32
    %scan3A_6 = arith.constant 1 : i32
    scf.for %scan3A_129 = %scan3A_3 to %scan3A_5 step %scan3A_6  : i32 {
      %scan3A_130 = arith.constant 0 : i32
      %scan3A_131 = arith.constant 8 : i32
      %scan3A_132 = arith.addi %scan3A_130, %scan3A_131 : i32
      %scan3A_133 = arith.constant 1 : i32
      scf.for %scan3A_135 = %scan3A_130 to %scan3A_132 step %scan3A_133  : i32 {
        %broadcast_in_dim3A = arith.constant 0.000000e+00 : f32
        %broadcast_in_dim3A_136 = vector.broadcast %broadcast_in_dim3A : f32 to vector<16xf32>
        %mul3A_137 = arith.constant 16 : i32
        %mul3A_138 = arith.muli %scan3A_135, %mul3A_137 : i32
        %swap3A = arith.index_cast %scan3A_129 : i32 to index
        %swap3A_139 = arith.index_cast %mul3A_138 : i32 to index
        %swap3A_140 = tpu.vector_load %arg17[%swap3A, %swap3A_139] {strides = array<i32>} : memref<80x128xf32, #tpu.memory_space<vmem>>, vector<1x16xf32>,
        %swap3A_141 = vector.shape_cast %swap3A_140 : vector<1x16xf32> to vector<16xf32>
        %swap3A_142 = vector.shape_cast %broadcast_in_dim3A_136 : vector<16xf32> to vector<1x16xf32>
        tpu.vector_store %arg17[%swap3A, %swap3A_139], %swap3A_142 {strides = array<i32>} : memref<80x128xf32, #tpu.memory_space<vmem>>, vector<1x16xf32>,
      }
      %scan3A_134 = arith.constant 8 : i32
    }
    %scan3A_7 = arith.constant 80 : i32
    %lt3A = arith.constant 15 : i32
    %lt3A_8 = arith.cmpi slt, %arg1, %lt3A : i32
    %convert_element_type3A = arith.extui %lt3A_8 : i1 to i32
    %cond3A = arith.constant 0 : i32
    %cond3A_9 = arith.cmpi ne, %convert_element_type3A, %cond3A : i32
    scf.if %cond3A_9 {
      %mul3A_129 = arith.constant 640 : i32
      %mul3A_130 = arith.muli %arg1, %mul3A_129 : i32
      %add3A_131 = arith.constant 0 : i32
      %add3A_132 = arith.addi %mul3A_130, %add3A_131 : i32
      "tpu.region"() ({
        %run_scoped3A = tpu.sem_alloc : memref<!tpu.dma_semaphore, #tpu.memory_space<semaphore_mem>>
        %dma_start3A_161 = arith.constant 0 : i32
        %dma_start3A_162 = tpu.memref_slice %arg18[%add3A_132, %dma_start3A_161] : memref<10000x128xf32, #tpu.memory_space<vmem_shared>> -> memref<80x128xf32, #tpu.memory_space<vmem_shared>>
        %dma_start3A_163 = arith.constant 0 : i32
        %dma_start3A_164 = tpu.memref_slice %arg18[%add3A_132, %dma_start3A_163] : memref<10000x128xf32, #tpu.memory_space<vmem_shared>> -> memref<80x128xf32, #tpu.memory_space<vmem_shared>>
        tpu.enqueue_dma source(%arg17 : memref<80x128xf32, #tpu.memory_space<vmem>>) target(%dma_start3A_164 : memref<80x128xf32, #tpu.memory_space<vmem_shared>>) target_semaphore(%run_scoped3A : memref<!tpu.dma_semaphore, #tpu.memory_space<semaphore_mem>>)
        %dma_wait3A_165 = arith.constant 0 : i32
        %dma_wait3A_166 = tpu.memref_slice %arg18[%add3A_132, %dma_wait3A_165] : memref<10000x128xf32, #tpu.memory_space<vmem_shared>> -> memref<80x128xf32, #tpu.memory_space<vmem_shared>>
        %dma_wait3A_167 = arith.constant 0 : i32
        %dma_wait3A_168 = tpu.memref_slice %arg18[%add3A_132, %dma_wait3A_167] : memref<10000x128xf32, #tpu.memory_space<vmem_shared>> -> memref<80x128xf32, #tpu.memory_space<vmem_shared>>
        tpu.wait_dma2 semaphore(%run_scoped3A : memref<!tpu.dma_semaphore, #tpu.memory_space<semaphore_mem>>) src(%arg17 : memref<80x128xf32, #tpu.memory_space<vmem>>) dst(%dma_wait3A_168 : memref<80x128xf32, #tpu.memory_space<vmem_shared>>)
        tpu.yield
      }) : () -> ()
      %mul3A_133 = arith.constant 640 : i32
      %mul3A_134 = arith.muli %arg1, %mul3A_133 : i32
      %add3A_135 = arith.constant 80 : i32
      %add3A_136 = arith.addi %mul3A_134, %add3A_135 : i32
      "tpu.region"() ({
        %run_scoped3A = tpu.sem_alloc : memref<!tpu.dma_semaphore, #tpu.memory_space<semaphore_mem>>
        %dma_start3A_161 = arith.constant 0 : i32
        %dma_start3A_162 = tpu.memref_slice %arg18[%add3A_136, %dma_start3A_161] : memref<10000x128xf32, #tpu.memory_space<vmem_shared>> -> memref<80x128xf32, #tpu.memory_space<vmem_shared>>
        %dma_start3A_163 = arith.constant 0 : i32
        %dma_start3A_164 = tpu.memref_slice %arg18[%add3A_136, %dma_start3A_163] : memref<10000x128xf32, #tpu.memory_space<vmem_shared>> -> memref<80x128xf32, #tpu.memory_space<vmem_shared>>
        tpu.enqueue_dma source(%arg17 : memref<80x128xf32, #tpu.memory_space<vmem>>) target(%dma_start3A_164 : memref<80x128xf32, #tpu.memory_space<vmem_shared>>) target_semaphore(%run_scoped3A : memref<!tpu.dma_semaphore, #tpu.memory_space<semaphore_mem>>)
        %dma_wait3A_165 = arith.constant 0 : i32
        %dma_wait3A_166 = tpu.memref_slice %arg18[%add3A_136, %dma_wait3A_165] : memref<10000x128xf32, #tpu.memory_space<vmem_shared>> -> memref<80x128xf32, #tpu.memory_space<vmem_shared>>
        %dma_wait3A_167 = arith.constant 0 : i32
        %dma_wait3A_168 = tpu.memref_slice %arg18[%add3A_136, %dma_wait3A_167] : memref<10000x128xf32, #tpu.memory_space<vmem_shared>> -> memref<80x128xf32, #tpu.memory_space<vmem_shared>>
        tpu.wait_dma2 semaphore(%run_scoped3A : memref<!tpu.dma_semaphore, #tpu.memory_space<semaphore_mem>>) src(%arg17 : memref<80x128xf32, #tpu.memory_space<vmem>>) dst(%dma_wait3A_168 : memref<80x128xf32, #tpu.memory_space<vmem_shared>>)
        tpu.yield
      }) : () -> ()
      %mul3A_137 = arith.constant 640 : i32
      %mul3A_138 = arith.muli %arg1, %mul3A_137 : i32
      %add3A_139 = arith.constant 160 : i32
      %add3A_140 = arith.addi %mul3A_138, %add3A_139 : i32
      "tpu.region"() ({
        %run_scoped3A = tpu.sem_alloc : memref<!tpu.dma_semaphore, #tpu.memory_space<semaphore_mem>>
        %dma_start3A_161 = arith.constant 0 : i32
        %dma_start3A_162 = tpu.memref_slice %arg18[%add3A_140, %dma_start3A_161] : memref<10000x128xf32, #tpu.memory_space<vmem_shared>> -> memref<80x128xf32, #tpu.memory_space<vmem_shared>>
        %dma_start3A_163 = arith.constant 0 : i32
        %dma_start3A_164 = tpu.memref_slice %arg18[%add3A_140, %dma_start3A_163] : memref<10000x128xf32, #tpu.memory_space<vmem_shared>> -> memref<80x128xf32, #tpu.memory_space<vmem_shared>>
        tpu.enqueue_dma source(%arg17 : memref<80x128xf32, #tpu.memory_space<vmem>>) target(%dma_start3A_164 : memref<80x128xf32, #tpu.memory_space<vmem_shared>>) target_semaphore(%run_scoped3A : memref<!tpu.dma_semaphore, #tpu.memory_space<semaphore_mem>>)
        %dma_wait3A_165 = arith.constant 0 : i32
        %dma_wait3A_166 = tpu.memref_slice %arg18[%add3A_140, %dma_wait3A_165] : memref<10000x128xf32, #tpu.memory_space<vmem_shared>> -> memref<80x128xf32, #tpu.memory_space<vmem_shared>>
        %dma_wait3A_167 = arith.constant 0 : i32
        %dma_wait3A_168 = tpu.memref_slice %arg18[%add3A_140, %dma_wait3A_167] : memref<10000x128xf32, #tpu.memory_space<vmem_shared>> -> memref<80x128xf32, #tpu.memory_space<vmem_shared>>
        tpu.wait_dma2 semaphore(%run_scoped3A : memref<!tpu.dma_semaphore, #tpu.memory_space<semaphore_mem>>) src(%arg17 : memref<80x128xf32, #tpu.memory_space<vmem>>) dst(%dma_wait3A_168 : memref<80x128xf32, #tpu.memory_space<vmem_shared>>)
        tpu.yield
      }) : () -> ()
      %mul3A_141 = arith.constant 640 : i32
      %mul3A_142 = arith.muli %arg1, %mul3A_141 : i32
      %add3A_143 = arith.constant 240 : i32
      %add3A_144 = arith.addi %mul3A_142, %add3A_143 : i32
      "tpu.region"() ({
        %run_scoped3A = tpu.sem_alloc : memref<!tpu.dma_semaphore, #tpu.memory_space<semaphore_mem>>
        %dma_start3A_161 = arith.constant 0 : i32
        %dma_start3A_162 = tpu.memref_slice %arg18[%add3A_144, %dma_start3A_161] : memref<10000x128xf32, #tpu.memory_space<vmem_shared>> -> memref<80x128xf32, #tpu.memory_space<vmem_shared>>
        %dma_start3A_163 = arith.constant 0 : i32
        %dma_start3A_164 = tpu.memref_slice %arg18[%add3A_144, %dma_start3A_163] : memref<10000x128xf32, #tpu.memory_space<vmem_shared>> -> memref<80x128xf32, #tpu.memory_space<vmem_shared>>
        tpu.enqueue_dma source(%arg17 : memref<80x128xf32, #tpu.memory_space<vmem>>) target(%dma_start3A_164 : memref<80x128xf32, #tpu.memory_space<vmem_shared>>) target_semaphore(%run_scoped3A : memref<!tpu.dma_semaphore, #tpu.memory_space<semaphore_mem>>)
        %dma_wait3A_165 = arith.constant 0 : i32
        %dma_wait3A_166 = tpu.memref_slice %arg18[%add3A_144, %dma_wait3A_165] : memref<10000x128xf32, #tpu.memory_space<vmem_shared>> -> memref<80x128xf32, #tpu.memory_space<vmem_shared>>
        %dma_wait3A_167 = arith.constant 0 : i32
        %dma_wait3A_168 = tpu.memref_slice %arg18[%add3A_144, %dma_wait3A_167] : memref<10000x128xf32, #tpu.memory_space<vmem_shared>> -> memref<80x128xf32, #tpu.memory_space<vmem_shared>>
        tpu.wait_dma2 semaphore(%run_scoped3A : memref<!tpu.dma_semaphore, #tpu.memory_space<semaphore_mem>>) src(%arg17 : memref<80x128xf32, #tpu.memory_space<vmem>>) dst(%dma_wait3A_168 : memref<80x128xf32, #tpu.memory_space<vmem_shared>>)
        tpu.yield
      }) : () -> ()
      %mul3A_145 = arith.constant 640 : i32
      %mul3A_146 = arith.muli %arg1, %mul3A_145 : i32
      %add3A_147 = arith.constant 320 : i32
      %add3A_148 = arith.addi %mul3A_146, %add3A_147 : i32
      "tpu.region"() ({
        %run_scoped3A = tpu.sem_alloc : memref<!tpu.dma_semaphore, #tpu.memory_space<semaphore_mem>>
        %dma_start3A_161 = arith.constant 0 : i32
        %dma_start3A_162 = tpu.memref_slice %arg18[%add3A_148, %dma_start3A_161] : memref<10000x128xf32, #tpu.memory_space<vmem_shared>> -> memref<80x128xf32, #tpu.memory_space<vmem_shared>>
        %dma_start3A_163 = arith.constant 0 : i32
        %dma_start3A_164 = tpu.memref_slice %arg18[%add3A_148, %dma_start3A_163] : memref<10000x128xf32, #tpu.memory_space<vmem_shared>> -> memref<80x128xf32, #tpu.memory_space<vmem_shared>>
        tpu.enqueue_dma source(%arg17 : memref<80x128xf32, #tpu.memory_space<vmem>>) target(%dma_start3A_164 : memref<80x128xf32, #tpu.memory_space<vmem_shared>>) target_semaphore(%run_scoped3A : memref<!tpu.dma_semaphore, #tpu.memory_space<semaphore_mem>>)
        %dma_wait3A_165 = arith.constant 0 : i32
        %dma_wait3A_166 = tpu.memref_slice %arg18[%add3A_148, %dma_wait3A_165] : memref<10000x128xf32, #tpu.memory_space<vmem_shared>> -> memref<80x128xf32, #tpu.memory_space<vmem_shared>>
        %dma_wait3A_167 = arith.constant 0 : i32
        %dma_wait3A_168 = tpu.memref_slice %arg18[%add3A_148, %dma_wait3A_167] : memref<10000x128xf32, #tpu.memory_space<vmem_shared>> -> memref<80x128xf32, #tpu.memory_space<vmem_shared>>
        tpu.wait_dma2 semaphore(%run_scoped3A : memref<!tpu.dma_semaphore, #tpu.memory_space<semaphore_mem>>) src(%arg17 : memref<80x128xf32, #tpu.memory_space<vmem>>) dst(%dma_wait3A_168 : memref<80x128xf32, #tpu.memory_space<vmem_shared>>)
        tpu.yield
      }) : () -> ()
      %mul3A_149 = arith.constant 640 : i32
      %mul3A_150 = arith.muli %arg1, %mul3A_149 : i32
      %add3A_151 = arith.constant 400 : i32
      %add3A_152 = arith.addi %mul3A_150, %add3A_151 : i32
      "tpu.region"() ({
        %run_scoped3A = tpu.sem_alloc : memref<!tpu.dma_semaphore, #tpu.memory_space<semaphore_mem>>
        %dma_start3A_161 = arith.constant 0 : i32
        %dma_start3A_162 = tpu.memref_slice %arg18[%add3A_152, %dma_start3A_161] : memref<10000x128xf32, #tpu.memory_space<vmem_shared>> -> memref<80x128xf32, #tpu.memory_space<vmem_shared>>
        %dma_start3A_163 = arith.constant 0 : i32
        %dma_start3A_164 = tpu.memref_slice %arg18[%add3A_152, %dma_start3A_163] : memref<10000x128xf32, #tpu.memory_space<vmem_shared>> -> memref<80x128xf32, #tpu.memory_space<vmem_shared>>
        tpu.enqueue_dma source(%arg17 : memref<80x128xf32, #tpu.memory_space<vmem>>) target(%dma_start3A_164 : memref<80x128xf32, #tpu.memory_space<vmem_shared>>) target_semaphore(%run_scoped3A : memref<!tpu.dma_semaphore, #tpu.memory_space<semaphore_mem>>)
        %dma_wait3A_165 = arith.constant 0 : i32
        %dma_wait3A_166 = tpu.memref_slice %arg18[%add3A_152, %dma_wait3A_165] : memref<10000x128xf32, #tpu.memory_space<vmem_shared>> -> memref<80x128xf32, #tpu.memory_space<vmem_shared>>
        %dma_wait3A_167 = arith.constant 0 : i32
        %dma_wait3A_168 = tpu.memref_slice %arg18[%add3A_152, %dma_wait3A_167] : memref<10000x128xf32, #tpu.memory_space<vmem_shared>> -> memref<80x128xf32, #tpu.memory_space<vmem_shared>>
        tpu.wait_dma2 semaphore(%run_scoped3A : memref<!tpu.dma_semaphore, #tpu.memory_space<semaphore_mem>>) src(%arg17 : memref<80x128xf32, #tpu.memory_space<vmem>>) dst(%dma_wait3A_168 : memref<80x128xf32, #tpu.memory_space<vmem_shared>>)
        tpu.yield
      }) : () -> ()
      %mul3A_153 = arith.constant 640 : i32
      %mul3A_154 = arith.muli %arg1, %mul3A_153 : i32
      %add3A_155 = arith.constant 480 : i32
      %add3A_156 = arith.addi %mul3A_154, %add3A_155 : i32
      "tpu.region"() ({
        %run_scoped3A = tpu.sem_alloc : memref<!tpu.dma_semaphore, #tpu.memory_space<semaphore_mem>>
        %dma_start3A_161 = arith.constant 0 : i32
        %dma_start3A_162 = tpu.memref_slice %arg18[%add3A_156, %dma_start3A_161] : memref<10000x128xf32, #tpu.memory_space<vmem_shared>> -> memref<80x128xf32, #tpu.memory_space<vmem_shared>>
        %dma_start3A_163 = arith.constant 0 : i32
        %dma_start3A_164 = tpu.memref_slice %arg18[%add3A_156, %dma_start3A_163] : memref<10000x128xf32, #tpu.memory_space<vmem_shared>> -> memref<80x128xf32, #tpu.memory_space<vmem_shared>>
        tpu.enqueue_dma source(%arg17 : memref<80x128xf32, #tpu.memory_space<vmem>>) target(%dma_start3A_164 : memref<80x128xf32, #tpu.memory_space<vmem_shared>>) target_semaphore(%run_scoped3A : memref<!tpu.dma_semaphore, #tpu.memory_space<semaphore_mem>>)
        %dma_wait3A_165 = arith.constant 0 : i32
        %dma_wait3A_166 = tpu.memref_slice %arg18[%add3A_156, %dma_wait3A_165] : memref<10000x128xf32, #tpu.memory_space<vmem_shared>> -> memref<80x128xf32, #tpu.memory_space<vmem_shared>>
        %dma_wait3A_167 = arith.constant 0 : i32
        %dma_wait3A_168 = tpu.memref_slice %arg18[%add3A_156, %dma_wait3A_167] : memref<10000x128xf32, #tpu.memory_space<vmem_shared>> -> memref<80x128xf32, #tpu.memory_space<vmem_shared>>
        tpu.wait_dma2 semaphore(%run_scoped3A : memref<!tpu.dma_semaphore, #tpu.memory_space<semaphore_mem>>) src(%arg17 : memref<80x128xf32, #tpu.memory_space<vmem>>) dst(%dma_wait3A_168 : memref<80x128xf32, #tpu.memory_space<vmem_shared>>)
        tpu.yield
      }) : () -> ()
      %mul3A_157 = arith.constant 640 : i32
      %mul3A_158 = arith.muli %arg1, %mul3A_157 : i32
      %add3A_159 = arith.constant 560 : i32
      %add3A_160 = arith.addi %mul3A_158, %add3A_159 : i32
      "tpu.region"() ({
        %run_scoped3A = tpu.sem_alloc : memref<!tpu.dma_semaphore, #tpu.memory_space<semaphore_mem>>
        %dma_start3A_161 = arith.constant 0 : i32
        %dma_start3A_162 = tpu.memref_slice %arg18[%add3A_160, %dma_start3A_161] : memref<10000x128xf32, #tpu.memory_space<vmem_shared>> -> memref<80x128xf32, #tpu.memory_space<vmem_shared>>
        %dma_start3A_163 = arith.constant 0 : i32
        %dma_start3A_164 = tpu.memref_slice %arg18[%add3A_160, %dma_start3A_163] : memref<10000x128xf32, #tpu.memory_space<vmem_shared>> -> memref<80x128xf32, #tpu.memory_space<vmem_shared>>
        tpu.enqueue_dma source(%arg17 : memref<80x128xf32, #tpu.memory_space<vmem>>) target(%dma_start3A_164 : memref<80x128xf32, #tpu.memory_space<vmem_shared>>) target_semaphore(%run_scoped3A : memref<!tpu.dma_semaphore, #tpu.memory_space<semaphore_mem>>)
        %dma_wait3A_165 = arith.constant 0 : i32
        %dma_wait3A_166 = tpu.memref_slice %arg18[%add3A_160, %dma_wait3A_165] : memref<10000x128xf32, #tpu.memory_space<vmem_shared>> -> memref<80x128xf32, #tpu.memory_space<vmem_shared>>
        %dma_wait3A_167 = arith.constant 0 : i32
        %dma_wait3A_168 = tpu.memref_slice %arg18[%add3A_160, %dma_wait3A_167] : memref<10000x128xf32, #tpu.memory_space<vmem_shared>> -> memref<80x128xf32, #tpu.memory_space<vmem_shared>>
        tpu.wait_dma2 semaphore(%run_scoped3A : memref<!tpu.dma_semaphore, #tpu.memory_space<semaphore_mem>>) src(%arg17 : memref<80x128xf32, #tpu.memory_space<vmem>>) dst(%dma_wait3A_168 : memref<80x128xf32, #tpu.memory_space<vmem_shared>>)
        tpu.yield
      }) : () -> ()
    } else {
    }
    %eq3A = arith.constant 15 : i32
    %eq3A_10 = arith.cmpi eq, %arg1, %eq3A : i32
    %convert_element_type3A_11 = arith.extui %eq3A_10 : i1 to i32
    %cond3A_12 = arith.constant 0 : i32
    %cond3A_13 = arith.cmpi ne, %convert_element_type3A_11, %cond3A_12 : i32
    scf.if %cond3A_13 {
      "tpu.region"() ({
        %run_scoped3A = tpu.sem_alloc : memref<!tpu.dma_semaphore, #tpu.memory_space<semaphore_mem>>
        %dma_start3A_129 = arith.constant 9600 : i32
        %dma_start3A_130 = arith.constant 0 : i32
        %dma_start3A_131 = tpu.memref_slice %arg18[%dma_start3A_129, %dma_start3A_130] : memref<10000x128xf32, #tpu.memory_space<vmem_shared>> -> memref<80x128xf32, #tpu.memory_space<vmem_shared>>
        %dma_start3A_132 = arith.constant 9600 : i32
        %dma_start3A_133 = arith.constant 0 : i32
        %dma_start3A_134 = tpu.memref_slice %arg18[%dma_start3A_132, %dma_start3A_133] : memref<10000x128xf32, #tpu.memory_space<vmem_shared>> -> memref<80x128xf32, #tpu.memory_space<vmem_shared>>
        tpu.enqueue_dma source(%arg17 : memref<80x128xf32, #tpu.memory_space<vmem>>) target(%dma_start3A_134 : memref<80x128xf32, #tpu.memory_space<vmem_shared>>) target_semaphore(%run_scoped3A : memref<!tpu.dma_semaphore, #tpu.memory_space<semaphore_mem>>)
        %dma_wait3A_135 = arith.constant 9600 : i32
        %dma_wait3A_136 = arith.constant 0 : i32
        %dma_wait3A_137 = tpu.memref_slice %arg18[%dma_wait3A_135, %dma_wait3A_136] : memref<10000x128xf32, #tpu.memory_space<vmem_shared>> -> memref<80x128xf32, #tpu.memory_space<vmem_shared>>
        %dma_wait3A_138 = arith.constant 9600 : i32
        %dma_wait3A_139 = arith.constant 0 : i32
        %dma_wait3A_140 = tpu.memref_slice %arg18[%dma_wait3A_138, %dma_wait3A_139] : memref<10000x128xf32, #tpu.memory_space<vmem_shared>> -> memref<80x128xf32, #tpu.memory_space<vmem_shared>>
        tpu.wait_dma2 semaphore(%run_scoped3A : memref<!tpu.dma_semaphore, #tpu.memory_space<semaphore_mem>>) src(%arg17 : memref<80x128xf32, #tpu.memory_space<vmem>>) dst(%dma_wait3A_140 : memref<80x128xf32, #tpu.memory_space<vmem_shared>>)
        tpu.yield
      }) : () -> ()
      "tpu.region"() ({
        %run_scoped3A = tpu.sem_alloc : memref<!tpu.dma_semaphore, #tpu.memory_space<semaphore_mem>>
        %dma_start3A_129 = arith.constant 9680 : i32
        %dma_start3A_130 = arith.constant 0 : i32
        %dma_start3A_131 = tpu.memref_slice %arg18[%dma_start3A_129, %dma_start3A_130] : memref<10000x128xf32, #tpu.memory_space<vmem_shared>> -> memref<80x128xf32, #tpu.memory_space<vmem_shared>>
        %dma_start3A_132 = arith.constant 9680 : i32
        %dma_start3A_133 = arith.constant 0 : i32
        %dma_start3A_134 = tpu.memref_slice %arg18[%dma_start3A_132, %dma_start3A_133] : memref<10000x128xf32, #tpu.memory_space<vmem_shared>> -> memref<80x128xf32, #tpu.memory_space<vmem_shared>>
        tpu.enqueue_dma source(%arg17 : memref<80x128xf32, #tpu.memory_space<vmem>>) target(%dma_start3A_134 : memref<80x128xf32, #tpu.memory_space<vmem_shared>>) target_semaphore(%run_scoped3A : memref<!tpu.dma_semaphore, #tpu.memory_space<semaphore_mem>>)
        %dma_wait3A_135 = arith.constant 9680 : i32
        %dma_wait3A_136 = arith.constant 0 : i32
        %dma_wait3A_137 = tpu.memref_slice %arg18[%dma_wait3A_135, %dma_wait3A_136] : memref<10000x128xf32, #tpu.memory_space<vmem_shared>> -> memref<80x128xf32, #tpu.memory_space<vmem_shared>>
        %dma_wait3A_138 = arith.constant 9680 : i32
        %dma_wait3A_139 = arith.constant 0 : i32
        %dma_wait3A_140 = tpu.memref_slice %arg18[%dma_wait3A_138, %dma_wait3A_139] : memref<10000x128xf32, #tpu.memory_space<vmem_shared>> -> memref<80x128xf32, #tpu.memory_space<vmem_shared>>
        tpu.wait_dma2 semaphore(%run_scoped3A : memref<!tpu.dma_semaphore, #tpu.memory_space<semaphore_mem>>) src(%arg17 : memref<80x128xf32, #tpu.memory_space<vmem>>) dst(%dma_wait3A_140 : memref<80x128xf32, #tpu.memory_space<vmem_shared>>)
        tpu.yield
      }) : () -> ()
      "tpu.region"() ({
        %run_scoped3A = tpu.sem_alloc : memref<!tpu.dma_semaphore, #tpu.memory_space<semaphore_mem>>
        %dma_start3A_129 = arith.constant 9760 : i32
        %dma_start3A_130 = arith.constant 0 : i32
        %dma_start3A_131 = tpu.memref_slice %arg18[%dma_start3A_129, %dma_start3A_130] : memref<10000x128xf32, #tpu.memory_space<vmem_shared>> -> memref<80x128xf32, #tpu.memory_space<vmem_shared>>
        %dma_start3A_132 = arith.constant 9760 : i32
        %dma_start3A_133 = arith.constant 0 : i32
        %dma_start3A_134 = tpu.memref_slice %arg18[%dma_start3A_132, %dma_start3A_133] : memref<10000x128xf32, #tpu.memory_space<vmem_shared>> -> memref<80x128xf32, #tpu.memory_space<vmem_shared>>
        tpu.enqueue_dma source(%arg17 : memref<80x128xf32, #tpu.memory_space<vmem>>) target(%dma_start3A_134 : memref<80x128xf32, #tpu.memory_space<vmem_shared>>) target_semaphore(%run_scoped3A : memref<!tpu.dma_semaphore, #tpu.memory_space<semaphore_mem>>)
        %dma_wait3A_135 = arith.constant 9760 : i32
        %dma_wait3A_136 = arith.constant 0 : i32
        %dma_wait3A_137 = tpu.memref_slice %arg18[%dma_wait3A_135, %dma_wait3A_136] : memref<10000x128xf32, #tpu.memory_space<vmem_shared>> -> memref<80x128xf32, #tpu.memory_space<vmem_shared>>
        %dma_wait3A_138 = arith.constant 9760 : i32
        %dma_wait3A_139 = arith.constant 0 : i32
        %dma_wait3A_140 = tpu.memref_slice %arg18[%dma_wait3A_138, %dma_wait3A_139] : memref<10000x128xf32, #tpu.memory_space<vmem_shared>> -> memref<80x128xf32, #tpu.memory_space<vmem_shared>>
        tpu.wait_dma2 semaphore(%run_scoped3A : memref<!tpu.dma_semaphore, #tpu.memory_space<semaphore_mem>>) src(%arg17 : memref<80x128xf32, #tpu.memory_space<vmem>>) dst(%dma_wait3A_140 : memref<80x128xf32, #tpu.memory_space<vmem_shared>>)
        tpu.yield
      }) : () -> ()
      "tpu.region"() ({
        %run_scoped3A = tpu.sem_alloc : memref<!tpu.dma_semaphore, #tpu.memory_space<semaphore_mem>>
        %dma_start3A_129 = arith.constant 9840 : i32
        %dma_start3A_130 = arith.constant 0 : i32
        %dma_start3A_131 = tpu.memref_slice %arg18[%dma_start3A_129, %dma_start3A_130] : memref<10000x128xf32, #tpu.memory_space<vmem_shared>> -> memref<80x128xf32, #tpu.memory_space<vmem_shared>>
        %dma_start3A_132 = arith.constant 9840 : i32
        %dma_start3A_133 = arith.constant 0 : i32
        %dma_start3A_134 = tpu.memref_slice %arg18[%dma_start3A_132, %dma_start3A_133] : memref<10000x128xf32, #tpu.memory_space<vmem_shared>> -> memref<80x128xf32, #tpu.memory_space<vmem_shared>>
        tpu.enqueue_dma source(%arg17 : memref<80x128xf32, #tpu.memory_space<vmem>>) target(%dma_start3A_134 : memref<80x128xf32, #tpu.memory_space<vmem_shared>>) target_semaphore(%run_scoped3A : memref<!tpu.dma_semaphore, #tpu.memory_space<semaphore_mem>>)
        %dma_wait3A_135 = arith.constant 9840 : i32
        %dma_wait3A_136 = arith.constant 0 : i32
        %dma_wait3A_137 = tpu.memref_slice %arg18[%dma_wait3A_135, %dma_wait3A_136] : memref<10000x128xf32, #tpu.memory_space<vmem_shared>> -> memref<80x128xf32, #tpu.memory_space<vmem_shared>>
        %dma_wait3A_138 = arith.constant 9840 : i32
        %dma_wait3A_139 = arith.constant 0 : i32
        %dma_wait3A_140 = tpu.memref_slice %arg18[%dma_wait3A_138, %dma_wait3A_139] : memref<10000x128xf32, #tpu.memory_space<vmem_shared>> -> memref<80x128xf32, #tpu.memory_space<vmem_shared>>
        tpu.wait_dma2 semaphore(%run_scoped3A : memref<!tpu.dma_semaphore, #tpu.memory_space<semaphore_mem>>) src(%arg17 : memref<80x128xf32, #tpu.memory_space<vmem>>) dst(%dma_wait3A_140 : memref<80x128xf32, #tpu.memory_space<vmem_shared>>)
        tpu.yield
      }) : () -> ()
      "tpu.region"() ({
        %run_scoped3A = tpu.sem_alloc : memref<!tpu.dma_semaphore, #tpu.memory_space<semaphore_mem>>
        %dma_start3A_129 = arith.constant 9920 : i32
        %dma_start3A_130 = arith.constant 0 : i32
        %dma_start3A_131 = tpu.memref_slice %arg18[%dma_start3A_129, %dma_start3A_130] : memref<10000x128xf32, #tpu.memory_space<vmem_shared>> -> memref<80x128xf32, #tpu.memory_space<vmem_shared>>
        %dma_start3A_132 = arith.constant 9920 : i32
        %dma_start3A_133 = arith.constant 0 : i32
        %dma_start3A_134 = tpu.memref_slice %arg18[%dma_start3A_132, %dma_start3A_133] : memref<10000x128xf32, #tpu.memory_space<vmem_shared>> -> memref<80x128xf32, #tpu.memory_space<vmem_shared>>
        tpu.enqueue_dma source(%arg17 : memref<80x128xf32, #tpu.memory_space<vmem>>) target(%dma_start3A_134 : memref<80x128xf32, #tpu.memory_space<vmem_shared>>) target_semaphore(%run_scoped3A : memref<!tpu.dma_semaphore, #tpu.memory_space<semaphore_mem>>)
        %dma_wait3A_135 = arith.constant 9920 : i32
        %dma_wait3A_136 = arith.constant 0 : i32
        %dma_wait3A_137 = tpu.memref_slice %arg18[%dma_wait3A_135, %dma_wait3A_136] : memref<10000x128xf32, #tpu.memory_space<vmem_shared>> -> memref<80x128xf32, #tpu.memory_space<vmem_shared>>
        %dma_wait3A_138 = arith.constant 9920 : i32
        %dma_wait3A_139 = arith.constant 0 : i32
        %dma_wait3A_140 = tpu.memref_slice %arg18[%dma_wait3A_138, %dma_wait3A_139] : memref<10000x128xf32, #tpu.memory_space<vmem_shared>> -> memref<80x128xf32, #tpu.memory_space<vmem_shared>>
        tpu.wait_dma2 semaphore(%run_scoped3A : memref<!tpu.dma_semaphore, #tpu.memory_space<semaphore_mem>>) src(%arg17 : memref<80x128xf32, #tpu.memory_space<vmem>>) dst(%dma_wait3A_140 : memref<80x128xf32, #tpu.memory_space<vmem_shared>>)
        tpu.yield
      }) : () -> ()
    } else {
    }
    %barrier3A = arith.constant 0 : index
    tpu.barrier barrier_id(%barrier3A)
    %add3A_14 = arith.constant 0 : i32
    %add3A_15 = arith.addi %add3A, %add3A_14 : i32
    %multiple_of3A = tpu.assume_multiple %add3A_15, 8 : i32
    %dma_start3A = tpu.memref_slice %arg4[%multiple_of3A] : memref<320000xi32, #tpu.memory_space<hbm>> -> memref<80xi32, #tpu.memory_space<hbm>>
    %dma_start3A_16 = tpu.memref_slice %arg4[%multiple_of3A] : memref<320000xi32, #tpu.memory_space<hbm>> -> memref<80xi32, #tpu.memory_space<hbm>>
    tpu.enqueue_dma source(%dma_start3A_16 : memref<80xi32, #tpu.memory_space<hbm>>) target(%arg8 : memref<80xi32, #tpu.memory_space<vmem>>) target_semaphore(%arg19 : memref<!tpu.dma_semaphore, #tpu.memory_space<semaphore_mem>>)
    %dma_start3A_17 = tpu.memref_slice %arg5[%multiple_of3A] : memref<320000xi32, #tpu.memory_space<hbm>> -> memref<80xi32, #tpu.memory_space<hbm>>
    %dma_start3A_18 = tpu.memref_slice %arg5[%multiple_of3A] : memref<320000xi32, #tpu.memory_space<hbm>> -> memref<80xi32, #tpu.memory_space<hbm>>
    tpu.enqueue_dma source(%dma_start3A_18 : memref<80xi32, #tpu.memory_space<hbm>>) target(%arg11 : memref<80xi32, #tpu.memory_space<vmem>>) target_semaphore(%arg19 : memref<!tpu.dma_semaphore, #tpu.memory_space<semaphore_mem>>)
    %add3A_19 = arith.constant 80 : i32
    %add3A_20 = arith.addi %add3A, %add3A_19 : i32
    %multiple_of3A_21 = tpu.assume_multiple %add3A_20, 8 : i32
    %dma_start3A_22 = tpu.memref_slice %arg4[%multiple_of3A_21] : memref<320000xi32, #tpu.memory_space<hbm>> -> memref<80xi32, #tpu.memory_space<hbm>>
    %dma_start3A_23 = tpu.memref_slice %arg4[%multiple_of3A_21] : memref<320000xi32, #tpu.memory_space<hbm>> -> memref<80xi32, #tpu.memory_space<hbm>>
    tpu.enqueue_dma source(%dma_start3A_23 : memref<80xi32, #tpu.memory_space<hbm>>) target(%arg9 : memref<80xi32, #tpu.memory_space<vmem>>) target_semaphore(%arg20 : memref<!tpu.dma_semaphore, #tpu.memory_space<semaphore_mem>>)
    %dma_start3A_24 = tpu.memref_slice %arg5[%multiple_of3A_21] : memref<320000xi32, #tpu.memory_space<hbm>> -> memref<80xi32, #tpu.memory_space<hbm>>
    %dma_start3A_25 = tpu.memref_slice %arg5[%multiple_of3A_21] : memref<320000xi32, #tpu.memory_space<hbm>> -> memref<80xi32, #tpu.memory_space<hbm>>
    tpu.enqueue_dma source(%dma_start3A_25 : memref<80xi32, #tpu.memory_space<hbm>>) target(%arg12 : memref<80xi32, #tpu.memory_space<vmem>>) target_semaphore(%arg20 : memref<!tpu.dma_semaphore, #tpu.memory_space<semaphore_mem>>)
    %scan3A_26 = arith.constant 0 : i32
    %scan3A_27 = arith.constant 0 : i32
    %scan3A_28 = arith.constant 41 : i32
    %scan3A_29 = arith.addi %scan3A_27, %scan3A_28 : i32
    %scan3A_30 = arith.constant 1 : i32
    scf.for %scan3A_129 = %scan3A_27 to %scan3A_29 step %scan3A_30  : i32 {
      %dma_wait3A_130 = arith.constant 0 : i32
      %dma_wait3A_131 = tpu.memref_slice %arg4[%dma_wait3A_130] : memref<320000xi32, #tpu.memory_space<hbm>> -> memref<80xi32, #tpu.memory_space<hbm>>
      %dma_wait3A_132 = arith.constant 0 : i32
      %dma_wait3A_133 = tpu.memref_slice %arg4[%dma_wait3A_132] : memref<320000xi32, #tpu.memory_space<hbm>> -> memref<80xi32, #tpu.memory_space<hbm>>
      tpu.wait_dma2 semaphore(%arg19 : memref<!tpu.dma_semaphore, #tpu.memory_space<semaphore_mem>>) src(%dma_wait3A_133 : memref<80xi32, #tpu.memory_space<hbm>>) dst(%arg8 : memref<80xi32, #tpu.memory_space<vmem>>)
      %dma_wait3A_134 = arith.constant 0 : i32
      %dma_wait3A_135 = tpu.memref_slice %arg4[%dma_wait3A_134] : memref<320000xi32, #tpu.memory_space<hbm>> -> memref<80xi32, #tpu.memory_space<hbm>>
      %dma_wait3A_136 = arith.constant 0 : i32
      %dma_wait3A_137 = tpu.memref_slice %arg4[%dma_wait3A_136] : memref<320000xi32, #tpu.memory_space<hbm>> -> memref<80xi32, #tpu.memory_space<hbm>>
      tpu.wait_dma2 semaphore(%arg19 : memref<!tpu.dma_semaphore, #tpu.memory_space<semaphore_mem>>) src(%dma_wait3A_137 : memref<80xi32, #tpu.memory_space<hbm>>) dst(%arg11 : memref<80xi32, #tpu.memory_space<vmem>>)
      %eq3A_138 = arith.constant 0 : i32
      %eq3A_139 = arith.cmpi eq, %arg0, %eq3A_138 : i32
      %convert_element_type3A_140 = arith.extui %eq3A_139 : i1 to i32
      %cond3A_141 = arith.constant 0 : i32
      %cond3A_142 = arith.cmpi ne, %convert_element_type3A_140, %cond3A_141 : i32
      scf.if %cond3A_142 {
        %dma_start3A_257 = arith.constant 0 : i32
        %dma_start3A_258 = arith.constant 0 : i32
        %dma_start3A_259 = tpu.memref_slice %arg2[%dma_start3A_257, %dma_start3A_258] : memref<10000x128xf32, #tpu.memory_space<hbm>> -> memref<10000x128xf32, #tpu.memory_space<hbm>>
        tpu.enqueue_indirect_dma source(%dma_start3A_259 : memref<10000x128xf32, #tpu.memory_space<hbm>>) target(%arg14 : memref<80x128xf32, #tpu.memory_space<vmem>>) offsets(%arg8 : memref<80xi32, #tpu.memory_space<vmem>>) semaphore(%arg22 : memref<!tpu.dma_semaphore, #tpu.memory_space<semaphore_mem>>)
      } else {
      }
      %eq3A_143 = arith.constant 1 : i32
      %eq3A_144 = arith.cmpi eq, %arg0, %eq3A_143 : i32
      %convert_element_type3A_145 = arith.extui %eq3A_144 : i1 to i32
      %cond3A_146 = arith.constant 0 : i32
      %cond3A_147 = arith.cmpi ne, %convert_element_type3A_145, %cond3A_146 : i32
      scf.if %cond3A_147 {
        %dma_start3A_257 = arith.constant 0 : i32
        %dma_start3A_258 = arith.constant 0 : i32
        %dma_start3A_259 = tpu.memref_slice %arg3[%dma_start3A_257, %dma_start3A_258] : memref<10000x128xf32, #tpu.memory_space<hbm>> -> memref<10000x128xf32, #tpu.memory_space<hbm>>
        tpu.enqueue_indirect_dma source(%dma_start3A_259 : memref<10000x128xf32, #tpu.memory_space<hbm>>) target(%arg14 : memref<80x128xf32, #tpu.memory_space<vmem>>) offsets(%arg8 : memref<80xi32, #tpu.memory_space<vmem>>) semaphore(%arg22 : memref<!tpu.dma_semaphore, #tpu.memory_space<semaphore_mem>>)
      } else {
      }
      %gt3A = arith.constant 0 : i32
      %gt3A_148 = arith.cmpi sgt, %scan3A_129, %gt3A : i32
      %convert_element_type3A_149 = arith.extui %gt3A_148 : i1 to i32
      %cond3A_150 = arith.constant 0 : i32
      %cond3A_151 = arith.cmpi ne, %convert_element_type3A_149, %cond3A_150 : i32
      scf.if %cond3A_151 {
        %dma_wait3A_257 = arith.constant 0 : i32
        %dma_wait3A_258 = arith.constant 0 : i32
        %dma_wait3A_259 = tpu.memref_slice %arg2[%dma_wait3A_257, %dma_wait3A_258] : memref<10000x128xf32, #tpu.memory_space<hbm>> -> memref<80x128xf32, #tpu.memory_space<hbm>>
        %dma_wait3A_260 = arith.constant 0 : i32
        %dma_wait3A_261 = arith.constant 0 : i32
        %dma_wait3A_262 = tpu.memref_slice %arg2[%dma_wait3A_260, %dma_wait3A_261] : memref<10000x128xf32, #tpu.memory_space<hbm>> -> memref<80x128xf32, #tpu.memory_space<hbm>>
        tpu.wait_dma2 semaphore(%arg27 : memref<!tpu.dma_semaphore, #tpu.memory_space<semaphore_mem>>) src(%dma_wait3A_262 : memref<80x128xf32, #tpu.memory_space<hbm>>) dst(%arg16 : memref<80x128xf32, #tpu.memory_space<vmem>>)
      } else {
      }
      %mul3A_152 = arith.constant 3 : i32
      %mul3A_153 = arith.muli %mul3A_152, %scan3A_129 : i32
      %add3A_154 = arith.constant 2 : i32
      %add3A_155 = arith.addi %mul3A_153, %add3A_154 : i32
      %mul3A_156 = arith.constant 80 : i32
      %mul3A_157 = arith.muli %add3A_155, %mul3A_156 : i32
      %add3A_158 = arith.addi %add3A, %mul3A_157 : i32
      %multiple_of3A_159 = tpu.assume_multiple %add3A_158, 8 : i32
      %dma_start3A_160 = tpu.memref_slice %arg4[%multiple_of3A_159] : memref<320000xi32, #tpu.memory_space<hbm>> -> memref<80xi32, #tpu.memory_space<hbm>>
      %dma_start3A_161 = tpu.memref_slice %arg4[%multiple_of3A_159] : memref<320000xi32, #tpu.memory_space<hbm>> -> memref<80xi32, #tpu.memory_space<hbm>>
      tpu.enqueue_dma source(%dma_start3A_161 : memref<80xi32, #tpu.memory_space<hbm>>) target(%arg10 : memref<80xi32, #tpu.memory_space<vmem>>) target_semaphore(%arg21 : memref<!tpu.dma_semaphore, #tpu.memory_space<semaphore_mem>>)
      %dma_start3A_162 = tpu.memref_slice %arg5[%multiple_of3A_159] : memref<320000xi32, #tpu.memory_space<hbm>> -> memref<80xi32, #tpu.memory_space<hbm>>
      %dma_start3A_163 = tpu.memref_slice %arg5[%multiple_of3A_159] : memref<320000xi32, #tpu.memory_space<hbm>> -> memref<80xi32, #tpu.memory_space<hbm>>
      tpu.enqueue_dma source(%dma_start3A_163 : memref<80xi32, #tpu.memory_space<hbm>>) target(%arg13 : memref<80xi32, #tpu.memory_space<vmem>>) target_semaphore(%arg21 : memref<!tpu.dma_semaphore, #tpu.memory_space<semaphore_mem>>)
      %dma_wait3A_164 = arith.constant 0 : i32
      %dma_wait3A_165 = tpu.memref_slice %arg4[%dma_wait3A_164] : memref<320000xi32, #tpu.memory_space<hbm>> -> memref<80xi32, #tpu.memory_space<hbm>>
      %dma_wait3A_166 = arith.constant 0 : i32
      %dma_wait3A_167 = tpu.memref_slice %arg4[%dma_wait3A_166] : memref<320000xi32, #tpu.memory_space<hbm>> -> memref<80xi32, #tpu.memory_space<hbm>>
      tpu.wait_dma2 semaphore(%arg20 : memref<!tpu.dma_semaphore, #tpu.memory_space<semaphore_mem>>) src(%dma_wait3A_167 : memref<80xi32, #tpu.memory_space<hbm>>) dst(%arg9 : memref<80xi32, #tpu.memory_space<vmem>>)
      %dma_wait3A_168 = arith.constant 0 : i32
      %dma_wait3A_169 = tpu.memref_slice %arg4[%dma_wait3A_168] : memref<320000xi32, #tpu.memory_space<hbm>> -> memref<80xi32, #tpu.memory_space<hbm>>
      %dma_wait3A_170 = arith.constant 0 : i32
      %dma_wait3A_171 = tpu.memref_slice %arg4[%dma_wait3A_170] : memref<320000xi32, #tpu.memory_space<hbm>> -> memref<80xi32, #tpu.memory_space<hbm>>
      tpu.wait_dma2 semaphore(%arg20 : memref<!tpu.dma_semaphore, #tpu.memory_space<semaphore_mem>>) src(%dma_wait3A_171 : memref<80xi32, #tpu.memory_space<hbm>>) dst(%arg12 : memref<80xi32, #tpu.memory_space<vmem>>)
      %eq3A_172 = arith.constant 0 : i32
      %eq3A_173 = arith.cmpi eq, %arg0, %eq3A_172 : i32
      %convert_element_type3A_174 = arith.extui %eq3A_173 : i1 to i32
      %cond3A_175 = arith.constant 0 : i32
      %cond3A_176 = arith.cmpi ne, %convert_element_type3A_174, %cond3A_175 : i32
      scf.if %cond3A_176 {
        %dma_start3A_257 = arith.constant 0 : i32
        %dma_start3A_258 = arith.constant 0 : i32
        %dma_start3A_259 = tpu.memref_slice %arg2[%dma_start3A_257, %dma_start3A_258] : memref<10000x128xf32, #tpu.memory_space<hbm>> -> memref<10000x128xf32, #tpu.memory_space<hbm>>
        tpu.enqueue_indirect_dma source(%dma_start3A_259 : memref<10000x128xf32, #tpu.memory_space<hbm>>) target(%arg15 : memref<80x128xf32, #tpu.memory_space<vmem>>) offsets(%arg9 : memref<80xi32, #tpu.memory_space<vmem>>) semaphore(%arg23 : memref<!tpu.dma_semaphore, #tpu.memory_space<semaphore_mem>>)
      } else {
      }
      %eq3A_177 = arith.constant 1 : i32
      %eq3A_178 = arith.cmpi eq, %arg0, %eq3A_177 : i32
      %convert_element_type3A_179 = arith.extui %eq3A_178 : i1 to i32
      %cond3A_180 = arith.constant 0 : i32
      %cond3A_181 = arith.cmpi ne, %convert_element_type3A_179, %cond3A_180 : i32
      scf.if %cond3A_181 {
        %dma_start3A_257 = arith.constant 0 : i32
        %dma_start3A_258 = arith.constant 0 : i32
        %dma_start3A_259 = tpu.memref_slice %arg3[%dma_start3A_257, %dma_start3A_258] : memref<10000x128xf32, #tpu.memory_space<hbm>> -> memref<10000x128xf32, #tpu.memory_space<hbm>>
        tpu.enqueue_indirect_dma source(%dma_start3A_259 : memref<10000x128xf32, #tpu.memory_space<hbm>>) target(%arg15 : memref<80x128xf32, #tpu.memory_space<vmem>>) offsets(%arg9 : memref<80xi32, #tpu.memory_space<vmem>>) semaphore(%arg23 : memref<!tpu.dma_semaphore, #tpu.memory_space<semaphore_mem>>)
      } else {
      }
      %dma_wait3A_182 = arith.constant 0 : i32
      %dma_wait3A_183 = arith.constant 0 : i32
      %dma_wait3A_184 = tpu.memref_slice %arg2[%dma_wait3A_182, %dma_wait3A_183] : memref<10000x128xf32, #tpu.memory_space<hbm>> -> memref<80x128xf32, #tpu.memory_space<hbm>>
      %dma_wait3A_185 = arith.constant 0 : i32
      %dma_wait3A_186 = arith.constant 0 : i32
      %dma_wait3A_187 = tpu.memref_slice %arg2[%dma_wait3A_185, %dma_wait3A_186] : memref<10000x128xf32, #tpu.memory_space<hbm>> -> memref<80x128xf32, #tpu.memory_space<hbm>>
      tpu.wait_dma2 semaphore(%arg22 : memref<!tpu.dma_semaphore, #tpu.memory_space<semaphore_mem>>) src(%dma_wait3A_187 : memref<80x128xf32, #tpu.memory_space<hbm>>) dst(%arg14 : memref<80x128xf32, #tpu.memory_space<vmem>>)
      %dma_start3A_188 = arith.constant 0 : i32
      %dma_start3A_189 = arith.constant 0 : i32
      %dma_start3A_190 = tpu.memref_slice %arg18[%dma_start3A_188, %dma_start3A_189] : memref<10000x128xf32, #tpu.memory_space<vmem_shared>> -> memref<10000x128xf32, #tpu.memory_space<vmem_shared>>
      tpu.enqueue_indirect_dma source(%arg14 : memref<80x128xf32, #tpu.memory_space<vmem>>) target(%dma_start3A_190 : memref<10000x128xf32, #tpu.memory_space<vmem_shared>>) offsets(%arg11 : memref<80xi32, #tpu.memory_space<vmem>>) semaphore(%arg25 : memref<!tpu.dma_semaphore, #tpu.memory_space<semaphore_mem>>) {add = true}
      %dma_wait3A_191 = arith.constant 0 : i32
      %dma_wait3A_192 = tpu.memref_slice %arg4[%dma_wait3A_191] : memref<320000xi32, #tpu.memory_space<hbm>> -> memref<80xi32, #tpu.memory_space<hbm>>
      %dma_wait3A_193 = arith.constant 0 : i32
      %dma_wait3A_194 = tpu.memref_slice %arg4[%dma_wait3A_193] : memref<320000xi32, #tpu.memory_space<hbm>> -> memref<80xi32, #tpu.memory_space<hbm>>
      tpu.wait_dma2 semaphore(%arg21 : memref<!tpu.dma_semaphore, #tpu.memory_space<semaphore_mem>>) src(%dma_wait3A_194 : memref<80xi32, #tpu.memory_space<hbm>>) dst(%arg10 : memref<80xi32, #tpu.memory_space<vmem>>)
      %dma_wait3A_195 = arith.constant 0 : i32
      %dma_wait3A_196 = tpu.memref_slice %arg4[%dma_wait3A_195] : memref<320000xi32, #tpu.memory_space<hbm>> -> memref<80xi32, #tpu.memory_space<hbm>>
      %dma_wait3A_197 = arith.constant 0 : i32
      %dma_wait3A_198 = tpu.memref_slice %arg4[%dma_wait3A_197] : memref<320000xi32, #tpu.memory_space<hbm>> -> memref<80xi32, #tpu.memory_space<hbm>>
      tpu.wait_dma2 semaphore(%arg21 : memref<!tpu.dma_semaphore, #tpu.memory_space<semaphore_mem>>) src(%dma_wait3A_198 : memref<80xi32, #tpu.memory_space<hbm>>) dst(%arg13 : memref<80xi32, #tpu.memory_space<vmem>>)
      %eq3A_199 = arith.constant 0 : i32
      %eq3A_200 = arith.cmpi eq, %arg0, %eq3A_199 : i32
      %convert_element_type3A_201 = arith.extui %eq3A_200 : i1 to i32
      %cond3A_202 = arith.constant 0 : i32
      %cond3A_203 = arith.cmpi ne, %convert_element_type3A_201, %cond3A_202 : i32
      scf.if %cond3A_203 {
        %dma_start3A_257 = arith.constant 0 : i32
        %dma_start3A_258 = arith.constant 0 : i32
        %dma_start3A_259 = tpu.memref_slice %arg2[%dma_start3A_257, %dma_start3A_258] : memref<10000x128xf32, #tpu.memory_space<hbm>> -> memref<10000x128xf32, #tpu.memory_space<hbm>>
        tpu.enqueue_indirect_dma source(%dma_start3A_259 : memref<10000x128xf32, #tpu.memory_space<hbm>>) target(%arg16 : memref<80x128xf32, #tpu.memory_space<vmem>>) offsets(%arg10 : memref<80xi32, #tpu.memory_space<vmem>>) semaphore(%arg24 : memref<!tpu.dma_semaphore, #tpu.memory_space<semaphore_mem>>)
      } else {
      }
      %eq3A_204 = arith.constant 1 : i32
      %eq3A_205 = arith.cmpi eq, %arg0, %eq3A_204 : i32
      %convert_element_type3A_206 = arith.extui %eq3A_205 : i1 to i32
      %cond3A_207 = arith.constant 0 : i32
      %cond3A_208 = arith.cmpi ne, %convert_element_type3A_206, %cond3A_207 : i32
      scf.if %cond3A_208 {
        %dma_start3A_257 = arith.constant 0 : i32
        %dma_start3A_258 = arith.constant 0 : i32
        %dma_start3A_259 = tpu.memref_slice %arg3[%dma_start3A_257, %dma_start3A_258] : memref<10000x128xf32, #tpu.memory_space<hbm>> -> memref<10000x128xf32, #tpu.memory_space<hbm>>
        tpu.enqueue_indirect_dma source(%dma_start3A_259 : memref<10000x128xf32, #tpu.memory_space<hbm>>) target(%arg16 : memref<80x128xf32, #tpu.memory_space<vmem>>) offsets(%arg10 : memref<80xi32, #tpu.memory_space<vmem>>) semaphore(%arg24 : memref<!tpu.dma_semaphore, #tpu.memory_space<semaphore_mem>>)
      } else {
      }
      %dma_wait3A_209 = arith.constant 0 : i32
      %dma_wait3A_210 = arith.constant 0 : i32
      %dma_wait3A_211 = tpu.memref_slice %arg2[%dma_wait3A_209, %dma_wait3A_210] : memref<10000x128xf32, #tpu.memory_space<hbm>> -> memref<80x128xf32, #tpu.memory_space<hbm>>
      %dma_wait3A_212 = arith.constant 0 : i32
      %dma_wait3A_213 = arith.constant 0 : i32
      %dma_wait3A_214 = tpu.memref_slice %arg2[%dma_wait3A_212, %dma_wait3A_213] : memref<10000x128xf32, #tpu.memory_space<hbm>> -> memref<80x128xf32, #tpu.memory_space<hbm>>
      tpu.wait_dma2 semaphore(%arg23 : memref<!tpu.dma_semaphore, #tpu.memory_space<semaphore_mem>>) src(%dma_wait3A_214 : memref<80x128xf32, #tpu.memory_space<hbm>>) dst(%arg15 : memref<80x128xf32, #tpu.memory_space<vmem>>)
      %dma_start3A_215 = arith.constant 0 : i32
      %dma_start3A_216 = arith.constant 0 : i32
      %dma_start3A_217 = tpu.memref_slice %arg18[%dma_start3A_215, %dma_start3A_216] : memref<10000x128xf32, #tpu.memory_space<vmem_shared>> -> memref<10000x128xf32, #tpu.memory_space<vmem_shared>>
      tpu.enqueue_indirect_dma source(%arg15 : memref<80x128xf32, #tpu.memory_space<vmem>>) target(%dma_start3A_217 : memref<10000x128xf32, #tpu.memory_space<vmem_shared>>) offsets(%arg12 : memref<80xi32, #tpu.memory_space<vmem>>) semaphore(%arg26 : memref<!tpu.dma_semaphore, #tpu.memory_space<semaphore_mem>>) {add = true}
      %dma_wait3A_218 = arith.constant 0 : i32
      %dma_wait3A_219 = arith.constant 0 : i32
      %dma_wait3A_220 = tpu.memref_slice %arg18[%dma_wait3A_218, %dma_wait3A_219] : memref<10000x128xf32, #tpu.memory_space<vmem_shared>> -> memref<10000x128xf32, #tpu.memory_space<vmem_shared>>
      tpu.wait_indirect_dma semaphore(%arg25 : memref<!tpu.dma_semaphore, #tpu.memory_space<semaphore_mem>>) src(%arg14 : memref<80x128xf32, #tpu.memory_space<vmem>>) dst(%dma_wait3A_220 : memref<10000x128xf32, #tpu.memory_space<vmem_shared>>)
      %mul3A_221 = arith.constant 3 : i32
      %mul3A_222 = arith.muli %mul3A_221, %scan3A_129 : i32
      %add3A_223 = arith.constant 3 : i32
      %add3A_224 = arith.addi %mul3A_222, %add3A_223 : i32
      %mul3A_225 = arith.constant 80 : i32
      %mul3A_226 = arith.muli %add3A_224, %mul3A_225 : i32
      %add3A_227 = arith.addi %add3A, %mul3A_226 : i32
      %multiple_of3A_228 = tpu.assume_multiple %add3A_227, 8 : i32
      %dma_start3A_229 = tpu.memref_slice %arg4[%multiple_of3A_228] : memref<320000xi32, #tpu.memory_space<hbm>> -> memref<80xi32, #tpu.memory_space<hbm>>
      %dma_start3A_230 = tpu.memref_slice %arg4[%multiple_of3A_228] : memref<320000xi32, #tpu.memory_space<hbm>> -> memref<80xi32, #tpu.memory_space<hbm>>
      tpu.enqueue_dma source(%dma_start3A_230 : memref<80xi32, #tpu.memory_space<hbm>>) target(%arg8 : memref<80xi32, #tpu.memory_space<vmem>>) target_semaphore(%arg19 : memref<!tpu.dma_semaphore, #tpu.memory_space<semaphore_mem>>)
      %dma_start3A_231 = tpu.memref_slice %arg5[%multiple_of3A_228] : memref<320000xi32, #tpu.memory_space<hbm>> -> memref<80xi32, #tpu.memory_space<hbm>>
      %dma_start3A_232 = tpu.memref_slice %arg5[%multiple_of3A_228] : memref<320000xi32, #tpu.memory_space<hbm>> -> memref<80xi32, #tpu.memory_space<hbm>>
      tpu.enqueue_dma source(%dma_start3A_232 : memref<80xi32, #tpu.memory_space<hbm>>) target(%arg11 : memref<80xi32, #tpu.memory_space<vmem>>) target_semaphore(%arg19 : memref<!tpu.dma_semaphore, #tpu.memory_space<semaphore_mem>>)
      %dma_wait3A_233 = arith.constant 0 : i32
      %dma_wait3A_234 = arith.constant 0 : i32
      %dma_wait3A_235 = tpu.memref_slice %arg2[%dma_wait3A_233, %dma_wait3A_234] : memref<10000x128xf32, #tpu.memory_space<hbm>> -> memref<80x128xf32, #tpu.memory_space<hbm>>
      %dma_wait3A_236 = arith.constant 0 : i32
      %dma_wait3A_237 = arith.constant 0 : i32
      %dma_wait3A_238 = tpu.memref_slice %arg2[%dma_wait3A_236, %dma_wait3A_237] : memref<10000x128xf32, #tpu.memory_space<hbm>> -> memref<80x128xf32, #tpu.memory_space<hbm>>
      tpu.wait_dma2 semaphore(%arg24 : memref<!tpu.dma_semaphore, #tpu.memory_space<semaphore_mem>>) src(%dma_wait3A_238 : memref<80x128xf32, #tpu.memory_space<hbm>>) dst(%arg16 : memref<80x128xf32, #tpu.memory_space<vmem>>)
      %dma_wait3A_239 = arith.constant 0 : i32
      %dma_wait3A_240 = arith.constant 0 : i32
      %dma_wait3A_241 = tpu.memref_slice %arg18[%dma_wait3A_239, %dma_wait3A_240] : memref<10000x128xf32, #tpu.memory_space<vmem_shared>> -> memref<10000x128xf32, #tpu.memory_space<vmem_shared>>
      tpu.wait_indirect_dma semaphore(%arg26 : memref<!tpu.dma_semaphore, #tpu.memory_space<semaphore_mem>>) src(%arg15 : memref<80x128xf32, #tpu.memory_space<vmem>>) dst(%dma_wait3A_241 : memref<10000x128xf32, #tpu.memory_space<vmem_shared>>)
      %mul3A_242 = arith.constant 3 : i32
      %mul3A_243 = arith.muli %mul3A_242, %scan3A_129 : i32
      %add3A_244 = arith.constant 4 : i32
      %add3A_245 = arith.addi %mul3A_243, %add3A_244 : i32
      %mul3A_246 = arith.constant 80 : i32
      %mul3A_247 = arith.muli %add3A_245, %mul3A_246 : i32
      %add3A_248 = arith.addi %add3A, %mul3A_247 : i32
      %multiple_of3A_249 = tpu.assume_multiple %add3A_248, 8 : i32
      %dma_start3A_250 = tpu.memref_slice %arg4[%multiple_of3A_249] : memref<320000xi32, #tpu.memory_space<hbm>> -> memref<80xi32, #tpu.memory_space<hbm>>
      %dma_start3A_251 = tpu.memref_slice %arg4[%multiple_of3A_249] : memref<320000xi32, #tpu.memory_space<hbm>> -> memref<80xi32, #tpu.memory_space<hbm>>
      tpu.enqueue_dma source(%dma_start3A_251 : memref<80xi32, #tpu.memory_space<hbm>>) target(%arg9 : memref<80xi32, #tpu.memory_space<vmem>>) target_semaphore(%arg20 : memref<!tpu.dma_semaphore, #tpu.memory_space<semaphore_mem>>)
      %dma_start3A_252 = tpu.memref_slice %arg5[%multiple_of3A_249] : memref<320000xi32, #tpu.memory_space<hbm>> -> memref<80xi32, #tpu.memory_space<hbm>>
      %dma_start3A_253 = tpu.memref_slice %arg5[%multiple_of3A_249] : memref<320000xi32, #tpu.memory_space<hbm>> -> memref<80xi32, #tpu.memory_space<hbm>>
      tpu.enqueue_dma source(%dma_start3A_253 : memref<80xi32, #tpu.memory_space<hbm>>) target(%arg12 : memref<80xi32, #tpu.memory_space<vmem>>) target_semaphore(%arg20 : memref<!tpu.dma_semaphore, #tpu.memory_space<semaphore_mem>>)
      %dma_start3A_254 = arith.constant 0 : i32
      %dma_start3A_255 = arith.constant 0 : i32
      %dma_start3A_256 = tpu.memref_slice %arg18[%dma_start3A_254, %dma_start3A_255] : memref<10000x128xf32, #tpu.memory_space<vmem_shared>> -> memref<10000x128xf32, #tpu.memory_space<vmem_shared>>
      tpu.enqueue_indirect_dma source(%arg16 : memref<80x128xf32, #tpu.memory_space<vmem>>) target(%dma_start3A_256 : memref<10000x128xf32, #tpu.memory_space<vmem_shared>>) offsets(%arg13 : memref<80xi32, #tpu.memory_space<vmem>>) semaphore(%arg27 : memref<!tpu.dma_semaphore, #tpu.memory_space<semaphore_mem>>) {add = true}
    }
    %scan3A_31 = arith.constant 41 : i32
    %dma_wait3A = arith.constant 0 : i32
    %dma_wait3A_32 = arith.constant 0 : i32
    %dma_wait3A_33 = tpu.memref_slice %arg2[%dma_wait3A, %dma_wait3A_32] : memref<10000x128xf32, #tpu.memory_space<hbm>> -> memref<80x128xf32, #tpu.memory_space<hbm>>
    %dma_wait3A_34 = arith.constant 0 : i32
    %dma_wait3A_35 = arith.constant 0 : i32
    %dma_wait3A_36 = tpu.memref_slice %arg2[%dma_wait3A_34, %dma_wait3A_35] : memref<10000x128xf32, #tpu.memory_space<hbm>> -> memref<80x128xf32, #tpu.memory_space<hbm>>
    tpu.wait_dma2 semaphore(%arg27 : memref<!tpu.dma_semaphore, #tpu.memory_space<semaphore_mem>>) src(%dma_wait3A_36 : memref<80x128xf32, #tpu.memory_space<hbm>>) dst(%arg16 : memref<80x128xf32, #tpu.memory_space<vmem>>)
    %dma_wait3A_37 = arith.constant 0 : i32
    %dma_wait3A_38 = tpu.memref_slice %arg4[%dma_wait3A_37] : memref<320000xi32, #tpu.memory_space<hbm>> -> memref<80xi32, #tpu.memory_space<hbm>>
    %dma_wait3A_39 = arith.constant 0 : i32
    %dma_wait3A_40 = tpu.memref_slice %arg4[%dma_wait3A_39] : memref<320000xi32, #tpu.memory_space<hbm>> -> memref<80xi32, #tpu.memory_space<hbm>>
    tpu.wait_dma2 semaphore(%arg19 : memref<!tpu.dma_semaphore, #tpu.memory_space<semaphore_mem>>) src(%dma_wait3A_40 : memref<80xi32, #tpu.memory_space<hbm>>) dst(%arg8 : memref<80xi32, #tpu.memory_space<vmem>>)
    %dma_wait3A_41 = arith.constant 0 : i32
    %dma_wait3A_42 = tpu.memref_slice %arg4[%dma_wait3A_41] : memref<320000xi32, #tpu.memory_space<hbm>> -> memref<80xi32, #tpu.memory_space<hbm>>
    %dma_wait3A_43 = arith.constant 0 : i32
    %dma_wait3A_44 = tpu.memref_slice %arg4[%dma_wait3A_43] : memref<320000xi32, #tpu.memory_space<hbm>> -> memref<80xi32, #tpu.memory_space<hbm>>
    tpu.wait_dma2 semaphore(%arg19 : memref<!tpu.dma_semaphore, #tpu.memory_space<semaphore_mem>>) src(%dma_wait3A_44 : memref<80xi32, #tpu.memory_space<hbm>>) dst(%arg11 : memref<80xi32, #tpu.memory_space<vmem>>)
    %eq3A_45 = arith.constant 0 : i32
    %eq3A_46 = arith.cmpi eq, %arg0, %eq3A_45 : i32
    %convert_element_type3A_47 = arith.extui %eq3A_46 : i1 to i32
    %cond3A_48 = arith.constant 0 : i32
    %cond3A_49 = arith.cmpi ne, %convert_element_type3A_47, %cond3A_48 : i32
    scf.if %cond3A_49 {
      %dma_start3A_129 = arith.constant 0 : i32
      %dma_start3A_130 = arith.constant 0 : i32
      %dma_start3A_131 = tpu.memref_slice %arg2[%dma_start3A_129, %dma_start3A_130] : memref<10000x128xf32, #tpu.memory_space<hbm>> -> memref<10000x128xf32, #tpu.memory_space<hbm>>
      tpu.enqueue_indirect_dma source(%dma_start3A_131 : memref<10000x128xf32, #tpu.memory_space<hbm>>) target(%arg14 : memref<80x128xf32, #tpu.memory_space<vmem>>) offsets(%arg8 : memref<80xi32, #tpu.memory_space<vmem>>) semaphore(%arg22 : memref<!tpu.dma_semaphore, #tpu.memory_space<semaphore_mem>>)
    } else {
    }
    %eq3A_50 = arith.constant 1 : i32
    %eq3A_51 = arith.cmpi eq, %arg0, %eq3A_50 : i32
    %convert_element_type3A_52 = arith.extui %eq3A_51 : i1 to i32
    %cond3A_53 = arith.constant 0 : i32
    %cond3A_54 = arith.cmpi ne, %convert_element_type3A_52, %cond3A_53 : i32
    scf.if %cond3A_54 {
      %dma_start3A_129 = arith.constant 0 : i32
      %dma_start3A_130 = arith.constant 0 : i32
      %dma_start3A_131 = tpu.memref_slice %arg3[%dma_start3A_129, %dma_start3A_130] : memref<10000x128xf32, #tpu.memory_space<hbm>> -> memref<10000x128xf32, #tpu.memory_space<hbm>>
      tpu.enqueue_indirect_dma source(%dma_start3A_131 : memref<10000x128xf32, #tpu.memory_space<hbm>>) target(%arg14 : memref<80x128xf32, #tpu.memory_space<vmem>>) offsets(%arg8 : memref<80xi32, #tpu.memory_space<vmem>>) semaphore(%arg22 : memref<!tpu.dma_semaphore, #tpu.memory_space<semaphore_mem>>)
    } else {
    }
    %dma_wait3A_55 = arith.constant 0 : i32
    %dma_wait3A_56 = arith.constant 0 : i32
    %dma_wait3A_57 = tpu.memref_slice %arg2[%dma_wait3A_55, %dma_wait3A_56] : memref<10000x128xf32, #tpu.memory_space<hbm>> -> memref<80x128xf32, #tpu.memory_space<hbm>>
    %dma_wait3A_58 = arith.constant 0 : i32
    %dma_wait3A_59 = arith.constant 0 : i32
    %dma_wait3A_60 = tpu.memref_slice %arg2[%dma_wait3A_58, %dma_wait3A_59] : memref<10000x128xf32, #tpu.memory_space<hbm>> -> memref<80x128xf32, #tpu.memory_space<hbm>>
    tpu.wait_dma2 semaphore(%arg22 : memref<!tpu.dma_semaphore, #tpu.memory_space<semaphore_mem>>) src(%dma_wait3A_60 : memref<80x128xf32, #tpu.memory_space<hbm>>) dst(%arg14 : memref<80x128xf32, #tpu.memory_space<vmem>>)
    %dma_start3A_61 = arith.constant 0 : i32
    %dma_start3A_62 = arith.constant 0 : i32
    %dma_start3A_63 = tpu.memref_slice %arg18[%dma_start3A_61, %dma_start3A_62] : memref<10000x128xf32, #tpu.memory_space<vmem_shared>> -> memref<10000x128xf32, #tpu.memory_space<vmem_shared>>
    tpu.enqueue_indirect_dma source(%arg14 : memref<80x128xf32, #tpu.memory_space<vmem>>) target(%dma_start3A_63 : memref<10000x128xf32, #tpu.memory_space<vmem_shared>>) offsets(%arg11 : memref<80xi32, #tpu.memory_space<vmem>>) semaphore(%arg25 : memref<!tpu.dma_semaphore, #tpu.memory_space<semaphore_mem>>) {add = true}
    %dma_wait3A_64 = arith.constant 0 : i32
    %dma_wait3A_65 = arith.constant 0 : i32
    %dma_wait3A_66 = tpu.memref_slice %arg18[%dma_wait3A_64, %dma_wait3A_65] : memref<10000x128xf32, #tpu.memory_space<vmem_shared>> -> memref<10000x128xf32, #tpu.memory_space<vmem_shared>>
    tpu.wait_indirect_dma semaphore(%arg25 : memref<!tpu.dma_semaphore, #tpu.memory_space<semaphore_mem>>) src(%arg14 : memref<80x128xf32, #tpu.memory_space<vmem>>) dst(%dma_wait3A_66 : memref<10000x128xf32, #tpu.memory_space<vmem_shared>>)
    %dma_wait3A_67 = arith.constant 0 : i32
    %dma_wait3A_68 = tpu.memref_slice %arg4[%dma_wait3A_67] : memref<320000xi32, #tpu.memory_space<hbm>> -> memref<80xi32, #tpu.memory_space<hbm>>
    %dma_wait3A_69 = arith.constant 0 : i32
    %dma_wait3A_70 = tpu.memref_slice %arg4[%dma_wait3A_69] : memref<320000xi32, #tpu.memory_space<hbm>> -> memref<80xi32, #tpu.memory_space<hbm>>
    tpu.wait_dma2 semaphore(%arg20 : memref<!tpu.dma_semaphore, #tpu.memory_space<semaphore_mem>>) src(%dma_wait3A_70 : memref<80xi32, #tpu.memory_space<hbm>>) dst(%arg9 : memref<80xi32, #tpu.memory_space<vmem>>)
    %dma_wait3A_71 = arith.constant 0 : i32
    %dma_wait3A_72 = tpu.memref_slice %arg4[%dma_wait3A_71] : memref<320000xi32, #tpu.memory_space<hbm>> -> memref<80xi32, #tpu.memory_space<hbm>>
    %dma_wait3A_73 = arith.constant 0 : i32
    %dma_wait3A_74 = tpu.memref_slice %arg4[%dma_wait3A_73] : memref<320000xi32, #tpu.memory_space<hbm>> -> memref<80xi32, #tpu.memory_space<hbm>>
    tpu.wait_dma2 semaphore(%arg20 : memref<!tpu.dma_semaphore, #tpu.memory_space<semaphore_mem>>) src(%dma_wait3A_74 : memref<80xi32, #tpu.memory_space<hbm>>) dst(%arg12 : memref<80xi32, #tpu.memory_space<vmem>>)
    %eq3A_75 = arith.constant 0 : i32
    %eq3A_76 = arith.cmpi eq, %arg0, %eq3A_75 : i32
    %convert_element_type3A_77 = arith.extui %eq3A_76 : i1 to i32
    %cond3A_78 = arith.constant 0 : i32
    %cond3A_79 = arith.cmpi ne, %convert_element_type3A_77, %cond3A_78 : i32
    scf.if %cond3A_79 {
      %dma_start3A_129 = arith.constant 0 : i32
      %dma_start3A_130 = arith.constant 0 : i32
      %dma_start3A_131 = tpu.memref_slice %arg2[%dma_start3A_129, %dma_start3A_130] : memref<10000x128xf32, #tpu.memory_space<hbm>> -> memref<10000x128xf32, #tpu.memory_space<hbm>>
      tpu.enqueue_indirect_dma source(%dma_start3A_131 : memref<10000x128xf32, #tpu.memory_space<hbm>>) target(%arg15 : memref<80x128xf32, #tpu.memory_space<vmem>>) offsets(%arg9 : memref<80xi32, #tpu.memory_space<vmem>>) semaphore(%arg23 : memref<!tpu.dma_semaphore, #tpu.memory_space<semaphore_mem>>)
    } else {
    }
    %eq3A_80 = arith.constant 1 : i32
    %eq3A_81 = arith.cmpi eq, %arg0, %eq3A_80 : i32
    %convert_element_type3A_82 = arith.extui %eq3A_81 : i1 to i32
    %cond3A_83 = arith.constant 0 : i32
    %cond3A_84 = arith.cmpi ne, %convert_element_type3A_82, %cond3A_83 : i32
    scf.if %cond3A_84 {
      %dma_start3A_129 = arith.constant 0 : i32
      %dma_start3A_130 = arith.constant 0 : i32
      %dma_start3A_131 = tpu.memref_slice %arg3[%dma_start3A_129, %dma_start3A_130] : memref<10000x128xf32, #tpu.memory_space<hbm>> -> memref<10000x128xf32, #tpu.memory_space<hbm>>
      tpu.enqueue_indirect_dma source(%dma_start3A_131 : memref<10000x128xf32, #tpu.memory_space<hbm>>) target(%arg15 : memref<80x128xf32, #tpu.memory_space<vmem>>) offsets(%arg9 : memref<80xi32, #tpu.memory_space<vmem>>) semaphore(%arg23 : memref<!tpu.dma_semaphore, #tpu.memory_space<semaphore_mem>>)
    } else {
    }
    %dma_wait3A_85 = arith.constant 0 : i32
    %dma_wait3A_86 = arith.constant 0 : i32
    %dma_wait3A_87 = tpu.memref_slice %arg2[%dma_wait3A_85, %dma_wait3A_86] : memref<10000x128xf32, #tpu.memory_space<hbm>> -> memref<80x128xf32, #tpu.memory_space<hbm>>
    %dma_wait3A_88 = arith.constant 0 : i32
    %dma_wait3A_89 = arith.constant 0 : i32
    %dma_wait3A_90 = tpu.memref_slice %arg2[%dma_wait3A_88, %dma_wait3A_89] : memref<10000x128xf32, #tpu.memory_space<hbm>> -> memref<80x128xf32, #tpu.memory_space<hbm>>
    tpu.wait_dma2 semaphore(%arg23 : memref<!tpu.dma_semaphore, #tpu.memory_space<semaphore_mem>>) src(%dma_wait3A_90 : memref<80x128xf32, #tpu.memory_space<hbm>>) dst(%arg15 : memref<80x128xf32, #tpu.memory_space<vmem>>)
    %dma_start3A_91 = arith.constant 0 : i32
    %dma_start3A_92 = arith.constant 0 : i32
    %dma_start3A_93 = tpu.memref_slice %arg18[%dma_start3A_91, %dma_start3A_92] : memref<10000x128xf32, #tpu.memory_space<vmem_shared>> -> memref<10000x128xf32, #tpu.memory_space<vmem_shared>>
    tpu.enqueue_indirect_dma source(%arg15 : memref<80x128xf32, #tpu.memory_space<vmem>>) target(%dma_start3A_93 : memref<10000x128xf32, #tpu.memory_space<vmem_shared>>) offsets(%arg12 : memref<80xi32, #tpu.memory_space<vmem>>) semaphore(%arg26 : memref<!tpu.dma_semaphore, #tpu.memory_space<semaphore_mem>>) {add = true}
    %dma_wait3A_94 = arith.constant 0 : i32
    %dma_wait3A_95 = arith.constant 0 : i32
    %dma_wait3A_96 = tpu.memref_slice %arg18[%dma_wait3A_94, %dma_wait3A_95] : memref<10000x128xf32, #tpu.memory_space<vmem_shared>> -> memref<10000x128xf32, #tpu.memory_space<vmem_shared>>
    tpu.wait_indirect_dma semaphore(%arg26 : memref<!tpu.dma_semaphore, #tpu.memory_space<semaphore_mem>>) src(%arg15 : memref<80x128xf32, #tpu.memory_space<vmem>>) dst(%dma_wait3A_96 : memref<10000x128xf32, #tpu.memory_space<vmem_shared>>)
    %barrier3A_97 = arith.constant 0 : index
    tpu.barrier barrier_id(%barrier3A_97)
    %eq3A_98 = arith.constant 0 : i32
    %eq3A_99 = arith.cmpi eq, %arg0, %eq3A_98 : i32
    %lt3A_100 = arith.constant 15 : i32
    %lt3A_101 = arith.cmpi slt, %arg1, %lt3A_100 : i32
    %and3A = arith.andi %eq3A_99, %lt3A_101 : i1
    %convert_element_type3A_102 = arith.extui %and3A : i1 to i32
    %cond3A_103 = arith.constant 0 : i32
    %cond3A_104 = arith.cmpi ne, %convert_element_type3A_102, %cond3A_103 : i32
    scf.if %cond3A_104 {
      %mul3A_129 = arith.constant 640 : i32
      %mul3A_130 = arith.muli %arg1, %mul3A_129 : i32
      %mul3A_131 = arith.constant 640 : i32
      %mul3A_132 = arith.muli %arg1, %mul3A_131 : i32
      "tpu.region"() ({
        %run_scoped3A = tpu.sem_alloc : memref<!tpu.dma_semaphore, #tpu.memory_space<semaphore_mem>>
        %dma_start3A_133 = arith.constant 0 : i32
        %dma_start3A_134 = tpu.memref_slice %arg6[%mul3A_132, %dma_start3A_133] : memref<10000x128xf32, #tpu.memory_space<hbm>> -> memref<640x128xf32, #tpu.memory_space<hbm>>
        %dma_start3A_135 = arith.constant 0 : i32
        %dma_start3A_136 = tpu.memref_slice %arg18[%mul3A_130, %dma_start3A_135] : memref<10000x128xf32, #tpu.memory_space<vmem_shared>> -> memref<640x128xf32, #tpu.memory_space<vmem_shared>>
        tpu.enqueue_dma source(%dma_start3A_136 : memref<640x128xf32, #tpu.memory_space<vmem_shared>>) target(%dma_start3A_134 : memref<640x128xf32, #tpu.memory_space<hbm>>) target_semaphore(%run_scoped3A : memref<!tpu.dma_semaphore, #tpu.memory_space<semaphore_mem>>)
        %dma_wait3A_137 = arith.constant 0 : i32
        %dma_wait3A_138 = tpu.memref_slice %arg6[%mul3A_132, %dma_wait3A_137] : memref<10000x128xf32, #tpu.memory_space<hbm>> -> memref<640x128xf32, #tpu.memory_space<hbm>>
        %dma_wait3A_139 = arith.constant 0 : i32
        %dma_wait3A_140 = tpu.memref_slice %arg18[%mul3A_130, %dma_wait3A_139] : memref<10000x128xf32, #tpu.memory_space<vmem_shared>> -> memref<640x128xf32, #tpu.memory_space<vmem_shared>>
        tpu.wait_dma2 semaphore(%run_scoped3A : memref<!tpu.dma_semaphore, #tpu.memory_space<semaphore_mem>>) src(%dma_wait3A_140 : memref<640x128xf32, #tpu.memory_space<vmem_shared>>) dst(%dma_wait3A_138 : memref<640x128xf32, #tpu.memory_space<hbm>>)
        tpu.yield
      }) : () -> ()
    } else {
    }
    %eq3A_105 = arith.constant 0 : i32
    %eq3A_106 = arith.cmpi eq, %arg0, %eq3A_105 : i32
    %eq3A_107 = arith.constant 15 : i32
    %eq3A_108 = arith.cmpi eq, %arg1, %eq3A_107 : i32
    %and3A_109 = arith.andi %eq3A_106, %eq3A_108 : i1
    %convert_element_type3A_110 = arith.extui %and3A_109 : i1 to i32
    %cond3A_111 = arith.constant 0 : i32
    %cond3A_112 = arith.cmpi ne, %convert_element_type3A_110, %cond3A_111 : i32
    scf.if %cond3A_112 {
      "tpu.region"() ({
        %run_scoped3A = tpu.sem_alloc : memref<!tpu.dma_semaphore, #tpu.memory_space<semaphore_mem>>
        %dma_start3A_129 = arith.constant 9600 : i32
        %dma_start3A_130 = arith.constant 0 : i32
        %dma_start3A_131 = tpu.memref_slice %arg6[%dma_start3A_129, %dma_start3A_130] : memref<10000x128xf32, #tpu.memory_space<hbm>> -> memref<400x128xf32, #tpu.memory_space<hbm>>
        %dma_start3A_132 = arith.constant 9600 : i32
        %dma_start3A_133 = arith.constant 0 : i32
        %dma_start3A_134 = tpu.memref_slice %arg18[%dma_start3A_132, %dma_start3A_133] : memref<10000x128xf32, #tpu.memory_space<vmem_shared>> -> memref<400x128xf32, #tpu.memory_space<vmem_shared>>
        tpu.enqueue_dma source(%dma_start3A_134 : memref<400x128xf32, #tpu.memory_space<vmem_shared>>) target(%dma_start3A_131 : memref<400x128xf32, #tpu.memory_space<hbm>>) target_semaphore(%run_scoped3A : memref<!tpu.dma_semaphore, #tpu.memory_space<semaphore_mem>>)
        %dma_wait3A_135 = arith.constant 9600 : i32
        %dma_wait3A_136 = arith.constant 0 : i32
        %dma_wait3A_137 = tpu.memref_slice %arg6[%dma_wait3A_135, %dma_wait3A_136] : memref<10000x128xf32, #tpu.memory_space<hbm>> -> memref<400x128xf32, #tpu.memory_space<hbm>>
        %dma_wait3A_138 = arith.constant 9600 : i32
        %dma_wait3A_139 = arith.constant 0 : i32
        %dma_wait3A_140 = tpu.memref_slice %arg18[%dma_wait3A_138, %dma_wait3A_139] : memref<10000x128xf32, #tpu.memory_space<vmem_shared>> -> memref<400x128xf32, #tpu.memory_space<vmem_shared>>
        tpu.wait_dma2 semaphore(%run_scoped3A : memref<!tpu.dma_semaphore, #tpu.memory_space<semaphore_mem>>) src(%dma_wait3A_140 : memref<400x128xf32, #tpu.memory_space<vmem_shared>>) dst(%dma_wait3A_137 : memref<400x128xf32, #tpu.memory_space<hbm>>)
        tpu.yield
      }) : () -> ()
    } else {
    }
    %eq3A_113 = arith.constant 1 : i32
    %eq3A_114 = arith.cmpi eq, %arg0, %eq3A_113 : i32
    %lt3A_115 = arith.constant 15 : i32
    %lt3A_116 = arith.cmpi slt, %arg1, %lt3A_115 : i32
    %and3A_117 = arith.andi %eq3A_114, %lt3A_116 : i1
    %convert_element_type3A_118 = arith.extui %and3A_117 : i1 to i32
    %cond3A_119 = arith.constant 0 : i32
    %cond3A_120 = arith.cmpi ne, %convert_element_type3A_118, %cond3A_119 : i32
    scf.if %cond3A_120 {
      %mul3A_129 = arith.constant 640 : i32
      %mul3A_130 = arith.muli %arg1, %mul3A_129 : i32
      %mul3A_131 = arith.constant 640 : i32
      %mul3A_132 = arith.muli %arg1, %mul3A_131 : i32
      "tpu.region"() ({
        %run_scoped3A = tpu.sem_alloc : memref<!tpu.dma_semaphore, #tpu.memory_space<semaphore_mem>>
        %dma_start3A_133 = arith.constant 0 : i32
        %dma_start3A_134 = tpu.memref_slice %arg7[%mul3A_132, %dma_start3A_133] : memref<10000x128xf32, #tpu.memory_space<hbm>> -> memref<640x128xf32, #tpu.memory_space<hbm>>
        %dma_start3A_135 = arith.constant 0 : i32
        %dma_start3A_136 = tpu.memref_slice %arg18[%mul3A_130, %dma_start3A_135] : memref<10000x128xf32, #tpu.memory_space<vmem_shared>> -> memref<640x128xf32, #tpu.memory_space<vmem_shared>>
        tpu.enqueue_dma source(%dma_start3A_136 : memref<640x128xf32, #tpu.memory_space<vmem_shared>>) target(%dma_start3A_134 : memref<640x128xf32, #tpu.memory_space<hbm>>) target_semaphore(%run_scoped3A : memref<!tpu.dma_semaphore, #tpu.memory_space<semaphore_mem>>)
        %dma_wait3A_137 = arith.constant 0 : i32
        %dma_wait3A_138 = tpu.memref_slice %arg7[%mul3A_132, %dma_wait3A_137] : memref<10000x128xf32, #tpu.memory_space<hbm>> -> memref<640x128xf32, #tpu.memory_space<hbm>>
        %dma_wait3A_139 = arith.constant 0 : i32
        %dma_wait3A_140 = tpu.memref_slice %arg18[%mul3A_130, %dma_wait3A_139] : memref<10000x128xf32, #tpu.memory_space<vmem_shared>> -> memref<640x128xf32, #tpu.memory_space<vmem_shared>>
        tpu.wait_dma2 semaphore(%run_scoped3A : memref<!tpu.dma_semaphore, #tpu.memory_space<semaphore_mem>>) src(%dma_wait3A_140 : memref<640x128xf32, #tpu.memory_space<vmem_shared>>) dst(%dma_wait3A_138 : memref<640x128xf32, #tpu.memory_space<hbm>>)
        tpu.yield
      }) : () -> ()
    } else {
    }
    %eq3A_121 = arith.constant 1 : i32
    %eq3A_122 = arith.cmpi eq, %arg0, %eq3A_121 : i32
    %eq3A_123 = arith.constant 15 : i32
    %eq3A_124 = arith.cmpi eq, %arg1, %eq3A_123 : i32
    %and3A_125 = arith.andi %eq3A_122, %eq3A_124 : i1
    %convert_element_type3A_126 = arith.extui %and3A_125 : i1 to i32
    %cond3A_127 = arith.constant 0 : i32
    %cond3A_128 = arith.cmpi ne, %convert_element_type3A_126, %cond3A_127 : i32
    scf.if %cond3A_128 {
      "tpu.region"() ({
        %run_scoped3A = tpu.sem_alloc : memref<!tpu.dma_semaphore, #tpu.memory_space<semaphore_mem>>
        %dma_start3A_129 = arith.constant 9600 : i32
        %dma_start3A_130 = arith.constant 0 : i32
        %dma_start3A_131 = tpu.memref_slice %arg7[%dma_start3A_129, %dma_start3A_130] : memref<10000x128xf32, #tpu.memory_space<hbm>> -> memref<400x128xf32, #tpu.memory_space<hbm>>
        %dma_start3A_132 = arith.constant 9600 : i32
        %dma_start3A_133 = arith.constant 0 : i32
        %dma_start3A_134 = tpu.memref_slice %arg18[%dma_start3A_132, %dma_start3A_133] : memref<10000x128xf32, #tpu.memory_space<vmem_shared>> -> memref<400x128xf32, #tpu.memory_space<vmem_shared>>
        tpu.enqueue_dma source(%dma_start3A_134 : memref<400x128xf32, #tpu.memory_space<vmem_shared>>) target(%dma_start3A_131 : memref<400x128xf32, #tpu.memory_space<hbm>>) target_semaphore(%run_scoped3A : memref<!tpu.dma_semaphore, #tpu.memory_space<semaphore_mem>>)
        %dma_wait3A_135 = arith.constant 9600 : i32
        %dma_wait3A_136 = arith.constant 0 : i32
        %dma_wait3A_137 = tpu.memref_slice %arg7[%dma_wait3A_135, %dma_wait3A_136] : memref<10000x128xf32, #tpu.memory_space<hbm>> -> memref<400x128xf32, #tpu.memory_space<hbm>>
        %dma_wait3A_138 = arith.constant 9600 : i32
        %dma_wait3A_139 = arith.constant 0 : i32
        %dma_wait3A_140 = tpu.memref_slice %arg18[%dma_wait3A_138, %dma_wait3A_139] : memref<10000x128xf32, #tpu.memory_space<vmem_shared>> -> memref<400x128xf32, #tpu.memory_space<vmem_shared>>
        tpu.wait_dma2 semaphore(%run_scoped3A : memref<!tpu.dma_semaphore, #tpu.memory_space<semaphore_mem>>) src(%dma_wait3A_140 : memref<400x128xf32, #tpu.memory_space<vmem_shared>>) dst(%dma_wait3A_137 : memref<400x128xf32, #tpu.memory_space<hbm>>)
        tpu.yield
      }) : () -> ()
    } else {
    }
    return
  }
}

module attributes {stable_mosaic.version = 14 : i64} {
  func.func @_m2_body(%arg0: memref<10000x128xf32, #tpu.memory_space<vmem>>, %arg1: memref<10000x128xf32, #tpu.memory_space<vmem>>, %arg2: memref<10000x128xf32, #tpu.memory_space<vmem>>, %arg3: memref<10000xf32, #tpu.memory_space<vmem>>, %arg4: memref<10000xf32, #tpu.memory_space<vmem>>, %arg5: memref<2x128x64xf32, #tpu.memory_space<vmem>>, %arg6: memref<128x64xf32, #tpu.memory_space<vmem>>, %arg7: memref<1x64xf32, #tpu.memory_space<vmem>>, %arg8: memref<10000x128xf32, #tpu.memory_space<vmem>>, %arg9: memref<10000x64xf32, #tpu.memory_space<vmem>>) attributes {dimension_semantics = [], scalar_prefetch = 0 : i64, scratch_operands = 0 : i64, tpu.core_type = #tpu.core_type<tc>} {
    %get3A = arith.constant 0 : index
    %get3A_0 = vector.load %arg3[%get3A] : memref<10000xf32, #tpu.memory_space<vmem>>, vector<10000xf32>
    %max3A = arith.constant 1.000000e+00 : f32
    %max3A_1 = vector.broadcast %max3A : f32 to vector<10000xf32>
    %max3A_2 = arith.maximumf %get3A_0, %max3A_1 : vector<10000xf32>
    %div3A = arith.constant 1.000000e+00 : f32
    %div3A_3 = vector.broadcast %div3A : f32 to vector<10000xf32>
    %div3A_4 = arith.divf %div3A_3, %max3A_2 : vector<10000xf32>
    %get3A_5 = arith.constant 0 : index
    %get3A_6 = vector.load %arg4[%get3A_5] : memref<10000xf32, #tpu.memory_space<vmem>>, vector<10000xf32>
    %max3A_7 = arith.constant 1.000000e+00 : f32
    %max3A_8 = vector.broadcast %max3A_7 : f32 to vector<10000xf32>
    %max3A_9 = arith.maximumf %get3A_6, %max3A_8 : vector<10000xf32>
    %div3A_10 = arith.constant 1.000000e+00 : f32
    %div3A_11 = vector.broadcast %div3A_10 : f32 to vector<10000xf32>
    %div3A_12 = arith.divf %div3A_11, %max3A_9 : vector<10000xf32>
    %get3A_13 = arith.constant 0 : index
    %get3A_14 = arith.constant 0 : index
    %get3A_15 = vector.load %arg0[%get3A_13, %get3A_14] : memref<10000x128xf32, #tpu.memory_space<vmem>>, vector<10000x128xf32>
    %get3A_16 = arith.constant 0 : index
    %get3A_17 = arith.constant 0 : index
    %get3A_18 = vector.load %arg1[%get3A_16, %get3A_17] : memref<10000x128xf32, #tpu.memory_space<vmem>>, vector<10000x128xf32>
    %broadcast_in_dim3A = vector.shape_cast %div3A_4 : vector<10000xf32> to vector<10000x1xf32>
    %mul3A = vector.broadcast %broadcast_in_dim3A : vector<10000x1xf32> to vector<10000x128xf32>
    %mul3A_19 = arith.mulf %get3A_18, %mul3A : vector<10000x128xf32>
    %add3A = arith.addf %get3A_15, %mul3A_19 : vector<10000x128xf32>
    %get3A_20 = arith.constant 0 : index
    %get3A_21 = arith.constant 0 : index
    %get3A_22 = vector.load %arg2[%get3A_20, %get3A_21] : memref<10000x128xf32, #tpu.memory_space<vmem>>, vector<10000x128xf32>
    %broadcast_in_dim3A_23 = vector.shape_cast %div3A_12 : vector<10000xf32> to vector<10000x1xf32>
    %mul3A_24 = vector.broadcast %broadcast_in_dim3A_23 : vector<10000x1xf32> to vector<10000x128xf32>
    %mul3A_25 = arith.mulf %get3A_22, %mul3A_24 : vector<10000x128xf32>
    %add3A_26 = arith.addf %add3A, %mul3A_25 : vector<10000x128xf32>
    %max3A_27 = arith.constant 0.000000e+00 : f32
    %max3A_28 = vector.broadcast %max3A_27 : f32 to vector<10000x128xf32>
    %max3A_29 = arith.maximumf %add3A_26, %max3A_28 : vector<10000x128xf32>
    %get3A_30 = arith.constant 0 : index
    %get3A_31 = arith.constant 0 : index
    %get3A_32 = arith.constant 0 : index
    %get3A_33 = vector.load %arg5[%get3A_30, %get3A_31, %get3A_32] : memref<2x128x64xf32, #tpu.memory_space<vmem>>, vector<1x128x64xf32>
    %get3A_34 = vector.shape_cast %get3A_33 : vector<1x128x64xf32> to vector<128x64xf32>
    %dot_general3A = arith.constant dense<0.000000e+00> : vector<10000x64xf32>
    %dot_general3A_35 = tpu.matmul %max3A_29, %get3A_34, %dot_general3A {dimension_numbers = #tpu.dot_dimension_numbers<[1], [0], [0], [1], [0, 0, 1, 1], [], []>, transpose_lhs_hint = false} : vector<10000x128xf32>, vector<128x64xf32>, vector<10000x64xf32> -> vector<10000x64xf32>
    %get3A_36 = arith.constant 1 : index
    %get3A_37 = arith.constant 0 : index
    %get3A_38 = arith.constant 0 : index
    %get3A_39 = vector.load %arg5[%get3A_36, %get3A_37, %get3A_38] : memref<2x128x64xf32, #tpu.memory_space<vmem>>, vector<1x128x64xf32>
    %get3A_40 = vector.shape_cast %get3A_39 : vector<1x128x64xf32> to vector<128x64xf32>
    %dot_general3A_41 = arith.constant dense<0.000000e+00> : vector<10000x64xf32>
    %dot_general3A_42 = tpu.matmul %max3A_29, %get3A_40, %dot_general3A_41 {dimension_numbers = #tpu.dot_dimension_numbers<[1], [0], [0], [1], [0, 0, 1, 1], [], []>, transpose_lhs_hint = false} : vector<10000x128xf32>, vector<128x64xf32>, vector<10000x64xf32> -> vector<10000x64xf32>
    %concatenate3A = tpu.concatenate %dot_general3A_35, %dot_general3A_42 in 1 : vector<10000x64xf32>, vector<10000x64xf32> -> vector<10000x128xf32>
    %swap3A = arith.constant 0 : index
    %swap3A_43 = arith.constant 0 : index
    %swap3A_44 = vector.load %arg8[%swap3A, %swap3A_43] : memref<10000x128xf32, #tpu.memory_space<vmem>>, vector<10000x128xf32>
    tpu.vector_store %arg8[%swap3A, %swap3A_43], %concatenate3A {strides = array<i32>} : memref<10000x128xf32, #tpu.memory_space<vmem>>, vector<10000x128xf32>,
    %get3A_45 = arith.constant 0 : index
    %get3A_46 = arith.constant 0 : index
    %get3A_47 = vector.load %arg6[%get3A_45, %get3A_46] : memref<128x64xf32, #tpu.memory_space<vmem>>, vector<128x64xf32>
    %dot_general3A_48 = arith.constant dense<0.000000e+00> : vector<10000x64xf32>
    %dot_general3A_49 = tpu.matmul %max3A_29, %get3A_47, %dot_general3A_48 {dimension_numbers = #tpu.dot_dimension_numbers<[1], [0], [0], [1], [0, 0, 1, 1], [], []>, transpose_lhs_hint = false} : vector<10000x128xf32>, vector<128x64xf32>, vector<10000x64xf32> -> vector<10000x64xf32>
    %get3A_50 = arith.constant 0 : index
    %get3A_51 = arith.constant 0 : index
    %get3A_52 = vector.load %arg7[%get3A_50, %get3A_51] : memref<1x64xf32, #tpu.memory_space<vmem>>, vector<1x64xf32>
    %add3A_53 = vector.broadcast %get3A_52 : vector<1x64xf32> to vector<10000x64xf32>
    %add3A_54 = arith.addf %dot_general3A_49, %add3A_53 : vector<10000x64xf32>
    %swap3A_55 = arith.constant 0 : index
    %swap3A_56 = arith.constant 0 : index
    %swap3A_57 = vector.load %arg9[%swap3A_55, %swap3A_56] : memref<10000x64xf32, #tpu.memory_space<vmem>>, vector<10000x64xf32>
    tpu.vector_store %arg9[%swap3A_55, %swap3A_56], %add3A_54 {strides = array<i32>} : memref<10000x64xf32, #tpu.memory_space<vmem>>, vector<10000x64xf32>,
    return
  }
}

module attributes {stable_mosaic.version = 14 : i64} {
  func.func @_m1_body(%arg0: memref<5000x128xf32, #tpu.memory_space<vmem>>, %arg1: memref<5000x128xf32, #tpu.memory_space<vmem>>, %arg2: memref<128x128xf32, #tpu.memory_space<vmem>>, %arg3: memref<1x128xf32, #tpu.memory_space<vmem>>, %arg4: memref<128x128xf32, #tpu.memory_space<vmem>>, %arg5: memref<1x128xf32, #tpu.memory_space<vmem>>, %arg6: memref<2x128x128xf32, #tpu.memory_space<vmem>>, %arg7: memref<128x128xf32, #tpu.memory_space<vmem>>, %arg8: memref<1x128xf32, #tpu.memory_space<vmem>>, %arg9: memref<10000x128xf32, #tpu.memory_space<vmem>>, %arg10: memref<10000x128xf32, #tpu.memory_space<vmem>>, %arg11: memref<10000x128xf32, #tpu.memory_space<vmem>>) attributes {dimension_semantics = [], scalar_prefetch = 0 : i64, scratch_operands = 0 : i64, tpu.core_type = #tpu.core_type<tc>} {
    %get3A = arith.constant 0 : index
    %get3A_0 = arith.constant 0 : index
    %get3A_1 = vector.load %arg0[%get3A, %get3A_0] : memref<5000x128xf32, #tpu.memory_space<vmem>>, vector<5000x128xf32>
    %get3A_2 = arith.constant 0 : index
    %get3A_3 = arith.constant 0 : index
    %get3A_4 = vector.load %arg2[%get3A_2, %get3A_3] : memref<128x128xf32, #tpu.memory_space<vmem>>, vector<128x128xf32>
    %dot_general3A = arith.constant dense<0.000000e+00> : vector<5000x128xf32>
    %dot_general3A_5 = tpu.matmul %get3A_1, %get3A_4, %dot_general3A {dimension_numbers = #tpu.dot_dimension_numbers<[1], [0], [0], [1], [0, 0, 1, 1], [], []>, transpose_lhs_hint = false} : vector<5000x128xf32>, vector<128x128xf32>, vector<5000x128xf32> -> vector<5000x128xf32>
    %get3A_6 = arith.constant 0 : index
    %get3A_7 = arith.constant 0 : index
    %get3A_8 = vector.load %arg3[%get3A_6, %get3A_7] : memref<1x128xf32, #tpu.memory_space<vmem>>, vector<1x128xf32>
    %add3A = vector.broadcast %get3A_8 : vector<1x128xf32> to vector<5000x128xf32>
    %add3A_9 = arith.addf %dot_general3A_5, %add3A : vector<5000x128xf32>
    %get3A_10 = arith.constant 0 : index
    %get3A_11 = arith.constant 0 : index
    %get3A_12 = vector.load %arg1[%get3A_10, %get3A_11] : memref<5000x128xf32, #tpu.memory_space<vmem>>, vector<5000x128xf32>
    %get3A_13 = arith.constant 0 : index
    %get3A_14 = arith.constant 0 : index
    %get3A_15 = vector.load %arg4[%get3A_13, %get3A_14] : memref<128x128xf32, #tpu.memory_space<vmem>>, vector<128x128xf32>
    %dot_general3A_16 = arith.constant dense<0.000000e+00> : vector<5000x128xf32>
    %dot_general3A_17 = tpu.matmul %get3A_12, %get3A_15, %dot_general3A_16 {dimension_numbers = #tpu.dot_dimension_numbers<[1], [0], [0], [1], [0, 0, 1, 1], [], []>, transpose_lhs_hint = false} : vector<5000x128xf32>, vector<128x128xf32>, vector<5000x128xf32> -> vector<5000x128xf32>
    %get3A_18 = arith.constant 0 : index
    %get3A_19 = arith.constant 0 : index
    %get3A_20 = vector.load %arg5[%get3A_18, %get3A_19] : memref<1x128xf32, #tpu.memory_space<vmem>>, vector<1x128xf32>
    %add3A_21 = vector.broadcast %get3A_20 : vector<1x128xf32> to vector<5000x128xf32>
    %add3A_22 = arith.addf %dot_general3A_17, %add3A_21 : vector<5000x128xf32>
    %concatenate3A = tpu.concatenate %add3A_9, %add3A_22 in 0 : vector<5000x128xf32>, vector<5000x128xf32> -> vector<10000x128xf32>
    %get3A_23 = arith.constant 0 : index
    %get3A_24 = arith.constant 0 : index
    %get3A_25 = arith.constant 0 : index
    %get3A_26 = vector.load %arg6[%get3A_23, %get3A_24, %get3A_25] : memref<2x128x128xf32, #tpu.memory_space<vmem>>, vector<1x128x128xf32>
    %get3A_27 = vector.shape_cast %get3A_26 : vector<1x128x128xf32> to vector<128x128xf32>
    %dot_general3A_28 = arith.constant dense<0.000000e+00> : vector<10000x128xf32>
    %dot_general3A_29 = tpu.matmul %concatenate3A, %get3A_27, %dot_general3A_28 {dimension_numbers = #tpu.dot_dimension_numbers<[1], [0], [0], [1], [0, 0, 1, 1], [], []>, transpose_lhs_hint = false} : vector<10000x128xf32>, vector<128x128xf32>, vector<10000x128xf32> -> vector<10000x128xf32>
    %swap3A = arith.constant 0 : index
    %swap3A_30 = arith.constant 0 : index
    %swap3A_31 = vector.load %arg9[%swap3A, %swap3A_30] : memref<10000x128xf32, #tpu.memory_space<vmem>>, vector<10000x128xf32>
    tpu.vector_store %arg9[%swap3A, %swap3A_30], %dot_general3A_29 {strides = array<i32>} : memref<10000x128xf32, #tpu.memory_space<vmem>>, vector<10000x128xf32>,
    %get3A_32 = arith.constant 1 : index
    %get3A_33 = arith.constant 0 : index
    %get3A_34 = arith.constant 0 : index
    %get3A_35 = vector.load %arg6[%get3A_32, %get3A_33, %get3A_34] : memref<2x128x128xf32, #tpu.memory_space<vmem>>, vector<1x128x128xf32>
    %get3A_36 = vector.shape_cast %get3A_35 : vector<1x128x128xf32> to vector<128x128xf32>
    %dot_general3A_37 = arith.constant dense<0.000000e+00> : vector<10000x128xf32>
    %dot_general3A_38 = tpu.matmul %concatenate3A, %get3A_36, %dot_general3A_37 {dimension_numbers = #tpu.dot_dimension_numbers<[1], [0], [0], [1], [0, 0, 1, 1], [], []>, transpose_lhs_hint = false} : vector<10000x128xf32>, vector<128x128xf32>, vector<10000x128xf32> -> vector<10000x128xf32>
    %swap3A_39 = arith.constant 0 : index
    %swap3A_40 = arith.constant 0 : index
    %swap3A_41 = vector.load %arg10[%swap3A_39, %swap3A_40] : memref<10000x128xf32, #tpu.memory_space<vmem>>, vector<10000x128xf32>
    tpu.vector_store %arg10[%swap3A_39, %swap3A_40], %dot_general3A_38 {strides = array<i32>} : memref<10000x128xf32, #tpu.memory_space<vmem>>, vector<10000x128xf32>,
    %get3A_42 = arith.constant 0 : index
    %get3A_43 = arith.constant 0 : index
    %get3A_44 = vector.load %arg7[%get3A_42, %get3A_43] : memref<128x128xf32, #tpu.memory_space<vmem>>, vector<128x128xf32>
    %dot_general3A_45 = arith.constant dense<0.000000e+00> : vector<10000x128xf32>
    %dot_general3A_46 = tpu.matmul %concatenate3A, %get3A_44, %dot_general3A_45 {dimension_numbers = #tpu.dot_dimension_numbers<[1], [0], [0], [1], [0, 0, 1, 1], [], []>, transpose_lhs_hint = false} : vector<10000x128xf32>, vector<128x128xf32>, vector<10000x128xf32> -> vector<10000x128xf32>
    %get3A_47 = arith.constant 0 : index
    %get3A_48 = arith.constant 0 : index
    %get3A_49 = vector.load %arg8[%get3A_47, %get3A_48] : memref<1x128xf32, #tpu.memory_space<vmem>>, vector<1x128xf32>
    %add3A_50 = vector.broadcast %get3A_49 : vector<1x128xf32> to vector<10000x128xf32>
    %add3A_51 = arith.addf %dot_general3A_46, %add3A_50 : vector<10000x128xf32>
    %swap3A_52 = arith.constant 0 : index
    %swap3A_53 = arith.constant 0 : index
    %swap3A_54 = vector.load %arg11[%swap3A_52, %swap3A_53] : memref<10000x128xf32, #tpu.memory_space<vmem>>, vector<10000x128xf32>
    tpu.vector_store %arg11[%swap3A_52, %swap3A_53], %add3A_51 {strides = array<i32>} : memref<10000x128xf32, #tpu.memory_space<vmem>>, vector<10000x128xf32>,
    return
  }
}

module attributes {stable_mosaic.version = 14 : i64} {
  func.func @_m3_body(%arg0: memref<10000x64xf32, #tpu.memory_space<vmem>>, %arg1: memref<10000x128xf32, #tpu.memory_space<vmem>>, %arg2: memref<10000x128xf32, #tpu.memory_space<vmem>>, %arg3: memref<10000xf32, #tpu.memory_space<vmem>>, %arg4: memref<10000xf32, #tpu.memory_space<vmem>>, %arg5: memref<64x2xf32, #tpu.memory_space<vmem>>, %arg6: memref<1x2xf32, #tpu.memory_space<vmem>>, %arg7: memref<10000x2xf32, #tpu.memory_space<vmem>>) attributes {dimension_semantics = [], scalar_prefetch = 0 : i64, scratch_operands = 0 : i64, tpu.core_type = #tpu.core_type<tc>} {
    %get3A = arith.constant 0 : index
    %get3A_0 = vector.load %arg3[%get3A] : memref<10000xf32, #tpu.memory_space<vmem>>, vector<10000xf32>
    %max3A = arith.constant 1.000000e+00 : f32
    %max3A_1 = vector.broadcast %max3A : f32 to vector<10000xf32>
    %max3A_2 = arith.maximumf %get3A_0, %max3A_1 : vector<10000xf32>
    %div3A = arith.constant 1.000000e+00 : f32
    %div3A_3 = vector.broadcast %div3A : f32 to vector<10000xf32>
    %div3A_4 = arith.divf %div3A_3, %max3A_2 : vector<10000xf32>
    %get3A_5 = arith.constant 0 : index
    %get3A_6 = vector.load %arg4[%get3A_5] : memref<10000xf32, #tpu.memory_space<vmem>>, vector<10000xf32>
    %max3A_7 = arith.constant 1.000000e+00 : f32
    %max3A_8 = vector.broadcast %max3A_7 : f32 to vector<10000xf32>
    %max3A_9 = arith.maximumf %get3A_6, %max3A_8 : vector<10000xf32>
    %div3A_10 = arith.constant 1.000000e+00 : f32
    %div3A_11 = vector.broadcast %div3A_10 : f32 to vector<10000xf32>
    %div3A_12 = arith.divf %div3A_11, %max3A_9 : vector<10000xf32>
    %get3A_13 = arith.constant 0 : index
    %get3A_14 = arith.constant 0 : index
    %get3A_15 = vector.load %arg1[%get3A_13, %get3A_14] : memref<10000x128xf32, #tpu.memory_space<vmem>>, vector<10000x128xf32>
    %slice3A = vector.extract_strided_slice %get3A_15 {offsets = [0, 0], sizes = [10000, 64], strides = [1, 1]} : vector<10000x128xf32> to vector<10000x64xf32>
    %get3A_16 = arith.constant 0 : index
    %get3A_17 = arith.constant 0 : index
    %get3A_18 = vector.load %arg2[%get3A_16, %get3A_17] : memref<10000x128xf32, #tpu.memory_space<vmem>>, vector<10000x128xf32>
    %slice3A_19 = vector.extract_strided_slice %get3A_18 {offsets = [0, 64], sizes = [10000, 64], strides = [1, 1]} : vector<10000x128xf32> to vector<10000x64xf32>
    %get3A_20 = arith.constant 0 : index
    %get3A_21 = arith.constant 0 : index
    %get3A_22 = vector.load %arg0[%get3A_20, %get3A_21] : memref<10000x64xf32, #tpu.memory_space<vmem>>, vector<10000x64xf32>
    %broadcast_in_dim3A = vector.shape_cast %div3A_4 : vector<10000xf32> to vector<10000x1xf32>
    %mul3A = vector.broadcast %broadcast_in_dim3A : vector<10000x1xf32> to vector<10000x64xf32>
    %mul3A_23 = arith.mulf %slice3A, %mul3A : vector<10000x64xf32>
    %add3A = arith.addf %get3A_22, %mul3A_23 : vector<10000x64xf32>
    %broadcast_in_dim3A_24 = vector.shape_cast %div3A_12 : vector<10000xf32> to vector<10000x1xf32>
    %mul3A_25 = vector.broadcast %broadcast_in_dim3A_24 : vector<10000x1xf32> to vector<10000x64xf32>
    %mul3A_26 = arith.mulf %slice3A_19, %mul3A_25 : vector<10000x64xf32>
    %add3A_27 = arith.addf %add3A, %mul3A_26 : vector<10000x64xf32>
    %get3A_28 = arith.constant 0 : index
    %get3A_29 = arith.constant 0 : index
    %get3A_30 = vector.load %arg5[%get3A_28, %get3A_29] : memref<64x2xf32, #tpu.memory_space<vmem>>, vector<64x2xf32>
    %dot_general3A = arith.constant dense<0.000000e+00> : vector<10000x2xf32>
    %dot_general3A_31 = tpu.matmul %add3A_27, %get3A_30, %dot_general3A {dimension_numbers = #tpu.dot_dimension_numbers<[1], [0], [0], [1], [0, 0, 1, 1], [], []>, transpose_lhs_hint = false} : vector<10000x64xf32>, vector<64x2xf32>, vector<10000x2xf32> -> vector<10000x2xf32>
    %get3A_32 = arith.constant 0 : index
    %get3A_33 = arith.constant 0 : index
    %get3A_34 = vector.load %arg6[%get3A_32, %get3A_33] : memref<1x2xf32, #tpu.memory_space<vmem>>, vector<1x2xf32>
    %add3A_35 = vector.broadcast %get3A_34 : vector<1x2xf32> to vector<10000x2xf32>
    %add3A_36 = arith.addf %dot_general3A_31, %add3A_35 : vector<10000x2xf32>
    %swap3A = arith.constant 0 : index
    %swap3A_37 = arith.constant 0 : index
    %swap3A_38 = vector.load %arg7[%swap3A, %swap3A_37] : memref<10000x2xf32, #tpu.memory_space<vmem>>, vector<10000x2xf32>
    tpu.vector_store %arg7[%swap3A, %swap3A_37], %add3A_36 {strides = array<i32>} : memref<10000x2xf32, #tpu.memory_space<vmem>>, vector<10000x2xf32>,
    return
  }
}

</mosaic_0001>

<sc_bundles>
// kernel: kernel.11.cloned.1.call-start
scs
__scs_entry_jumppad:
0x0: {  	(pc) =	sbr.rel $0x88, $3  }
0x1: {  	(tag) =	ssettag $0x0;
	lr =	simm.s32 $0x1  }
0x2: {  	[smem:$0x3F91] =	sst lr;
	_ =	strace $0xD0000000  }
0x3: {  	_ = 	snop  }
0x4: {  	_ = 	snop  }
0x5: {  	_ = 	snop  }
0x6: {  	_ = 	snop  }
0x7: {  	_ = 	snop  }
__scs_overlays_trampoline_lowered:
0x8: {  	[smem:$0x3FA0] =	sst s0  }
0x9: {  	[smem:$0x3FA1] =	sst s1  }
0xa: {  	[smem:$0x3FA2] =	sst s2  }
0xb: {  	[smem:$0x3FA3] =	sst s3  }
0xc: {  	[smem:$0x3FA4] =	sst s4  }
0xd: {  	[smem:$0x3FA5] =	sst s5  }
0xe: {  	[smem:$0x3FA6] =	sst s6  }
0xf: {  	[smem:$0x3FA7] =	sst s7  }
0x10: {  	[smem:$0x3FA8] =	sst s8  }
0x11: {  	[smem:$0x3FA9] =	sst s9;
	s0 =	simm.s32 @!p0 $0x0  }
0x12: {  	s1 =	sld [smem:$0x3F8F];
	s0 =	simm.s32 @p0 $0x1  }
0x13: {  	[smem:$0x3FAA] =	sst s0;
	s0 =	simm.s32 @!p1 $0x0  }
0x14: {  	s2 =	sld [smem:$0x3F8E];
	s0 =	simm.s32 @p1 $0x1  }
0x15: {  	[smem:$0x3FAB] =	sst s0;
	s0 =	simm.s32 @!p2 $0x0  }
0x16: {  	s3 =	sld [smem:$0x3FDB];
	s0 =	simm.s32 @p2 $0x1  }
0x17: {  	s4 =	simm.s32 $0x1BF5;
	[smem:$0x3FAD] =	sst s0  }
0x18: {  	s0 =	sld [smem:$0x3F90];
	_ =	swait.ge [sflag:s4], $0x0  }
0x19: {  	s7 =	sld [smem:$0x3F91]  }
0x1a: {  	s8 =	sadd.s32 $0xFFFFE003, lr  }
0x1b: {  	s9 =	sadd.s32 $0xFFFFFEF7, lr;
	s5 =	simm.s32 $0xFFFFFFFF;
	p2 =	slt.u32 s8, $0xFFFFF086  }
0x1c: {  	p1 =	slt.u32 s9, $0xF7A;
	s5 =	simm.s32 @!p2 $0x0  }
0x1d: {  	s5 =	simm.s32 @p1 $0x1;
	p0 =	seq.s32 s7, s2  }
0x1e: {  	s7 =	smul.u32 @!p0 $0xF7A, s2;
	p2 =	seq.s32 @!p0 s5, $0x0  }
0x1f: {  	s9 =	smul.u32 $0xF7A, s1;
	s8 =	simm.s32 @!p0 $0x1BF5;
	p2 =	por !p2, p0  }
0x20: {  	[sflag:s8] =	ssyncset.s32 @!p0 $0xFFFFF086;
	s6 =	sadd.s32 @!p0 s3, s7;
	s7 =	simm.s32 @!p0 $0x108  }
0x21: {  	s3 =	sadd.s32 s3, s9;
	s6 =	sadd.s32 @!p0 $0x88, s6;
	s7 =	simm.s32 @p2 $0x1082  }
0x22: {  	[simem:s7], [sflag:s8] =	dma.local @!p0 [hbm:s6], $0xF7A  }
0x23: {  	s9 =	sor.u32 $0xD0000000, s2;
	s6 =	simm.s32 $0x108;
	_ =	swait.ge @!p0 [sflag:s8], $0x0  }
0x24: {  	s3 =	sadd.s32 $0x88, s3;
	s6 =	simm.s32 @!p1 $0x1082;
	[sflag:s4] =	ssyncset.s32 $0xFFFFF086  }
0x25: {  	[simem:s6], [sflag:s4] =	dma.local [hbm:s3], $0xF7A  }
0x26: {  	[smem:$0x3F91] =	sst s1;
	(tag) =	ssettag s2;
	_ =	strace s9  }
0x27: {  	s1 =	sld [smem:$0x3FA1]  }
0x28: {  	s2 =	sld [smem:$0x3FA2]  }
0x29: {  	s4 =	sld [smem:$0x3FA4]  }
0x2a: {  	p0 =	seq.s32 s5, $0x0;
	s5 =	sld [smem:$0x3FA5]  }
0x2b: {  	s6 =	sld [smem:$0x3FA6]  }
0x2c: {  	s7 =	sld [smem:$0x3FA7]  }
0x2d: {  	s3 =	simm.s32 $0x108;
	s8 =	sld [smem:$0x3FA8]  }
0x2e: {  	s3 =	simm.s32 @!p0 $0x1082;
	s9 =	sld [smem:$0x3FA9]  }
0x2f: {  	lr =	sadd.s32 s0, s3;
	s0 =	sld [smem:$0x3FA0]  }
0x30: {  	s3 =	sld [smem:$0x3FA3]  }
0x31: {  	[smem:$0x3FAC] =	sst s10  }
0x32: {  	s10 =	sld [smem:$0x3FAA];
	_ =	sdelay $0x3  }
0x33: {  	p0 =	seq.s32 s10, $0x1;
	s10 =	sld [smem:$0x3FAC];
	_ =	sdelay $0x3  }
0x34: {  	[smem:$0x3FAC] =	sst s10  }
0x35: {  	s10 =	sld [smem:$0x3FAB];
	_ =	sdelay $0x3  }
0x36: {  	p1 =	seq.s32 s10, $0x1;
	s10 =	sld [smem:$0x3FAC];
	_ =	sdelay $0x3  }
0x37: {  	[smem:$0x3FAC] =	sst s10  }
0x38: {  	s10 =	sld [smem:$0x3FAD]  }
0x39: {  	_ = 	snop;
	(pc) =	sbr.ind lr, $3  }
0x3a: {  	_ = 	snop  }
0x3b: {  	_ = 	snop  }
0x3c: {  	p2 =	seq.s32 s10, $0x1;
	s10 =	sld [smem:$0x3FAC]  }
0x3d: {  	_ =	shalt  }
0x3e: {  	_ =	shalt  }
0x3f: {  	_ =	shalt  }
0x40: {  	_ =	shalt  }
0x41: {  	_ =	shalt  }
0x42: {  	_ =	shalt  }
0x43: {  	_ =	shalt  }
0x44: {  	_ =	shalt  }
0x45: {  	_ =	shalt  }
0x46: {  	_ =	shalt  }
0x47: {  	_ =	shalt  }
0x48: {  	_ =	shalt  }
0x49: {  	_ =	shalt  }
0x4a: {  	_ =	shalt  }
0x4b: {  	_ =	shalt  }
0x4c: {  	_ =	shalt  }
0x4d: {  	_ =	shalt  }
0x4e: {  	_ =	shalt  }
0x4f: {  	_ =	shalt  }
0x50: {  	_ =	shalt  }
0x51: {  	_ =	shalt  }
0x52: {  	_ =	shalt  }
0x53: {  	_ =	shalt  }
0x54: {  	_ =	shalt  }
0x55: {  	_ =	shalt  }
0x56: {  	_ =	shalt  }
0x57: {  	_ =	shalt  }
0x58: {  	_ =	shalt  }
0x59: {  	_ =	shalt  }
0x5a: {  	_ =	shalt  }
0x5b: {  	_ =	shalt  }
0x5c: {  	_ =	shalt  }
0x5d: {  	_ =	shalt  }
0x5e: {  	_ =	shalt  }
0x5f: {  	_ =	shalt  }
0x60: {  	_ =	shalt  }
0x61: {  	_ =	shalt  }
0x62: {  	_ =	shalt  }
0x63: {  	_ =	shalt  }
0x64: {  	_ =	shalt  }
0x65: {  	_ =	shalt  }
0x66: {  	_ =	shalt  }
0x67: {  	_ =	shalt  }
0x68: {  	_ =	shalt  }
0x69: {  	_ =	shalt  }
0x6a: {  	_ =	shalt  }
0x6b: {  	_ =	shalt  }
0x6c: {  	_ =	shalt  }
0x6d: {  	_ =	shalt  }
0x6e: {  	_ =	shalt  }
0x6f: {  	_ =	shalt  }
0x70: {  	_ =	shalt  }
0x71: {  	_ =	shalt  }
0x72: {  	_ =	shalt  }
0x73: {  	_ =	shalt  }
0x74: {  	_ =	shalt  }
0x75: {  	_ =	shalt  }
0x76: {  	_ =	shalt  }
0x77: {  	_ =	shalt  }
0x78: {  	_ =	shalt  }
0x79: {  	_ =	shalt  }
0x7a: {  	_ =	shalt  }
0x7b: {  	_ =	shalt  }
0x7c: {  	_ =	shalt  }
0x7d: {  	_ =	shalt  }
0x7e: {  	_ =	shalt  }
0x7f: {  	_ =	shalt  }
0x80: {  	_ =	shalt  }
0x81: {  	_ =	shalt  }
0x82: {  	_ =	shalt  }
0x83: {  	_ =	shalt  }
0x84: {  	_ =	shalt  }
0x85: {  	_ =	shalt  }
0x86: {  	_ =	shalt  }
0x87: {  	_ =	shalt  }
.Lfunc_end0:
.L_simem_size_0:
called_computation.1_lowered:
.L_overlay_start_0:
0x88: {  	s2 =	sld [smem:$0x3FD9]  }
0x89: {  	s3 =	sld [smem:$0x3FFE];
	_ =	sdelay $0x1  }
0x8a: {  	s1 =	srdreg.scid  }
0x8b: {  	s0 =	sand.u32 $0x1, s1  }
0x8c: {  	s16 =	sshll.u32 s0, $0xA;
	s2 =	sadd.s32 s3, s2  }
0x8d: {  	s2 =	sadd.s32 s2, s16  }
0x8e: {  	[smem:$0x3FB8] =	sst s2  }
0x8f: {  	_ = 	snop  }
0x90: {  	(tm) =	ssettm $0x1  }
0x91: {  	s17 =	sld [smem:$0x3FFB];
	_ =	sdelay $0x3  }
0x92: {  	_ =	strace s17  }
0x93: {  	s2 =	sld [smem:$0x3FFC];
	_ =	sdelay $0x3  }
0x94: {  	_ =	strace s2  }
0x95: {  	s2 =	sld [smem:$0x3FFD];
	_ =	sdelay $0x3  }
0x96: {  	_ =	strace s2  }
0x97: {  	_ =	strace $0x8FFFFFFF  }
0x98: {  	s18 =	sld [smem:$0x3FDB];
	_ =	sdelay $0x1  }
0x99: {  	s19 =	simm.s32 $_scs_section_size  }
0x9a: {  	s4 =	simm.s32 $_size__tile_overlayer_lowered;
	s5 =	simm.s32 $_tile_overlayer_lowered  }
0x9b: {  	s22 =	simm.s32 $0x1BFF;
	s21 =	sshll.u32 s5, $0x1;
	s2 =	sadd.s32 s19, s18  }
0x9c: {  	s6 =	simm.s32 $0x0;
	s20 =	sshll.u32 s4, $0x1;
	s4 =	sadd.s32 s21, s2  }
0x9d: {  	[timem:s6], [sflag:s22] =	dma.local [hbm:s4], s20  }
0x9e: {  	_ =	swait.ge [sflag:s22], s20  }
0x9f: {  	s3 =	ssub.s32 $0x0, s20;
	[sflag:s22] =	ssyncset.done $0x0  }
0xa0: {  	[sflag:s22] =	ssyncadd.s32 s3;
	_ =	sdelay $0x1  }
0xa1: {  	s23 =	simm.s32 $0x1B8B  }
0xa2: {  	_ =	swait.ge [sflag:s23], $0x1  }
0xa3: {  	[sflag:s23] =	ssyncset.done $0x0  }
0xa4: {  	s25 =	simm.s32 $0x1B8E;
	s24 =	sld [smem:$0x3FFE];
	[sflag:s23] =	ssyncadd.s32 $0xFFFFFFFF  }
0xa5: {  	s26 =	simm.s32 $execute0_lowered;
	[smem:$0x3FD2] =	sst s25  }
0xa6: {  	s4 =	sshll.u32 s26, $0x1;
	_ =	strace $0x80000049;
	[dreg:$0x1] =	wrdreg $0xFFFFFFFF  }
0xa7: {  	s28 =	simm.s32 $_size_execute0_lowered;
	s2 =	sadd.s32 s2, s4;
	[dreg:$0x0] =	wrdreg $0x0  }
0xa8: {  	s4 =	sshll.u32 s28, $0x1;
	[dreg:$0x2] =	wrdreg s2  }
0xa9: {  	[dreg:$0x3] =	wrdreg s4  }
0xaa: {  	[dreg:$0x4] =	wrdreg $0xC0  }
0xab: {  	_ =	task [dreg:s6], $0x5FFFF  }
0xac: {  	[dreg:$0x1] =	wrdreg $0xFFFFFFFF  }
0xad: {  	[dreg:$0x0] =	wrdreg $0x60  }
0xae: {  	[dreg:$0x2] =	wrdreg s24  }
0xaf: {  	[dreg:$0x3] =	wrdreg $0xA3000  }
0xb0: {  	[dreg:$0x4] =	wrdreg $0x9  }
0xb1: {  	_ =	task.clear_ibuf [dreg:s6], $0x5FFFF;
	_ =	strace $0x90000049  }
0xb2: {  	s29 =	simm.s32 $0x9;
	_ =	strace $0x8000004B  }
0xb3: {  	_ =	swait.ge [sflag:s29], $0x1  }
0xb4: {  	[sflag:s29] =	ssyncadd.s32 $0xFFFFFFFF  }
0xb5: {  	_ =	strace $0x9000004B  }
0xb6: {  	_ =	sfence  }
0xb7: {  	s30 =	sld [smem:$0x0];
	_ =	sdelay $0x2  }
0xb8: {  	s31 =	sshll.u32 s1, $0xD;
	s1 =	sshrl.u32 s1, $0x2  }
0xb9: {  	s3 =	sand.u32 $0x4000, s31;
	s1 =	sadd.s32 s1, s30  }
0xba: {  	s0 =	sor.u32 s3, s0;
	s1 =	sshll.u32 s1, $0x11  }
0xbb: {  	s0 =	sor.u32 s1, s0  }
0xbc: {  	s0 =	sadd.s32 $0x8F2B, s0  }
0xbd: {  	[sflag:s0] =	ssyncadd.remote.s32 $0x1  }
0xbe: {  	_ =	sfence.sel $0xFFFF  }
0xbf: {  	[dreg:$0x0] =	wrdreg $0xFFFFFFFF;
	(pc) =	sbr.abs _section_cstart, $3  }
0xc0: {  	[dreg:$0x1] =	wrdreg $0xFFFFFFFF  }
0xc1: {  	_ =	task.clear_ibuf [dreg:s6], $0x2FFFF;
	_ =	strace $0x9FFFFFFF  }
0xc2: {  	(tm) =	ssettm $0x7FFFFFFF  }
0xc3: {  	_ =	shalt  }
tec
execute0_lowered:
.L_overlay_start_1:
0x0: {  	(tag) =	ssettag $0x1  }
0x1: {  	s0 =	rddreg [dreg:$0x0]  }
0x2: {  	s1 =	rddreg [dreg:$0x1];
	s3 =	simm.s32 $0x0  }
0x3: {  	s13 =	stileid.u32;
	s2 =	srdreg.scid;
	s28 =	simm.s32 $0xA  }
0x4: {  	s29 =	simm.s32 $0x180;
	s30 =	simm.s32 $0x80;
	s31 =	simm.s32 $0x200  }
0x5: {  	[smem:$0x7FF] =	sst s3;
	s4 =	sadd.s32 $0x16A00, s0;
	s7 =	smul.u32 $0x2800, s13  }
0x6: {  	s2 =	sand.u32 $0x1, s2;
	s5 =	sadd.s32 $0xCC00, s0;
	s11 =	smul.u32 $0x2710, s13  }
0x7: {  	s6 =	sadd.s32 $0x2E00, s0;
	s19 =	smul.u32 $0x50000, s13;
	p0 =	seq.s32 s13, $0xF  }
0x8: {  	p1 =	sne.s32 s13, $0xF;
	s13 =	sadd.s32 $0x131000, s1;
	s14 =	sadd.s32 $0x133800, s1  }
0x9: {  	s15 =	sadd.s32 $0x136000, s1;
	_ =	strace $0x8000004A;
	s8 =	ssub.s32 $0x2, s2  }
0xa: {  	s9 =	smul.u32 $0x27100, s2;
	p3 =	seq.s32 s2, $0x0;
	p6 =	seq.s32 s2, $0x1  }
0xb: {  	p4 =	sne.s32 s2, $0x0;
	s10 =	sshrl.u32 s8, $0x1;
	s12 =	sadd.s32 s7, s0  }
0xc: {  	s7 =	sadd.s32 $0x12C000, s1;
	p2 =	por !p3, !p1;
	p3 =	por !p3, !p0  }
0xd: {  	p1 =	por !p1, !p6;
	s2 =	simm.s32 @!p6 $0x0;
	s10 =	ssub.s32 s8, s10  }
0xe: {  	s9 =	sadd.s32 s11, s9;
	s11 =	sadd.s32 $0x12E800, s1;
	s8 =	sshrl.u32 s19, $0x2  }
0xf: {  	p2 =	por !p2, !p2;
	p3 =	por !p3, !p3;
	p5 =	por !p1, !p1  }
0x10: {  	s2 =	simm.s32 @p6 $0x1;
	p6 =	por !p6, !p0;
	[dreg:$0x7] =	wrdreg s7  }
0x11: {  	s8 =	sadd.s32 s8, s1;
	s20 =	sadd.s32 $0x140, s9;
	s18 =	sadd.s32 $0xA0, s9  }
0x12: {  	s25 =	sshrl.u32 s9, $0x3;
	[smem:$0x7FD] =	sst s2;
	s16 =	sadd.s32 $0x2800, s8  }
0x13: {  	p6 =	por !p6, !p6;
	s17 =	sadd.s32 $0x5000, s8;
	[dreg:$0x8] =	wrdreg s16  }
0x14: {  	s22 =	sshrl.u32 s18, $0x3;
	s26 =	sadd.s32 s5, s25;
	[dreg:$0x9] =	wrdreg s17  }
0x15: {  	s2 =	simm.s32 $0x100;
	s23 =	sadd.s32 s22, s6;
	[dreg:$0xf] =	wrdreg s26  }
0x16: {  	s18 =	sadd.s32 $0xC800, s8;
	s24 =	sadd.s32 s22, s5;
	[dreg:$0x5] =	wrdreg s23  }
0x17: {  	s19 =	sadd.s32 $0x7800, s8;
	s18 =	smov.u32 @p0 s13;
	[dreg:$0x6] =	wrdreg s24  }
0x18: {  	s16 =	sshrl.u32 s20, $0x3;
	s22 =	sadd.s32 $0x3DC00, s12;
	[dreg:$0xc] =	wrdreg s18  }
0x19: {  	s20 =	sadd.s32 $0xA000, s8;
	s26 =	sadd.s32 $0xF0, s9;
	[dreg:$0x13] =	wrdreg s22  }
0x1a: {  	s17 =	sadd.s32 $0x11800, s8;
	s19 =	smov.u32 @p0 s7;
	[dreg:$0x18] =	wrdreg s26  }
0x1b: {  	s9 =	simm.s32 $0x50;
	s21 =	sadd.s32 s16, s6;
	[dreg:$0xa] =	wrdreg s19  }
0x1c: {  	s13 =	simm.s32 $0x7;
	s16 =	sadd.s32 s16, s5;
	[dreg:$0x3] =	wrdreg s21  }
0x1d: {  	s20 =	smov.u32 @p0 s11;
	s18 =	sadd.s32 s6, s25;
	[dreg:$0x4] =	wrdreg s16  }
0x1e: {  	s17 =	smov.u32 @p0 s15;
	s23 =	sadd.s32 $0x63400, s0;
	[dreg:$0xb] =	wrdreg s20  }
0x1f: {  	s24 =	sadd.s32 $0x64E00, s12;
	s0 =	sadd.s32 $0x8A600, s0;
	[dreg:$0x10] =	wrdreg s18  }
0x20: {  	s26 =	simm.s32 $0x7B00;
	s19 =	simm.s32 $0x3;
	[dreg:$0xe] =	wrdreg s17  }
0x21: {  	s12 =	simm.s32 $0x5300;
	s22 =	simm.s32 $0x0;
	[dreg:$0x14] =	wrdreg s23  }
0x22: {  	s21 =	sadd.s32 $0xF000, s8;
	s20 =	sadd.s32 $0xA, s25;
	[dreg:$0x15] =	wrdreg s24  }
0x23: {  	[dreg:$0x16] =	wrdreg s0;
	s25 =	smax.u32 s10, $0x1;
	s0 =	simm.s32 $0x1  }
0x24: {  	s10 =	simm.s32 $0x300;
	s16 =	simm.s32 $0x280;
	s17 =	simm.s32 $0x2  }
0x25: {  	s18 =	simm.s32 $0x2B00;
	s21 =	smov.u32 @p0 s14;
	[dreg:$0x17] =	wrdreg s25  }
0x26: {  	s11 =	sadd.s32 s6, s20;
	s14 =	simm.s32 $0x6;
	[dreg:$0xd] =	wrdreg s21  }
0x27: {  	s21 =	sadd.s32 s5, s20;
	[dreg:$0x12] =	wrdreg s11;
	s11 =	simm.s32 @!p3 $0x0  }
0x28: {  	s20 =	simm.s32 $0x5;
	[dreg:$0x11] =	wrdreg s21;
	s11 =	simm.s32 @p3 $0x1  }
0x29: {  	v0 =	vimm.f32 $0.0e+00;
	s21 =	simm.s32 $0x8;
	[smem:$0x7FC] =	sst s11;
	s11 =	simm.s32 $0x4  }
.LBB2_1:
0x2a: {  	s15 =	simm.s32 $0x70;
	s23 =	simm.s32 $0x3C0  }
.LBB2_2:
0x2b: {  	p1 =	sne.s32 s23, $0x9FC0;
	[tilespmem:s15+$0x7B00] =	vst v0  }
0x2c: {  	[tilespmem:s15+$0x7A90] =	vst v0  }
0x2d: {  	[tilespmem:s15+$0x7AA0] =	vst v0  }
.Ltmp0:
0x2e: {  	[tilespmem:s15+$0x7AB0] =	vst v0;
	(pc) =	sbr.rel @p1 .LBB2_2-.Ltmp0, $4  }
0x2f: {  	[tilespmem:s15+$0x7AC0] =	vst v0  }
0x30: {  	[tilespmem:s15+$0x7AD0] =	vst v0  }
0x31: {  	[tilespmem:s15+$0x7AE0] =	vst v0  }
0x32: {  	[tilespmem:s15+$0x7AF0] =	vst v0;
	s15 =	sshra.s32 s23, $0x2;
	s23 =	sadd.s32 $0x200, s23  }
0x33: {  	[tilespmem:s15+$0x7B00] =	vst v0  }
0x34: {  	[tilespmem:s15+$0x7A90] =	vst v0  }
0x35: {  	[tilespmem:s15+$0x7AA0] =	vst v0  }
0x36: {  	[tilespmem:s15+$0x7AB0] =	vst v0  }
0x37: {  	[tilespmem:s15+$0x7AC0] =	vst v0  }
0x38: {  	[tilespmem:s15+$0x7AD0] =	vst v0  }
0x39: {  	[tilespmem:s15+$0x7AE0] =	vst v0  }
0x3a: {  	[tilespmem:s15+$0x7AF0] =	vst v0;
	s15 =	simm.s32 @!p0 $0x7B00;
	s23 =	simm.s32 @!p0 $0xA  }
0x3b: {  	[spmem:s8] =	stream.linear.scatter @!p0 [tilespmem:s15], [sflag:$0xA], $0x2800, $0x38;
	[tilespmem:$0x1DB80] =	vst v63  }
0x3c: {  	_ =	swait.ge @!p0 [sflag:s23], $0x2800  }
0x3d: {  	[sflag:s23] =	ssyncset.done @!p0 $0x0  }
0x3e: {  	s7 =	rddreg [dreg:$0x8];
	[sflag:s23] =	ssyncadd.s32 @!p0 $0xFFFFD800  }
0x3f: {  	[spmem:s7] =	stream.linear.scatter @!p0 [tilespmem:s15], [sflag:$0xA], $0x2800, $0x38;
	[tilespmem:$0x1DB80] =	vst v63  }
0x40: {  	_ =	swait.ge @!p0 [sflag:s23], $0x2800  }
0x41: {  	[sflag:s23] =	ssyncset.done @!p0 $0x0  }
0x42: {  	s7 =	rddreg [dreg:$0x9];
	[sflag:s23] =	ssyncadd.s32 @!p0 $0xFFFFD800  }
0x43: {  	[spmem:s7] =	stream.linear.scatter @!p0 [tilespmem:s15], [sflag:$0xA], $0x2800, $0x38;
	[tilespmem:$0x1DB80] =	vst v63  }
0x44: {  	_ =	swait.ge @!p0 [sflag:s23], $0x2800  }
0x45: {  	[sflag:s23] =	ssyncset.done @!p0 $0x0  }
0x46: {  	s15 =	rddreg [dreg:$0xa];
	[sflag:s23] =	ssyncadd.s32 @!p0 $0xFFFFD800  }
0x47: {  	[spmem:s15] =	stream.linear.scatter [tilespmem:s26], [sflag:$0xA], $0x2800, $0x38;
	[tilespmem:$0x1DB80] =	vst v63  }
0x48: {  	_ =	swait.ge [sflag:s28], $0x2800  }
0x49: {  	[sflag:s28] =	ssyncset.done $0x0  }
0x4a: {  	s23 =	rddreg [dreg:$0xb];
	[sflag:s28] =	ssyncadd.s32 $0xFFFFD800  }
0x4b: {  	[spmem:s23] =	stream.linear.scatter [tilespmem:s26], [sflag:$0xA], $0x2800, $0x38;
	[tilespmem:$0x1DB80] =	vst v63  }
0x4c: {  	_ =	swait.ge [sflag:s28], $0x2800  }
0x4d: {  	[sflag:s28] =	ssyncset.done $0x0  }
0x4e: {  	s24 =	rddreg [dreg:$0xc];
	[sflag:s28] =	ssyncadd.s32 $0xFFFFD800  }
0x4f: {  	[spmem:s24] =	stream.linear.scatter [tilespmem:s26], [sflag:$0xA], $0x2800, $0x38;
	[tilespmem:$0x1DB80] =	vst v63  }
0x50: {  	_ =	swait.ge [sflag:s28], $0x2800  }
0x51: {  	[sflag:s28] =	ssyncset.done $0x0  }
0x52: {  	s25 =	rddreg [dreg:$0xd];
	[sflag:s28] =	ssyncadd.s32 $0xFFFFD800  }
0x53: {  	[spmem:s25] =	stream.linear.scatter [tilespmem:s26], [sflag:$0xA], $0x2800, $0x38;
	[tilespmem:$0x1DB80] =	vst v63  }
0x54: {  	_ =	swait.ge [sflag:s28], $0x2800  }
0x55: {  	[sflag:s28] =	ssyncset.done $0x0  }
0x56: {  	s15 =	rddreg [dreg:$0xe];
	[sflag:s28] =	ssyncadd.s32 $0xFFFFD800  }
0x57: {  	[spmem:s15] =	stream.linear.scatter [tilespmem:s26], [sflag:$0xA], $0x2800, $0x38;
	[tilespmem:$0x1DB80] =	vst v63  }
0x58: {  	_ =	swait.ge [sflag:s28], $0x2800  }
0x59: {  	[sflag:s28] =	ssyncset.done $0x0  }
0x5a: {  	[sflag:s28] =	ssyncadd.s32 $0xFFFFD800  }
0x5b: {  	[bflag:$0x0] =	sbarrier.arrive $0xFFFF  }
0x5c: {  	s15 =	simm.s32 $0x0;
	s23 =	rddreg [dreg:$0xf]  }
0x5d: {  	[tilespmem:s15], [sflag:$0x1] =	stream.linear.gather [hbm4b:s23+s15], $0x50, $0x38;
	[tilespmem:$0x1DB80] =	vst v63  }
0x5e: {  	s24 =	rddreg [dreg:$0x10]  }
0x5f: {  	[tilespmem:s29], [sflag:$0x1] =	stream.linear.gather [hbm4b:s24+s15], $0x50, $0x38;
	[tilespmem:$0x1DB80] =	vst v63  }
0x60: {  	s25 =	rddreg [dreg:$0x11]  }
0x61: {  	[tilespmem:s30], [sflag:$0x2] =	stream.linear.gather [hbm4b:s25+s15], $0x50, $0x38;
	[tilespmem:$0x1DB80] =	vst v63  }
0x62: {  	s23 =	rddreg [dreg:$0x12]  }
0x63: {  	[tilespmem:s31], [sflag:$0x2] =	stream.linear.gather [hbm4b:s23+s15], $0x50, $0x38;
	[tilespmem:$0x1DB80] =	vst v63  }
0x64: {  	_ =	swait.ge [sflag:s0], $0x50  }
0x65: {  	[sflag:s0] =	ssyncset.done $0x0  }
0x66: {  	[sflag:s0] =	ssyncadd.s32 $0xFFFFFFB0  }
0x67: {  	_ =	swait.ge [sflag:s0], $0x50  }
0x68: {  	p1 =	por $0x1, $0x1;
	[sflag:s0] =	ssyncset.done $0x0  }
0x69: {  	s15 =	simm.s32 @!p1 $0x9;
	[sflag:s0] =	ssyncadd.s32 $0xFFFFFFB0  }
0x6a: {  	[tilespmem:s10], [sflag:$0x4] =	stream.indirect.gather [hbm4b:s4+s9], $0x80, s3, s9, $0xb8;
	[tilespmem:$0x1DB80] =	vst v63  }
0x6b: {  	_ =	swait.ge @!p1 [sflag:s15], $0x2800  }
0x6c: {  	s24 =	rddreg [dreg:$0x6];
	[sflag:s15] =	ssyncset.done @!p1 $0x0  }
0x6d: {  	s25 =	rddreg [dreg:$0x5];
	[sflag:s15] =	ssyncadd.s32 @!p1 $0xFFFFD800;
	s7 =	sadd.s32 $0x0, s24  }
0x6e: {  	[tilespmem:s2], [sflag:$0x3] =	stream.linear.gather [hbm4b:s7+s3], $0x50, $0x38;
	[tilespmem:$0x1DB80] =	vst v63  }
0x6f: {  	s23 =	sadd.s32 $0x0, s25  }
0x70: {  	[tilespmem:s16], [sflag:$0x3] =	stream.linear.gather [hbm4b:s23+s3], $0x50, $0x38;
	[tilespmem:$0x1DB80] =	vst v63  }
0x71: {  	_ =	swait.ge [sflag:s17], $0x50  }
0x72: {  	[sflag:s17] =	ssyncset.done $0x0  }
0x73: {  	[sflag:s17] =	ssyncadd.s32 $0xFFFFFFB0  }
0x74: {  	_ =	swait.ge [sflag:s17], $0x50  }
0x75: {  	[sflag:s17] =	ssyncset.done $0x0  }
0x76: {  	[sflag:s17] =	ssyncadd.s32 $0xFFFFFFB0  }
0x77: {  	[tilespmem:s18], [sflag:$0x5] =	stream.indirect.gather [hbm4b:s4+s9], $0x80, s30, s9, $0xb8;
	[tilespmem:$0x1DB80] =	vst v63  }
0x78: {  	_ =	swait.ge [sflag:s11], $0x2800  }
0x79: {  	[sflag:s11] =	ssyncset.done $0x0  }
0x7a: {  	[sflag:s11] =	ssyncadd.s32 $0xFFFFD800  }
0x7b: {  	[spmem:s1] =	stream.indirect.scatter.add.f32 [tilespmem:s10], [sflag:$0x7], $0x80, s29, s9, $0xb8;
	[tilespmem:$0x1DB80] =	vst v63  }
0x7c: {  	_ =	swait.ge [sflag:s19], $0x50  }
0x7d: {  	[sflag:s19] =	ssyncset.done $0x0  }
0x7e: {  	[sflag:s19] =	ssyncadd.s32 $0xFFFFFFB0  }
0x7f: {  	_ =	swait.ge [sflag:s19], $0x50  }
0x80: {  	[sflag:s19] =	ssyncset.done $0x0  }
0x81: {  	[sflag:s19] =	ssyncadd.s32 $0xFFFFFFB0  }
0x82: {  	[tilespmem:s12], [sflag:$0x6] =	stream.indirect.gather [hbm4b:s4+s9], $0x80, s2, s9, $0xb8;
	[tilespmem:$0x1DB80] =	vst v63  }
0x83: {  	_ =	swait.ge [sflag:s20], $0x2800  }
0x84: {  	[sflag:s20] =	ssyncset.done $0x0  }
0x85: {  	[sflag:s20] =	ssyncadd.s32 $0xFFFFD800  }
0x86: {  	[spmem:s1] =	stream.indirect.scatter.add.f32 [tilespmem:s18], [sflag:$0x8], $0x80, s31, s9, $0xb8;
	[tilespmem:$0x1DB80] =	vst v63  }
0x87: {  	_ =	swait.ge [sflag:s13], $0x2800  }
0x88: {  	s25 =	rddreg [dreg:$0x18]  }
0x89: {  	[sflag:s13] =	ssyncset.done $0x0;
	s24 =	sshrl.u32 s25, $0x3  }
0x8a: {  	[sflag:s13] =	ssyncadd.s32 $0xFFFFD800;
	s7 =	sadd.s32 s5, s24  }
0x8b: {  	[tilespmem:s3], [sflag:$0x1] =	stream.linear.gather [hbm4b:s7+s3], $0x50, $0x38;
	[tilespmem:$0x1DB80] =	vst v63  }
0x8c: {  	s15 =	sadd.s32 s6, s24  }
0x8d: {  	[tilespmem:s29], [sflag:$0x1] =	stream.linear.gather [hbm4b:s15+s3], $0x50, $0x38;
	[tilespmem:$0x1DB80] =	vst v63  }
0x8e: {  	_ =	swait.ge [sflag:s14], $0x2800  }
0x8f: {  	[sflag:s14] =	ssyncset.done $0x0  }
0x90: {  	[sflag:s14] =	ssyncadd.s32 $0xFFFFD800  }
0x91: {  	_ =	swait.ge [sflag:s21], $0x2800  }
0x92: {  	s24 =	rddreg [dreg:$0x4];
	[sflag:s21] =	ssyncset.done $0x0  }
0x93: {  	s7 =	rddreg [dreg:$0x3];
	[sflag:s21] =	ssyncadd.s32 $0xFFFFD800;
	s15 =	sadd.s32 $0x0, s24  }
0x94: {  	[tilespmem:s30], [sflag:$0x2] =	stream.linear.gather [hbm4b:s15+s3], $0x50, $0x38;
	[tilespmem:$0x1DB80] =	vst v63  }
0x95: {  	s23 =	simm.s32 $0x1E;
	s24 =	sadd.s32 $0x0, s7  }
0x96: {  	[tilespmem:s31], [sflag:$0x2] =	stream.linear.gather [hbm4b:s24+s3], $0x50, $0x38;
	[tilespmem:$0x1DB80] =	vst v63  }
.LBB2_4:
0x97: {  	[spmem:s1] =	stream.indirect.scatter.add.f32 [tilespmem:s12], [sflag:$0x9], $0x80, s16, s9, $0xb8;
	[tilespmem:$0x1DB80] =	vst v63  }
0x98: {  	_ =	swait.ge [sflag:s0], $0x50  }
0x99: {  	[sflag:s0] =	ssyncset.done $0x0  }
0x9a: {  	[sflag:s0] =	ssyncadd.s32 $0xFFFFFFB0  }
0x9b: {  	s15 =	smov.u32 s23;
	_ =	swait.ge [sflag:s0], $0x50  }
0x9c: {  	p3 =	seq.s32 s15, $0x0;
	[sflag:s0] =	ssyncset.done $0x0  }
0x9d: {  	s7 =	simm.s32 @!p3 $0x9;
	[sflag:s0] =	ssyncadd.s32 $0xFFFFFFB0  }
0x9e: {  	[tilespmem:s10], [sflag:$0x4] =	stream.indirect.gather [hbm4b:s4+s9], $0x80, s3, s9, $0xb8;
	[tilespmem:$0x1DB80] =	vst v63  }
0x9f: {  	_ =	swait.ge @!p3 [sflag:s7], $0x2800  }
0xa0: {  	[sflag:s7] =	ssyncset.done @!p3 $0x0;
	s24 =	rddreg [dreg:$0x6]  }
0xa1: {  	[sflag:s7] =	ssyncadd.s32 @!p3 $0xFFFFD800;
	s7 =	rddreg [dreg:$0x5];
	s24 =	sadd.s32 s15, s24  }
0xa2: {  	[tilespmem:s2], [sflag:$0x3] =	stream.linear.gather [hbm4b:s24+s3], $0x50, $0x38;
	[tilespmem:$0x1DB80] =	vst v63  }
0xa3: {  	s7 =	sadd.s32 s15, s7  }
0xa4: {  	[tilespmem:s16], [sflag:$0x3] =	stream.linear.gather [hbm4b:s7+s3], $0x50, $0x38;
	[tilespmem:$0x1DB80] =	vst v63  }
0xa5: {  	_ =	swait.ge [sflag:s17], $0x50  }
0xa6: {  	[sflag:s17] =	ssyncset.done $0x0  }
0xa7: {  	[sflag:s17] =	ssyncadd.s32 $0xFFFFFFB0  }
0xa8: {  	_ =	swait.ge [sflag:s17], $0x50  }
0xa9: {  	[sflag:s17] =	ssyncset.done $0x0  }
0xaa: {  	[sflag:s17] =	ssyncadd.s32 $0xFFFFFFB0  }
0xab: {  	[tilespmem:s18], [sflag:$0x5] =	stream.indirect.gather [hbm4b:s4+s9], $0x80, s30, s9, $0xb8;
	[tilespmem:$0x1DB80] =	vst v63  }
0xac: {  	_ =	swait.ge [sflag:s11], $0x2800  }
0xad: {  	[sflag:s11] =	ssyncset.done $0x0  }
0xae: {  	[sflag:s11] =	ssyncadd.s32 $0xFFFFD800  }
0xaf: {  	[spmem:s1] =	stream.indirect.scatter.add.f32 [tilespmem:s10], [sflag:$0x7], $0x80, s29, s9, $0xb8;
	[tilespmem:$0x1DB80] =	vst v63  }
0xb0: {  	_ =	swait.ge [sflag:s19], $0x50  }
0xb1: {  	[sflag:s19] =	ssyncset.done $0x0  }
0xb2: {  	[sflag:s19] =	ssyncadd.s32 $0xFFFFFFB0  }
0xb3: {  	_ =	swait.ge [sflag:s19], $0x50  }
0xb4: {  	[sflag:s19] =	ssyncset.done $0x0  }
0xb5: {  	[sflag:s19] =	ssyncadd.s32 $0xFFFFFFB0  }
0xb6: {  	[tilespmem:s12], [sflag:$0x6] =	stream.indirect.gather [hbm4b:s4+s9], $0x80, s2, s9, $0xb8;
	[tilespmem:$0x1DB80] =	vst v63  }
0xb7: {  	_ =	swait.ge [sflag:s20], $0x2800  }
0xb8: {  	[sflag:s20] =	ssyncset.done $0x0  }
0xb9: {  	[sflag:s20] =	ssyncadd.s32 $0xFFFFD800  }
0xba: {  	[spmem:s1] =	stream.indirect.scatter.add.f32 [tilespmem:s18], [sflag:$0x8], $0x80, s31, s9, $0xb8;
	[tilespmem:$0x1DB80] =	vst v63  }
0xbb: {  	s25 =	sadd.s32 $0xF0, s25;
	_ =	swait.ge [sflag:s13], $0x2800  }
0xbc: {  	s7 =	sshrl.u32 s25, $0x3;
	[sflag:s13] =	ssyncset.done $0x0  }
0xbd: {  	s24 =	sadd.s32 s5, s7;
	[sflag:s13] =	ssyncadd.s32 $0xFFFFD800  }
0xbe: {  	[tilespmem:s3], [sflag:$0x1] =	stream.linear.gather [hbm4b:s24+s3], $0x50, $0x38;
	[tilespmem:$0x1DB80] =	vst v63  }
0xbf: {  	s7 =	sadd.s32 s6, s7  }
0xc0: {  	[tilespmem:s29], [sflag:$0x1] =	stream.linear.gather [hbm4b:s7+s3], $0x50, $0x38;
	[tilespmem:$0x1DB80] =	vst v63  }
0xc1: {  	_ =	swait.ge [sflag:s14], $0x2800  }
0xc2: {  	[sflag:s14] =	ssyncset.done $0x0  }
0xc3: {  	s23 =	sadd.s32 $0x1E, s23;
	[sflag:s14] =	ssyncadd.s32 $0xFFFFD800  }
0xc4: {  	p1 =	sne.s32 s23, $0x4CE;
	_ =	swait.ge [sflag:s21], $0x2800  }
.Ltmp1:
0xc5: {  	s7 =	rddreg [dreg:$0x4];
	[sflag:s21] =	ssyncset.done $0x0;
	(pc) =	sbr.rel @p1 .LBB2_4-.Ltmp1, $4  }
0xc6: {  	s24 =	rddreg [dreg:$0x3];
	[sflag:s21] =	ssyncadd.s32 $0xFFFFD800;
	s7 =	sadd.s32 s15, s7  }
0xc7: {  	[tilespmem:s30], [sflag:$0x2] =	stream.linear.gather [hbm4b:s7+s3], $0x50, $0x38;
	[tilespmem:$0x1DB80] =	vst v63  }
0xc8: {  	s24 =	sadd.s32 s15, s24  }
0xc9: {  	[tilespmem:s31], [sflag:$0x2] =	stream.linear.gather [hbm4b:s24+s3], $0x50, $0x38;
	[tilespmem:$0x1DB80] =	vst v63  }
0xca: {  	[spmem:s1] =	stream.indirect.scatter.add.f32 [tilespmem:s12], [sflag:$0x9], $0x80, s16, s9, $0xb8;
	[tilespmem:$0x1DB80] =	vst v63  }
0xcb: {  	s7 =	simm.s32 $0x9  }
0xcc: {  	_ =	swait.ge [sflag:s7], $0x2800  }
0xcd: {  	[sflag:s7] =	ssyncset.done $0x0  }
0xce: {  	[sflag:s7] =	ssyncadd.s32 $0xFFFFD800  }
0xcf: {  	_ =	swait.ge [sflag:s0], $0x50  }
0xd0: {  	[sflag:s0] =	ssyncset.done $0x0  }
0xd1: {  	[sflag:s0] =	ssyncadd.s32 $0xFFFFFFB0  }
0xd2: {  	_ =	swait.ge [sflag:s0], $0x50  }
0xd3: {  	s15 =	simm.s32 @!p4 $0x0;
	[sflag:s0] =	ssyncset.done $0x0;
	s25 =	sld [smem:$0x7FD]  }
0xd4: {  	s23 =	simm.s32 @!p4 $0x300;
	s7 =	simm.s32 @!p4 $0x50;
	[sflag:s0] =	ssyncadd.s32 $0xFFFFFFB0  }
0xd5: {  	[tilespmem:s23], [sflag:$0x4] =	stream.indirect.gather @!p4 [hbm4b:s4+s7], $0x80, s15, s7, $0xb8;
	[tilespmem:$0x1DB80] =	vst v63  }
0xd6: {  	p1 =	seq.s32 s25, $0x1  }
0xd7: {  	s15 =	simm.s32 @p1 $0x50;
	s23 =	simm.s32 @p1 $0x0;
	s24 =	simm.s32 @p1 $0x300  }
0xd8: {  	[tilespmem:s24], [sflag:$0x4] =	stream.indirect.gather @p1 [hbm4b:s4+s15], $0x80, s23, s15, $0xb8;
	[tilespmem:$0x1DB80] =	vst v63  }
0xd9: {  	_ =	swait.ge [sflag:s11], $0x2800  }
0xda: {  	[sflag:s11] =	ssyncset.done $0x0  }
0xdb: {  	[sflag:s11] =	ssyncadd.s32 $0xFFFFD800  }
0xdc: {  	[spmem:s1] =	stream.indirect.scatter.add.f32 [tilespmem:s10], [sflag:$0x7], $0x80, s29, s9, $0xb8;
	[tilespmem:$0x1DB80] =	vst v63  }
0xdd: {  	_ =	swait.ge [sflag:s13], $0x2800  }
0xde: {  	[sflag:s13] =	ssyncset.done $0x0  }
0xdf: {  	[sflag:s13] =	ssyncadd.s32 $0xFFFFD800  }
0xe0: {  	_ =	swait.ge [sflag:s17], $0x50  }
0xe1: {  	[sflag:s17] =	ssyncset.done $0x0  }
0xe2: {  	[sflag:s17] =	ssyncadd.s32 $0xFFFFFFB0  }
0xe3: {  	_ =	swait.ge [sflag:s17], $0x50  }
0xe4: {  	[sflag:s17] =	ssyncset.done $0x0  }
0xe5: {  	s23 =	simm.s32 @!p4 $0x80;
	s24 =	simm.s32 @!p4 $0x2B00;
	[sflag:s17] =	ssyncadd.s32 $0xFFFFFFB0  }
0xe6: {  	[tilespmem:s24], [sflag:$0x5] =	stream.indirect.gather @!p4 [hbm4b:s4+s7], $0x80, s23, s7, $0xb8;
	[tilespmem:$0x1DB80] =	vst v63  }
0xe7: {  	s7 =	simm.s32 @p1 $0x80;
	s23 =	simm.s32 @p1 $0x2B00  }
0xe8: {  	[tilespmem:s23], [sflag:$0x5] =	stream.indirect.gather @p1 [hbm4b:s4+s15], $0x80, s7, s15, $0xb8;
	[tilespmem:$0x1DB80] =	vst v63  }
0xe9: {  	_ =	swait.ge [sflag:s20], $0x2800  }
0xea: {  	[sflag:s20] =	ssyncset.done $0x0  }
0xeb: {  	[sflag:s20] =	ssyncadd.s32 $0xFFFFD800  }
0xec: {  	[spmem:s1] =	stream.indirect.scatter.add.f32 [tilespmem:s18], [sflag:$0x8], $0x80, s31, s9, $0xb8;
	[tilespmem:$0x1DB80] =	vst v63  }
0xed: {  	_ =	swait.ge [sflag:s21], $0x2800  }
0xee: {  	[sflag:s21] =	ssyncset.done $0x0  }
0xef: {  	s24 =	stileid.u32;
	[sflag:s21] =	ssyncadd.s32 $0xFFFFD800  }
0xf0: {  	s7 =	sshll.u32 @p2 s24, $0x6;
	[bflag:$0x0] =	sbarrier.arrive $0xFFFF  }
0xf1: {  	s15 =	sshrl.u32 @p2 s8, $0x3;
	s7 =	sor.u32 @p2 $0x1C0A, s7;
	s23 =	rddreg [dreg:$0x13]  }
0xf2: {  	[hbm:s23], [sflag:s7] =	dma.local @p2 [spmem:s15], $0x2800  }
0xf3: {  	s7 =	simm.s32 @p2 $0xA  }
0xf4: {  	_ =	swait.ge @p2 [sflag:s7], $0x2800  }
0xf5: {  	s23 =	sld [smem:$0x7FC];
	_ =	sdelay $0x1  }
0xf6: {  	[sflag:s7] =	ssyncset.done @p2 $0x0  }
0xf7: {  	s25 =	rddreg [dreg:$0x7];
	[sflag:s7] =	ssyncadd.s32 @p2 $0xFFFFD800;
	p1 =	seq.s32 s23, $0x1  }
0xf8: {  	s23 =	rddreg [dreg:$0x14];
	s7 =	sshrl.u32 @p1 s25, $0x3;
	s15 =	simm.s32 @p1 $0x1FCA  }
0xf9: {  	[hbm:s23], [sflag:s15] =	dma.local @p1 [spmem:s7], $0x1900  }
0xfa: {  	s7 =	simm.s32 @p1 $0xA  }
0xfb: {  	_ =	swait.ge @p1 [sflag:s7], $0x1900  }
0xfc: {  	s15 =	sshll.u32 @p5 s24, $0x6;
	[sflag:s7] =	ssyncset.done @p1 $0x0;
	s24 =	rddreg [dreg:$0x15]  }
0xfd: {  	[sflag:s7] =	ssyncadd.s32 @p1 $0xFFFFE700;
	s7 =	sor.u32 @p5 $0x1C0A, s15;
	s15 =	sshrl.u32 @p5 s8, $0x3  }
0xfe: {  	[hbm:s24], [sflag:s7] =	dma.local @p5 [spmem:s15], $0x2800  }
0xff: {  	s7 =	simm.s32 @p5 $0xA  }
0x100: {  	_ =	swait.ge @p5 [sflag:s7], $0x2800  }
0x101: {  	s15 =	simm.s32 @p6 $0x1FCA;
	[sflag:s7] =	ssyncset.done @p5 $0x0  }
0x102: {  	s24 =	rddreg [dreg:$0x16];
	[sflag:s7] =	ssyncadd.s32 @p5 $0xFFFFD800;
	s7 =	sshrl.u32 @p6 s25, $0x3  }
0x103: {  	[hbm:s24], [sflag:s15] =	dma.local @p6 [spmem:s7], $0x1900  }
0x104: {  	s7 =	simm.s32 @p6 $0xA  }
0x105: {  	_ =	swait.ge @p6 [sflag:s7], $0x1900  }
0x106: {  	s22 =	sadd.s32 $0x1, s22;
	s25 =	rddreg [dreg:$0x17]  }
0x107: {  	p1 =	sne.s32 s22, s25  }
.Ltmp2:
0x108: {  	_ = 	snop;
	(pc) =	sbr.rel @p1 .LBB2_1-.Ltmp2, $3  }
0x109: {  	_ =	sdelay $0x1  }
0x10a: {  	[sflag:s7] =	ssyncset.done @p6 $0x0  }
0x10b: {  	s23 =	stileid.u32;
	[sflag:s7] =	ssyncadd.s32 @p6 $0xFFFFE700  }
0x10c: {  	_ =	sfence.sel $0x180000  }
0x10d: {  	[bflag:$0x0] =	sbarrier.arrive $0xFFFF  }
0x10e: {  	_ =	strace $0x9000004A  }
0x10f: {  	[bflag:$0x2] =	sbarrier.arrive $0xFFFF  }
0x110: {  	p0 =	sne.s32 s23, $0x0;
	s0 =	rddreg [dreg:$0x2]  }
0x111: {  	s0 =	sadd.s32 @!p0 $0x100000, s0  }
0x112: {  	[sflag:s0] =	ssyncadd.tile.s32 @!p0 $0x1;
	_ =	shalt  }
.Lfunc_end2:
_tile_overlayer_lowered:
.L_overlay_start_2:
0x113: {  	(tag) =	ssettag $0x2  }
0x114: {  	s0 =	rddreg [dreg:$0x0];
	s2 =	stileid.u32  }
0x115: {  	s1 =	rddreg [dreg:$0x1];
	p0 =	sne.s32 s2, $0x0  }
0x116: {  	s3 =	rddreg [dreg:$0x2];
	[bflag:$0x3] =	sbarrier.arrive $0xFFFF;
	s2 =	simm.s32 @!p0 $0x1C0A  }
0x117: {  	[timem:s3], [sflag:s2] =	dma.local @!p0 [hbm:s0], s1  }
0x118: {  	s0 =	simm.s32 @!p0 $0xA  }
0x119: {  	_ =	swait.ge @!p0 [sflag:s0], s1  }
0x11a: {  	s1 =	ssub.s32 @!p0 $0x0, s1;
	[sflag:s0] =	ssyncset.done @!p0 $0x0  }
0x11b: {  	[sflag:s0] =	ssyncadd.s32 @!p0 s1  }
0x11c: {  	[bflag:$0x3] =	sbarrier.arrive $0xFFFF  }
0x11d: {  	_ =	shalt  }

// kernel: kernel.14.cloned.1.call-start
scs
__scs_entry_jumppad:
0x0: {  	(pc) =	sbr.rel $0x88, $3  }
0x1: {  	(tag) =	ssettag $0x0;
	lr =	simm.s32 $0x1  }
0x2: {  	[smem:$0x3F91] =	sst lr;
	_ =	strace $0xD0000000  }
0x3: {  	_ = 	snop  }
0x4: {  	_ = 	snop  }
0x5: {  	_ = 	snop  }
0x6: {  	_ = 	snop  }
0x7: {  	_ = 	snop  }
__scs_overlays_trampoline_lowered:
0x8: {  	[smem:$0x3FA0] =	sst s0  }
0x9: {  	[smem:$0x3FA1] =	sst s1  }
0xa: {  	[smem:$0x3FA2] =	sst s2  }
0xb: {  	[smem:$0x3FA3] =	sst s3  }
0xc: {  	[smem:$0x3FA4] =	sst s4  }
0xd: {  	[smem:$0x3FA5] =	sst s5  }
0xe: {  	[smem:$0x3FA6] =	sst s6  }
0xf: {  	[smem:$0x3FA7] =	sst s7  }
0x10: {  	[smem:$0x3FA8] =	sst s8  }
0x11: {  	[smem:$0x3FA9] =	sst s9;
	s0 =	simm.s32 @!p0 $0x0  }
0x12: {  	s1 =	sld [smem:$0x3F8F];
	s0 =	simm.s32 @p0 $0x1  }
0x13: {  	[smem:$0x3FAA] =	sst s0;
	s0 =	simm.s32 @!p1 $0x0  }
0x14: {  	s2 =	sld [smem:$0x3F8E];
	s0 =	simm.s32 @p1 $0x1  }
0x15: {  	[smem:$0x3FAB] =	sst s0;
	s0 =	simm.s32 @!p2 $0x0  }
0x16: {  	s3 =	sld [smem:$0x3FDB];
	s0 =	simm.s32 @p2 $0x1  }
0x17: {  	s4 =	simm.s32 $0x1BF5;
	[smem:$0x3FAD] =	sst s0  }
0x18: {  	s0 =	sld [smem:$0x3F90];
	_ =	swait.ge [sflag:s4], $0x0  }
0x19: {  	s7 =	sld [smem:$0x3F91]  }
0x1a: {  	s8 =	sadd.s32 $0xFFFFE003, lr  }
0x1b: {  	s9 =	sadd.s32 $0xFFFFFEF7, lr;
	s5 =	simm.s32 $0xFFFFFFFF;
	p2 =	slt.u32 s8, $0xFFFFF086  }
0x1c: {  	p1 =	slt.u32 s9, $0xF7A;
	s5 =	simm.s32 @!p2 $0x0  }
0x1d: {  	s5 =	simm.s32 @p1 $0x1;
	p0 =	seq.s32 s7, s2  }
0x1e: {  	s7 =	smul.u32 @!p0 $0xF7A, s2;
	p2 =	seq.s32 @!p0 s5, $0x0  }
0x1f: {  	s9 =	smul.u32 $0xF7A, s1;
	s8 =	simm.s32 @!p0 $0x1BF5;
	p2 =	por !p2, p0  }
0x20: {  	[sflag:s8] =	ssyncset.s32 @!p0 $0xFFFFF086;
	s6 =	sadd.s32 @!p0 s3, s7;
	s7 =	simm.s32 @!p0 $0x108  }
0x21: {  	s3 =	sadd.s32 s3, s9;
	s6 =	sadd.s32 @!p0 $0x88, s6;
	s7 =	simm.s32 @p2 $0x1082  }
0x22: {  	[simem:s7], [sflag:s8] =	dma.local @!p0 [hbm:s6], $0xF7A  }
0x23: {  	s9 =	sor.u32 $0xD0000000, s2;
	s6 =	simm.s32 $0x108;
	_ =	swait.ge @!p0 [sflag:s8], $0x0  }
0x24: {  	s3 =	sadd.s32 $0x88, s3;
	s6 =	simm.s32 @!p1 $0x1082;
	[sflag:s4] =	ssyncset.s32 $0xFFFFF086  }
0x25: {  	[simem:s6], [sflag:s4] =	dma.local [hbm:s3], $0xF7A  }
0x26: {  	[smem:$0x3F91] =	sst s1;
	(tag) =	ssettag s2;
	_ =	strace s9  }
0x27: {  	s1 =	sld [smem:$0x3FA1]  }
0x28: {  	s2 =	sld [smem:$0x3FA2]  }
0x29: {  	s4 =	sld [smem:$0x3FA4]  }
0x2a: {  	p0 =	seq.s32 s5, $0x0;
	s5 =	sld [smem:$0x3FA5]  }
0x2b: {  	s6 =	sld [smem:$0x3FA6]  }
0x2c: {  	s7 =	sld [smem:$0x3FA7]  }
0x2d: {  	s3 =	simm.s32 $0x108;
	s8 =	sld [smem:$0x3FA8]  }
0x2e: {  	s3 =	simm.s32 @!p0 $0x1082;
	s9 =	sld [smem:$0x3FA9]  }
0x2f: {  	lr =	sadd.s32 s0, s3;
	s0 =	sld [smem:$0x3FA0]  }
0x30: {  	s3 =	sld [smem:$0x3FA3]  }
0x31: {  	[smem:$0x3FAC] =	sst s10  }
0x32: {  	s10 =	sld [smem:$0x3FAA];
	_ =	sdelay $0x3  }
0x33: {  	p0 =	seq.s32 s10, $0x1;
	s10 =	sld [smem:$0x3FAC];
	_ =	sdelay $0x3  }
0x34: {  	[smem:$0x3FAC] =	sst s10  }
0x35: {  	s10 =	sld [smem:$0x3FAB];
	_ =	sdelay $0x3  }
0x36: {  	p1 =	seq.s32 s10, $0x1;
	s10 =	sld [smem:$0x3FAC];
	_ =	sdelay $0x3  }
0x37: {  	[smem:$0x3FAC] =	sst s10  }
0x38: {  	s10 =	sld [smem:$0x3FAD]  }
0x39: {  	_ = 	snop;
	(pc) =	sbr.ind lr, $3  }
0x3a: {  	_ = 	snop  }
0x3b: {  	_ = 	snop  }
0x3c: {  	p2 =	seq.s32 s10, $0x1;
	s10 =	sld [smem:$0x3FAC]  }
0x3d: {  	_ =	shalt  }
0x3e: {  	_ =	shalt  }
0x3f: {  	_ =	shalt  }
0x40: {  	_ =	shalt  }
0x41: {  	_ =	shalt  }
0x42: {  	_ =	shalt  }
0x43: {  	_ =	shalt  }
0x44: {  	_ =	shalt  }
0x45: {  	_ =	shalt  }
0x46: {  	_ =	shalt  }
0x47: {  	_ =	shalt  }
0x48: {  	_ =	shalt  }
0x49: {  	_ =	shalt  }
0x4a: {  	_ =	shalt  }
0x4b: {  	_ =	shalt  }
0x4c: {  	_ =	shalt  }
0x4d: {  	_ =	shalt  }
0x4e: {  	_ =	shalt  }
0x4f: {  	_ =	shalt  }
0x50: {  	_ =	shalt  }
0x51: {  	_ =	shalt  }
0x52: {  	_ =	shalt  }
0x53: {  	_ =	shalt  }
0x54: {  	_ =	shalt  }
0x55: {  	_ =	shalt  }
0x56: {  	_ =	shalt  }
0x57: {  	_ =	shalt  }
0x58: {  	_ =	shalt  }
0x59: {  	_ =	shalt  }
0x5a: {  	_ =	shalt  }
0x5b: {  	_ =	shalt  }
0x5c: {  	_ =	shalt  }
0x5d: {  	_ =	shalt  }
0x5e: {  	_ =	shalt  }
0x5f: {  	_ =	shalt  }
0x60: {  	_ =	shalt  }
0x61: {  	_ =	shalt  }
0x62: {  	_ =	shalt  }
0x63: {  	_ =	shalt  }
0x64: {  	_ =	shalt  }
0x65: {  	_ =	shalt  }
0x66: {  	_ =	shalt  }
0x67: {  	_ =	shalt  }
0x68: {  	_ =	shalt  }
0x69: {  	_ =	shalt  }
0x6a: {  	_ =	shalt  }
0x6b: {  	_ =	shalt  }
0x6c: {  	_ =	shalt  }
0x6d: {  	_ =	shalt  }
0x6e: {  	_ =	shalt  }
0x6f: {  	_ =	shalt  }
0x70: {  	_ =	shalt  }
0x71: {  	_ =	shalt  }
0x72: {  	_ =	shalt  }
0x73: {  	_ =	shalt  }
0x74: {  	_ =	shalt  }
0x75: {  	_ =	shalt  }
0x76: {  	_ =	shalt  }
0x77: {  	_ =	shalt  }
0x78: {  	_ =	shalt  }
0x79: {  	_ =	shalt  }
0x7a: {  	_ =	shalt  }
0x7b: {  	_ =	shalt  }
0x7c: {  	_ =	shalt  }
0x7d: {  	_ =	shalt  }
0x7e: {  	_ =	shalt  }
0x7f: {  	_ =	shalt  }
0x80: {  	_ =	shalt  }
0x81: {  	_ =	shalt  }
0x82: {  	_ =	shalt  }
0x83: {  	_ =	shalt  }
0x84: {  	_ =	shalt  }
0x85: {  	_ =	shalt  }
0x86: {  	_ =	shalt  }
0x87: {  	_ =	shalt  }
.Lfunc_end0:
.L_simem_size_0:
called_computation.2_lowered:
.L_overlay_start_0:
0x88: {  	s2 =	sld [smem:$0x3FD9]  }
0x89: {  	s3 =	sld [smem:$0x3FFE];
	_ =	sdelay $0x1  }
0x8a: {  	s1 =	srdreg.scid  }
0x8b: {  	s0 =	sand.u32 $0x1, s1  }
0x8c: {  	s17 =	sshll.u32 s0, $0xA;
	s2 =	sadd.s32 s3, s2  }
0x8d: {  	s2 =	sadd.s32 s2, s17  }
0x8e: {  	[smem:$0x3FB8] =	sst s2  }
0x8f: {  	_ = 	snop  }
0x90: {  	s2 =	sld [smem:$0x3FD0];
	(tm) =	ssettm $0x1  }
0x91: {  	s18 =	sld [smem:$0x3FFB];
	_ =	sdelay $0x3  }
0x92: {  	_ =	strace s18  }
0x93: {  	s3 =	sld [smem:$0x3FFC];
	_ =	sdelay $0x3  }
0x94: {  	_ =	strace s3  }
0x95: {  	s3 =	sld [smem:$0x3FFD];
	_ =	sdelay $0x3  }
0x96: {  	_ =	strace s3  }
0x97: {  	_ =	strace $0x8FFFFFFF  }
0x98: {  	s19 =	sld [smem:$0x3FDB];
	_ =	sdelay $0x1  }
0x99: {  	s4 =	simm.s32 $_scs_section_size  }
0x9a: {  	s5 =	simm.s32 $_size__tile_overlayer_lowered;
	s6 =	simm.s32 $_tile_overlayer_lowered  }
0x9b: {  	s22 =	simm.s32 $0x1BFF;
	s21 =	sshll.u32 s6, $0x1;
	s3 =	sadd.s32 s4, s19  }
0x9c: {  	s7 =	simm.s32 $0x0;
	s20 =	sshll.u32 s5, $0x1;
	s5 =	sadd.s32 s21, s3  }
0x9d: {  	[timem:s7], [sflag:s22] =	dma.local [hbm:s5], s20  }
0x9e: {  	_ =	swait.ge [sflag:s22], s20  }
0x9f: {  	s4 =	ssub.s32 $0x0, s20;
	[sflag:s22] =	ssyncset.done $0x0  }
0xa0: {  	[sflag:s22] =	ssyncadd.s32 s4;
	_ =	sdelay $0x1  }
0xa1: {  	s23 =	simm.s32 $0x1B8B  }
0xa2: {  	_ =	swait.ge [sflag:s23], $0x1  }
0xa3: {  	[sflag:s23] =	ssyncset.done $0x0  }
0xa4: {  	s25 =	simm.s32 $0x1B8E;
	s24 =	sld [smem:$0x3FFE];
	[sflag:s23] =	ssyncadd.s32 $0xFFFFFFFF  }
0xa5: {  	s26 =	simm.s32 $execute0_lowered;
	[smem:$0x3FD2] =	sst s25  }
0xa6: {  	s5 =	sshll.u32 s26, $0x1;
	_ =	strace $0x8000004C;
	[dreg:$0x1] =	wrdreg $0xFFFFFFFF  }
0xa7: {  	s28 =	simm.s32 $_size_execute0_lowered;
	s3 =	sadd.s32 s3, s5;
	[dreg:$0x0] =	wrdreg $0x0  }
0xa8: {  	s5 =	sshll.u32 s28, $0x1;
	[dreg:$0x2] =	wrdreg s3  }
0xa9: {  	[dreg:$0x3] =	wrdreg s5  }
0xaa: {  	[dreg:$0x4] =	wrdreg $0xC0  }
0xab: {  	_ =	task [dreg:s7], $0x5FFFF  }
0xac: {  	[dreg:$0x1] =	wrdreg $0xFFFFFFFF  }
0xad: {  	[dreg:$0x0] =	wrdreg $0x60  }
0xae: {  	[dreg:$0x2] =	wrdreg s24  }
0xaf: {  	[dreg:$0x3] =	wrdreg s2  }
0xb0: {  	[dreg:$0x4] =	wrdreg $0x9  }
0xb1: {  	_ =	task.clear_ibuf [dreg:s7], $0x5FFFF;
	_ =	strace $0x9000004C  }
0xb2: {  	s29 =	simm.s32 $0x9;
	_ =	strace $0x8000004E  }
0xb3: {  	_ =	swait.ge [sflag:s29], $0x1  }
0xb4: {  	[sflag:s29] =	ssyncadd.s32 $0xFFFFFFFF  }
0xb5: {  	_ =	strace $0x9000004E  }
0xb6: {  	_ =	sfence  }
0xb7: {  	s30 =	sld [smem:$0x0];
	_ =	sdelay $0x2  }
0xb8: {  	s31 =	sshll.u32 s1, $0xD;
	s1 =	sshrl.u32 s1, $0x2  }
0xb9: {  	s3 =	sand.u32 $0x4000, s31;
	s1 =	sadd.s32 s1, s30  }
0xba: {  	s0 =	sor.u32 s3, s0;
	s1 =	sshll.u32 s1, $0x11  }
0xbb: {  	s0 =	sor.u32 s1, s0  }
0xbc: {  	s0 =	sadd.s32 $0x8F2B, s0  }
0xbd: {  	[sflag:s0] =	ssyncadd.remote.s32 $0x1  }
0xbe: {  	_ =	sfence.sel $0xFFFF  }
0xbf: {  	[dreg:$0x0] =	wrdreg $0xFFFFFFFF;
	(pc) =	sbr.abs _section_cstart, $3  }
0xc0: {  	[dreg:$0x1] =	wrdreg $0xFFFFFFFF  }
0xc1: {  	_ =	task.clear_ibuf [dreg:s7], $0x2FFFF;
	_ =	strace $0x9FFFFFFF  }
0xc2: {  	(tm) =	ssettm $0x7FFFFFFF  }
0xc3: {  	_ =	shalt  }
tec
execute0_lowered:
.L_overlay_start_1:
0x0: {  	(tag) =	ssettag $0x1  }
0x1: {  	s1 =	srdreg.scid  }
0x2: {  	s0 =	stileid.u32;
	s6 =	rddreg [dreg:$0x0]  }
0x3: {  	s2 =	rddreg [dreg:$0x1];
	s3 =	simm.s32 $0x0;
	s10 =	simm.s32 $0x2710  }
0x4: {  	s11 =	simm.s32 $0x4E20;
	s12 =	simm.s32 $0x5AA0;
	s13 =	simm.s32 $0x6720  }
0x5: {  	s5 =	sand.u32 $0x1, s1;
	s30 =	sshll.u32 s0, $0x1;
	s8 =	smul.u32 $0x1900, s0  }
0x6: {  	s14 =	simm.s32 $0x0;
	s1 =	sor.u32 s5, s30;
	s9 =	smul.u32 $0xC80, s5  }
0x7: {  	[smem:$0x7FF] =	sst s3;
	s4 =	sadd.s32 $0x2E00, s6;
	s7 =	smul.u32 $0xC80, s1  }
0x8: {  	s5 =	ssub.s32 $0x2, s5;
	s1 =	rddreg [dreg:$0x2];
	_ =	strace $0x8000004D  }
0x9: {  	s31 =	sshrl.u32 s5, $0x1;
	s8 =	sadd.s32 s9, s8;
	s7 =	sshrl.u32 s7, $0x3  }
0xa: {  	s9 =	ssub.s32 s5, s31;
	s8 =	sshrl.u32 s8, $0x3;
	s7 =	sadd.s32 s7, s6  }
0xb: {  	s8 =	sadd.s32 s8, s6;
	s5 =	sadd.s32 $0x8F200, s7;
	s6 =	sadd.s32 $0x8C000, s7  }
0xc: {  	s7 =	smax.u32 s9, $0x1;
	s8 =	sadd.s32 $0x3400, s8;
	s9 =	simm.s32 $0x1  }
.LBB2_1:
0xd: {  	[tilespmem:s3], [sflag:$0x1] =	stream.linear.gather [hbm4b:s4+s3], $0x2710, $0x38;
	[tilespmem:$0x67A0] =	vst v63  }
0xe: {  	_ =	swait.ge [sflag:s9], $0x2710  }
0xf: {  	[sflag:s9] =	ssyncset.done $0x0  }
0x10: {  	[sflag:s9] =	ssyncadd.s32 $0xFFFFD8F0  }
0x11: {  	[tilespmem:s10], [sflag:$0x1] =	stream.linear.gather [hbm4b:s2+s3], $0x2710, $0x38;
	[tilespmem:$0x67A0] =	vst v63  }
0x12: {  	_ =	swait.ge [sflag:s9], $0x2710  }
0x13: {  	[sflag:s9] =	ssyncset.done $0x0  }
0x14: {  	[sflag:s9] =	ssyncadd.s32 $0xFFFFD8F0  }
0x15: {  	[tilespmem:s11], [sflag:$0x1] =	stream.linear.gather [hbm4b:s5+s3], $0xC80, $0x38;
	[tilespmem:$0x67A0] =	vst v63  }
0x16: {  	_ =	swait.ge [sflag:s9], $0xC80  }
0x17: {  	[sflag:s9] =	ssyncset.done $0x0  }
0x18: {  	[sflag:s9] =	ssyncadd.s32 $0xFFFFF380  }
0x19: {  	[tilespmem:s12], [sflag:$0x1] =	stream.linear.gather [hbm4b:s6+s3], $0xC80, $0x38;
	[tilespmem:$0x67A0] =	vst v63  }
0x1a: {  	_ =	swait.ge [sflag:s9], $0xC80  }
0x1b: {  	[sflag:s9] =	ssyncset.done $0x0  }
0x1c: {  	s15 =	smov.u32 s8;
	s16 =	simm.s32 $0x0;
	[sflag:s9] =	ssyncadd.s32 $0xFFFFF380  }
.LBB2_2:
0x1d: {  	s17 =	sshra.s32 s16, $0x2  }
0x1e: {  	v0 =	vld [tilespmem:s17+$0x4E20]  }
0x1f: {  	v1 =	vld [tilespmem:s17+$0x5AA0];
	_ =	sdelay $0x6  }
0x20: {  	v0 =	vld.idx.msk [tilespmem:v0+s3+$0x0], $0xffff  }
0x21: {  	v1 =	vld.idx.msk [tilespmem:v1+s10+$0x0], $0xffff;
	_ =	sdelay $0x4  }
0x22: {  	v0 =	vadd.f32 v1, v0;
	_ =	sdelay $0x1  }
0x23: {  	v0 =	vsub.f32 $0.0e+00, v0;
	_ =	sdelay $0x1  }
0x24: {  	v0 =	vmul.f32 $1.442695020e+00, v0;
	_ =	sdelay $0x1  }
0x25: {  	(erf) = vpow2.f32 v0;
	_ =	sdelay $0x8  }
0x26: {  	v0 =	vpop (erf)  }
0x27: {  	v0 =	vadd.f32 $1.000000000e+00, v0;
	_ =	sdelay $0x1  }
0x28: {  	(erf) = vrcp.f32 v0;
	_ =	sdelay $0x8  }
0x29: {  	v0 =	vpop (erf)  }
0x2a: {  	[tilespmem:$0x6720] =	vst v0  }
0x2b: {  	v0 =	vld [tilespmem:s17+$0x4E30]  }
0x2c: {  	v57 =	vld [tilespmem:s17+$0x5AB0];
	_ =	sdelay $0x6  }
0x2d: {  	v0 =	vld.idx.msk [tilespmem:v0+s3+$0x0], $0xffff  }
0x2e: {  	v1 =	vld.idx.msk [tilespmem:v57+s10+$0x0], $0xffff;
	_ =	sdelay $0x4  }
0x2f: {  	v0 =	vadd.f32 v1, v0;
	_ =	sdelay $0x1  }
0x30: {  	v0 =	vsub.f32 $0.0e+00, v0;
	_ =	sdelay $0x1  }
0x31: {  	v0 =	vmul.f32 $1.442695020e+00, v0;
	_ =	sdelay $0x1  }
0x32: {  	(erf) = vpow2.f32 v0;
	_ =	sdelay $0x8  }
0x33: {  	v0 =	vpop (erf)  }
0x34: {  	v0 =	vadd.f32 $1.000000000e+00, v0;
	_ =	sdelay $0x1  }
0x35: {  	(erf) = vrcp.f32 v0;
	_ =	sdelay $0x8  }
0x36: {  	v0 =	vpop (erf)  }
0x37: {  	[tilespmem:$0x6730] =	vst v0  }
0x38: {  	v0 =	vld [tilespmem:s17+$0x4E40]  }
0x39: {  	v58 =	vld [tilespmem:s17+$0x5AC0];
	_ =	sdelay $0x6  }
0x3a: {  	v0 =	vld.idx.msk [tilespmem:v0+s3+$0x0], $0xffff  }
0x3b: {  	v1 =	vld.idx.msk [tilespmem:v58+s10+$0x0], $0xffff;
	_ =	sdelay $0x4  }
0x3c: {  	v0 =	vadd.f32 v1, v0;
	_ =	sdelay $0x1  }
0x3d: {  	v0 =	vsub.f32 $0.0e+00, v0;
	_ =	sdelay $0x1  }
0x3e: {  	v0 =	vmul.f32 $1.442695020e+00, v0;
	_ =	sdelay $0x1  }
0x3f: {  	(erf) = vpow2.f32 v0;
	_ =	sdelay $0x8  }
0x40: {  	v0 =	vpop (erf)  }
0x41: {  	v0 =	vadd.f32 $1.000000000e+00, v0;
	_ =	sdelay $0x1  }
0x42: {  	(erf) = vrcp.f32 v0;
	_ =	sdelay $0x8  }
0x43: {  	v0 =	vpop (erf)  }
0x44: {  	[tilespmem:$0x6740] =	vst v0  }
0x45: {  	v0 =	vld [tilespmem:s17+$0x4E50]  }
0x46: {  	v59 =	vld [tilespmem:s17+$0x5AD0];
	_ =	sdelay $0x6  }
0x47: {  	v0 =	vld.idx.msk [tilespmem:v0+s3+$0x0], $0xffff  }
0x48: {  	v1 =	vld.idx.msk [tilespmem:v59+s10+$0x0], $0xffff;
	_ =	sdelay $0x4  }
0x49: {  	v0 =	vadd.f32 v1, v0;
	_ =	sdelay $0x1  }
0x4a: {  	v0 =	vsub.f32 $0.0e+00, v0;
	_ =	sdelay $0x1  }
0x4b: {  	v0 =	vmul.f32 $1.442695020e+00, v0;
	_ =	sdelay $0x1  }
0x4c: {  	(erf) = vpow2.f32 v0;
	_ =	sdelay $0x8  }
0x4d: {  	v0 =	vpop (erf)  }
0x4e: {  	v0 =	vadd.f32 $1.000000000e+00, v0;
	_ =	sdelay $0x1  }
0x4f: {  	(erf) = vrcp.f32 v0;
	_ =	sdelay $0x8  }
0x50: {  	v0 =	vpop (erf)  }
0x51: {  	[tilespmem:$0x6750] =	vst v0  }
0x52: {  	v0 =	vld [tilespmem:s17+$0x4E60]  }
0x53: {  	v60 =	vld [tilespmem:s17+$0x5AE0];
	_ =	sdelay $0x6  }
0x54: {  	v0 =	vld.idx.msk [tilespmem:v0+s3+$0x0], $0xffff  }
0x55: {  	v1 =	vld.idx.msk [tilespmem:v60+s10+$0x0], $0xffff;
	_ =	sdelay $0x4  }
0x56: {  	v0 =	vadd.f32 v1, v0;
	_ =	sdelay $0x1  }
0x57: {  	v0 =	vsub.f32 $0.0e+00, v0;
	_ =	sdelay $0x1  }
0x58: {  	v0 =	vmul.f32 $1.442695020e+00, v0;
	_ =	sdelay $0x1  }
0x59: {  	(erf) = vpow2.f32 v0;
	_ =	sdelay $0x8  }
0x5a: {  	v0 =	vpop (erf)  }
0x5b: {  	v0 =	vadd.f32 $1.000000000e+00, v0;
	_ =	sdelay $0x1  }
0x5c: {  	(erf) = vrcp.f32 v0;
	_ =	sdelay $0x8  }
0x5d: {  	v0 =	vpop (erf)  }
0x5e: {  	[tilespmem:$0x6760] =	vst v0  }
0x5f: {  	v0 =	vld [tilespmem:s17+$0x4E70]  }
0x60: {  	v61 =	vld [tilespmem:s17+$0x5AF0];
	_ =	sdelay $0x6  }
0x61: {  	v0 =	vld.idx.msk [tilespmem:v0+s3+$0x0], $0xffff  }
0x62: {  	v1 =	vld.idx.msk [tilespmem:v61+s10+$0x0], $0xffff;
	_ =	sdelay $0x4  }
0x63: {  	v0 =	vadd.f32 v1, v0;
	_ =	sdelay $0x1  }
0x64: {  	v0 =	vsub.f32 $0.0e+00, v0;
	_ =	sdelay $0x1  }
0x65: {  	v0 =	vmul.f32 $1.442695020e+00, v0;
	_ =	sdelay $0x1  }
0x66: {  	(erf) = vpow2.f32 v0;
	_ =	sdelay $0x8  }
0x67: {  	v0 =	vpop (erf)  }
0x68: {  	v0 =	vadd.f32 $1.000000000e+00, v0;
	_ =	sdelay $0x1  }
0x69: {  	(erf) = vrcp.f32 v0;
	_ =	sdelay $0x8  }
0x6a: {  	v0 =	vpop (erf)  }
0x6b: {  	[tilespmem:$0x6770] =	vst v0  }
0x6c: {  	v0 =	vld [tilespmem:s17+$0x4E80]  }
0x6d: {  	v62 =	vld [tilespmem:s17+$0x5B00];
	_ =	sdelay $0x6  }
0x6e: {  	v0 =	vld.idx.msk [tilespmem:v0+s3+$0x0], $0xffff  }
0x6f: {  	v1 =	vld.idx.msk [tilespmem:v62+s10+$0x0], $0xffff;
	_ =	sdelay $0x4  }
0x70: {  	v0 =	vadd.f32 v1, v0;
	_ =	sdelay $0x1  }
0x71: {  	v0 =	vsub.f32 $0.0e+00, v0;
	_ =	sdelay $0x1  }
0x72: {  	v0 =	vmul.f32 $1.442695020e+00, v0;
	_ =	sdelay $0x1  }
0x73: {  	(erf) = vpow2.f32 v0;
	_ =	sdelay $0x8  }
0x74: {  	v0 =	vpop (erf)  }
0x75: {  	v0 =	vadd.f32 $1.000000000e+00, v0;
	_ =	sdelay $0x1  }
0x76: {  	(erf) = vrcp.f32 v0;
	_ =	sdelay $0x8  }
0x77: {  	v0 =	vpop (erf)  }
0x78: {  	[tilespmem:$0x6780] =	vst v0  }
0x79: {  	v0 =	vld [tilespmem:s17+$0x4E90]  }
0x7a: {  	v63 =	vld [tilespmem:s17+$0x5B10];
	_ =	sdelay $0x6  }
0x7b: {  	v0 =	vld.idx.msk [tilespmem:v0+s3+$0x0], $0xffff  }
0x7c: {  	v1 =	vld.idx.msk [tilespmem:v63+s10+$0x0], $0xffff;
	_ =	sdelay $0x4  }
0x7d: {  	v0 =	vadd.f32 v1, v0;
	_ =	sdelay $0x1  }
0x7e: {  	v0 =	vsub.f32 $0.0e+00, v0;
	_ =	sdelay $0x1  }
0x7f: {  	v0 =	vmul.f32 $1.442695020e+00, v0;
	_ =	sdelay $0x1  }
0x80: {  	(erf) = vpow2.f32 v0;
	_ =	sdelay $0x8  }
0x81: {  	v0 =	vpop (erf)  }
0x82: {  	v0 =	vadd.f32 $1.000000000e+00, v0;
	_ =	sdelay $0x1  }
0x83: {  	(erf) = vrcp.f32 v0;
	_ =	sdelay $0x8  }
0x84: {  	p0 =	sne.s32 s16, $0x3000;
	v0 =	vpop (erf)  }
.Ltmp0:
0x85: {  	[tilespmem:$0x6790] =	vst v0;
	(pc) =	sbr.rel @p0 .LBB2_2-.Ltmp0, $4  }
0x86: {  	[hbm4b:s15+s3] =	stream.linear.scatter [tilespmem:s13], [sflag:$0x1], $0x80, $0x38;
	[tilespmem:$0x67A0] =	vst v63  }
0x87: {  	_ =	swait.ge [sflag:s9], $0x80  }
0x88: {  	[sflag:s9] =	ssyncset.done $0x0  }
0x89: {  	s16 =	sadd.s32 $0x200, s16;
	s15 =	sadd.s32 $0x10, s15;
	[sflag:s9] =	ssyncadd.s32 $0xFFFFFF80  }
0x8a: {  	s14 =	sadd.s32 $0x1, s14  }
0x8b: {  	p0 =	sne.s32 s14, s7  }
.Ltmp1:
0x8c: {  	_ = 	snop;
	(pc) =	sbr.rel @p0 .LBB2_1-.Ltmp1, $1  }
0x8d: {  	_ =	sdelay $0x3  }
0x8e: {  	_ =	sfence.sel $0x180000  }
0x8f: {  	[bflag:$0x0] =	sbarrier.arrive $0xFFFF  }
0x90: {  	p0 =	sne.s32 s0, $0x0;
	_ =	strace $0x9000004D  }
0x91: {  	s0 =	sadd.s32 @!p0 $0x100000, s1;
	[bflag:$0x2] =	sbarrier.arrive $0xFFFF  }
0x92: {  	[sflag:s0] =	ssyncadd.tile.s32 @!p0 $0x1;
	_ =	shalt  }
.Lfunc_end2:
_tile_overlayer_lowered:
.L_overlay_start_2:
0x93: {  	(tag) =	ssettag $0x2  }
0x94: {  	s0 =	rddreg [dreg:$0x0];
	s2 =	stileid.u32  }
0x95: {  	s1 =	rddreg [dreg:$0x1];
	p0 =	sne.s32 s2, $0x0  }
0x96: {  	s3 =	rddreg [dreg:$0x2];
	[bflag:$0x3] =	sbarrier.arrive $0xFFFF;
	s2 =	simm.s32 @!p0 $0x1C01  }
0x97: {  	[timem:s3], [sflag:s2] =	dma.local @!p0 [hbm:s0], s1  }
0x98: {  	s0 =	simm.s32 @!p0 $0x1  }
0x99: {  	_ =	swait.ge @!p0 [sflag:s0], s1  }
0x9a: {  	s1 =	ssub.s32 @!p0 $0x0, s1;
	[sflag:s0] =	ssyncset.done @!p0 $0x0  }
0x9b: {  	[sflag:s0] =	ssyncadd.s32 @!p0 s1  }
0x9c: {  	[bflag:$0x3] =	sbarrier.arrive $0xFFFF  }
0x9d: {  	_ =	shalt  }

// kernel: kernel.8.cloned.1.call-start
scs
__scs_entry_jumppad:
0x0: {  	(pc) =	sbr.rel $0x88, $3  }
0x1: {  	(tag) =	ssettag $0x0;
	lr =	simm.s32 $0x1  }
0x2: {  	[smem:$0x3F91] =	sst lr;
	_ =	strace $0xD0000000  }
0x3: {  	_ = 	snop  }
0x4: {  	_ = 	snop  }
0x5: {  	_ = 	snop  }
0x6: {  	_ = 	snop  }
0x7: {  	_ = 	snop  }
__scs_overlays_trampoline_lowered:
0x8: {  	[smem:$0x3FA0] =	sst s0  }
0x9: {  	[smem:$0x3FA1] =	sst s1  }
0xa: {  	[smem:$0x3FA2] =	sst s2  }
0xb: {  	[smem:$0x3FA3] =	sst s3  }
0xc: {  	[smem:$0x3FA4] =	sst s4  }
0xd: {  	[smem:$0x3FA5] =	sst s5  }
0xe: {  	[smem:$0x3FA6] =	sst s6  }
0xf: {  	[smem:$0x3FA7] =	sst s7  }
0x10: {  	[smem:$0x3FA8] =	sst s8  }
0x11: {  	[smem:$0x3FA9] =	sst s9;
	s0 =	simm.s32 @!p0 $0x0  }
0x12: {  	s1 =	sld [smem:$0x3F8F];
	s0 =	simm.s32 @p0 $0x1  }
0x13: {  	[smem:$0x3FAA] =	sst s0;
	s0 =	simm.s32 @!p1 $0x0  }
0x14: {  	s2 =	sld [smem:$0x3F8E];
	s0 =	simm.s32 @p1 $0x1  }
0x15: {  	[smem:$0x3FAB] =	sst s0;
	s0 =	simm.s32 @!p2 $0x0  }
0x16: {  	s3 =	sld [smem:$0x3FDB];
	s0 =	simm.s32 @p2 $0x1  }
0x17: {  	s4 =	simm.s32 $0x1BF5;
	[smem:$0x3FAD] =	sst s0  }
0x18: {  	s0 =	sld [smem:$0x3F90];
	_ =	swait.ge [sflag:s4], $0x0  }
0x19: {  	s7 =	sld [smem:$0x3F91]  }
0x1a: {  	s8 =	sadd.s32 $0xFFFFE003, lr  }
0x1b: {  	s9 =	sadd.s32 $0xFFFFFEF7, lr;
	s5 =	simm.s32 $0xFFFFFFFF;
	p2 =	slt.u32 s8, $0xFFFFF086  }
0x1c: {  	p1 =	slt.u32 s9, $0xF7A;
	s5 =	simm.s32 @!p2 $0x0  }
0x1d: {  	s5 =	simm.s32 @p1 $0x1;
	p0 =	seq.s32 s7, s2  }
0x1e: {  	s7 =	smul.u32 @!p0 $0xF7A, s2;
	p2 =	seq.s32 @!p0 s5, $0x0  }
0x1f: {  	s9 =	smul.u32 $0xF7A, s1;
	s8 =	simm.s32 @!p0 $0x1BF5;
	p2 =	por !p2, p0  }
0x20: {  	[sflag:s8] =	ssyncset.s32 @!p0 $0xFFFFF086;
	s6 =	sadd.s32 @!p0 s3, s7;
	s7 =	simm.s32 @!p0 $0x108  }
0x21: {  	s3 =	sadd.s32 s3, s9;
	s6 =	sadd.s32 @!p0 $0x88, s6;
	s7 =	simm.s32 @p2 $0x1082  }
0x22: {  	[simem:s7], [sflag:s8] =	dma.local @!p0 [hbm:s6], $0xF7A  }
0x23: {  	s9 =	sor.u32 $0xD0000000, s2;
	s6 =	simm.s32 $0x108;
	_ =	swait.ge @!p0 [sflag:s8], $0x0  }
0x24: {  	s3 =	sadd.s32 $0x88, s3;
	s6 =	simm.s32 @!p1 $0x1082;
	[sflag:s4] =	ssyncset.s32 $0xFFFFF086  }
0x25: {  	[simem:s6], [sflag:s4] =	dma.local [hbm:s3], $0xF7A  }
0x26: {  	[smem:$0x3F91] =	sst s1;
	(tag) =	ssettag s2;
	_ =	strace s9  }
0x27: {  	s1 =	sld [smem:$0x3FA1]  }
0x28: {  	s2 =	sld [smem:$0x3FA2]  }
0x29: {  	s4 =	sld [smem:$0x3FA4]  }
0x2a: {  	p0 =	seq.s32 s5, $0x0;
	s5 =	sld [smem:$0x3FA5]  }
0x2b: {  	s6 =	sld [smem:$0x3FA6]  }
0x2c: {  	s7 =	sld [smem:$0x3FA7]  }
0x2d: {  	s3 =	simm.s32 $0x108;
	s8 =	sld [smem:$0x3FA8]  }
0x2e: {  	s3 =	simm.s32 @!p0 $0x1082;
	s9 =	sld [smem:$0x3FA9]  }
0x2f: {  	lr =	sadd.s32 s0, s3;
	s0 =	sld [smem:$0x3FA0]  }
0x30: {  	s3 =	sld [smem:$0x3FA3]  }
0x31: {  	[smem:$0x3FAC] =	sst s10  }
0x32: {  	s10 =	sld [smem:$0x3FAA];
	_ =	sdelay $0x3  }
0x33: {  	p0 =	seq.s32 s10, $0x1;
	s10 =	sld [smem:$0x3FAC];
	_ =	sdelay $0x3  }
0x34: {  	[smem:$0x3FAC] =	sst s10  }
0x35: {  	s10 =	sld [smem:$0x3FAB];
	_ =	sdelay $0x3  }
0x36: {  	p1 =	seq.s32 s10, $0x1;
	s10 =	sld [smem:$0x3FAC];
	_ =	sdelay $0x3  }
0x37: {  	[smem:$0x3FAC] =	sst s10  }
0x38: {  	s10 =	sld [smem:$0x3FAD]  }
0x39: {  	_ = 	snop;
	(pc) =	sbr.ind lr, $3  }
0x3a: {  	_ = 	snop  }
0x3b: {  	_ = 	snop  }
0x3c: {  	p2 =	seq.s32 s10, $0x1;
	s10 =	sld [smem:$0x3FAC]  }
0x3d: {  	_ =	shalt  }
0x3e: {  	_ =	shalt  }
0x3f: {  	_ =	shalt  }
0x40: {  	_ =	shalt  }
0x41: {  	_ =	shalt  }
0x42: {  	_ =	shalt  }
0x43: {  	_ =	shalt  }
0x44: {  	_ =	shalt  }
0x45: {  	_ =	shalt  }
0x46: {  	_ =	shalt  }
0x47: {  	_ =	shalt  }
0x48: {  	_ =	shalt  }
0x49: {  	_ =	shalt  }
0x4a: {  	_ =	shalt  }
0x4b: {  	_ =	shalt  }
0x4c: {  	_ =	shalt  }
0x4d: {  	_ =	shalt  }
0x4e: {  	_ =	shalt  }
0x4f: {  	_ =	shalt  }
0x50: {  	_ =	shalt  }
0x51: {  	_ =	shalt  }
0x52: {  	_ =	shalt  }
0x53: {  	_ =	shalt  }
0x54: {  	_ =	shalt  }
0x55: {  	_ =	shalt  }
0x56: {  	_ =	shalt  }
0x57: {  	_ =	shalt  }
0x58: {  	_ =	shalt  }
0x59: {  	_ =	shalt  }
0x5a: {  	_ =	shalt  }
0x5b: {  	_ =	shalt  }
0x5c: {  	_ =	shalt  }
0x5d: {  	_ =	shalt  }
0x5e: {  	_ =	shalt  }
0x5f: {  	_ =	shalt  }
0x60: {  	_ =	shalt  }
0x61: {  	_ =	shalt  }
0x62: {  	_ =	shalt  }
0x63: {  	_ =	shalt  }
0x64: {  	_ =	shalt  }
0x65: {  	_ =	shalt  }
0x66: {  	_ =	shalt  }
0x67: {  	_ =	shalt  }
0x68: {  	_ =	shalt  }
0x69: {  	_ =	shalt  }
0x6a: {  	_ =	shalt  }
0x6b: {  	_ =	shalt  }
0x6c: {  	_ =	shalt  }
0x6d: {  	_ =	shalt  }
0x6e: {  	_ =	shalt  }
0x6f: {  	_ =	shalt  }
0x70: {  	_ =	shalt  }
0x71: {  	_ =	shalt  }
0x72: {  	_ =	shalt  }
0x73: {  	_ =	shalt  }
0x74: {  	_ =	shalt  }
0x75: {  	_ =	shalt  }
0x76: {  	_ =	shalt  }
0x77: {  	_ =	shalt  }
0x78: {  	_ =	shalt  }
0x79: {  	_ =	shalt  }
0x7a: {  	_ =	shalt  }
0x7b: {  	_ =	shalt  }
0x7c: {  	_ =	shalt  }
0x7d: {  	_ =	shalt  }
0x7e: {  	_ =	shalt  }
0x7f: {  	_ =	shalt  }
0x80: {  	_ =	shalt  }
0x81: {  	_ =	shalt  }
0x82: {  	_ =	shalt  }
0x83: {  	_ =	shalt  }
0x84: {  	_ =	shalt  }
0x85: {  	_ =	shalt  }
0x86: {  	_ =	shalt  }
0x87: {  	_ =	shalt  }
.Lfunc_end0:
.L_simem_size_0:
called_computation_lowered:
.L_overlay_start_0:
0x88: {  	s2 =	sld [smem:$0x3FD9]  }
0x89: {  	s3 =	sld [smem:$0x3FFE];
	_ =	sdelay $0x1  }
0x8a: {  	s1 =	srdreg.scid  }
0x8b: {  	s0 =	sand.u32 $0x1, s1  }
0x8c: {  	s17 =	sshll.u32 s0, $0xA;
	s2 =	sadd.s32 s3, s2  }
0x8d: {  	s2 =	sadd.s32 s2, s17  }
0x8e: {  	[smem:$0x3FB8] =	sst s2  }
0x8f: {  	_ = 	snop  }
0x90: {  	s2 =	sld [smem:$0x3FD0];
	(tm) =	ssettm $0x1  }
0x91: {  	s18 =	sld [smem:$0x3FFB];
	_ =	sdelay $0x3  }
0x92: {  	_ =	strace s18  }
0x93: {  	s3 =	sld [smem:$0x3FFC];
	_ =	sdelay $0x3  }
0x94: {  	_ =	strace s3  }
0x95: {  	s3 =	sld [smem:$0x3FFD];
	_ =	sdelay $0x3  }
0x96: {  	_ =	strace s3  }
0x97: {  	_ =	strace $0x8FFFFFFF  }
0x98: {  	s19 =	sld [smem:$0x3FDB];
	_ =	sdelay $0x1  }
0x99: {  	s4 =	simm.s32 $_scs_section_size  }
0x9a: {  	s5 =	simm.s32 $_size__tile_overlayer_lowered;
	s6 =	simm.s32 $_tile_overlayer_lowered  }
0x9b: {  	s22 =	simm.s32 $0x1BFF;
	s21 =	sshll.u32 s6, $0x1;
	s3 =	sadd.s32 s4, s19  }
0x9c: {  	s7 =	simm.s32 $0x0;
	s20 =	sshll.u32 s5, $0x1;
	s5 =	sadd.s32 s21, s3  }
0x9d: {  	[timem:s7], [sflag:s22] =	dma.local [hbm:s5], s20  }
0x9e: {  	_ =	swait.ge [sflag:s22], s20  }
0x9f: {  	s4 =	ssub.s32 $0x0, s20;
	[sflag:s22] =	ssyncset.done $0x0  }
0xa0: {  	[sflag:s22] =	ssyncadd.s32 s4;
	_ =	sdelay $0x1  }
0xa1: {  	s23 =	simm.s32 $0x1B8B  }
0xa2: {  	_ =	swait.ge [sflag:s23], $0x1  }
0xa3: {  	[sflag:s23] =	ssyncset.done $0x0  }
0xa4: {  	s25 =	simm.s32 $0x1B8E;
	s24 =	sld [smem:$0x3FFE];
	[sflag:s23] =	ssyncadd.s32 $0xFFFFFFFF  }
0xa5: {  	s26 =	simm.s32 $execute0_lowered;
	[smem:$0x3FD2] =	sst s25  }
0xa6: {  	s5 =	sshll.u32 s26, $0x1;
	_ =	strace $0x80000046;
	[dreg:$0x1] =	wrdreg $0xFFFFFFFF  }
0xa7: {  	s28 =	simm.s32 $_size_execute0_lowered;
	s3 =	sadd.s32 s3, s5;
	[dreg:$0x0] =	wrdreg $0x0  }
0xa8: {  	s5 =	sshll.u32 s28, $0x1;
	[dreg:$0x2] =	wrdreg s3  }
0xa9: {  	[dreg:$0x3] =	wrdreg s5  }
0xaa: {  	[dreg:$0x4] =	wrdreg $0xC0  }
0xab: {  	_ =	task [dreg:s7], $0x5FFFF  }
0xac: {  	[dreg:$0x1] =	wrdreg $0xFFFFFFFF  }
0xad: {  	[dreg:$0x0] =	wrdreg $0x60  }
0xae: {  	[dreg:$0x2] =	wrdreg s24  }
0xaf: {  	[dreg:$0x3] =	wrdreg s2  }
0xb0: {  	[dreg:$0x4] =	wrdreg $0xA3000  }
0xb1: {  	[dreg:$0x5] =	wrdreg $0x1DE800  }
0xb2: {  	[dreg:$0x6] =	wrdreg $0x9  }
0xb3: {  	_ =	task.clear_ibuf [dreg:s7], $0x7FFFF;
	_ =	strace $0x90000046  }
0xb4: {  	s29 =	simm.s32 $0x9;
	_ =	strace $0x80000048  }
0xb5: {  	_ =	swait.ge [sflag:s29], $0x1  }
0xb6: {  	[sflag:s29] =	ssyncadd.s32 $0xFFFFFFFF  }
0xb7: {  	_ =	strace $0x90000048  }
0xb8: {  	_ =	sfence  }
0xb9: {  	s30 =	sld [smem:$0x0];
	_ =	sdelay $0x2  }
0xba: {  	s31 =	sshll.u32 s1, $0xD;
	s1 =	sshrl.u32 s1, $0x2  }
0xbb: {  	s3 =	sand.u32 $0x4000, s31;
	s1 =	sadd.s32 s1, s30  }
0xbc: {  	s0 =	sor.u32 s3, s0;
	s1 =	sshll.u32 s1, $0x11  }
0xbd: {  	s0 =	sor.u32 s1, s0  }
0xbe: {  	s0 =	sadd.s32 $0x8F2B, s0  }
0xbf: {  	[sflag:s0] =	ssyncadd.remote.s32 $0x1  }
0xc0: {  	_ =	sfence.sel $0xFFFF  }
0xc1: {  	[dreg:$0x0] =	wrdreg $0xFFFFFFFF;
	(pc) =	sbr.abs _section_cstart, $3  }
0xc2: {  	[dreg:$0x1] =	wrdreg $0xFFFFFFFF  }
0xc3: {  	_ =	task.clear_ibuf [dreg:s7], $0x2FFFF;
	_ =	strace $0x9FFFFFFF  }
0xc4: {  	(tm) =	ssettm $0x7FFFFFFF  }
0xc5: {  	_ =	shalt  }
tec
execute0_lowered:
.L_overlay_start_1:
0x0: {  	(tag) =	ssettag $0x1  }
0x1: {  	s0 =	rddreg [dreg:$0x0]  }
0x2: {  	s3 =	rddreg [dreg:$0x1]  }
0x3: {  	s1 =	rddreg [dreg:$0x2]  }
0x4: {  	s2 =	rddreg [dreg:$0x3];
	s4 =	simm.s32 $0x0;
	s7 =	stileid.u32  }
0x5: {  	s5 =	srdreg.scid;
	s28 =	simm.s32 $0x4;
	s29 =	simm.s32 $0x1DB80  }
0x6: {  	s30 =	simm.s32 $0x3;
	[smem:$0x7FF] =	sst s4;
	s19 =	sadd.s32 $0x16A00, s0  }
0x7: {  	s6 =	smul.u32 $0x2800, s7;
	s9 =	sand.u32 $0x1, s5;
	s21 =	sadd.s32 $0x3DC00, s0  }
0x8: {  	s31 =	sadd.s32 $0xCC00, s0;
	s8 =	sadd.s32 $0x2E00, s0;
	s11 =	smul.u32 $0x2710, s7  }
0x9: {  	s13 =	smul.u32 $0x280, s7;
	p0 =	seq.s32 s7, $0xF;
	p3 =	sne.s32 s7, $0xF  }
0xa: {  	s20 =	smul.u32 $0x50000, s7;
	s14 =	sadd.s32 $0x131000, s1;
	s15 =	sadd.s32 $0x133800, s1  }
0xb: {  	s17 =	sadd.s32 $0x136000, s1;
	s24 =	smul.u32 $0xA00, s7;
	_ =	strace $0x80000047  }
0xc: {  	s5 =	smul.u32 $0x27100, s9;
	s10 =	ssub.s32 $0x2, s9;
	p1 =	seq.s32 s9, $0x0  }
0xd: {  	p6 =	seq.s32 s9, $0x1;
	p4 =	sne.s32 s9, $0x0;
	[dreg:$0xa] =	wrdreg s21  }
0xe: {  	[dreg:$0x9] =	wrdreg s19;
	s12 =	sadd.s32 s6, s0;
	s18 =	sshrl.u32 s10, $0x1  }
0xf: {  	s26 =	sshrl.u32 s24, $0x2;
	p2 =	por !p1, !p3;
	p5 =	por !p1, !p0  }
0x10: {  	p3 =	por !p3, !p6;
	s21 =	smov.u32 @p1 s19;
	s19 =	sadd.s32 $0x8A600, s0  }
0x11: {  	s6 =	ssub.s32 s10, s18;
	s5 =	sadd.s32 s11, s5;
	s10 =	sadd.s32 $0x12E800, s1  }
0x12: {  	s11 =	sshrl.u32 s20, $0x2;
	p2 =	por !p2, !p2;
	[dreg:$0x1b] =	wrdreg s19  }
0x13: {  	s19 =	simm.s32 $0x180;
	s20 =	sadd.s32 s11, s1;
	s11 =	sadd.s32 s26, s2  }
0x14: {  	s16 =	sadd.s32 $0x140, s5;
	s18 =	sadd.s32 $0xA0, s5;
	[dreg:$0x10] =	wrdreg s11  }
0x15: {  	s16 =	sshrl.u32 s16, $0x3;
	s11 =	sadd.s32 $0x64E00, s12;
	[dreg:$0xb] =	wrdreg s20  }
0x16: {  	s7 =	sadd.s32 $0xA000, s20;
	s12 =	sadd.s32 $0x8C000, s12;
	[dreg:$0x15] =	wrdreg s11  }
0x17: {  	s22 =	sadd.s32 s16, s8;
	s23 =	sadd.s32 s16, s31;
	[dreg:$0x16] =	wrdreg s12  }
0x18: {  	s16 =	sshrl.u32 s18, $0x3;
	s7 =	smov.u32 @p0 s10;
	[dreg:$0x5] =	wrdreg s22  }
0x19: {  	s18 =	sshrl.u32 s5, $0x3;
	s5 =	sadd.s32 $0xF0, s5;
	[dreg:$0x6] =	wrdreg s23  }
0x1a: {  	s11 =	simm.s32 $0x1;
	s12 =	simm.s32 $0x50;
	[dreg:$0xc] =	wrdreg s7  }
0x1b: {  	s25 =	sadd.s32 s16, s8;
	s22 =	sadd.s32 $0xC800, s20;
	[smem:$0x7F9] =	sst s5  }
0x1c: {  	s23 =	sadd.s32 $0xF000, s20;
	s16 =	sadd.s32 s16, s31;
	[dreg:$0x7] =	wrdreg s25  }
0x1d: {  	s24 =	sadd.s32 s31, s18;
	s10 =	sadd.s32 $0xA, s18;
	[dreg:$0x8] =	wrdreg s16  }
0x1e: {  	s7 =	simm.s32 @!p4 $0x0;
	s22 =	smov.u32 @p0 s14;
	[dreg:$0x11] =	wrdreg s24  }
0x1f: {  	s5 =	simm.s32 $0xA;
	s23 =	smov.u32 @p0 s15;
	[dreg:$0xd] =	wrdreg s22  }
0x20: {  	s16 =	sadd.s32 $0x11800, s20;
	s25 =	sadd.s32 s8, s18;
	[dreg:$0xe] =	wrdreg s23  }
0x21: {  	s26 =	sadd.s32 s31, s10;
	s10 =	sadd.s32 s8, s10;
	[dreg:$0x12] =	wrdreg s25  }
0x22: {  	s7 =	simm.s32 @p4 $0x1;
	p4 =	por !p5, !p5;
	[dreg:$0x13] =	wrdreg s26  }
0x23: {  	p5 =	por !p3, !p3;
	s14 =	sshrl.u32 s13, $0x3;
	[dreg:$0x14] =	wrdreg s10  }
0x24: {  	s15 =	sadd.s32 s13, s2;
	s24 =	sadd.s32 $0x2800, s20;
	[smem:$0x7F7] =	sst s7  }
0x25: {  	s13 =	simm.s32 $0x2B00;
	s16 =	smov.u32 @p0 s17;
	[dreg:$0x17] =	wrdreg s15  }
0x26: {  	s7 =	simm.s32 @!p6 $0x0;
	s17 =	sadd.s32 s3, s14;
	[smem:$0x7FB] =	sst s24  }
0x27: {  	s3 =	sadd.s32 $0x4B0, s3;
	s22 =	sadd.s32 $0xB1800, s0;
	[dreg:$0xf] =	wrdreg s16  }
0x28: {  	s23 =	smax.u32 s6, $0x1;
	s25 =	sadd.s32 $0x5000, s20;
	[dreg:$0x18] =	wrdreg s17  }
0x29: {  	s26 =	sadd.s32 $0x2580, s2;
	s10 =	simm.s32 $0x200;
	[dreg:$0x19] =	wrdreg s3  }
0x2a: {  	s24 =	simm.s32 $0x100;
	s15 =	simm.s32 $0x5300;
	[dreg:$0x1c] =	wrdreg s22  }
0x2b: {  	s6 =	simm.s32 $0x6;
	s7 =	simm.s32 @p6 $0x1;
	[dreg:$0x1e] =	wrdreg s23  }
0x2c: {  	p6 =	por !p6, !p0;
	s16 =	sadd.s32 s14, s0;
	[smem:$0x7FC] =	sst s25  }
0x2d: {  	s0 =	sadd.s32 $0xB36B0, s0;
	s3 =	sadd.s32 $0x7800, s20;
	[smem:$0x7FD] =	sst s26  }
0x2e: {  	s20 =	simm.s32 $0x80;
	s23 =	simm.s32 $0x300;
	s26 =	simm.s32 $0x2  }
0x2f: {  	s22 =	simm.s32 $0x8;
	s14 =	simm.s32 $0xB;
	[smem:$0x7F8] =	sst s7  }
0x30: {  	s25 =	simm.s32 $0x200;
	s18 =	sadd.s32 $0xB3200, s16;
	[dreg:$0x1d] =	wrdreg s0  }
0x31: {  	p6 =	por !p6, !p6;
	s0 =	sadd.s32 $0x12C000, s1;
	[dreg:$0x1a] =	wrdreg s18  }
0x32: {  	s16 =	simm.s32 $0x5;
	[dreg:$0x1f] =	wrdreg s0;
	s3 =	smov.u32 @p0 s0  }
0x33: {  	v0 =	vimm.f32 $0.0e+00;
	v1 =	vimm.f32 $1.000000000e+00;
	s7 =	simm.s32 $0x0;
	s0 =	simm.s32 $0x7;
	[smem:$0x7FA] =	sst s3  }
.LBB2_1:
0x34: {  	[smem:$0x7F6] =	sst s7;
	s9 =	simm.s32 $0x70;
	s17 =	simm.s32 $0x3C0  }
.LBB2_2:
0x35: {  	p1 =	sne.s32 s17, $0x9FC0;
	[tilespmem:s9+$0x7B00] =	vst v0  }
0x36: {  	[tilespmem:s9+$0x7A90] =	vst v0  }
0x37: {  	[tilespmem:s9+$0x7AA0] =	vst v0  }
.Ltmp0:
0x38: {  	[tilespmem:s9+$0x7AB0] =	vst v0;
	(pc) =	sbr.rel @p1 .LBB2_2-.Ltmp0, $4  }
0x39: {  	[tilespmem:s9+$0x7AC0] =	vst v0  }
0x3a: {  	[tilespmem:s9+$0x7AD0] =	vst v0  }
0x3b: {  	[tilespmem:s9+$0x7AE0] =	vst v0  }
0x3c: {  	[tilespmem:s9+$0x7AF0] =	vst v0;
	s9 =	sshra.s32 s17, $0x2;
	s17 =	sadd.s32 $0x200, s17  }
0x3d: {  	[tilespmem:s9+$0x7B00] =	vst v0  }
0x3e: {  	[tilespmem:s9+$0x7A90] =	vst v0  }
0x3f: {  	[tilespmem:s9+$0x7AA0] =	vst v0  }
0x40: {  	[tilespmem:s9+$0x7AB0] =	vst v0  }
0x41: {  	[tilespmem:s9+$0x7AC0] =	vst v0  }
0x42: {  	[tilespmem:s9+$0x7AD0] =	vst v0  }
0x43: {  	[tilespmem:s9+$0x7AE0] =	vst v0  }
0x44: {  	[tilespmem:s9+$0x7AF0] =	vst v0;
	s17 =	simm.s32 @!p0 $0x7B00;
	s3 =	rddreg [dreg:$0xb];
	s9 =	simm.s32 @!p0 $0xD  }
0x45: {  	[spmem:s3] =	stream.linear.scatter @!p0 [tilespmem:s17], [sflag:$0xD], $0x2800, $0x38;
	[tilespmem:$0x1E0F8] =	vst v63  }
0x46: {  	_ =	swait.ge @!p0 [sflag:s9], $0x2800  }
0x47: {  	s3 =	sld [smem:$0x7FB]  }
0x48: {  	[sflag:s9] =	ssyncset.done @!p0 $0x0  }
0x49: {  	[sflag:s9] =	ssyncadd.s32 @!p0 $0xFFFFD800  }
0x4a: {  	[spmem:s3] =	stream.linear.scatter @!p0 [tilespmem:s17], [sflag:$0xD], $0x2800, $0x38;
	[tilespmem:$0x1E0F8] =	vst v63  }
0x4b: {  	_ =	swait.ge @!p0 [sflag:s9], $0x2800  }
0x4c: {  	s3 =	sld [smem:$0x7FC]  }
0x4d: {  	[sflag:s9] =	ssyncset.done @!p0 $0x0  }
0x4e: {  	[sflag:s9] =	ssyncadd.s32 @!p0 $0xFFFFD800  }
0x4f: {  	[spmem:s3] =	stream.linear.scatter @!p0 [tilespmem:s17], [sflag:$0xD], $0x2800, $0x38;
	[tilespmem:$0x1E0F8] =	vst v63  }
0x50: {  	_ =	swait.ge @!p0 [sflag:s9], $0x2800  }
0x51: {  	s17 =	sld [smem:$0x7FA]  }
0x52: {  	[sflag:s9] =	ssyncset.done @!p0 $0x0  }
0x53: {  	s7 =	simm.s32 $0x7B00;
	[sflag:s9] =	ssyncadd.s32 @!p0 $0xFFFFD800  }
0x54: {  	[spmem:s17] =	stream.linear.scatter [tilespmem:s7], [sflag:$0xD], $0x2800, $0x38;
	[tilespmem:$0x1E0F8] =	vst v63  }
0x55: {  	s17 =	simm.s32 $0xD  }
0x56: {  	_ =	swait.ge [sflag:s17], $0x2800  }
0x57: {  	[sflag:s17] =	ssyncset.done $0x0  }
0x58: {  	s18 =	rddreg [dreg:$0xc];
	[sflag:s17] =	ssyncadd.s32 $0xFFFFD800  }
0x59: {  	[spmem:s18] =	stream.linear.scatter [tilespmem:s7], [sflag:$0xD], $0x2800, $0x38;
	[tilespmem:$0x1E0F8] =	vst v63  }
0x5a: {  	_ =	swait.ge [sflag:s17], $0x2800  }
0x5b: {  	[sflag:s17] =	ssyncset.done $0x0  }
0x5c: {  	s18 =	rddreg [dreg:$0xd];
	[sflag:s17] =	ssyncadd.s32 $0xFFFFD800  }
0x5d: {  	[spmem:s18] =	stream.linear.scatter [tilespmem:s7], [sflag:$0xD], $0x2800, $0x38;
	[tilespmem:$0x1E0F8] =	vst v63  }
0x5e: {  	_ =	swait.ge [sflag:s17], $0x2800  }
0x5f: {  	[sflag:s17] =	ssyncset.done $0x0  }
0x60: {  	s18 =	rddreg [dreg:$0xe];
	[sflag:s17] =	ssyncadd.s32 $0xFFFFD800  }
0x61: {  	[spmem:s18] =	stream.linear.scatter [tilespmem:s7], [sflag:$0xD], $0x2800, $0x38;
	[tilespmem:$0x1E0F8] =	vst v63  }
0x62: {  	_ =	swait.ge [sflag:s17], $0x2800  }
0x63: {  	[sflag:s17] =	ssyncset.done $0x0  }
0x64: {  	s18 =	rddreg [dreg:$0xf];
	[sflag:s17] =	ssyncadd.s32 $0xFFFFD800  }
0x65: {  	[spmem:s18] =	stream.linear.scatter [tilespmem:s7], [sflag:$0xD], $0x2800, $0x38;
	[tilespmem:$0x1E0F8] =	vst v63  }
0x66: {  	_ =	swait.ge [sflag:s17], $0x2800  }
0x67: {  	[sflag:s17] =	ssyncset.done $0x0  }
0x68: {  	[sflag:s17] =	ssyncadd.s32 $0xFFFFD800  }
0x69: {  	[tilespmem:$0x1DB80] =	vst v1  }
0x6a: {  	[tilespmem:$0x1DB90] =	vst v1  }
0x6b: {  	[tilespmem:$0x1DBA0] =	vst v1  }
0x6c: {  	[tilespmem:$0x1DBB0] =	vst v1  }
0x6d: {  	[tilespmem:$0x1DBC0] =	vst v1  }
0x6e: {  	[tilespmem:$0x1DC00] =	vst v0  }
0x6f: {  	[tilespmem:$0x1DC10] =	vst v0  }
0x70: {  	[tilespmem:$0x1DC20] =	vst v0  }
0x71: {  	[tilespmem:$0x1DC30] =	vst v0  }
0x72: {  	[tilespmem:$0x1DC40] =	vst v0  }
0x73: {  	[tilespmem:$0x1DC50] =	vst v0  }
0x74: {  	[tilespmem:$0x1DC60] =	vst v0  }
0x75: {  	[tilespmem:$0x1DC70] =	vst v0  }
0x76: {  	[tilespmem:$0x1DC80] =	vst v0  }
0x77: {  	[tilespmem:$0x1DC90] =	vst v0  }
0x78: {  	[tilespmem:$0x1DCA0] =	vst v0  }
0x79: {  	[tilespmem:$0x1DCB0] =	vst v0  }
0x7a: {  	[tilespmem:$0x1DCC0] =	vst v0  }
0x7b: {  	[tilespmem:$0x1DCD0] =	vst v0  }
0x7c: {  	[tilespmem:$0x1DCE0] =	vst v0  }
0x7d: {  	[tilespmem:$0x1DCF0] =	vst v0  }
0x7e: {  	[tilespmem:$0x1DD00] =	vst v0  }
0x7f: {  	[tilespmem:$0x1DD10] =	vst v0  }
0x80: {  	[tilespmem:$0x1DD20] =	vst v0  }
0x81: {  	[tilespmem:$0x1DD30] =	vst v0  }
0x82: {  	[tilespmem:$0x1DD40] =	vst v0  }
0x83: {  	[tilespmem:$0x1DD50] =	vst v0  }
0x84: {  	[tilespmem:$0x1DD60] =	vst v0  }
0x85: {  	[tilespmem:$0x1DD70] =	vst v0  }
0x86: {  	[tilespmem:$0x1DD80] =	vst v0  }
0x87: {  	[tilespmem:$0x1DD90] =	vst v0  }
0x88: {  	[tilespmem:$0x1DDA0] =	vst v0  }
0x89: {  	[tilespmem:$0x1DDB0] =	vst v0  }
0x8a: {  	[tilespmem:$0x1DDC0] =	vst v0  }
0x8b: {  	[tilespmem:$0x1DDD0] =	vst v0  }
0x8c: {  	[tilespmem:$0x1DDE0] =	vst v0  }
0x8d: {  	[tilespmem:$0x1DDF0] =	vst v0  }
0x8e: {  	[tilespmem:$0x1DE00] =	vst v0  }
0x8f: {  	[tilespmem:$0x1DE10] =	vst v0  }
0x90: {  	[tilespmem:$0x1DE20] =	vst v0  }
0x91: {  	[tilespmem:$0x1DE30] =	vst v0  }
0x92: {  	[tilespmem:$0x1DE40] =	vst v0  }
0x93: {  	s3 =	sld [smem:$0x7FD];
	[tilespmem:$0x1DE50] =	vst v0  }
0x94: {  	[tilespmem:$0x1DE60] =	vst v0  }
0x95: {  	s17 =	simm.s32 @p0 $0x1DC00;
	[tilespmem:$0x1DE70] =	vst v0  }
0x96: {  	[spmem:s3] =	stream.linear.scatter @p0 [tilespmem:s17], [sflag:$0xD], $0x190, $0x38;
	[tilespmem:$0x1E0F8] =	vst v63  }
0x97: {  	s17 =	simm.s32 @p0 $0xD  }
0x98: {  	_ =	swait.ge @p0 [sflag:s17], $0x190  }
0x99: {  	[sflag:s17] =	ssyncset.done @p0 $0x0  }
0x9a: {  	s3 =	rddreg [dreg:$0x10];
	[sflag:s17] =	ssyncadd.s32 @p0 $0xFFFFFE70;
	s17 =	simm.s32 @!p0 $0x1DC00  }
0x9b: {  	[spmem:s3] =	stream.linear.scatter @!p0 [tilespmem:s17], [sflag:$0xD], $0x280, $0x38;
	[tilespmem:$0x1E0F8] =	vst v63  }
0x9c: {  	_ =	swait.ge @!p0 [sflag:s9], $0x280  }
0x9d: {  	[sflag:s9] =	ssyncset.done @!p0 $0x0  }
0x9e: {  	[sflag:s9] =	ssyncadd.s32 @!p0 $0xFFFFFD80  }
0x9f: {  	[bflag:$0x0] =	sbarrier.arrive $0xFFFF  }
0xa0: {  	s9 =	simm.s32 $0x0;
	s18 =	rddreg [dreg:$0x11]  }
0xa1: {  	[tilespmem:s9], [sflag:$0x1] =	stream.linear.gather [hbm4b:s18+s9], $0x50, $0x38;
	[tilespmem:$0x1E0F8] =	vst v63  }
0xa2: {  	s7 =	rddreg [dreg:$0x12]  }
0xa3: {  	[tilespmem:s19], [sflag:$0x1] =	stream.linear.gather [hbm4b:s7+s9], $0x50, $0x38;
	[tilespmem:$0x1E0F8] =	vst v63  }
0xa4: {  	s17 =	rddreg [dreg:$0x13]  }
0xa5: {  	[tilespmem:s20], [sflag:$0x2] =	stream.linear.gather [hbm4b:s17+s9], $0x50, $0x38;
	[tilespmem:$0x1E0F8] =	vst v63  }
0xa6: {  	s18 =	rddreg [dreg:$0x14]  }
0xa7: {  	[tilespmem:s10], [sflag:$0x2] =	stream.linear.gather [hbm4b:s18+s9], $0x50, $0x38;
	[tilespmem:$0x1E0F8] =	vst v63  }
0xa8: {  	_ =	swait.ge [sflag:s11], $0x50  }
0xa9: {  	[sflag:s11] =	ssyncset.done $0x0  }
0xaa: {  	[sflag:s11] =	ssyncadd.s32 $0xFFFFFFB0  }
0xab: {  	_ =	swait.ge [sflag:s11], $0x50  }
0xac: {  	p1 =	por $0x1, $0x1;
	[sflag:s11] =	ssyncset.done $0x0  }
0xad: {  	s9 =	simm.s32 @!p1 $0x9;
	[sflag:s11] =	ssyncadd.s32 $0xFFFFFFB0  }
0xae: {  	[tilespmem:s23], [sflag:$0x4] =	stream.indirect.gather [hbm4b:s21+s12], $0x80, s4, s12, $0xb8;
	[tilespmem:$0x1E0F8] =	vst v63  }
0xaf: {  	_ =	swait.ge @!p1 [sflag:s9], $0x2800  }
0xb0: {  	[sflag:s9] =	ssyncset.done @!p1 $0x0  }
0xb1: {  	s17 =	simm.s32 @!p1 $0xC;
	[sflag:s9] =	ssyncadd.s32 @!p1 $0xFFFFD800  }
0xb2: {  	_ =	swait.ge @!p1 [sflag:s17], $0x50  }
0xb3: {  	s7 =	rddreg [dreg:$0x8];
	[sflag:s17] =	ssyncset.done @!p1 $0x0  }
0xb4: {  	s18 =	rddreg [dreg:$0x7];
	[sflag:s17] =	ssyncadd.s32 @!p1 $0xFFFFFFB0;
	s9 =	sadd.s32 $0x0, s7  }
0xb5: {  	[tilespmem:s24], [sflag:$0x3] =	stream.linear.gather [hbm4b:s9+s4], $0x50, $0x38;
	[tilespmem:$0x1E0F8] =	vst v63  }
0xb6: {  	s3 =	sadd.s32 $0x0, s18;
	s7 =	simm.s32 $0x280  }
0xb7: {  	[tilespmem:s7], [sflag:$0x3] =	stream.linear.gather [hbm4b:s3+s4], $0x50, $0x38;
	[tilespmem:$0x1E0F8] =	vst v63  }
0xb8: {  	_ =	swait.ge [sflag:s26], $0x50  }
0xb9: {  	[sflag:s26] =	ssyncset.done $0x0  }
0xba: {  	[sflag:s26] =	ssyncadd.s32 $0xFFFFFFB0  }
0xbb: {  	_ =	swait.ge [sflag:s26], $0x50  }
0xbc: {  	[sflag:s26] =	ssyncset.done $0x0  }
0xbd: {  	[sflag:s26] =	ssyncadd.s32 $0xFFFFFFB0  }
0xbe: {  	[tilespmem:s13], [sflag:$0x5] =	stream.indirect.gather [hbm4b:s21+s12], $0x80, s20, s12, $0xb8;
	[tilespmem:$0x1E0F8] =	vst v63  }
0xbf: {  	_ =	swait.ge [sflag:s28], $0x2800  }
0xc0: {  	[sflag:s28] =	ssyncset.done $0x0  }
0xc1: {  	[sflag:s28] =	ssyncadd.s32 $0xFFFFD800  }
0xc2: {  	[spmem:s1] =	stream.indirect.scatter.add.f32 [tilespmem:s23], [sflag:$0x7], $0x80, s19, s12, $0xb8;
	[tilespmem:$0x1E0F8] =	vst v63  }
0xc3: {  	_ = 	snop  }
0xc4: {  	[spmem:s2] =	stream.indirect.scatter.add.f32 [tilespmem:s29], [sflag:$0xA], $0x1, s19, s12, $0xb8;
	[tilespmem:$0x1E0F8] =	vst v63  }
0xc5: {  	_ =	swait.ge [sflag:s30], $0x50  }
0xc6: {  	[sflag:s30] =	ssyncset.done $0x0  }
0xc7: {  	[sflag:s30] =	ssyncadd.s32 $0xFFFFFFB0  }
0xc8: {  	_ =	swait.ge [sflag:s30], $0x50  }
0xc9: {  	[sflag:s30] =	ssyncset.done $0x0  }
0xca: {  	[sflag:s30] =	ssyncadd.s32 $0xFFFFFFB0  }
0xcb: {  	[tilespmem:s15], [sflag:$0x6] =	stream.indirect.gather [hbm4b:s21+s12], $0x80, s24, s12, $0xb8;
	[tilespmem:$0x1E0F8] =	vst v63  }
0xcc: {  	_ =	swait.ge [sflag:s16], $0x2800  }
0xcd: {  	[sflag:s16] =	ssyncset.done $0x0  }
0xce: {  	[sflag:s16] =	ssyncadd.s32 $0xFFFFD800  }
0xcf: {  	[spmem:s1] =	stream.indirect.scatter.add.f32 [tilespmem:s13], [sflag:$0x8], $0x80, s10, s12, $0xb8;
	[tilespmem:$0x1E0F8] =	vst v63  }
0xd0: {  	_ = 	snop  }
0xd1: {  	[spmem:s2] =	stream.indirect.scatter.add.f32 [tilespmem:s29], [sflag:$0xB], $0x1, s10, s12, $0xb8;
	[tilespmem:$0x1E0F8] =	vst v63  }
0xd2: {  	_ =	swait.ge [sflag:s0], $0x2800  }
0xd3: {  	[sflag:s0] =	ssyncset.done $0x0  }
0xd4: {  	[sflag:s0] =	ssyncadd.s32 $0xFFFFD800  }
0xd5: {  	_ =	swait.ge [sflag:s5], $0x50  }
0xd6: {  	s3 =	sld [smem:$0x7F9];
	_ =	sdelay $0x2  }
0xd7: {  	[sflag:s5] =	ssyncset.done $0x0;
	s13 =	sshrl.u32 s3, $0x3  }
0xd8: {  	[sflag:s5] =	ssyncadd.s32 $0xFFFFFFB0;
	s18 =	sadd.s32 s31, s13  }
0xd9: {  	[tilespmem:s4], [sflag:$0x1] =	stream.linear.gather [hbm4b:s18+s4], $0x50, $0x38;
	[tilespmem:$0x1E0F8] =	vst v63  }
0xda: {  	s9 =	sadd.s32 s8, s13  }
0xdb: {  	[tilespmem:s19], [sflag:$0x1] =	stream.linear.gather [hbm4b:s9+s4], $0x50, $0x38;
	[tilespmem:$0x1E0F8] =	vst v63  }
0xdc: {  	_ =	swait.ge [sflag:s6], $0x2800  }
0xdd: {  	[sflag:s6] =	ssyncset.done $0x0  }
0xde: {  	[sflag:s6] =	ssyncadd.s32 $0xFFFFD800  }
0xdf: {  	_ =	swait.ge [sflag:s22], $0x2800  }
0xe0: {  	[sflag:s22] =	ssyncset.done $0x0  }
0xe1: {  	[sflag:s22] =	ssyncadd.s32 $0xFFFFD800  }
0xe2: {  	s13 =	simm.s32 $0x100;
	_ =	swait.ge [sflag:s14], $0x50  }
0xe3: {  	s18 =	simm.s32 $0x1E;
	s23 =	rddreg [dreg:$0x6];
	[sflag:s14] =	ssyncset.done $0x0  }
0xe4: {  	s24 =	rddreg [dreg:$0x5];
	[sflag:s14] =	ssyncadd.s32 $0xFFFFFFB0;
	s9 =	sadd.s32 $0x0, s23  }
0xe5: {  	[tilespmem:s20], [sflag:$0x2] =	stream.linear.gather [hbm4b:s9+s4], $0x50, $0x38;
	[tilespmem:$0x1E0F8] =	vst v63  }
0xe6: {  	s19 =	simm.s32 $0x5300;
	s28 =	sadd.s32 $0x0, s24;
	s24 =	simm.s32 $0x300  }
0xe7: {  	[tilespmem:s10], [sflag:$0x2] =	stream.linear.gather [hbm4b:s28+s4], $0x50, $0x38;
	[tilespmem:$0x1E0F8] =	vst v63  }
0xe8: {  	s23 =	simm.s32 $0x80;
	s9 =	smov.u32 s3;
	s20 =	smov.u32 s8  }
0xe9: {  	[spmem:s1] =	stream.indirect.scatter.add.f32 [tilespmem:s15], [sflag:$0x9], $0x80, s7, s12, $0xb8;
	[tilespmem:$0x1E0F8] =	vst v63  }
0xea: {  	s8 =	smov.u32 s31;
	s10 =	simm.s32 $0x180;
	s15 =	simm.s32 $0x2B00  }
.LBB2_4:
0xeb: {  	[spmem:s2] =	stream.indirect.scatter.add.f32 [tilespmem:s29], [sflag:$0xC], $0x1, s7, s12, $0xb8;
	[tilespmem:$0x1E0F8] =	vst v63  }
0xec: {  	_ =	swait.ge [sflag:s11], $0x50  }
0xed: {  	[sflag:s11] =	ssyncset.done $0x0  }
0xee: {  	[sflag:s11] =	ssyncadd.s32 $0xFFFFFFB0  }
0xef: {  	s17 =	smov.u32 s18;
	_ =	swait.ge [sflag:s11], $0x50  }
0xf0: {  	p1 =	seq.s32 s17, $0x0;
	[sflag:s11] =	ssyncset.done $0x0  }
0xf1: {  	s31 =	simm.s32 @!p1 $0x9;
	[sflag:s11] =	ssyncadd.s32 $0xFFFFFFB0  }
0xf2: {  	[tilespmem:s24], [sflag:$0x4] =	stream.indirect.gather [hbm4b:s21+s12], $0x80, s4, s12, $0xb8;
	[tilespmem:$0x1E0F8] =	vst v63  }
0xf3: {  	_ =	swait.ge @!p1 [sflag:s31], $0x2800  }
0xf4: {  	[sflag:s31] =	ssyncset.done @!p1 $0x0  }
0xf5: {  	s3 =	simm.s32 @!p1 $0xC;
	[sflag:s31] =	ssyncadd.s32 @!p1 $0xFFFFD800  }
0xf6: {  	_ =	swait.ge @!p1 [sflag:s3], $0x50  }
0xf7: {  	s31 =	rddreg [dreg:$0x8];
	[sflag:s3] =	ssyncset.done @!p1 $0x0  }
0xf8: {  	s7 =	rddreg [dreg:$0x7];
	[sflag:s3] =	ssyncadd.s32 @!p1 $0xFFFFFFB0;
	s31 =	sadd.s32 s17, s31  }
0xf9: {  	[tilespmem:s13], [sflag:$0x3] =	stream.linear.gather [hbm4b:s31+s4], $0x50, $0x38;
	[tilespmem:$0x1E0F8] =	vst v63  }
0xfa: {  	s28 =	simm.s32 $0x280;
	s31 =	sadd.s32 s17, s7  }
0xfb: {  	[tilespmem:s28], [sflag:$0x3] =	stream.linear.gather [hbm4b:s31+s4], $0x50, $0x38;
	[tilespmem:$0x1E0F8] =	vst v63  }
0xfc: {  	_ =	swait.ge [sflag:s26], $0x50  }
0xfd: {  	[sflag:s26] =	ssyncset.done $0x0  }
0xfe: {  	[sflag:s26] =	ssyncadd.s32 $0xFFFFFFB0  }
0xff: {  	_ =	swait.ge [sflag:s26], $0x50  }
0x100: {  	[sflag:s26] =	ssyncset.done $0x0  }
0x101: {  	s28 =	simm.s32 $0x4;
	[sflag:s26] =	ssyncadd.s32 $0xFFFFFFB0  }
0x102: {  	[tilespmem:s15], [sflag:$0x5] =	stream.indirect.gather [hbm4b:s21+s12], $0x80, s23, s12, $0xb8;
	[tilespmem:$0x1E0F8] =	vst v63  }
0x103: {  	_ =	swait.ge [sflag:s28], $0x2800  }
0x104: {  	[sflag:s28] =	ssyncset.done $0x0  }
0x105: {  	[sflag:s28] =	ssyncadd.s32 $0xFFFFD800  }
0x106: {  	[spmem:s1] =	stream.indirect.scatter.add.f32 [tilespmem:s24], [sflag:$0x7], $0x80, s10, s12, $0xb8;
	[tilespmem:$0x1E0F8] =	vst v63  }
0x107: {  	_ = 	snop  }
0x108: {  	[spmem:s2] =	stream.indirect.scatter.add.f32 [tilespmem:s29], [sflag:$0xA], $0x1, s10, s12, $0xb8;
	[tilespmem:$0x1E0F8] =	vst v63  }
0x109: {  	_ =	swait.ge [sflag:s30], $0x50  }
0x10a: {  	[sflag:s30] =	ssyncset.done $0x0  }
0x10b: {  	[sflag:s30] =	ssyncadd.s32 $0xFFFFFFB0  }
0x10c: {  	_ =	swait.ge [sflag:s30], $0x50  }
0x10d: {  	[sflag:s30] =	ssyncset.done $0x0  }
0x10e: {  	[sflag:s30] =	ssyncadd.s32 $0xFFFFFFB0  }
0x10f: {  	[tilespmem:s19], [sflag:$0x6] =	stream.indirect.gather [hbm4b:s21+s12], $0x80, s13, s12, $0xb8;
	[tilespmem:$0x1E0F8] =	vst v63  }
0x110: {  	_ =	swait.ge [sflag:s16], $0x2800  }
0x111: {  	[sflag:s16] =	ssyncset.done $0x0  }
0x112: {  	[sflag:s16] =	ssyncadd.s32 $0xFFFFD800  }
0x113: {  	[spmem:s1] =	stream.indirect.scatter.add.f32 [tilespmem:s15], [sflag:$0x8], $0x80, s25, s12, $0xb8;
	[tilespmem:$0x1E0F8] =	vst v63  }
0x114: {  	_ = 	snop  }
0x115: {  	[spmem:s2] =	stream.indirect.scatter.add.f32 [tilespmem:s29], [sflag:$0xB], $0x1, s25, s12, $0xb8;
	[tilespmem:$0x1E0F8] =	vst v63  }
0x116: {  	_ =	swait.ge [sflag:s0], $0x2800  }
0x117: {  	[sflag:s0] =	ssyncset.done $0x0  }
0x118: {  	[sflag:s0] =	ssyncadd.s32 $0xFFFFD800  }
0x119: {  	s9 =	sadd.s32 $0xF0, s9;
	_ =	swait.ge [sflag:s5], $0x50  }
0x11a: {  	s7 =	sshrl.u32 s9, $0x3;
	[sflag:s5] =	ssyncset.done $0x0  }
0x11b: {  	s31 =	sadd.s32 s8, s7;
	[sflag:s5] =	ssyncadd.s32 $0xFFFFFFB0  }
0x11c: {  	[tilespmem:s4], [sflag:$0x1] =	stream.linear.gather [hbm4b:s31+s4], $0x50, $0x38;
	[tilespmem:$0x1E0F8] =	vst v63  }
0x11d: {  	s3 =	sadd.s32 s20, s7  }
0x11e: {  	[tilespmem:s10], [sflag:$0x1] =	stream.linear.gather [hbm4b:s3+s4], $0x50, $0x38;
	[tilespmem:$0x1E0F8] =	vst v63  }
0x11f: {  	_ =	swait.ge [sflag:s6], $0x2800  }
0x120: {  	[sflag:s6] =	ssyncset.done $0x0  }
0x121: {  	[sflag:s6] =	ssyncadd.s32 $0xFFFFD800  }
0x122: {  	_ =	swait.ge [sflag:s22], $0x2800  }
0x123: {  	[sflag:s22] =	ssyncset.done $0x0  }
0x124: {  	[sflag:s22] =	ssyncadd.s32 $0xFFFFD800  }
0x125: {  	_ =	swait.ge [sflag:s14], $0x50  }
0x126: {  	s18 =	sadd.s32 $0x1E, s18;
	s7 =	rddreg [dreg:$0x6];
	[sflag:s14] =	ssyncset.done $0x0  }
0x127: {  	p3 =	sne.s32 s18, $0x4CE;
	[sflag:s14] =	ssyncadd.s32 $0xFFFFFFB0;
	s3 =	sadd.s32 s17, s7  }
0x128: {  	[tilespmem:s23], [sflag:$0x2] =	stream.linear.gather [hbm4b:s3+s4], $0x50, $0x38;
	[tilespmem:$0x1E0F8] =	vst v63  }
.Ltmp1:
0x129: {  	s31 =	rddreg [dreg:$0x5];
	(pc) =	sbr.rel @p3 .LBB2_4-.Ltmp1, $4  }
0x12a: {  	s31 =	sadd.s32 s17, s31  }
0x12b: {  	[tilespmem:s25], [sflag:$0x2] =	stream.linear.gather [hbm4b:s31+s4], $0x50, $0x38;
	[tilespmem:$0x1E0F8] =	vst v63  }
0x12c: {  	s7 =	simm.s32 $0x280  }
0x12d: {  	[spmem:s1] =	stream.indirect.scatter.add.f32 [tilespmem:s19], [sflag:$0x9], $0x80, s7, s12, $0xb8;
	[tilespmem:$0x1E0F8] =	vst v63  }
0x12e: {  	[spmem:s2] =	stream.indirect.scatter.add.f32 [tilespmem:s29], [sflag:$0xC], $0x1, s7, s12, $0xb8;
	[tilespmem:$0x1E0F8] =	vst v63  }
0x12f: {  	s3 =	simm.s32 $0x9  }
0x130: {  	_ =	swait.ge [sflag:s3], $0x2800  }
0x131: {  	[sflag:s3] =	ssyncset.done $0x0  }
0x132: {  	s17 =	simm.s32 $0xC;
	[sflag:s3] =	ssyncadd.s32 $0xFFFFD800  }
0x133: {  	_ =	swait.ge [sflag:s17], $0x50  }
0x134: {  	[sflag:s17] =	ssyncset.done $0x0  }
0x135: {  	[sflag:s17] =	ssyncadd.s32 $0xFFFFFFB0  }
0x136: {  	_ =	swait.ge [sflag:s11], $0x50  }
0x137: {  	[sflag:s11] =	ssyncset.done $0x0  }
0x138: {  	[sflag:s11] =	ssyncadd.s32 $0xFFFFFFB0  }
0x139: {  	_ =	swait.ge [sflag:s11], $0x50  }
0x13a: {  	s18 =	sld [smem:$0x7F7]  }
0x13b: {  	s19 =	sld [smem:$0x7F8]  }
0x13c: {  	[sflag:s11] =	ssyncset.done $0x0  }
0x13d: {  	s31 =	rddreg [dreg:$0xa];
	[sflag:s11] =	ssyncadd.s32 $0xFFFFFFB0  }
0x13e: {  	p3 =	seq.s32 s18, $0x1;
	s18 =	rddreg [dreg:$0x9];
	p1 =	seq.s32 s19, $0x1  }
0x13f: {  	s3 =	simm.s32 @!p3 $0x50;
	s7 =	simm.s32 @!p3 $0x0;
	s9 =	simm.s32 @!p3 $0x300  }
0x140: {  	[tilespmem:s9], [sflag:$0x4] =	stream.indirect.gather @!p3 [hbm4b:s18+s3], $0x80, s7, s3, $0xb8;
	[tilespmem:$0x1E0F8] =	vst v63  }
0x141: {  	s17 =	simm.s32 @p1 $0x300;
	s7 =	simm.s32 @p1 $0x50;
	s9 =	simm.s32 @p1 $0x0  }
0x142: {  	[tilespmem:s17], [sflag:$0x4] =	stream.indirect.gather @p1 [hbm4b:s31+s7], $0x80, s9, s7, $0xb8;
	[tilespmem:$0x1E0F8] =	vst v63  }
0x143: {  	_ =	swait.ge [sflag:s28], $0x2800  }
0x144: {  	[sflag:s28] =	ssyncset.done $0x0  }
0x145: {  	[sflag:s28] =	ssyncadd.s32 $0xFFFFD800  }
0x146: {  	[spmem:s1] =	stream.indirect.scatter.add.f32 [tilespmem:s24], [sflag:$0x7], $0x80, s10, s12, $0xb8;
	[tilespmem:$0x1E0F8] =	vst v63  }
0x147: {  	_ = 	snop  }
0x148: {  	[spmem:s2] =	stream.indirect.scatter.add.f32 [tilespmem:s29], [sflag:$0xA], $0x1, s10, s12, $0xb8;
	[tilespmem:$0x1E0F8] =	vst v63  }
0x149: {  	_ =	swait.ge [sflag:s0], $0x2800  }
0x14a: {  	[sflag:s0] =	ssyncset.done $0x0  }
0x14b: {  	[sflag:s0] =	ssyncadd.s32 $0xFFFFD800  }
0x14c: {  	_ =	swait.ge [sflag:s5], $0x50  }
0x14d: {  	[sflag:s5] =	ssyncset.done $0x0  }
0x14e: {  	[sflag:s5] =	ssyncadd.s32 $0xFFFFFFB0  }
0x14f: {  	_ =	swait.ge [sflag:s26], $0x50  }
0x150: {  	[sflag:s26] =	ssyncset.done $0x0  }
0x151: {  	[sflag:s26] =	ssyncadd.s32 $0xFFFFFFB0  }
0x152: {  	_ =	swait.ge [sflag:s26], $0x50  }
0x153: {  	[sflag:s26] =	ssyncset.done $0x0  }
0x154: {  	s9 =	simm.s32 @!p3 $0x80;
	s17 =	simm.s32 @!p3 $0x2B00;
	[sflag:s26] =	ssyncadd.s32 $0xFFFFFFB0  }
0x155: {  	[tilespmem:s17], [sflag:$0x5] =	stream.indirect.gather @!p3 [hbm4b:s18+s3], $0x80, s9, s3, $0xb8;
	[tilespmem:$0x1E0F8] =	vst v63  }
0x156: {  	s3 =	simm.s32 @p1 $0x80;
	s9 =	simm.s32 @p1 $0x2B00  }
0x157: {  	[tilespmem:s9], [sflag:$0x5] =	stream.indirect.gather @p1 [hbm4b:s31+s7], $0x80, s3, s7, $0xb8;
	[tilespmem:$0x1E0F8] =	vst v63  }
0x158: {  	_ =	swait.ge [sflag:s16], $0x2800  }
0x159: {  	[sflag:s16] =	ssyncset.done $0x0  }
0x15a: {  	[sflag:s16] =	ssyncadd.s32 $0xFFFFD800  }
0x15b: {  	[spmem:s1] =	stream.indirect.scatter.add.f32 [tilespmem:s15], [sflag:$0x8], $0x80, s25, s12, $0xb8;
	[tilespmem:$0x1E0F8] =	vst v63  }
0x15c: {  	_ = 	snop  }
0x15d: {  	[spmem:s2] =	stream.indirect.scatter.add.f32 [tilespmem:s29], [sflag:$0xB], $0x1, s25, s12, $0xb8;
	[tilespmem:$0x1E0F8] =	vst v63  }
0x15e: {  	_ =	swait.ge [sflag:s22], $0x2800  }
0x15f: {  	[sflag:s22] =	ssyncset.done $0x0  }
0x160: {  	[sflag:s22] =	ssyncadd.s32 $0xFFFFD800  }
0x161: {  	_ =	swait.ge [sflag:s14], $0x50  }
0x162: {  	[sflag:s14] =	ssyncset.done $0x0  }
0x163: {  	[sflag:s14] =	ssyncadd.s32 $0xFFFFFFB0  }
0x164: {  	s17 =	stileid.u32;
	[bflag:$0x0] =	sbarrier.arrive $0xFFFF  }
0x165: {  	s3 =	sshll.u32 @p2 s17, $0x6;
	s18 =	rddreg [dreg:$0xb]  }
0x166: {  	s3 =	sor.u32 @p2 $0x1C0D, s3;
	s9 =	rddreg [dreg:$0x15];
	s7 =	sshrl.u32 @p2 s18, $0x3  }
0x167: {  	[hbm:s9], [sflag:s3] =	dma.local @p2 [spmem:s7], $0x2800  }
0x168: {  	s3 =	simm.s32 @p2 $0xD  }
0x169: {  	_ =	swait.ge @p2 [sflag:s3], $0x2800  }
0x16a: {  	s9 =	simm.s32 @p4 $0x1FCD;
	[sflag:s3] =	ssyncset.done @p2 $0x0;
	s10 =	rddreg [dreg:$0x1f]  }
0x16b: {  	s31 =	rddreg [dreg:$0x1b];
	[sflag:s3] =	ssyncadd.s32 @p2 $0xFFFFD800;
	s7 =	sshrl.u32 @p4 s10, $0x3  }
0x16c: {  	[hbm:s31], [sflag:s9] =	dma.local @p4 [spmem:s7], $0x1900  }
0x16d: {  	s7 =	simm.s32 @p4 $0xD  }
0x16e: {  	_ =	swait.ge @p4 [sflag:s7], $0x1900  }
0x16f: {  	s9 =	sshll.u32 @p5 s17, $0x6;
	s17 =	sshrl.u32 @p5 s18, $0x3;
	[sflag:s7] =	ssyncset.done @p4 $0x0  }
0x170: {  	s9 =	sor.u32 @p5 $0x1C0D, s9;
	s18 =	rddreg [dreg:$0x16];
	[sflag:s7] =	ssyncadd.s32 @p4 $0xFFFFE700  }
0x171: {  	[hbm:s18], [sflag:s9] =	dma.local @p5 [spmem:s17], $0x2800  }
0x172: {  	s9 =	simm.s32 @p5 $0xD  }
0x173: {  	_ =	swait.ge @p5 [sflag:s9], $0x2800  }
0x174: {  	s17 =	sshrl.u32 @p6 s10, $0x3;
	[sflag:s9] =	ssyncset.done @p5 $0x0  }
0x175: {  	s18 =	simm.s32 @p6 $0x1FCD;
	s31 =	rddreg [dreg:$0x1c];
	[sflag:s9] =	ssyncadd.s32 @p5 $0xFFFFD800  }
0x176: {  	[hbm:s31], [sflag:s18] =	dma.local @p6 [spmem:s17], $0x1900  }
0x177: {  	s17 =	simm.s32 @p6 $0xD  }
0x178: {  	_ =	swait.ge @p6 [sflag:s17], $0x1900  }
0x179: {  	[sflag:s17] =	ssyncset.done @p6 $0x0  }
0x17a: {  	s13 =	simm.s32 @p2 $0x1DC00;
	s10 =	rddreg [dreg:$0x17];
	[sflag:s17] =	ssyncadd.s32 @p6 $0xFFFFE700  }
0x17b: {  	[tilespmem:s13], [sflag:$0xD] =	stream.linear.gather @p2 [spmem:s10], $0x280, $0x38;
	[tilespmem:$0x1E0F8] =	vst v63  }
0x17c: {  	_ =	swait.ge @p2 [sflag:s3], $0x280  }
0x17d: {  	[sflag:s3] =	ssyncset.done @p2 $0x0  }
0x17e: {  	s31 =	simm.s32 @p2 $0x0;
	s18 =	rddreg [dreg:$0x18];
	[sflag:s3] =	ssyncadd.s32 @p2 $0xFFFFFD80  }
0x17f: {  	[hbm4b:s18+s31] =	stream.linear.scatter @p2 [tilespmem:s13], [sflag:$0xD], $0x280, $0x38;
	[tilespmem:$0x1E0F8] =	vst v63  }
0x180: {  	_ =	swait.ge @p2 [sflag:s3], $0x280  }
0x181: {  	[sflag:s3] =	ssyncset.done @p2 $0x0  }
0x182: {  	[sflag:s3] =	ssyncadd.s32 @p2 $0xFFFFFD80;
	s3 =	sld [smem:$0x7FD];
	_ =	sdelay $0x1  }
0x183: {  	s13 =	simm.s32 @p4 $0x1DC00  }
0x184: {  	[tilespmem:s13], [sflag:$0xD] =	stream.linear.gather @p4 [spmem:s3], $0x190, $0x38;
	[tilespmem:$0x1E0F8] =	vst v63  }
0x185: {  	_ =	swait.ge @p4 [sflag:s7], $0x190  }
0x186: {  	[sflag:s7] =	ssyncset.done @p4 $0x0  }
0x187: {  	s18 =	simm.s32 @p4 $0x0;
	s31 =	rddreg [dreg:$0x19];
	[sflag:s7] =	ssyncadd.s32 @p4 $0xFFFFFE70  }
0x188: {  	[hbm4b:s31+s18] =	stream.linear.scatter @p4 [tilespmem:s13], [sflag:$0xD], $0x190, $0x38;
	[tilespmem:$0x1E0F8] =	vst v63  }
0x189: {  	_ =	swait.ge @p4 [sflag:s7], $0x190  }
0x18a: {  	[sflag:s7] =	ssyncset.done @p4 $0x0  }
0x18b: {  	s31 =	simm.s32 @p5 $0x1DC00;
	[sflag:s7] =	ssyncadd.s32 @p4 $0xFFFFFE70  }
0x18c: {  	[tilespmem:s31], [sflag:$0xD] =	stream.linear.gather @p5 [spmem:s10], $0x280, $0x38;
	[tilespmem:$0x1E0F8] =	vst v63  }
0x18d: {  	_ =	swait.ge @p5 [sflag:s9], $0x280  }
0x18e: {  	[sflag:s9] =	ssyncset.done @p5 $0x0  }
0x18f: {  	s7 =	simm.s32 @p5 $0x0;
	s18 =	rddreg [dreg:$0x1a];
	[sflag:s9] =	ssyncadd.s32 @p5 $0xFFFFFD80  }
0x190: {  	[hbm4b:s18+s7] =	stream.linear.scatter @p5 [tilespmem:s31], [sflag:$0xD], $0x280, $0x38;
	[tilespmem:$0x1E0F8] =	vst v63  }
0x191: {  	_ =	swait.ge @p5 [sflag:s9], $0x280  }
0x192: {  	[sflag:s9] =	ssyncset.done @p5 $0x0  }
0x193: {  	s18 =	simm.s32 @p6 $0x1DC00;
	[sflag:s9] =	ssyncadd.s32 @p5 $0xFFFFFD80  }
0x194: {  	[tilespmem:s18], [sflag:$0xD] =	stream.linear.gather @p6 [spmem:s3], $0x190, $0x38;
	[tilespmem:$0x1E0F8] =	vst v63  }
0x195: {  	_ =	swait.ge @p6 [sflag:s17], $0x190  }
0x196: {  	[sflag:s17] =	ssyncset.done @p6 $0x0  }
0x197: {  	s7 =	simm.s32 @p6 $0x0;
	s9 =	rddreg [dreg:$0x1d];
	[sflag:s17] =	ssyncadd.s32 @p6 $0xFFFFFE70  }
0x198: {  	[hbm4b:s9+s7] =	stream.linear.scatter @p6 [tilespmem:s18], [sflag:$0xD], $0x190, $0x38;
	[tilespmem:$0x1E0F8] =	vst v63  }
0x199: {  	_ =	swait.ge @p6 [sflag:s17], $0x190  }
0x19a: {  	s23 =	sld [smem:$0x7F6];
	_ =	sdelay $0x2  }
0x19b: {  	s24 =	rddreg [dreg:$0x1e];
	s7 =	sadd.s32 $0x1, s23  }
0x19c: {  	p1 =	sne.s32 s7, s24  }
.Ltmp2:
0x19d: {  	_ = 	snop;
	(pc) =	sbr.rel @p1 .LBB2_1-.Ltmp2, $4  }
0x19e: {  	s19 =	simm.s32 $0x180;
	s15 =	simm.s32 $0x5300  }
0x19f: {  	s13 =	simm.s32 $0x2B00;
	s10 =	simm.s32 $0x200;
	s31 =	smov.u32 s8  }
0x1a0: {  	s8 =	smov.u32 s20;
	s20 =	simm.s32 $0x80;
	[sflag:s17] =	ssyncset.done @p6 $0x0  }
0x1a1: {  	[sflag:s17] =	ssyncadd.s32 @p6 $0xFFFFFE70;
	s23 =	simm.s32 $0x300;
	s24 =	simm.s32 $0x100  }
0x1a2: {  	_ =	sfence.sel $0x180000  }
0x1a3: {  	[bflag:$0x0] =	sbarrier.arrive $0xFFFF  }
0x1a4: {  	_ =	strace $0x90000047  }
0x1a5: {  	s0 =	stileid.u32;
	[bflag:$0x2] =	sbarrier.arrive $0xFFFF  }
0x1a6: {  	p0 =	sne.s32 s0, $0x0;
	s0 =	rddreg [dreg:$0x4]  }
0x1a7: {  	s0 =	sadd.s32 @!p0 $0x100000, s0  }
0x1a8: {  	[sflag:s0] =	ssyncadd.tile.s32 @!p0 $0x1;
	_ =	shalt  }
.Lfunc_end2:
_tile_overlayer_lowered:
.L_overlay_start_2:
0x1a9: {  	(tag) =	ssettag $0x2  }
0x1aa: {  	s0 =	rddreg [dreg:$0x0];
	s2 =	stileid.u32  }
0x1ab: {  	s1 =	rddreg [dreg:$0x1];
	p0 =	sne.s32 s2, $0x0  }
0x1ac: {  	s3 =	rddreg [dreg:$0x2];
	[bflag:$0x3] =	sbarrier.arrive $0xFFFF;
	s2 =	simm.s32 @!p0 $0x1C0D  }
0x1ad: {  	[timem:s3], [sflag:s2] =	dma.local @!p0 [hbm:s0], s1  }
0x1ae: {  	s0 =	simm.s32 @!p0 $0xD  }
0x1af: {  	_ =	swait.ge @!p0 [sflag:s0], s1  }
0x1b0: {  	s1 =	ssub.s32 @!p0 $0x0, s1;
	[sflag:s0] =	ssyncset.done @!p0 $0x0  }
0x1b1: {  	[sflag:s0] =	ssyncadd.s32 @!p0 s1  }
0x1b2: {  	[bflag:$0x3] =	sbarrier.arrive $0xFFFF  }
0x1b3: {  	_ =	shalt  }

</sc_bundles>
